<compile_context>
chip_gen: v7x
topology: tpu7x:2x2x1
jax: 0.10.2.dev20260603
libtpu: 0.0.44.dev20260713+nightly
codegen_flags: <defaults>
</compile_context>

<pallas_src>
import functools

import jax
import jax.numpy as jnp
from jax import lax
from jax.experimental import pallas as pl
from jax.experimental.pallas import tpu as pltpu
from jax.experimental.pallas import tpu_sc as plsc

N_NODES = 10000
N_EDGES = 320000
N_SUB = 500
N_GRAPH = 32
HID = 256
DH = 128

NS = 16
W = 128
ROWS_PER = 624
ROWS_TAIL = N_NODES - NS * ROWS_PER

NBLK = 10
BLK = N_NODES // NBLK


def _scratches(tail):
    return [
        pltpu.VMEM((W,), jnp.int32),
        pltpu.VMEM((W,), jnp.int32),
        pltpu.VMEM((W,), jnp.int32),
        pltpu.VMEM((W,), jnp.int32),
        pltpu.VMEM((W, DH), jnp.float32),
        pltpu.VMEM((W, DH), jnp.float32),
        pltpu.VMEM((tail,), jnp.int32),
        pltpu.VMEM((tail,), jnp.int32),
        pltpu.VMEM((tail, DH), jnp.float32),
        pltpu.VMEM_SHARED((N_NODES, DH), jnp.float32),
        pltpu.SemaphoreType.DMA,
        pltpu.SemaphoreType.DMA,
        pltpu.SemaphoreType.DMA,
        pltpu.SemaphoreType.DMA,
        pltpu.SemaphoreType.DMA,
        pltpu.SemaphoreType.DMA,
    ]


def _agg_subcore(h_ref, out_ref, src, dst, zer, aggs,
                 srcv0, srcv1, dstv0, dstv1, rows0, rows1,
                 srcv_t, dstv_t, rows_t,
                 issem0, issem1, idsem0, idsem1, gsem0, gsem1,
                 s, ebase, nwin, tail):
    pltpu.sync_copy(src.at[pl.ds(ebase, W)], srcv0)
    pltpu.async_copy(dst.at[pl.ds(ebase, W)], dstv0, idsem0)
    pltpu.async_copy(h_ref.at[srcv0], rows0, gsem0)
    pltpu.async_copy(src.at[pl.ds(ebase + W, W)], srcv1, issem1)
    pltpu.async_copy(dst.at[pl.ds(ebase + W, W)], dstv1, idsem1)

    pltpu.sync_copy(zer.at[pl.ds(s * ROWS_PER, ROWS_PER)],
                    aggs.at[pl.ds(s * ROWS_PER, ROWS_PER)])

    @pl.when(s == 0)
    def _():
        pltpu.sync_copy(zer.at[pl.ds(NS * ROWS_PER, ROWS_TAIL)],
                        aggs.at[pl.ds(NS * ROWS_PER, ROWS_TAIL)])

    plsc.subcore_barrier()

    def g_body(g, carry):
        o0 = ebase + (2 * g) * W
        o1 = o0 + W
        o2 = o1 + W
        o3 = o2 + W
        nl = g < nwin // 2 - 1

        pltpu.make_async_copy(src.at[pl.ds(o1, W)], srcv1, issem1).wait()
        pltpu.async_copy(h_ref.at[srcv1], rows1, gsem1)
        pltpu.make_async_copy(h_ref.at[srcv0], rows0, gsem0).wait()

        @pl.when(nl)
        def _():
            pltpu.async_copy(src.at[pl.ds(o2, W)], srcv0, issem0)

        pltpu.make_async_copy(dst.at[pl.ds(o0, W)], dstv0, idsem0).wait()
        pltpu.sync_copy(rows0, aggs.at[dstv0], add=True)

        @pl.when(nl)
        def _():
            pltpu.async_copy(dst.at[pl.ds(o2, W)], dstv0, idsem0)

        pltpu.make_async_copy(h_ref.at[srcv1], rows1, gsem1).wait()

        @pl.when(nl)
        def _():
            pltpu.async_copy(src.at[pl.ds(o3, W)], srcv1, issem1)

        pltpu.make_async_copy(dst.at[pl.ds(o1, W)], dstv1, idsem1).wait()
        pltpu.sync_copy(rows1, aggs.at[dstv1], add=True)

        @pl.when(nl)
        def _():
            pltpu.async_copy(dst.at[pl.ds(o3, W)], dstv1, idsem1)
            pltpu.make_async_copy(src.at[pl.ds(o2, W)], srcv0, issem0).wait()
            pltpu.async_copy(h_ref.at[srcv0], rows0, gsem0)

        return carry

    lax.fori_loop(0, nwin // 2, g_body, 0)

    off = ebase + nwin * W
    pltpu.sync_copy(src.at[pl.ds(off, tail)], srcv_t)
    pltpu.sync_copy(dst.at[pl.ds(off, tail)], dstv_t)
    pltpu.async_copy(h_ref.at[srcv_t], rows_t, gsem0).wait()
    pltpu.sync_copy(rows_t, aggs.at[dstv_t], add=True)
    plsc.subcore_barrier()
    pltpu.sync_copy(aggs.at[pl.ds(s * ROWS_PER, ROWS_PER)],
                    out_ref.at[pl.ds(s * ROWS_PER, ROWS_PER)])

    @pl.when(s == 0)
    def _():
        pltpu.sync_copy(aggs.at[pl.ds(NS * ROWS_PER, ROWS_TAIL)],
                        out_ref.at[pl.ds(NS * ROWS_PER, ROWS_TAIL)])


_MESH = plsc.VectorSubcoreMesh(core_axis_name="c", subcore_axis_name="s")
_OUT2 = (jax.ShapeDtypeStruct((N_NODES, DH), jnp.float32),
         jax.ShapeDtypeStruct((N_NODES, DH), jnp.float32))

_E_PER_FS = N_EDGES // NS
_NWIN_FS = _E_PER_FS // W
_TAIL_FS = _E_PER_FS - _NWIN_FS * W


@functools.partial(pl.kernel, out_type=_OUT2, mesh=_MESH,
                   scratch_types=_scratches(_TAIL_FS))
def _sc_agg_fs(h0, h1, src, dst, zer, out0, out1,
               srcv0, srcv1, dstv0, dstv1, rows0, rows1,
               srcv_t, dstv_t, rows_t, aggs,
               issem0, issem1, idsem0, idsem1, gsem0, gsem1):
    c = lax.axis_index("c")
    s = lax.axis_index("s")
    ebase = s * _E_PER_FS

    @pl.when(c == 0)
    def _():
        _agg_subcore(h0, out0, src, dst, zer, aggs,
                     srcv0, srcv1, dstv0, dstv1, rows0, rows1,
                     srcv_t, dstv_t, rows_t,
                     issem0, issem1, idsem0, idsem1, gsem0, gsem1,
                     s, ebase, _NWIN_FS, _TAIL_FS)

    @pl.when(c == 1)
    def _():
        _agg_subcore(h1, out1, src, dst, zer, aggs,
                     srcv0, srcv1, dstv0, dstv1, rows0, rows1,
                     srcv_t, dstv_t, rows_t,
                     issem0, issem1, idsem0, idsem1, gsem0, gsem1,
                     s, ebase, _NWIN_FS, _TAIL_FS)


_E_PER_ES = N_EDGES // (2 * NS)
_NWIN_ES = _E_PER_ES // W
_TAIL_ES = _E_PER_ES - _NWIN_ES * W


@functools.partial(pl.kernel, out_type=_OUT2, mesh=_MESH,
                   scratch_types=_scratches(_TAIL_ES))
def _sc_agg_es(h, src, dst, zer, out0, out1,
               srcv0, srcv1, dstv0, dstv1, rows0, rows1,
               srcv_t, dstv_t, rows_t, aggs,
               issem0, issem1, idsem0, idsem1, gsem0, gsem1):
    c = lax.axis_index("c")
    s = lax.axis_index("s")
    ebase = (c * NS + s) * _E_PER_ES

    @pl.when(c == 0)
    def _():
        _agg_subcore(h, out0, src, dst, zer, aggs,
                     srcv0, srcv1, dstv0, dstv1, rows0, rows1,
                     srcv_t, dstv_t, rows_t,
                     issem0, issem1, idsem0, idsem1, gsem0, gsem1,
                     s, ebase, _NWIN_ES, _TAIL_ES)

    @pl.when(c == 1)
    def _():
        _agg_subcore(h, out1, src, dst, zer, aggs,
                     srcv0, srcv1, dstv0, dstv1, rows0, rows1,
                     srcv_t, dstv_t, rows_t,
                     issem0, issem1, idsem0, idsem1, gsem0, gsem1,
                     s, ebase, _NWIN_ES, _TAIL_ES)


def _mlp0_body(h, a0, a1, sc, w1, b1, w2, b2, y0, y1):
    z = sc[0, 0] * h[...] + a0[...] + a1[...]
    t = jnp.maximum(
        jnp.dot(z.astype(jnp.bfloat16), w1[...],
                preferred_element_type=jnp.float32) + b1[...], 0.0)
    y = jnp.dot(t.astype(jnp.bfloat16), w2[...],
                preferred_element_type=jnp.float32) + b2[...]
    y0[...] = y[:, :HID // 2]
    y1[...] = y[:, HID // 2:]


_mlp0 = pl.pallas_call(
    _mlp0_body,
    grid=(NBLK,),
    in_specs=[
        pl.BlockSpec((BLK, DH), lambda i: (i, 0)),
        pl.BlockSpec((BLK, DH), lambda i: (i, 0)),
        pl.BlockSpec((BLK, DH), lambda i: (i, 0)),
        pl.BlockSpec((1, 1), lambda i: (0, 0)),
        pl.BlockSpec((DH, HID), lambda i: (0, 0)),
        pl.BlockSpec((HID,), lambda i: (0,)),
        pl.BlockSpec((HID, HID), lambda i: (0, 0)),
        pl.BlockSpec((HID,), lambda i: (0,)),
    ],
    out_specs=[
        pl.BlockSpec((BLK, HID // 2), lambda i: (i, 0)),
        pl.BlockSpec((BLK, HID // 2), lambda i: (i, 0)),
    ],
    out_shape=[
        jax.ShapeDtypeStruct((N_NODES, HID // 2), jnp.float32),
        jax.ShapeDtypeStruct((N_NODES, HID // 2), jnp.float32),
    ],
)


def _mlp2_body(h0, h1, a0, a1, sc, w1, b1, w2, b2, y0, y1):
    z = jnp.concatenate(
        [sc[0, 0] * h0[...] + a0[...], sc[0, 0] * h1[...] + a1[...]], axis=1)
    t = jnp.maximum(
        jnp.dot(z.astype(jnp.bfloat16), w1[...],
                preferred_element_type=jnp.float32) + b1[...], 0.0)
    y = jnp.dot(t.astype(jnp.bfloat16), w2[...],
                preferred_element_type=jnp.float32) + b2[...]
    y0[...] = y[:, :HID // 2]
    y1[...] = y[:, HID // 2:]


_mlp2 = pl.pallas_call(
    _mlp2_body,
    grid=(NBLK,),
    in_specs=[
        pl.BlockSpec((BLK, HID // 2), lambda i: (i, 0)),
        pl.BlockSpec((BLK, HID // 2), lambda i: (i, 0)),
        pl.BlockSpec((BLK, HID // 2), lambda i: (i, 0)),
        pl.BlockSpec((BLK, HID // 2), lambda i: (i, 0)),
        pl.BlockSpec((1, 1), lambda i: (0, 0)),
        pl.BlockSpec((HID, HID), lambda i: (0, 0)),
        pl.BlockSpec((HID,), lambda i: (0,)),
        pl.BlockSpec((HID, HID), lambda i: (0, 0)),
        pl.BlockSpec((HID,), lambda i: (0,)),
    ],
    out_specs=[
        pl.BlockSpec((BLK, HID // 2), lambda i: (i, 0)),
        pl.BlockSpec((BLK, HID // 2), lambda i: (i, 0)),
    ],
    out_shape=[
        jax.ShapeDtypeStruct((N_NODES, HID // 2), jnp.float32),
        jax.ShapeDtypeStruct((N_NODES, HID // 2), jnp.float32),
    ],
)


def _pool_body(y0, y1, bat, pool, acc):
    i = pl.program_id(0)
    xb = jnp.concatenate([y0[...], y1[...]], axis=1).astype(jnp.bfloat16)
    m = (lax.broadcasted_iota(jnp.int32, (N_SUB, BLK), 0)
         == bat[0]).astype(jnp.bfloat16)
    part = jnp.dot(m, xb, preferred_element_type=jnp.float32)

    @pl.when(i == 0)
    def _():
        acc[...] = part

    @pl.when(i > 0)
    def _():
        acc[...] += part

    @pl.when(i == NBLK - 1)
    def _():
        pool[...] = acc[...]


_pool = pl.pallas_call(
    _pool_body,
    grid=(NBLK,),
    in_specs=[
        pl.BlockSpec((BLK, HID // 2), lambda i: (i, 0)),
        pl.BlockSpec((BLK, HID // 2), lambda i: (i, 0)),
        pl.BlockSpec((1, 1, BLK), lambda i: (i, 0, 0)),
    ],
    out_specs=pl.BlockSpec((N_SUB, HID), lambda i: (0, 0)),
    out_shape=jax.ShapeDtypeStruct((N_SUB, HID), jnp.float32),
    scratch_shapes=[pltpu.VMEM((N_SUB, HID), jnp.float32)],
)


def _mlp2ph_body(h0, h1, a0, a1, sc, w1, b1, w2, b2, bat, p0, p1, s2g,
                 l1w, l1b, l2w, l2b, out, acc):
    i = pl.program_id(0)
    z = jnp.concatenate(
        [sc[0, 0] * h0[...] + a0[...], sc[0, 0] * h1[...] + a1[...]], axis=1)
    t = jnp.maximum(
        jnp.dot(z.astype(jnp.bfloat16), w1[...],
                preferred_element_type=jnp.float32) + b1[...], 0.0)
    y = jnp.dot(t.astype(jnp.bfloat16), w2[...],
                preferred_element_type=jnp.float32) + b2[...]
    m = (lax.broadcasted_iota(jnp.int32, (N_SUB, BLK), 0)
         == bat[0]).astype(jnp.bfloat16)
    part = jnp.dot(m, y.astype(jnp.bfloat16),
                   preferred_element_type=jnp.float32)

    @pl.when(i == 0)
    def _():
        acc[...] = part

    @pl.when(i > 0)
    def _():
        acc[...] += part

    @pl.when(i == NBLK - 1)
    def _():
        sub = jnp.concatenate([p0[...], p1[...], acc[...]], axis=1)
        mg = (lax.broadcasted_iota(jnp.int32, (N_GRAPH, N_SUB), 0)
              == s2g[0, 0]).astype(jnp.float32)
        g = jnp.dot(mg, sub, preferred_element_type=jnp.float32)
        tt = jnp.maximum(
            jnp.dot(g, l1w[...], preferred_element_type=jnp.float32)
            + l1b[...], 0.0)
        o = jnp.dot(tt, l2w[...], preferred_element_type=jnp.float32) + l2b[...]
        mx = jnp.max(o, axis=1, keepdims=True)
        lse = jnp.log(jnp.sum(jnp.exp(o - mx), axis=1, keepdims=True)) + mx
        out[...] = o - lse


_mlp2ph = pl.pallas_call(
    _mlp2ph_body,
    grid=(NBLK,),
    in_specs=[
        pl.BlockSpec((BLK, HID // 2), lambda i: (i, 0)),
        pl.BlockSpec((BLK, HID // 2), lambda i: (i, 0)),
        pl.BlockSpec((BLK, HID // 2), lambda i: (i, 0)),
        pl.BlockSpec((BLK, HID // 2), lambda i: (i, 0)),
        pl.BlockSpec((1, 1), lambda i: (0, 0)),
        pl.BlockSpec((HID, HID), lambda i: (0, 0)),
        pl.BlockSpec((HID,), lambda i: (0,)),
        pl.BlockSpec((HID, HID), lambda i: (0, 0)),
        pl.BlockSpec((HID,), lambda i: (0,)),
        pl.BlockSpec((1, 1, BLK), lambda i: (i, 0, 0)),
        pl.BlockSpec((N_SUB, HID), lambda i: (0, 0)),
        pl.BlockSpec((N_SUB, HID), lambda i: (0, 0)),
        pl.BlockSpec((1, 1, N_SUB), lambda i: (0, 0, 0)),
        pl.BlockSpec((3 * HID, HID), lambda i: (0, 0)),
        pl.BlockSpec((HID,), lambda i: (0,)),
        pl.BlockSpec((HID, HID), lambda i: (0, 0)),
        pl.BlockSpec((HID,), lambda i: (0,)),
    ],
    out_specs=pl.BlockSpec((N_GRAPH, HID), lambda i: (0, 0)),
    out_shape=jax.ShapeDtypeStruct((N_GRAPH, HID), jnp.float32),
    scratch_shapes=[pltpu.VMEM((N_SUB, HID), jnp.float32)],
)


def kernel(x, edge_index, batch, subgraph_to_graph,
           W1_0, b1_0, W2_0, b2_0, eps_0,
           W1_1, b1_1, W2_1, b2_1, eps_1,
           W1_2, b1_2, W2_2, b2_2, eps_2,
           lin1_W, lin1_b, lin2_W, lin2_b):
    src = edge_index[0]
    dst = edge_index[1]
    zer = jnp.zeros((N_NODES, DH), jnp.float32)
    bat3 = batch.astype(jnp.int32).reshape(NBLK, 1, BLK)
    s2g3 = subgraph_to_graph.astype(jnp.int32).reshape(1, 1, N_SUB)

    a0, a1 = _sc_agg_es(x, src, dst, zer)
    y00, y01 = _mlp0(x, a0, a1, (1.0 + eps_0).reshape(1, 1),
                     W1_0.astype(jnp.bfloat16), b1_0,
                     W2_0.astype(jnp.bfloat16), b2_0)
    p0 = _pool(y00, y01, bat3)

    a0, a1 = _sc_agg_fs(y00, y01, src, dst, zer)
    y10, y11 = _mlp2(y00, y01, a0, a1, (1.0 + eps_1).reshape(1, 1),
                     W1_1.astype(jnp.bfloat16), b1_1,
                     W2_1.astype(jnp.bfloat16), b2_1)
    p1 = _pool(y10, y11, bat3)

    a0, a1 = _sc_agg_fs(y10, y11, src, dst, zer)
    return _mlp2ph(y10, y11, a0, a1, (1.0 + eps_2).reshape(1, 1),
                   W1_2.astype(jnp.bfloat16), b1_2,
                   W2_2.astype(jnp.bfloat16), b2_2, bat3, p0, p1, s2g3,
                   lin1_W, lin1_b, lin2_W, lin2_b)

# --- scband reference (transcript-rebuilt; emitter-appended) ---
"""Pipeline reference for scband-nested-gin-62543313764472 (READ-ONLY COPY).

The authoritative reference and input builder live on the scoring server;
editing this copy changes nothing except your own understanding.
"""

import jax, jax.numpy as jnp
import numpy as np

N_NODES = 10000
N_EDGES = 320000
D_FEAT = 128
HID = 256
N_SUB = 500
N_GRAPH = 32
N_LAYERS = 3


def setup_inputs(seed: int = 0) -> dict:
    key = jax.random.key(seed)
    ks = jax.random.split(key, 32)
    inp = {}
    inp["x"] = jax.random.normal(ks[0], (N_NODES, D_FEAT), dtype=jnp.float32)
    inp["edge_index"] = jax.random.randint(ks[1], (2, N_EDGES), 0, N_NODES)
    inp["batch"] = jnp.sort(jax.random.randint(ks[2], (N_NODES,), 0, N_SUB))
    inp["subgraph_to_graph"] = jnp.sort(jax.random.randint(ks[3], (N_SUB,), 0, N_GRAPH))
    ki = 4
    for l in range(N_LAYERS):
        in_dim = D_FEAT if l == 0 else HID
        inp[f"W1_{l}"] = jax.random.normal(ks[ki], (in_dim, HID), dtype=jnp.float32) * (1.0 / np.sqrt(in_dim)); ki += 1
        inp[f"b1_{l}"] = jnp.zeros((HID,), dtype=jnp.float32)
        inp[f"W2_{l}"] = jax.random.normal(ks[ki], (HID, HID), dtype=jnp.float32) * (1.0 / np.sqrt(HID)); ki += 1
        inp[f"b2_{l}"] = jnp.zeros((HID,), dtype=jnp.float32)
        inp[f"eps_{l}"] = jnp.zeros((), dtype=jnp.float32)
    inp["lin1_W"] = jax.random.normal(ks[ki], (N_LAYERS * HID, HID), dtype=jnp.float32) * (1.0 / np.sqrt(N_LAYERS * HID)); ki += 1
    inp["lin1_b"] = jnp.zeros((HID,), dtype=jnp.float32)
    inp["lin2_W"] = jax.random.normal(ks[ki], (HID, HID), dtype=jnp.float32) * (1.0 / np.sqrt(HID)); ki += 1
    inp["lin2_b"] = jnp.zeros((HID,), dtype=jnp.float32)
    return inp


def reference(x, edge_index, batch, subgraph_to_graph,
              W1_0, b1_0, W2_0, b2_0, eps_0,
              W1_1, b1_1, W2_1, b2_1, eps_1,
              W1_2, b1_2, W2_2, b2_2, eps_2,
              lin1_W, lin1_b, lin2_W, lin2_b):
    # NestedGIN forward (eval mode -> dropout is identity)
    src = edge_index[0]
    dst = edge_index[1]
    params = [
        (W1_0, b1_0, W2_0, b2_0, eps_0),
        (W1_1, b1_1, W2_1, b2_1, eps_1),
        (W1_2, b1_2, W2_2, b2_2, eps_2),
    ]
    h = x
    xs = []
    for (W1, b1, W2, b2, eps) in params:
        # GINConv: mlp((1+eps)*x + sum_{j in N(i)} x_j)
        agg = jax.ops.segment_sum(h[src], dst, num_segments=N_NODES)
        h = (1.0 + eps) * h + agg
        h = jnp.maximum(jnp.dot(h, W1) + b1, 0.0)
        h = jnp.dot(h, W2) + b2
        xs.append(h)
    xcat = jnp.concatenate(xs, axis=1)
    sub = jax.ops.segment_sum(xcat, batch, num_segments=N_SUB)            # global_add_pool over nodes -> subgraphs
    g = jax.ops.segment_sum(sub, subgraph_to_graph, num_segments=N_GRAPH)  # global_add_pool over subgraphs -> graphs
    h = jnp.maximum(jnp.dot(g, lin1_W) + lin1_b, 0.0)
    h = jnp.dot(h, lin2_W) + lin2_b
    return jax.nn.log_softmax(h, axis=-1)

if __name__ == "__main__":
    import jax
    _d = setup_inputs()
    print(jax.jit(kernel)(*tuple(_d.values())))

</pallas_src>

<mosaic_0001>
#map = affine_map<(d0, d1) -> (0, 0)>
#map1 = affine_map<(d0, d1) -> (0)>
module attributes {stable_mosaic.version = 14 : i64} {
  func.func @_sc_agg_fs(%arg0: i32, %arg1: i32, %arg2: memref<10000x128xf32, #tpu.memory_space<hbm>>, %arg3: memref<10000x128xf32, #tpu.memory_space<hbm>>, %arg4: memref<320000xi32, #tpu.memory_space<hbm>>, %arg5: memref<320000xi32, #tpu.memory_space<hbm>>, %arg6: memref<10000x128xf32, #tpu.memory_space<hbm>>, %arg7: memref<10000x128xf32, #tpu.memory_space<hbm>>, %arg8: memref<10000x128xf32, #tpu.memory_space<hbm>>, %arg9: memref<128xi32, #tpu.memory_space<vmem>>, %arg10: memref<128xi32, #tpu.memory_space<vmem>>, %arg11: memref<128xi32, #tpu.memory_space<vmem>>, %arg12: memref<128xi32, #tpu.memory_space<vmem>>, %arg13: memref<128x128xf32, #tpu.memory_space<vmem>>, %arg14: memref<128x128xf32, #tpu.memory_space<vmem>>, %arg15: memref<32xi32, #tpu.memory_space<vmem>>, %arg16: memref<32xi32, #tpu.memory_space<vmem>>, %arg17: memref<32x128xf32, #tpu.memory_space<vmem>>, %arg18: memref<10000x128xf32, #tpu.memory_space<vmem_shared>>, %arg19: memref<!tpu.dma_semaphore, #tpu.memory_space<semaphore_mem>>, %arg20: memref<!tpu.dma_semaphore, #tpu.memory_space<semaphore_mem>>, %arg21: memref<!tpu.dma_semaphore, #tpu.memory_space<semaphore_mem>>, %arg22: memref<!tpu.dma_semaphore, #tpu.memory_space<semaphore_mem>>, %arg23: memref<!tpu.dma_semaphore, #tpu.memory_space<semaphore_mem>>, %arg24: memref<!tpu.dma_semaphore, #tpu.memory_space<semaphore_mem>>) attributes {dimension_semantics = [#tpu.dimension_semantics<core_parallel>, #tpu.dimension_semantics<subcore_parallel>], iteration_bounds = array<i64: 2, 16>, scalar_prefetch = 0 : i64, scratch_operands = 16 : i64, tpu.core_type = #tpu.core_type<sc_vector_subcore>, window_params = [{transform_indices = #map}, {transform_indices = #map}, {transform_indices = #map1}, {transform_indices = #map1}, {transform_indices = #map}, {transform_indices = #map}, {transform_indices = #map}]} {
    %mul3A = arith.constant 20000 : i32
    %mul3A_0 = arith.muli %arg1, %mul3A : i32
    %eq3A = arith.constant 0 : i32
    %eq3A_1 = arith.cmpi eq, %arg0, %eq3A : i32
    %convert_element_type3A = arith.extui %eq3A_1 : i1 to i32
    %cond3A = arith.constant 0 : i32
    %cond3A_2 = arith.cmpi ne, %convert_element_type3A, %cond3A : i32
    scf.if %cond3A_2 {
      "tpu.region"() ({
        %run_scoped3A = tpu.sem_alloc : memref<!tpu.dma_semaphore, #tpu.memory_space<semaphore_mem>>
        %dma_start3A_50 = tpu.memref_slice %arg4[%mul3A_0] : memref<320000xi32, #tpu.memory_space<hbm>> -> memref<128xi32, #tpu.memory_space<hbm>>
        %dma_start3A_51 = tpu.memref_slice %arg4[%mul3A_0] : memref<320000xi32, #tpu.memory_space<hbm>> -> memref<128xi32, #tpu.memory_space<hbm>>
        tpu.enqueue_dma source(%dma_start3A_51 : memref<128xi32, #tpu.memory_space<hbm>>) target(%arg9 : memref<128xi32, #tpu.memory_space<vmem>>) target_semaphore(%run_scoped3A : memref<!tpu.dma_semaphore, #tpu.memory_space<semaphore_mem>>)
        %dma_wait3A_52 = tpu.memref_slice %arg4[%mul3A_0] : memref<320000xi32, #tpu.memory_space<hbm>> -> memref<128xi32, #tpu.memory_space<hbm>>
        %dma_wait3A_53 = tpu.memref_slice %arg4[%mul3A_0] : memref<320000xi32, #tpu.memory_space<hbm>> -> memref<128xi32, #tpu.memory_space<hbm>>
        tpu.wait_dma2 semaphore(%run_scoped3A : memref<!tpu.dma_semaphore, #tpu.memory_space<semaphore_mem>>) src(%dma_wait3A_53 : memref<128xi32, #tpu.memory_space<hbm>>) dst(%arg9 : memref<128xi32, #tpu.memory_space<vmem>>)
        tpu.yield
      }) : () -> ()
      %dma_start3A = tpu.memref_slice %arg5[%mul3A_0] : memref<320000xi32, #tpu.memory_space<hbm>> -> memref<128xi32, #tpu.memory_space<hbm>>
      %dma_start3A_8 = tpu.memref_slice %arg5[%mul3A_0] : memref<320000xi32, #tpu.memory_space<hbm>> -> memref<128xi32, #tpu.memory_space<hbm>>
      tpu.enqueue_dma source(%dma_start3A_8 : memref<128xi32, #tpu.memory_space<hbm>>) target(%arg11 : memref<128xi32, #tpu.memory_space<vmem>>) target_semaphore(%arg21 : memref<!tpu.dma_semaphore, #tpu.memory_space<semaphore_mem>>)
      %dma_start3A_9 = arith.constant 0 : i32
      %dma_start3A_10 = arith.constant 0 : i32
      %dma_start3A_11 = tpu.memref_slice %arg2[%dma_start3A_9, %dma_start3A_10] : memref<10000x128xf32, #tpu.memory_space<hbm>> -> memref<10000x128xf32, #tpu.memory_space<hbm>>
      tpu.enqueue_indirect_dma source(%dma_start3A_11 : memref<10000x128xf32, #tpu.memory_space<hbm>>) target(%arg13 : memref<128x128xf32, #tpu.memory_space<vmem>>) offsets(%arg9 : memref<128xi32, #tpu.memory_space<vmem>>) semaphore(%arg23 : memref<!tpu.dma_semaphore, #tpu.memory_space<semaphore_mem>>)
      %add3A = arith.constant 128 : i32
      %add3A_12 = arith.addi %mul3A_0, %add3A : i32
      %dma_start3A_13 = tpu.memref_slice %arg4[%add3A_12] : memref<320000xi32, #tpu.memory_space<hbm>> -> memref<128xi32, #tpu.memory_space<hbm>>
      %dma_start3A_14 = tpu.memref_slice %arg4[%add3A_12] : memref<320000xi32, #tpu.memory_space<hbm>> -> memref<128xi32, #tpu.memory_space<hbm>>
      tpu.enqueue_dma source(%dma_start3A_14 : memref<128xi32, #tpu.memory_space<hbm>>) target(%arg10 : memref<128xi32, #tpu.memory_space<vmem>>) target_semaphore(%arg20 : memref<!tpu.dma_semaphore, #tpu.memory_space<semaphore_mem>>)
      %add3A_15 = arith.constant 128 : i32
      %add3A_16 = arith.addi %mul3A_0, %add3A_15 : i32
      %dma_start3A_17 = tpu.memref_slice %arg5[%add3A_16] : memref<320000xi32, #tpu.memory_space<hbm>> -> memref<128xi32, #tpu.memory_space<hbm>>
      %dma_start3A_18 = tpu.memref_slice %arg5[%add3A_16] : memref<320000xi32, #tpu.memory_space<hbm>> -> memref<128xi32, #tpu.memory_space<hbm>>
      tpu.enqueue_dma source(%dma_start3A_18 : memref<128xi32, #tpu.memory_space<hbm>>) target(%arg12 : memref<128xi32, #tpu.memory_space<vmem>>) target_semaphore(%arg22 : memref<!tpu.dma_semaphore, #tpu.memory_space<semaphore_mem>>)
      %mul3A_19 = arith.constant 624 : i32
      %mul3A_20 = arith.muli %arg1, %mul3A_19 : i32
      %mul3A_21 = arith.constant 624 : i32
      %mul3A_22 = arith.muli %arg1, %mul3A_21 : i32
      "tpu.region"() ({
        %run_scoped3A = tpu.sem_alloc : memref<!tpu.dma_semaphore, #tpu.memory_space<semaphore_mem>>
        %dma_start3A_50 = arith.constant 0 : i32
        %dma_start3A_51 = tpu.memref_slice %arg18[%mul3A_22, %dma_start3A_50] : memref<10000x128xf32, #tpu.memory_space<vmem_shared>> -> memref<624x128xf32, #tpu.memory_space<vmem_shared>>
        %dma_start3A_52 = arith.constant 0 : i32
        %dma_start3A_53 = tpu.memref_slice %arg6[%mul3A_20, %dma_start3A_52] : memref<10000x128xf32, #tpu.memory_space<hbm>> -> memref<624x128xf32, #tpu.memory_space<hbm>>
        tpu.enqueue_dma source(%dma_start3A_53 : memref<624x128xf32, #tpu.memory_space<hbm>>) target(%dma_start3A_51 : memref<624x128xf32, #tpu.memory_space<vmem_shared>>) target_semaphore(%run_scoped3A : memref<!tpu.dma_semaphore, #tpu.memory_space<semaphore_mem>>)
        %dma_wait3A_54 = arith.constant 0 : i32
        %dma_wait3A_55 = tpu.memref_slice %arg18[%mul3A_22, %dma_wait3A_54] : memref<10000x128xf32, #tpu.memory_space<vmem_shared>> -> memref<624x128xf32, #tpu.memory_space<vmem_shared>>
        %dma_wait3A_56 = arith.constant 0 : i32
        %dma_wait3A_57 = tpu.memref_slice %arg6[%mul3A_20, %dma_wait3A_56] : memref<10000x128xf32, #tpu.memory_space<hbm>> -> memref<624x128xf32, #tpu.memory_space<hbm>>
        tpu.wait_dma2 semaphore(%run_scoped3A : memref<!tpu.dma_semaphore, #tpu.memory_space<semaphore_mem>>) src(%dma_wait3A_57 : memref<624x128xf32, #tpu.memory_space<hbm>>) dst(%dma_wait3A_55 : memref<624x128xf32, #tpu.memory_space<vmem_shared>>)
        tpu.yield
      }) : () -> ()
      %eq3A_23 = arith.constant 0 : i32
      %eq3A_24 = arith.cmpi eq, %arg1, %eq3A_23 : i32
      %convert_element_type3A_25 = arith.extui %eq3A_24 : i1 to i32
      %cond3A_26 = arith.constant 0 : i32
      %cond3A_27 = arith.cmpi ne, %convert_element_type3A_25, %cond3A_26 : i32
      scf.if %cond3A_27 {
        "tpu.region"() ({
          %run_scoped3A = tpu.sem_alloc : memref<!tpu.dma_semaphore, #tpu.memory_space<semaphore_mem>>
          %dma_start3A_50 = arith.constant 9984 : i32
          %dma_start3A_51 = arith.constant 0 : i32
          %dma_start3A_52 = tpu.memref_slice %arg18[%dma_start3A_50, %dma_start3A_51] : memref<10000x128xf32, #tpu.memory_space<vmem_shared>> -> memref<16x128xf32, #tpu.memory_space<vmem_shared>>
          %dma_start3A_53 = arith.constant 9984 : i32
          %dma_start3A_54 = arith.constant 0 : i32
          %dma_start3A_55 = tpu.memref_slice %arg6[%dma_start3A_53, %dma_start3A_54] : memref<10000x128xf32, #tpu.memory_space<hbm>> -> memref<16x128xf32, #tpu.memory_space<hbm>>
          tpu.enqueue_dma source(%dma_start3A_55 : memref<16x128xf32, #tpu.memory_space<hbm>>) target(%dma_start3A_52 : memref<16x128xf32, #tpu.memory_space<vmem_shared>>) target_semaphore(%run_scoped3A : memref<!tpu.dma_semaphore, #tpu.memory_space<semaphore_mem>>)
          %dma_wait3A_56 = arith.constant 9984 : i32
          %dma_wait3A_57 = arith.constant 0 : i32
          %dma_wait3A_58 = tpu.memref_slice %arg18[%dma_wait3A_56, %dma_wait3A_57] : memref<10000x128xf32, #tpu.memory_space<vmem_shared>> -> memref<16x128xf32, #tpu.memory_space<vmem_shared>>
          %dma_wait3A_59 = arith.constant 9984 : i32
          %dma_wait3A_60 = arith.constant 0 : i32
          %dma_wait3A_61 = tpu.memref_slice %arg6[%dma_wait3A_59, %dma_wait3A_60] : memref<10000x128xf32, #tpu.memory_space<hbm>> -> memref<16x128xf32, #tpu.memory_space<hbm>>
          tpu.wait_dma2 semaphore(%run_scoped3A : memref<!tpu.dma_semaphore, #tpu.memory_space<semaphore_mem>>) src(%dma_wait3A_61 : memref<16x128xf32, #tpu.memory_space<hbm>>) dst(%dma_wait3A_58 : memref<16x128xf32, #tpu.memory_space<vmem_shared>>)
          tpu.yield
        }) : () -> ()
      } else {
      }
      %barrier3A = arith.constant 0 : index
      tpu.barrier barrier_id(%barrier3A)
      %scan3A = arith.constant 0 : i32
      %scan3A_28 = arith.constant 0 : i32
      %scan3A_29 = arith.constant 78 : i32
      %scan3A_30 = arith.addi %scan3A_28, %scan3A_29 : i32
      %scan3A_31 = arith.constant 1 : i32
      scf.for %scan3A_50 = %scan3A_28 to %scan3A_30 step %scan3A_31  : i32 {
        %mul3A_51 = arith.constant 2 : i32
        %mul3A_52 = arith.muli %mul3A_51, %scan3A_50 : i32
        %mul3A_53 = arith.constant 128 : i32
        %mul3A_54 = arith.muli %mul3A_52, %mul3A_53 : i32
        %add3A_55 = arith.addi %mul3A_0, %mul3A_54 : i32
        %add3A_56 = arith.constant 128 : i32
        %add3A_57 = arith.addi %add3A_55, %add3A_56 : i32
        %add3A_58 = arith.constant 128 : i32
        %add3A_59 = arith.addi %add3A_57, %add3A_58 : i32
        %add3A_60 = arith.constant 128 : i32
        %add3A_61 = arith.addi %add3A_59, %add3A_60 : i32
        %lt3A = arith.constant 77 : i32
        %lt3A_62 = arith.cmpi slt, %scan3A_50, %lt3A : i32
        %dma_wait3A_63 = tpu.memref_slice %arg4[%add3A_57] : memref<320000xi32, #tpu.memory_space<hbm>> -> memref<128xi32, #tpu.memory_space<hbm>>
        %dma_wait3A_64 = tpu.memref_slice %arg4[%add3A_57] : memref<320000xi32, #tpu.memory_space<hbm>> -> memref<128xi32, #tpu.memory_space<hbm>>
        tpu.wait_dma2 semaphore(%arg20 : memref<!tpu.dma_semaphore, #tpu.memory_space<semaphore_mem>>) src(%dma_wait3A_64 : memref<128xi32, #tpu.memory_space<hbm>>) dst(%arg10 : memref<128xi32, #tpu.memory_space<vmem>>)
        %dma_start3A_65 = arith.constant 0 : i32
        %dma_start3A_66 = arith.constant 0 : i32
        %dma_start3A_67 = tpu.memref_slice %arg2[%dma_start3A_65, %dma_start3A_66] : memref<10000x128xf32, #tpu.memory_space<hbm>> -> memref<10000x128xf32, #tpu.memory_space<hbm>>
        tpu.enqueue_indirect_dma source(%dma_start3A_67 : memref<10000x128xf32, #tpu.memory_space<hbm>>) target(%arg14 : memref<128x128xf32, #tpu.memory_space<vmem>>) offsets(%arg10 : memref<128xi32, #tpu.memory_space<vmem>>) semaphore(%arg24 : memref<!tpu.dma_semaphore, #tpu.memory_space<semaphore_mem>>)
        %dma_wait3A_68 = arith.constant 0 : i32
        %dma_wait3A_69 = arith.constant 0 : i32
        %dma_wait3A_70 = tpu.memref_slice %arg2[%dma_wait3A_68, %dma_wait3A_69] : memref<10000x128xf32, #tpu.memory_space<hbm>> -> memref<10000x128xf32, #tpu.memory_space<hbm>>
        tpu.wait_indirect_dma semaphore(%arg23 : memref<!tpu.dma_semaphore, #tpu.memory_space<semaphore_mem>>) src(%dma_wait3A_70 : memref<10000x128xf32, #tpu.memory_space<hbm>>) dst(%arg13 : memref<128x128xf32, #tpu.memory_space<vmem>>)
        %convert_element_type3A_71 = arith.extui %lt3A_62 : i1 to i32
        %cond3A_72 = arith.constant 0 : i32
        %cond3A_73 = arith.cmpi ne, %convert_element_type3A_71, %cond3A_72 : i32
        scf.if %cond3A_73 {
          %dma_start3A_90 = tpu.memref_slice %arg4[%add3A_59] : memref<320000xi32, #tpu.memory_space<hbm>> -> memref<128xi32, #tpu.memory_space<hbm>>
          %dma_start3A_91 = tpu.memref_slice %arg4[%add3A_59] : memref<320000xi32, #tpu.memory_space<hbm>> -> memref<128xi32, #tpu.memory_space<hbm>>
          tpu.enqueue_dma source(%dma_start3A_91 : memref<128xi32, #tpu.memory_space<hbm>>) target(%arg9 : memref<128xi32, #tpu.memory_space<vmem>>) target_semaphore(%arg19 : memref<!tpu.dma_semaphore, #tpu.memory_space<semaphore_mem>>)
        } else {
        }
        %dma_wait3A_74 = tpu.memref_slice %arg5[%add3A_55] : memref<320000xi32, #tpu.memory_space<hbm>> -> memref<128xi32, #tpu.memory_space<hbm>>
        %dma_wait3A_75 = tpu.memref_slice %arg5[%add3A_55] : memref<320000xi32, #tpu.memory_space<hbm>> -> memref<128xi32, #tpu.memory_space<hbm>>
        tpu.wait_dma2 semaphore(%arg21 : memref<!tpu.dma_semaphore, #tpu.memory_space<semaphore_mem>>) src(%dma_wait3A_75 : memref<128xi32, #tpu.memory_space<hbm>>) dst(%arg11 : memref<128xi32, #tpu.memory_space<vmem>>)
        "tpu.region"() ({
          %run_scoped3A = tpu.sem_alloc : memref<!tpu.dma_semaphore, #tpu.memory_space<semaphore_mem>>
          %dma_start3A_90 = arith.constant 0 : i32
          %dma_start3A_91 = arith.constant 0 : i32
          %dma_start3A_92 = tpu.memref_slice %arg18[%dma_start3A_90, %dma_start3A_91] : memref<10000x128xf32, #tpu.memory_space<vmem_shared>> -> memref<10000x128xf32, #tpu.memory_space<vmem_shared>>
          tpu.enqueue_indirect_dma source(%arg13 : memref<128x128xf32, #tpu.memory_space<vmem>>) target(%dma_start3A_92 : memref<10000x128xf32, #tpu.memory_space<vmem_shared>>) offsets(%arg11 : memref<128xi32, #tpu.memory_space<vmem>>) semaphore(%run_scoped3A : memref<!tpu.dma_semaphore, #tpu.memory_space<semaphore_mem>>) {add = true}
          %dma_wait3A_93 = arith.constant 0 : i32
          %dma_wait3A_94 = arith.constant 0 : i32
          %dma_wait3A_95 = tpu.memref_slice %arg18[%dma_wait3A_93, %dma_wait3A_94] : memref<10000x128xf32, #tpu.memory_space<vmem_shared>> -> memref<10000x128xf32, #tpu.memory_space<vmem_shared>>
          tpu.wait_indirect_dma semaphore(%run_scoped3A : memref<!tpu.dma_semaphore, #tpu.memory_space<semaphore_mem>>) src(%arg13 : memref<128x128xf32, #tpu.memory_space<vmem>>) dst(%dma_wait3A_95 : memref<10000x128xf32, #tpu.memory_space<vmem_shared>>)
          tpu.yield
        }) : () -> ()
        %convert_element_type3A_76 = arith.extui %lt3A_62 : i1 to i32
        %cond3A_77 = arith.constant 0 : i32
        %cond3A_78 = arith.cmpi ne, %convert_element_type3A_76, %cond3A_77 : i32
        scf.if %cond3A_78 {
          %dma_start3A_90 = tpu.memref_slice %arg5[%add3A_59] : memref<320000xi32, #tpu.memory_space<hbm>> -> memref<128xi32, #tpu.memory_space<hbm>>
          %dma_start3A_91 = tpu.memref_slice %arg5[%add3A_59] : memref<320000xi32, #tpu.memory_space<hbm>> -> memref<128xi32, #tpu.memory_space<hbm>>
          tpu.enqueue_dma source(%dma_start3A_91 : memref<128xi32, #tpu.memory_space<hbm>>) target(%arg11 : memref<128xi32, #tpu.memory_space<vmem>>) target_semaphore(%arg21 : memref<!tpu.dma_semaphore, #tpu.memory_space<semaphore_mem>>)
        } else {
        }
        %dma_wait3A_79 = arith.constant 0 : i32
        %dma_wait3A_80 = arith.constant 0 : i32
        %dma_wait3A_81 = tpu.memref_slice %arg2[%dma_wait3A_79, %dma_wait3A_80] : memref<10000x128xf32, #tpu.memory_space<hbm>> -> memref<10000x128xf32, #tpu.memory_space<hbm>>
        tpu.wait_indirect_dma semaphore(%arg24 : memref<!tpu.dma_semaphore, #tpu.memory_space<semaphore_mem>>) src(%dma_wait3A_81 : memref<10000x128xf32, #tpu.memory_space<hbm>>) dst(%arg14 : memref<128x128xf32, #tpu.memory_space<vmem>>)
        %convert_element_type3A_82 = arith.extui %lt3A_62 : i1 to i32
        %cond3A_83 = arith.constant 0 : i32
        %cond3A_84 = arith.cmpi ne, %convert_element_type3A_82, %cond3A_83 : i32
        scf.if %cond3A_84 {
          %dma_start3A_90 = tpu.memref_slice %arg4[%add3A_61] : memref<320000xi32, #tpu.memory_space<hbm>> -> memref<128xi32, #tpu.memory_space<hbm>>
          %dma_start3A_91 = tpu.memref_slice %arg4[%add3A_61] : memref<320000xi32, #tpu.memory_space<hbm>> -> memref<128xi32, #tpu.memory_space<hbm>>
          tpu.enqueue_dma source(%dma_start3A_91 : memref<128xi32, #tpu.memory_space<hbm>>) target(%arg10 : memref<128xi32, #tpu.memory_space<vmem>>) target_semaphore(%arg20 : memref<!tpu.dma_semaphore, #tpu.memory_space<semaphore_mem>>)
        } else {
        }
        %dma_wait3A_85 = tpu.memref_slice %arg5[%add3A_57] : memref<320000xi32, #tpu.memory_space<hbm>> -> memref<128xi32, #tpu.memory_space<hbm>>
        %dma_wait3A_86 = tpu.memref_slice %arg5[%add3A_57] : memref<320000xi32, #tpu.memory_space<hbm>> -> memref<128xi32, #tpu.memory_space<hbm>>
        tpu.wait_dma2 semaphore(%arg22 : memref<!tpu.dma_semaphore, #tpu.memory_space<semaphore_mem>>) src(%dma_wait3A_86 : memref<128xi32, #tpu.memory_space<hbm>>) dst(%arg12 : memref<128xi32, #tpu.memory_space<vmem>>)
        "tpu.region"() ({
          %run_scoped3A = tpu.sem_alloc : memref<!tpu.dma_semaphore, #tpu.memory_space<semaphore_mem>>
          %dma_start3A_90 = arith.constant 0 : i32
          %dma_start3A_91 = arith.constant 0 : i32
          %dma_start3A_92 = tpu.memref_slice %arg18[%dma_start3A_90, %dma_start3A_91] : memref<10000x128xf32, #tpu.memory_space<vmem_shared>> -> memref<10000x128xf32, #tpu.memory_space<vmem_shared>>
          tpu.enqueue_indirect_dma source(%arg14 : memref<128x128xf32, #tpu.memory_space<vmem>>) target(%dma_start3A_92 : memref<10000x128xf32, #tpu.memory_space<vmem_shared>>) offsets(%arg12 : memref<128xi32, #tpu.memory_space<vmem>>) semaphore(%run_scoped3A : memref<!tpu.dma_semaphore, #tpu.memory_space<semaphore_mem>>) {add = true}
          %dma_wait3A_93 = arith.constant 0 : i32
          %dma_wait3A_94 = arith.constant 0 : i32
          %dma_wait3A_95 = tpu.memref_slice %arg18[%dma_wait3A_93, %dma_wait3A_94] : memref<10000x128xf32, #tpu.memory_space<vmem_shared>> -> memref<10000x128xf32, #tpu.memory_space<vmem_shared>>
          tpu.wait_indirect_dma semaphore(%run_scoped3A : memref<!tpu.dma_semaphore, #tpu.memory_space<semaphore_mem>>) src(%arg14 : memref<128x128xf32, #tpu.memory_space<vmem>>) dst(%dma_wait3A_95 : memref<10000x128xf32, #tpu.memory_space<vmem_shared>>)
          tpu.yield
        }) : () -> ()
        %convert_element_type3A_87 = arith.extui %lt3A_62 : i1 to i32
        %cond3A_88 = arith.constant 0 : i32
        %cond3A_89 = arith.cmpi ne, %convert_element_type3A_87, %cond3A_88 : i32
        scf.if %cond3A_89 {
          %dma_start3A_90 = tpu.memref_slice %arg5[%add3A_61] : memref<320000xi32, #tpu.memory_space<hbm>> -> memref<128xi32, #tpu.memory_space<hbm>>
          %dma_start3A_91 = tpu.memref_slice %arg5[%add3A_61] : memref<320000xi32, #tpu.memory_space<hbm>> -> memref<128xi32, #tpu.memory_space<hbm>>
          tpu.enqueue_dma source(%dma_start3A_91 : memref<128xi32, #tpu.memory_space<hbm>>) target(%arg12 : memref<128xi32, #tpu.memory_space<vmem>>) target_semaphore(%arg22 : memref<!tpu.dma_semaphore, #tpu.memory_space<semaphore_mem>>)
          %dma_wait3A_92 = tpu.memref_slice %arg4[%add3A_59] : memref<320000xi32, #tpu.memory_space<hbm>> -> memref<128xi32, #tpu.memory_space<hbm>>
          %dma_wait3A_93 = tpu.memref_slice %arg4[%add3A_59] : memref<320000xi32, #tpu.memory_space<hbm>> -> memref<128xi32, #tpu.memory_space<hbm>>
          tpu.wait_dma2 semaphore(%arg19 : memref<!tpu.dma_semaphore, #tpu.memory_space<semaphore_mem>>) src(%dma_wait3A_93 : memref<128xi32, #tpu.memory_space<hbm>>) dst(%arg9 : memref<128xi32, #tpu.memory_space<vmem>>)
          %dma_start3A_94 = arith.constant 0 : i32
          %dma_start3A_95 = arith.constant 0 : i32
          %dma_start3A_96 = tpu.memref_slice %arg2[%dma_start3A_94, %dma_start3A_95] : memref<10000x128xf32, #tpu.memory_space<hbm>> -> memref<10000x128xf32, #tpu.memory_space<hbm>>
          tpu.enqueue_indirect_dma source(%dma_start3A_96 : memref<10000x128xf32, #tpu.memory_space<hbm>>) target(%arg13 : memref<128x128xf32, #tpu.memory_space<vmem>>) offsets(%arg9 : memref<128xi32, #tpu.memory_space<vmem>>) semaphore(%arg23 : memref<!tpu.dma_semaphore, #tpu.memory_space<semaphore_mem>>)
        } else {
        }
      }
      %scan3A_32 = arith.constant 78 : i32
      %add3A_33 = arith.constant 19968 : i32
      %add3A_34 = arith.addi %mul3A_0, %add3A_33 : i32
      "tpu.region"() ({
        %run_scoped3A = tpu.sem_alloc : memref<!tpu.dma_semaphore, #tpu.memory_space<semaphore_mem>>
        %dma_start3A_50 = tpu.memref_slice %arg4[%add3A_34] : memref<320000xi32, #tpu.memory_space<hbm>> -> memref<32xi32, #tpu.memory_space<hbm>>
        %dma_start3A_51 = tpu.memref_slice %arg4[%add3A_34] : memref<320000xi32, #tpu.memory_space<hbm>> -> memref<32xi32, #tpu.memory_space<hbm>>
        tpu.enqueue_dma source(%dma_start3A_51 : memref<32xi32, #tpu.memory_space<hbm>>) target(%arg15 : memref<32xi32, #tpu.memory_space<vmem>>) target_semaphore(%run_scoped3A : memref<!tpu.dma_semaphore, #tpu.memory_space<semaphore_mem>>)
        %dma_wait3A_52 = tpu.memref_slice %arg4[%add3A_34] : memref<320000xi32, #tpu.memory_space<hbm>> -> memref<32xi32, #tpu.memory_space<hbm>>
        %dma_wait3A_53 = tpu.memref_slice %arg4[%add3A_34] : memref<320000xi32, #tpu.memory_space<hbm>> -> memref<32xi32, #tpu.memory_space<hbm>>
        tpu.wait_dma2 semaphore(%run_scoped3A : memref<!tpu.dma_semaphore, #tpu.memory_space<semaphore_mem>>) src(%dma_wait3A_53 : memref<32xi32, #tpu.memory_space<hbm>>) dst(%arg15 : memref<32xi32, #tpu.memory_space<vmem>>)
        tpu.yield
      }) : () -> ()
      "tpu.region"() ({
        %run_scoped3A = tpu.sem_alloc : memref<!tpu.dma_semaphore, #tpu.memory_space<semaphore_mem>>
        %dma_start3A_50 = tpu.memref_slice %arg5[%add3A_34] : memref<320000xi32, #tpu.memory_space<hbm>> -> memref<32xi32, #tpu.memory_space<hbm>>
        %dma_start3A_51 = tpu.memref_slice %arg5[%add3A_34] : memref<320000xi32, #tpu.memory_space<hbm>> -> memref<32xi32, #tpu.memory_space<hbm>>
        tpu.enqueue_dma source(%dma_start3A_51 : memref<32xi32, #tpu.memory_space<hbm>>) target(%arg16 : memref<32xi32, #tpu.memory_space<vmem>>) target_semaphore(%run_scoped3A : memref<!tpu.dma_semaphore, #tpu.memory_space<semaphore_mem>>)
        %dma_wait3A_52 = tpu.memref_slice %arg5[%add3A_34] : memref<320000xi32, #tpu.memory_space<hbm>> -> memref<32xi32, #tpu.memory_space<hbm>>
        %dma_wait3A_53 = tpu.memref_slice %arg5[%add3A_34] : memref<320000xi32, #tpu.memory_space<hbm>> -> memref<32xi32, #tpu.memory_space<hbm>>
        tpu.wait_dma2 semaphore(%run_scoped3A : memref<!tpu.dma_semaphore, #tpu.memory_space<semaphore_mem>>) src(%dma_wait3A_53 : memref<32xi32, #tpu.memory_space<hbm>>) dst(%arg16 : memref<32xi32, #tpu.memory_space<vmem>>)
        tpu.yield
      }) : () -> ()
      %dma_start3A_35 = arith.constant 0 : i32
      %dma_start3A_36 = arith.constant 0 : i32
      %dma_start3A_37 = tpu.memref_slice %arg2[%dma_start3A_35, %dma_start3A_36] : memref<10000x128xf32, #tpu.memory_space<hbm>> -> memref<10000x128xf32, #tpu.memory_space<hbm>>
      tpu.enqueue_indirect_dma source(%dma_start3A_37 : memref<10000x128xf32, #tpu.memory_space<hbm>>) target(%arg17 : memref<32x128xf32, #tpu.memory_space<vmem>>) offsets(%arg15 : memref<32xi32, #tpu.memory_space<vmem>>) semaphore(%arg23 : memref<!tpu.dma_semaphore, #tpu.memory_space<semaphore_mem>>)
      %dma_wait3A = arith.constant 0 : i32
      %dma_wait3A_38 = arith.constant 0 : i32
      %dma_wait3A_39 = tpu.memref_slice %arg2[%dma_wait3A, %dma_wait3A_38] : memref<10000x128xf32, #tpu.memory_space<hbm>> -> memref<10000x128xf32, #tpu.memory_space<hbm>>
      tpu.wait_indirect_dma semaphore(%arg23 : memref<!tpu.dma_semaphore, #tpu.memory_space<semaphore_mem>>) src(%dma_wait3A_39 : memref<10000x128xf32, #tpu.memory_space<hbm>>) dst(%arg17 : memref<32x128xf32, #tpu.memory_space<vmem>>)
      "tpu.region"() ({
        %run_scoped3A = tpu.sem_alloc : memref<!tpu.dma_semaphore, #tpu.memory_space<semaphore_mem>>
        %dma_start3A_50 = arith.constant 0 : i32
        %dma_start3A_51 = arith.constant 0 : i32
        %dma_start3A_52 = tpu.memref_slice %arg18[%dma_start3A_50, %dma_start3A_51] : memref<10000x128xf32, #tpu.memory_space<vmem_shared>> -> memref<10000x128xf32, #tpu.memory_space<vmem_shared>>
        tpu.enqueue_indirect_dma source(%arg17 : memref<32x128xf32, #tpu.memory_space<vmem>>) target(%dma_start3A_52 : memref<10000x128xf32, #tpu.memory_space<vmem_shared>>) offsets(%arg16 : memref<32xi32, #tpu.memory_space<vmem>>) semaphore(%run_scoped3A : memref<!tpu.dma_semaphore, #tpu.memory_space<semaphore_mem>>) {add = true}
        %dma_wait3A_53 = arith.constant 0 : i32
        %dma_wait3A_54 = arith.constant 0 : i32
        %dma_wait3A_55 = tpu.memref_slice %arg18[%dma_wait3A_53, %dma_wait3A_54] : memref<10000x128xf32, #tpu.memory_space<vmem_shared>> -> memref<10000x128xf32, #tpu.memory_space<vmem_shared>>
        tpu.wait_indirect_dma semaphore(%run_scoped3A : memref<!tpu.dma_semaphore, #tpu.memory_space<semaphore_mem>>) src(%arg17 : memref<32x128xf32, #tpu.memory_space<vmem>>) dst(%dma_wait3A_55 : memref<10000x128xf32, #tpu.memory_space<vmem_shared>>)
        tpu.yield
      }) : () -> ()
      %barrier3A_40 = arith.constant 0 : index
      tpu.barrier barrier_id(%barrier3A_40)
      %mul3A_41 = arith.constant 624 : i32
      %mul3A_42 = arith.muli %arg1, %mul3A_41 : i32
      %mul3A_43 = arith.constant 624 : i32
      %mul3A_44 = arith.muli %arg1, %mul3A_43 : i32
      "tpu.region"() ({
        %run_scoped3A = tpu.sem_alloc : memref<!tpu.dma_semaphore, #tpu.memory_space<semaphore_mem>>
        %dma_start3A_50 = arith.constant 0 : i32
        %dma_start3A_51 = tpu.memref_slice %arg7[%mul3A_44, %dma_start3A_50] : memref<10000x128xf32, #tpu.memory_space<hbm>> -> memref<624x128xf32, #tpu.memory_space<hbm>>
        %dma_start3A_52 = arith.constant 0 : i32
        %dma_start3A_53 = tpu.memref_slice %arg18[%mul3A_42, %dma_start3A_52] : memref<10000x128xf32, #tpu.memory_space<vmem_shared>> -> memref<624x128xf32, #tpu.memory_space<vmem_shared>>
        tpu.enqueue_dma source(%dma_start3A_53 : memref<624x128xf32, #tpu.memory_space<vmem_shared>>) target(%dma_start3A_51 : memref<624x128xf32, #tpu.memory_space<hbm>>) target_semaphore(%run_scoped3A : memref<!tpu.dma_semaphore, #tpu.memory_space<semaphore_mem>>)
        %dma_wait3A_54 = arith.constant 0 : i32
        %dma_wait3A_55 = tpu.memref_slice %arg7[%mul3A_44, %dma_wait3A_54] : memref<10000x128xf32, #tpu.memory_space<hbm>> -> memref<624x128xf32, #tpu.memory_space<hbm>>
        %dma_wait3A_56 = arith.constant 0 : i32
        %dma_wait3A_57 = tpu.memref_slice %arg18[%mul3A_42, %dma_wait3A_56] : memref<10000x128xf32, #tpu.memory_space<vmem_shared>> -> memref<624x128xf32, #tpu.memory_space<vmem_shared>>
        tpu.wait_dma2 semaphore(%run_scoped3A : memref<!tpu.dma_semaphore, #tpu.memory_space<semaphore_mem>>) src(%dma_wait3A_57 : memref<624x128xf32, #tpu.memory_space<vmem_shared>>) dst(%dma_wait3A_55 : memref<624x128xf32, #tpu.memory_space<hbm>>)
        tpu.yield
      }) : () -> ()
      %eq3A_45 = arith.constant 0 : i32
      %eq3A_46 = arith.cmpi eq, %arg1, %eq3A_45 : i32
      %convert_element_type3A_47 = arith.extui %eq3A_46 : i1 to i32
      %cond3A_48 = arith.constant 0 : i32
      %cond3A_49 = arith.cmpi ne, %convert_element_type3A_47, %cond3A_48 : i32
      scf.if %cond3A_49 {
        "tpu.region"() ({
          %run_scoped3A = tpu.sem_alloc : memref<!tpu.dma_semaphore, #tpu.memory_space<semaphore_mem>>
          %dma_start3A_50 = arith.constant 9984 : i32
          %dma_start3A_51 = arith.constant 0 : i32
          %dma_start3A_52 = tpu.memref_slice %arg7[%dma_start3A_50, %dma_start3A_51] : memref<10000x128xf32, #tpu.memory_space<hbm>> -> memref<16x128xf32, #tpu.memory_space<hbm>>
          %dma_start3A_53 = arith.constant 9984 : i32
          %dma_start3A_54 = arith.constant 0 : i32
          %dma_start3A_55 = tpu.memref_slice %arg18[%dma_start3A_53, %dma_start3A_54] : memref<10000x128xf32, #tpu.memory_space<vmem_shared>> -> memref<16x128xf32, #tpu.memory_space<vmem_shared>>
          tpu.enqueue_dma source(%dma_start3A_55 : memref<16x128xf32, #tpu.memory_space<vmem_shared>>) target(%dma_start3A_52 : memref<16x128xf32, #tpu.memory_space<hbm>>) target_semaphore(%run_scoped3A : memref<!tpu.dma_semaphore, #tpu.memory_space<semaphore_mem>>)
          %dma_wait3A_56 = arith.constant 9984 : i32
          %dma_wait3A_57 = arith.constant 0 : i32
          %dma_wait3A_58 = tpu.memref_slice %arg7[%dma_wait3A_56, %dma_wait3A_57] : memref<10000x128xf32, #tpu.memory_space<hbm>> -> memref<16x128xf32, #tpu.memory_space<hbm>>
          %dma_wait3A_59 = arith.constant 9984 : i32
          %dma_wait3A_60 = arith.constant 0 : i32
          %dma_wait3A_61 = tpu.memref_slice %arg18[%dma_wait3A_59, %dma_wait3A_60] : memref<10000x128xf32, #tpu.memory_space<vmem_shared>> -> memref<16x128xf32, #tpu.memory_space<vmem_shared>>
          tpu.wait_dma2 semaphore(%run_scoped3A : memref<!tpu.dma_semaphore, #tpu.memory_space<semaphore_mem>>) src(%dma_wait3A_61 : memref<16x128xf32, #tpu.memory_space<vmem_shared>>) dst(%dma_wait3A_58 : memref<16x128xf32, #tpu.memory_space<hbm>>)
          tpu.yield
        }) : () -> ()
      } else {
      }
    } else {
    }
    %eq3A_3 = arith.constant 1 : i32
    %eq3A_4 = arith.cmpi eq, %arg0, %eq3A_3 : i32
    %convert_element_type3A_5 = arith.extui %eq3A_4 : i1 to i32
    %cond3A_6 = arith.constant 0 : i32
    %cond3A_7 = arith.cmpi ne, %convert_element_type3A_5, %cond3A_6 : i32
    scf.if %cond3A_7 {
      "tpu.region"() ({
        %run_scoped3A = tpu.sem_alloc : memref<!tpu.dma_semaphore, #tpu.memory_space<semaphore_mem>>
        %dma_start3A_50 = tpu.memref_slice %arg4[%mul3A_0] : memref<320000xi32, #tpu.memory_space<hbm>> -> memref<128xi32, #tpu.memory_space<hbm>>
        %dma_start3A_51 = tpu.memref_slice %arg4[%mul3A_0] : memref<320000xi32, #tpu.memory_space<hbm>> -> memref<128xi32, #tpu.memory_space<hbm>>
        tpu.enqueue_dma source(%dma_start3A_51 : memref<128xi32, #tpu.memory_space<hbm>>) target(%arg9 : memref<128xi32, #tpu.memory_space<vmem>>) target_semaphore(%run_scoped3A : memref<!tpu.dma_semaphore, #tpu.memory_space<semaphore_mem>>)
        %dma_wait3A_52 = tpu.memref_slice %arg4[%mul3A_0] : memref<320000xi32, #tpu.memory_space<hbm>> -> memref<128xi32, #tpu.memory_space<hbm>>
        %dma_wait3A_53 = tpu.memref_slice %arg4[%mul3A_0] : memref<320000xi32, #tpu.memory_space<hbm>> -> memref<128xi32, #tpu.memory_space<hbm>>
        tpu.wait_dma2 semaphore(%run_scoped3A : memref<!tpu.dma_semaphore, #tpu.memory_space<semaphore_mem>>) src(%dma_wait3A_53 : memref<128xi32, #tpu.memory_space<hbm>>) dst(%arg9 : memref<128xi32, #tpu.memory_space<vmem>>)
        tpu.yield
      }) : () -> ()
      %dma_start3A = tpu.memref_slice %arg5[%mul3A_0] : memref<320000xi32, #tpu.memory_space<hbm>> -> memref<128xi32, #tpu.memory_space<hbm>>
      %dma_start3A_8 = tpu.memref_slice %arg5[%mul3A_0] : memref<320000xi32, #tpu.memory_space<hbm>> -> memref<128xi32, #tpu.memory_space<hbm>>
      tpu.enqueue_dma source(%dma_start3A_8 : memref<128xi32, #tpu.memory_space<hbm>>) target(%arg11 : memref<128xi32, #tpu.memory_space<vmem>>) target_semaphore(%arg21 : memref<!tpu.dma_semaphore, #tpu.memory_space<semaphore_mem>>)
      %dma_start3A_9 = arith.constant 0 : i32
      %dma_start3A_10 = arith.constant 0 : i32
      %dma_start3A_11 = tpu.memref_slice %arg3[%dma_start3A_9, %dma_start3A_10] : memref<10000x128xf32, #tpu.memory_space<hbm>> -> memref<10000x128xf32, #tpu.memory_space<hbm>>
      tpu.enqueue_indirect_dma source(%dma_start3A_11 : memref<10000x128xf32, #tpu.memory_space<hbm>>) target(%arg13 : memref<128x128xf32, #tpu.memory_space<vmem>>) offsets(%arg9 : memref<128xi32, #tpu.memory_space<vmem>>) semaphore(%arg23 : memref<!tpu.dma_semaphore, #tpu.memory_space<semaphore_mem>>)
      %add3A = arith.constant 128 : i32
      %add3A_12 = arith.addi %mul3A_0, %add3A : i32
      %dma_start3A_13 = tpu.memref_slice %arg4[%add3A_12] : memref<320000xi32, #tpu.memory_space<hbm>> -> memref<128xi32, #tpu.memory_space<hbm>>
      %dma_start3A_14 = tpu.memref_slice %arg4[%add3A_12] : memref<320000xi32, #tpu.memory_space<hbm>> -> memref<128xi32, #tpu.memory_space<hbm>>
      tpu.enqueue_dma source(%dma_start3A_14 : memref<128xi32, #tpu.memory_space<hbm>>) target(%arg10 : memref<128xi32, #tpu.memory_space<vmem>>) target_semaphore(%arg20 : memref<!tpu.dma_semaphore, #tpu.memory_space<semaphore_mem>>)
      %add3A_15 = arith.constant 128 : i32
      %add3A_16 = arith.addi %mul3A_0, %add3A_15 : i32
      %dma_start3A_17 = tpu.memref_slice %arg5[%add3A_16] : memref<320000xi32, #tpu.memory_space<hbm>> -> memref<128xi32, #tpu.memory_space<hbm>>
      %dma_start3A_18 = tpu.memref_slice %arg5[%add3A_16] : memref<320000xi32, #tpu.memory_space<hbm>> -> memref<128xi32, #tpu.memory_space<hbm>>
      tpu.enqueue_dma source(%dma_start3A_18 : memref<128xi32, #tpu.memory_space<hbm>>) target(%arg12 : memref<128xi32, #tpu.memory_space<vmem>>) target_semaphore(%arg22 : memref<!tpu.dma_semaphore, #tpu.memory_space<semaphore_mem>>)
      %mul3A_19 = arith.constant 624 : i32
      %mul3A_20 = arith.muli %arg1, %mul3A_19 : i32
      %mul3A_21 = arith.constant 624 : i32
      %mul3A_22 = arith.muli %arg1, %mul3A_21 : i32
      "tpu.region"() ({
        %run_scoped3A = tpu.sem_alloc : memref<!tpu.dma_semaphore, #tpu.memory_space<semaphore_mem>>
        %dma_start3A_50 = arith.constant 0 : i32
        %dma_start3A_51 = tpu.memref_slice %arg18[%mul3A_22, %dma_start3A_50] : memref<10000x128xf32, #tpu.memory_space<vmem_shared>> -> memref<624x128xf32, #tpu.memory_space<vmem_shared>>
        %dma_start3A_52 = arith.constant 0 : i32
        %dma_start3A_53 = tpu.memref_slice %arg6[%mul3A_20, %dma_start3A_52] : memref<10000x128xf32, #tpu.memory_space<hbm>> -> memref<624x128xf32, #tpu.memory_space<hbm>>
        tpu.enqueue_dma source(%dma_start3A_53 : memref<624x128xf32, #tpu.memory_space<hbm>>) target(%dma_start3A_51 : memref<624x128xf32, #tpu.memory_space<vmem_shared>>) target_semaphore(%run_scoped3A : memref<!tpu.dma_semaphore, #tpu.memory_space<semaphore_mem>>)
        %dma_wait3A_54 = arith.constant 0 : i32
        %dma_wait3A_55 = tpu.memref_slice %arg18[%mul3A_22, %dma_wait3A_54] : memref<10000x128xf32, #tpu.memory_space<vmem_shared>> -> memref<624x128xf32, #tpu.memory_space<vmem_shared>>
        %dma_wait3A_56 = arith.constant 0 : i32
        %dma_wait3A_57 = tpu.memref_slice %arg6[%mul3A_20, %dma_wait3A_56] : memref<10000x128xf32, #tpu.memory_space<hbm>> -> memref<624x128xf32, #tpu.memory_space<hbm>>
        tpu.wait_dma2 semaphore(%run_scoped3A : memref<!tpu.dma_semaphore, #tpu.memory_space<semaphore_mem>>) src(%dma_wait3A_57 : memref<624x128xf32, #tpu.memory_space<hbm>>) dst(%dma_wait3A_55 : memref<624x128xf32, #tpu.memory_space<vmem_shared>>)
        tpu.yield
      }) : () -> ()
      %eq3A_23 = arith.constant 0 : i32
      %eq3A_24 = arith.cmpi eq, %arg1, %eq3A_23 : i32
      %convert_element_type3A_25 = arith.extui %eq3A_24 : i1 to i32
      %cond3A_26 = arith.constant 0 : i32
      %cond3A_27 = arith.cmpi ne, %convert_element_type3A_25, %cond3A_26 : i32
      scf.if %cond3A_27 {
        "tpu.region"() ({
          %run_scoped3A = tpu.sem_alloc : memref<!tpu.dma_semaphore, #tpu.memory_space<semaphore_mem>>
          %dma_start3A_50 = arith.constant 9984 : i32
          %dma_start3A_51 = arith.constant 0 : i32
          %dma_start3A_52 = tpu.memref_slice %arg18[%dma_start3A_50, %dma_start3A_51] : memref<10000x128xf32, #tpu.memory_space<vmem_shared>> -> memref<16x128xf32, #tpu.memory_space<vmem_shared>>
          %dma_start3A_53 = arith.constant 9984 : i32
          %dma_start3A_54 = arith.constant 0 : i32
          %dma_start3A_55 = tpu.memref_slice %arg6[%dma_start3A_53, %dma_start3A_54] : memref<10000x128xf32, #tpu.memory_space<hbm>> -> memref<16x128xf32, #tpu.memory_space<hbm>>
          tpu.enqueue_dma source(%dma_start3A_55 : memref<16x128xf32, #tpu.memory_space<hbm>>) target(%dma_start3A_52 : memref<16x128xf32, #tpu.memory_space<vmem_shared>>) target_semaphore(%run_scoped3A : memref<!tpu.dma_semaphore, #tpu.memory_space<semaphore_mem>>)
          %dma_wait3A_56 = arith.constant 9984 : i32
          %dma_wait3A_57 = arith.constant 0 : i32
          %dma_wait3A_58 = tpu.memref_slice %arg18[%dma_wait3A_56, %dma_wait3A_57] : memref<10000x128xf32, #tpu.memory_space<vmem_shared>> -> memref<16x128xf32, #tpu.memory_space<vmem_shared>>
          %dma_wait3A_59 = arith.constant 9984 : i32
          %dma_wait3A_60 = arith.constant 0 : i32
          %dma_wait3A_61 = tpu.memref_slice %arg6[%dma_wait3A_59, %dma_wait3A_60] : memref<10000x128xf32, #tpu.memory_space<hbm>> -> memref<16x128xf32, #tpu.memory_space<hbm>>
          tpu.wait_dma2 semaphore(%run_scoped3A : memref<!tpu.dma_semaphore, #tpu.memory_space<semaphore_mem>>) src(%dma_wait3A_61 : memref<16x128xf32, #tpu.memory_space<hbm>>) dst(%dma_wait3A_58 : memref<16x128xf32, #tpu.memory_space<vmem_shared>>)
          tpu.yield
        }) : () -> ()
      } else {
      }
      %barrier3A = arith.constant 0 : index
      tpu.barrier barrier_id(%barrier3A)
      %scan3A = arith.constant 0 : i32
      %scan3A_28 = arith.constant 0 : i32
      %scan3A_29 = arith.constant 78 : i32
      %scan3A_30 = arith.addi %scan3A_28, %scan3A_29 : i32
      %scan3A_31 = arith.constant 1 : i32
      scf.for %scan3A_50 = %scan3A_28 to %scan3A_30 step %scan3A_31  : i32 {
        %mul3A_51 = arith.constant 2 : i32
        %mul3A_52 = arith.muli %mul3A_51, %scan3A_50 : i32
        %mul3A_53 = arith.constant 128 : i32
        %mul3A_54 = arith.muli %mul3A_52, %mul3A_53 : i32
        %add3A_55 = arith.addi %mul3A_0, %mul3A_54 : i32
        %add3A_56 = arith.constant 128 : i32
        %add3A_57 = arith.addi %add3A_55, %add3A_56 : i32
        %add3A_58 = arith.constant 128 : i32
        %add3A_59 = arith.addi %add3A_57, %add3A_58 : i32
        %add3A_60 = arith.constant 128 : i32
        %add3A_61 = arith.addi %add3A_59, %add3A_60 : i32
        %lt3A = arith.constant 77 : i32
        %lt3A_62 = arith.cmpi slt, %scan3A_50, %lt3A : i32
        %dma_wait3A_63 = tpu.memref_slice %arg4[%add3A_57] : memref<320000xi32, #tpu.memory_space<hbm>> -> memref<128xi32, #tpu.memory_space<hbm>>
        %dma_wait3A_64 = tpu.memref_slice %arg4[%add3A_57] : memref<320000xi32, #tpu.memory_space<hbm>> -> memref<128xi32, #tpu.memory_space<hbm>>
        tpu.wait_dma2 semaphore(%arg20 : memref<!tpu.dma_semaphore, #tpu.memory_space<semaphore_mem>>) src(%dma_wait3A_64 : memref<128xi32, #tpu.memory_space<hbm>>) dst(%arg10 : memref<128xi32, #tpu.memory_space<vmem>>)
        %dma_start3A_65 = arith.constant 0 : i32
        %dma_start3A_66 = arith.constant 0 : i32
        %dma_start3A_67 = tpu.memref_slice %arg3[%dma_start3A_65, %dma_start3A_66] : memref<10000x128xf32, #tpu.memory_space<hbm>> -> memref<10000x128xf32, #tpu.memory_space<hbm>>
        tpu.enqueue_indirect_dma source(%dma_start3A_67 : memref<10000x128xf32, #tpu.memory_space<hbm>>) target(%arg14 : memref<128x128xf32, #tpu.memory_space<vmem>>) offsets(%arg10 : memref<128xi32, #tpu.memory_space<vmem>>) semaphore(%arg24 : memref<!tpu.dma_semaphore, #tpu.memory_space<semaphore_mem>>)
        %dma_wait3A_68 = arith.constant 0 : i32
        %dma_wait3A_69 = arith.constant 0 : i32
        %dma_wait3A_70 = tpu.memref_slice %arg3[%dma_wait3A_68, %dma_wait3A_69] : memref<10000x128xf32, #tpu.memory_space<hbm>> -> memref<10000x128xf32, #tpu.memory_space<hbm>>
        tpu.wait_indirect_dma semaphore(%arg23 : memref<!tpu.dma_semaphore, #tpu.memory_space<semaphore_mem>>) src(%dma_wait3A_70 : memref<10000x128xf32, #tpu.memory_space<hbm>>) dst(%arg13 : memref<128x128xf32, #tpu.memory_space<vmem>>)
        %convert_element_type3A_71 = arith.extui %lt3A_62 : i1 to i32
        %cond3A_72 = arith.constant 0 : i32
        %cond3A_73 = arith.cmpi ne, %convert_element_type3A_71, %cond3A_72 : i32
        scf.if %cond3A_73 {
          %dma_start3A_90 = tpu.memref_slice %arg4[%add3A_59] : memref<320000xi32, #tpu.memory_space<hbm>> -> memref<128xi32, #tpu.memory_space<hbm>>
          %dma_start3A_91 = tpu.memref_slice %arg4[%add3A_59] : memref<320000xi32, #tpu.memory_space<hbm>> -> memref<128xi32, #tpu.memory_space<hbm>>
          tpu.enqueue_dma source(%dma_start3A_91 : memref<128xi32, #tpu.memory_space<hbm>>) target(%arg9 : memref<128xi32, #tpu.memory_space<vmem>>) target_semaphore(%arg19 : memref<!tpu.dma_semaphore, #tpu.memory_space<semaphore_mem>>)
        } else {
        }
        %dma_wait3A_74 = tpu.memref_slice %arg5[%add3A_55] : memref<320000xi32, #tpu.memory_space<hbm>> -> memref<128xi32, #tpu.memory_space<hbm>>
        %dma_wait3A_75 = tpu.memref_slice %arg5[%add3A_55] : memref<320000xi32, #tpu.memory_space<hbm>> -> memref<128xi32, #tpu.memory_space<hbm>>
        tpu.wait_dma2 semaphore(%arg21 : memref<!tpu.dma_semaphore, #tpu.memory_space<semaphore_mem>>) src(%dma_wait3A_75 : memref<128xi32, #tpu.memory_space<hbm>>) dst(%arg11 : memref<128xi32, #tpu.memory_space<vmem>>)
        "tpu.region"() ({
          %run_scoped3A = tpu.sem_alloc : memref<!tpu.dma_semaphore, #tpu.memory_space<semaphore_mem>>
          %dma_start3A_90 = arith.constant 0 : i32
          %dma_start3A_91 = arith.constant 0 : i32
          %dma_start3A_92 = tpu.memref_slice %arg18[%dma_start3A_90, %dma_start3A_91] : memref<10000x128xf32, #tpu.memory_space<vmem_shared>> -> memref<10000x128xf32, #tpu.memory_space<vmem_shared>>
          tpu.enqueue_indirect_dma source(%arg13 : memref<128x128xf32, #tpu.memory_space<vmem>>) target(%dma_start3A_92 : memref<10000x128xf32, #tpu.memory_space<vmem_shared>>) offsets(%arg11 : memref<128xi32, #tpu.memory_space<vmem>>) semaphore(%run_scoped3A : memref<!tpu.dma_semaphore, #tpu.memory_space<semaphore_mem>>) {add = true}
          %dma_wait3A_93 = arith.constant 0 : i32
          %dma_wait3A_94 = arith.constant 0 : i32
          %dma_wait3A_95 = tpu.memref_slice %arg18[%dma_wait3A_93, %dma_wait3A_94] : memref<10000x128xf32, #tpu.memory_space<vmem_shared>> -> memref<10000x128xf32, #tpu.memory_space<vmem_shared>>
          tpu.wait_indirect_dma semaphore(%run_scoped3A : memref<!tpu.dma_semaphore, #tpu.memory_space<semaphore_mem>>) src(%arg13 : memref<128x128xf32, #tpu.memory_space<vmem>>) dst(%dma_wait3A_95 : memref<10000x128xf32, #tpu.memory_space<vmem_shared>>)
          tpu.yield
        }) : () -> ()
        %convert_element_type3A_76 = arith.extui %lt3A_62 : i1 to i32
        %cond3A_77 = arith.constant 0 : i32
        %cond3A_78 = arith.cmpi ne, %convert_element_type3A_76, %cond3A_77 : i32
        scf.if %cond3A_78 {
          %dma_start3A_90 = tpu.memref_slice %arg5[%add3A_59] : memref<320000xi32, #tpu.memory_space<hbm>> -> memref<128xi32, #tpu.memory_space<hbm>>
          %dma_start3A_91 = tpu.memref_slice %arg5[%add3A_59] : memref<320000xi32, #tpu.memory_space<hbm>> -> memref<128xi32, #tpu.memory_space<hbm>>
          tpu.enqueue_dma source(%dma_start3A_91 : memref<128xi32, #tpu.memory_space<hbm>>) target(%arg11 : memref<128xi32, #tpu.memory_space<vmem>>) target_semaphore(%arg21 : memref<!tpu.dma_semaphore, #tpu.memory_space<semaphore_mem>>)
        } else {
        }
        %dma_wait3A_79 = arith.constant 0 : i32
        %dma_wait3A_80 = arith.constant 0 : i32
        %dma_wait3A_81 = tpu.memref_slice %arg3[%dma_wait3A_79, %dma_wait3A_80] : memref<10000x128xf32, #tpu.memory_space<hbm>> -> memref<10000x128xf32, #tpu.memory_space<hbm>>
        tpu.wait_indirect_dma semaphore(%arg24 : memref<!tpu.dma_semaphore, #tpu.memory_space<semaphore_mem>>) src(%dma_wait3A_81 : memref<10000x128xf32, #tpu.memory_space<hbm>>) dst(%arg14 : memref<128x128xf32, #tpu.memory_space<vmem>>)
        %convert_element_type3A_82 = arith.extui %lt3A_62 : i1 to i32
        %cond3A_83 = arith.constant 0 : i32
        %cond3A_84 = arith.cmpi ne, %convert_element_type3A_82, %cond3A_83 : i32
        scf.if %cond3A_84 {
          %dma_start3A_90 = tpu.memref_slice %arg4[%add3A_61] : memref<320000xi32, #tpu.memory_space<hbm>> -> memref<128xi32, #tpu.memory_space<hbm>>
          %dma_start3A_91 = tpu.memref_slice %arg4[%add3A_61] : memref<320000xi32, #tpu.memory_space<hbm>> -> memref<128xi32, #tpu.memory_space<hbm>>
          tpu.enqueue_dma source(%dma_start3A_91 : memref<128xi32, #tpu.memory_space<hbm>>) target(%arg10 : memref<128xi32, #tpu.memory_space<vmem>>) target_semaphore(%arg20 : memref<!tpu.dma_semaphore, #tpu.memory_space<semaphore_mem>>)
        } else {
        }
        %dma_wait3A_85 = tpu.memref_slice %arg5[%add3A_57] : memref<320000xi32, #tpu.memory_space<hbm>> -> memref<128xi32, #tpu.memory_space<hbm>>
        %dma_wait3A_86 = tpu.memref_slice %arg5[%add3A_57] : memref<320000xi32, #tpu.memory_space<hbm>> -> memref<128xi32, #tpu.memory_space<hbm>>
        tpu.wait_dma2 semaphore(%arg22 : memref<!tpu.dma_semaphore, #tpu.memory_space<semaphore_mem>>) src(%dma_wait3A_86 : memref<128xi32, #tpu.memory_space<hbm>>) dst(%arg12 : memref<128xi32, #tpu.memory_space<vmem>>)
        "tpu.region"() ({
          %run_scoped3A = tpu.sem_alloc : memref<!tpu.dma_semaphore, #tpu.memory_space<semaphore_mem>>
          %dma_start3A_90 = arith.constant 0 : i32
          %dma_start3A_91 = arith.constant 0 : i32
          %dma_start3A_92 = tpu.memref_slice %arg18[%dma_start3A_90, %dma_start3A_91] : memref<10000x128xf32, #tpu.memory_space<vmem_shared>> -> memref<10000x128xf32, #tpu.memory_space<vmem_shared>>
          tpu.enqueue_indirect_dma source(%arg14 : memref<128x128xf32, #tpu.memory_space<vmem>>) target(%dma_start3A_92 : memref<10000x128xf32, #tpu.memory_space<vmem_shared>>) offsets(%arg12 : memref<128xi32, #tpu.memory_space<vmem>>) semaphore(%run_scoped3A : memref<!tpu.dma_semaphore, #tpu.memory_space<semaphore_mem>>) {add = true}
          %dma_wait3A_93 = arith.constant 0 : i32
          %dma_wait3A_94 = arith.constant 0 : i32
          %dma_wait3A_95 = tpu.memref_slice %arg18[%dma_wait3A_93, %dma_wait3A_94] : memref<10000x128xf32, #tpu.memory_space<vmem_shared>> -> memref<10000x128xf32, #tpu.memory_space<vmem_shared>>
          tpu.wait_indirect_dma semaphore(%run_scoped3A : memref<!tpu.dma_semaphore, #tpu.memory_space<semaphore_mem>>) src(%arg14 : memref<128x128xf32, #tpu.memory_space<vmem>>) dst(%dma_wait3A_95 : memref<10000x128xf32, #tpu.memory_space<vmem_shared>>)
          tpu.yield
        }) : () -> ()
        %convert_element_type3A_87 = arith.extui %lt3A_62 : i1 to i32
        %cond3A_88 = arith.constant 0 : i32
        %cond3A_89 = arith.cmpi ne, %convert_element_type3A_87, %cond3A_88 : i32
        scf.if %cond3A_89 {
          %dma_start3A_90 = tpu.memref_slice %arg5[%add3A_61] : memref<320000xi32, #tpu.memory_space<hbm>> -> memref<128xi32, #tpu.memory_space<hbm>>
          %dma_start3A_91 = tpu.memref_slice %arg5[%add3A_61] : memref<320000xi32, #tpu.memory_space<hbm>> -> memref<128xi32, #tpu.memory_space<hbm>>
          tpu.enqueue_dma source(%dma_start3A_91 : memref<128xi32, #tpu.memory_space<hbm>>) target(%arg12 : memref<128xi32, #tpu.memory_space<vmem>>) target_semaphore(%arg22 : memref<!tpu.dma_semaphore, #tpu.memory_space<semaphore_mem>>)
          %dma_wait3A_92 = tpu.memref_slice %arg4[%add3A_59] : memref<320000xi32, #tpu.memory_space<hbm>> -> memref<128xi32, #tpu.memory_space<hbm>>
          %dma_wait3A_93 = tpu.memref_slice %arg4[%add3A_59] : memref<320000xi32, #tpu.memory_space<hbm>> -> memref<128xi32, #tpu.memory_space<hbm>>
          tpu.wait_dma2 semaphore(%arg19 : memref<!tpu.dma_semaphore, #tpu.memory_space<semaphore_mem>>) src(%dma_wait3A_93 : memref<128xi32, #tpu.memory_space<hbm>>) dst(%arg9 : memref<128xi32, #tpu.memory_space<vmem>>)
          %dma_start3A_94 = arith.constant 0 : i32
          %dma_start3A_95 = arith.constant 0 : i32
          %dma_start3A_96 = tpu.memref_slice %arg3[%dma_start3A_94, %dma_start3A_95] : memref<10000x128xf32, #tpu.memory_space<hbm>> -> memref<10000x128xf32, #tpu.memory_space<hbm>>
          tpu.enqueue_indirect_dma source(%dma_start3A_96 : memref<10000x128xf32, #tpu.memory_space<hbm>>) target(%arg13 : memref<128x128xf32, #tpu.memory_space<vmem>>) offsets(%arg9 : memref<128xi32, #tpu.memory_space<vmem>>) semaphore(%arg23 : memref<!tpu.dma_semaphore, #tpu.memory_space<semaphore_mem>>)
        } else {
        }
      }
      %scan3A_32 = arith.constant 78 : i32
      %add3A_33 = arith.constant 19968 : i32
      %add3A_34 = arith.addi %mul3A_0, %add3A_33 : i32
      "tpu.region"() ({
        %run_scoped3A = tpu.sem_alloc : memref<!tpu.dma_semaphore, #tpu.memory_space<semaphore_mem>>
        %dma_start3A_50 = tpu.memref_slice %arg4[%add3A_34] : memref<320000xi32, #tpu.memory_space<hbm>> -> memref<32xi32, #tpu.memory_space<hbm>>
        %dma_start3A_51 = tpu.memref_slice %arg4[%add3A_34] : memref<320000xi32, #tpu.memory_space<hbm>> -> memref<32xi32, #tpu.memory_space<hbm>>
        tpu.enqueue_dma source(%dma_start3A_51 : memref<32xi32, #tpu.memory_space<hbm>>) target(%arg15 : memref<32xi32, #tpu.memory_space<vmem>>) target_semaphore(%run_scoped3A : memref<!tpu.dma_semaphore, #tpu.memory_space<semaphore_mem>>)
        %dma_wait3A_52 = tpu.memref_slice %arg4[%add3A_34] : memref<320000xi32, #tpu.memory_space<hbm>> -> memref<32xi32, #tpu.memory_space<hbm>>
        %dma_wait3A_53 = tpu.memref_slice %arg4[%add3A_34] : memref<320000xi32, #tpu.memory_space<hbm>> -> memref<32xi32, #tpu.memory_space<hbm>>
        tpu.wait_dma2 semaphore(%run_scoped3A : memref<!tpu.dma_semaphore, #tpu.memory_space<semaphore_mem>>) src(%dma_wait3A_53 : memref<32xi32, #tpu.memory_space<hbm>>) dst(%arg15 : memref<32xi32, #tpu.memory_space<vmem>>)
        tpu.yield
      }) : () -> ()
      "tpu.region"() ({
        %run_scoped3A = tpu.sem_alloc : memref<!tpu.dma_semaphore, #tpu.memory_space<semaphore_mem>>
        %dma_start3A_50 = tpu.memref_slice %arg5[%add3A_34] : memref<320000xi32, #tpu.memory_space<hbm>> -> memref<32xi32, #tpu.memory_space<hbm>>
        %dma_start3A_51 = tpu.memref_slice %arg5[%add3A_34] : memref<320000xi32, #tpu.memory_space<hbm>> -> memref<32xi32, #tpu.memory_space<hbm>>
        tpu.enqueue_dma source(%dma_start3A_51 : memref<32xi32, #tpu.memory_space<hbm>>) target(%arg16 : memref<32xi32, #tpu.memory_space<vmem>>) target_semaphore(%run_scoped3A : memref<!tpu.dma_semaphore, #tpu.memory_space<semaphore_mem>>)
        %dma_wait3A_52 = tpu.memref_slice %arg5[%add3A_34] : memref<320000xi32, #tpu.memory_space<hbm>> -> memref<32xi32, #tpu.memory_space<hbm>>
        %dma_wait3A_53 = tpu.memref_slice %arg5[%add3A_34] : memref<320000xi32, #tpu.memory_space<hbm>> -> memref<32xi32, #tpu.memory_space<hbm>>
        tpu.wait_dma2 semaphore(%run_scoped3A : memref<!tpu.dma_semaphore, #tpu.memory_space<semaphore_mem>>) src(%dma_wait3A_53 : memref<32xi32, #tpu.memory_space<hbm>>) dst(%arg16 : memref<32xi32, #tpu.memory_space<vmem>>)
        tpu.yield
      }) : () -> ()
      %dma_start3A_35 = arith.constant 0 : i32
      %dma_start3A_36 = arith.constant 0 : i32
      %dma_start3A_37 = tpu.memref_slice %arg3[%dma_start3A_35, %dma_start3A_36] : memref<10000x128xf32, #tpu.memory_space<hbm>> -> memref<10000x128xf32, #tpu.memory_space<hbm>>
      tpu.enqueue_indirect_dma source(%dma_start3A_37 : memref<10000x128xf32, #tpu.memory_space<hbm>>) target(%arg17 : memref<32x128xf32, #tpu.memory_space<vmem>>) offsets(%arg15 : memref<32xi32, #tpu.memory_space<vmem>>) semaphore(%arg23 : memref<!tpu.dma_semaphore, #tpu.memory_space<semaphore_mem>>)
      %dma_wait3A = arith.constant 0 : i32
      %dma_wait3A_38 = arith.constant 0 : i32
      %dma_wait3A_39 = tpu.memref_slice %arg3[%dma_wait3A, %dma_wait3A_38] : memref<10000x128xf32, #tpu.memory_space<hbm>> -> memref<10000x128xf32, #tpu.memory_space<hbm>>
      tpu.wait_indirect_dma semaphore(%arg23 : memref<!tpu.dma_semaphore, #tpu.memory_space<semaphore_mem>>) src(%dma_wait3A_39 : memref<10000x128xf32, #tpu.memory_space<hbm>>) dst(%arg17 : memref<32x128xf32, #tpu.memory_space<vmem>>)
      "tpu.region"() ({
        %run_scoped3A = tpu.sem_alloc : memref<!tpu.dma_semaphore, #tpu.memory_space<semaphore_mem>>
        %dma_start3A_50 = arith.constant 0 : i32
        %dma_start3A_51 = arith.constant 0 : i32
        %dma_start3A_52 = tpu.memref_slice %arg18[%dma_start3A_50, %dma_start3A_51] : memref<10000x128xf32, #tpu.memory_space<vmem_shared>> -> memref<10000x128xf32, #tpu.memory_space<vmem_shared>>
        tpu.enqueue_indirect_dma source(%arg17 : memref<32x128xf32, #tpu.memory_space<vmem>>) target(%dma_start3A_52 : memref<10000x128xf32, #tpu.memory_space<vmem_shared>>) offsets(%arg16 : memref<32xi32, #tpu.memory_space<vmem>>) semaphore(%run_scoped3A : memref<!tpu.dma_semaphore, #tpu.memory_space<semaphore_mem>>) {add = true}
        %dma_wait3A_53 = arith.constant 0 : i32
        %dma_wait3A_54 = arith.constant 0 : i32
        %dma_wait3A_55 = tpu.memref_slice %arg18[%dma_wait3A_53, %dma_wait3A_54] : memref<10000x128xf32, #tpu.memory_space<vmem_shared>> -> memref<10000x128xf32, #tpu.memory_space<vmem_shared>>
        tpu.wait_indirect_dma semaphore(%run_scoped3A : memref<!tpu.dma_semaphore, #tpu.memory_space<semaphore_mem>>) src(%arg17 : memref<32x128xf32, #tpu.memory_space<vmem>>) dst(%dma_wait3A_55 : memref<10000x128xf32, #tpu.memory_space<vmem_shared>>)
        tpu.yield
      }) : () -> ()
      %barrier3A_40 = arith.constant 0 : index
      tpu.barrier barrier_id(%barrier3A_40)
      %mul3A_41 = arith.constant 624 : i32
      %mul3A_42 = arith.muli %arg1, %mul3A_41 : i32
      %mul3A_43 = arith.constant 624 : i32
      %mul3A_44 = arith.muli %arg1, %mul3A_43 : i32
      "tpu.region"() ({
        %run_scoped3A = tpu.sem_alloc : memref<!tpu.dma_semaphore, #tpu.memory_space<semaphore_mem>>
        %dma_start3A_50 = arith.constant 0 : i32
        %dma_start3A_51 = tpu.memref_slice %arg8[%mul3A_44, %dma_start3A_50] : memref<10000x128xf32, #tpu.memory_space<hbm>> -> memref<624x128xf32, #tpu.memory_space<hbm>>
        %dma_start3A_52 = arith.constant 0 : i32
        %dma_start3A_53 = tpu.memref_slice %arg18[%mul3A_42, %dma_start3A_52] : memref<10000x128xf32, #tpu.memory_space<vmem_shared>> -> memref<624x128xf32, #tpu.memory_space<vmem_shared>>
        tpu.enqueue_dma source(%dma_start3A_53 : memref<624x128xf32, #tpu.memory_space<vmem_shared>>) target(%dma_start3A_51 : memref<624x128xf32, #tpu.memory_space<hbm>>) target_semaphore(%run_scoped3A : memref<!tpu.dma_semaphore, #tpu.memory_space<semaphore_mem>>)
        %dma_wait3A_54 = arith.constant 0 : i32
        %dma_wait3A_55 = tpu.memref_slice %arg8[%mul3A_44, %dma_wait3A_54] : memref<10000x128xf32, #tpu.memory_space<hbm>> -> memref<624x128xf32, #tpu.memory_space<hbm>>
        %dma_wait3A_56 = arith.constant 0 : i32
        %dma_wait3A_57 = tpu.memref_slice %arg18[%mul3A_42, %dma_wait3A_56] : memref<10000x128xf32, #tpu.memory_space<vmem_shared>> -> memref<624x128xf32, #tpu.memory_space<vmem_shared>>
        tpu.wait_dma2 semaphore(%run_scoped3A : memref<!tpu.dma_semaphore, #tpu.memory_space<semaphore_mem>>) src(%dma_wait3A_57 : memref<624x128xf32, #tpu.memory_space<vmem_shared>>) dst(%dma_wait3A_55 : memref<624x128xf32, #tpu.memory_space<hbm>>)
        tpu.yield
      }) : () -> ()
      %eq3A_45 = arith.constant 0 : i32
      %eq3A_46 = arith.cmpi eq, %arg1, %eq3A_45 : i32
      %convert_element_type3A_47 = arith.extui %eq3A_46 : i1 to i32
      %cond3A_48 = arith.constant 0 : i32
      %cond3A_49 = arith.cmpi ne, %convert_element_type3A_47, %cond3A_48 : i32
      scf.if %cond3A_49 {
        "tpu.region"() ({
          %run_scoped3A = tpu.sem_alloc : memref<!tpu.dma_semaphore, #tpu.memory_space<semaphore_mem>>
          %dma_start3A_50 = arith.constant 9984 : i32
          %dma_start3A_51 = arith.constant 0 : i32
          %dma_start3A_52 = tpu.memref_slice %arg8[%dma_start3A_50, %dma_start3A_51] : memref<10000x128xf32, #tpu.memory_space<hbm>> -> memref<16x128xf32, #tpu.memory_space<hbm>>
          %dma_start3A_53 = arith.constant 9984 : i32
          %dma_start3A_54 = arith.constant 0 : i32
          %dma_start3A_55 = tpu.memref_slice %arg18[%dma_start3A_53, %dma_start3A_54] : memref<10000x128xf32, #tpu.memory_space<vmem_shared>> -> memref<16x128xf32, #tpu.memory_space<vmem_shared>>
          tpu.enqueue_dma source(%dma_start3A_55 : memref<16x128xf32, #tpu.memory_space<vmem_shared>>) target(%dma_start3A_52 : memref<16x128xf32, #tpu.memory_space<hbm>>) target_semaphore(%run_scoped3A : memref<!tpu.dma_semaphore, #tpu.memory_space<semaphore_mem>>)
          %dma_wait3A_56 = arith.constant 9984 : i32
          %dma_wait3A_57 = arith.constant 0 : i32
          %dma_wait3A_58 = tpu.memref_slice %arg8[%dma_wait3A_56, %dma_wait3A_57] : memref<10000x128xf32, #tpu.memory_space<hbm>> -> memref<16x128xf32, #tpu.memory_space<hbm>>
          %dma_wait3A_59 = arith.constant 9984 : i32
          %dma_wait3A_60 = arith.constant 0 : i32
          %dma_wait3A_61 = tpu.memref_slice %arg18[%dma_wait3A_59, %dma_wait3A_60] : memref<10000x128xf32, #tpu.memory_space<vmem_shared>> -> memref<16x128xf32, #tpu.memory_space<vmem_shared>>
          tpu.wait_dma2 semaphore(%run_scoped3A : memref<!tpu.dma_semaphore, #tpu.memory_space<semaphore_mem>>) src(%dma_wait3A_61 : memref<16x128xf32, #tpu.memory_space<vmem_shared>>) dst(%dma_wait3A_58 : memref<16x128xf32, #tpu.memory_space<hbm>>)
          tpu.yield
        }) : () -> ()
      } else {
      }
    } else {
    }
    return
  }
}

#map = affine_map<(d0, d1) -> (0, 0)>
#map1 = affine_map<(d0, d1) -> (0)>
module attributes {stable_mosaic.version = 14 : i64} {
  func.func @_sc_agg_es(%arg0: i32, %arg1: i32, %arg2: memref<10000x128xf32, #tpu.memory_space<hbm>>, %arg3: memref<320000xi32, #tpu.memory_space<hbm>>, %arg4: memref<320000xi32, #tpu.memory_space<hbm>>, %arg5: memref<10000x128xf32, #tpu.memory_space<hbm>>, %arg6: memref<10000x128xf32, #tpu.memory_space<hbm>>, %arg7: memref<10000x128xf32, #tpu.memory_space<hbm>>, %arg8: memref<128xi32, #tpu.memory_space<vmem>>, %arg9: memref<128xi32, #tpu.memory_space<vmem>>, %arg10: memref<128xi32, #tpu.memory_space<vmem>>, %arg11: memref<128xi32, #tpu.memory_space<vmem>>, %arg12: memref<128x128xf32, #tpu.memory_space<vmem>>, %arg13: memref<128x128xf32, #tpu.memory_space<vmem>>, %arg14: memref<16xi32, #tpu.memory_space<vmem>>, %arg15: memref<16xi32, #tpu.memory_space<vmem>>, %arg16: memref<16x128xf32, #tpu.memory_space<vmem>>, %arg17: memref<10000x128xf32, #tpu.memory_space<vmem_shared>>, %arg18: memref<!tpu.dma_semaphore, #tpu.memory_space<semaphore_mem>>, %arg19: memref<!tpu.dma_semaphore, #tpu.memory_space<semaphore_mem>>, %arg20: memref<!tpu.dma_semaphore, #tpu.memory_space<semaphore_mem>>, %arg21: memref<!tpu.dma_semaphore, #tpu.memory_space<semaphore_mem>>, %arg22: memref<!tpu.dma_semaphore, #tpu.memory_space<semaphore_mem>>, %arg23: memref<!tpu.dma_semaphore, #tpu.memory_space<semaphore_mem>>) attributes {dimension_semantics = [#tpu.dimension_semantics<core_parallel>, #tpu.dimension_semantics<subcore_parallel>], iteration_bounds = array<i64: 2, 16>, scalar_prefetch = 0 : i64, scratch_operands = 16 : i64, tpu.core_type = #tpu.core_type<sc_vector_subcore>, window_params = [{transform_indices = #map}, {transform_indices = #map1}, {transform_indices = #map1}, {transform_indices = #map}, {transform_indices = #map}, {transform_indices = #map}]} {
    %mul3A = arith.constant 16 : i32
    %mul3A_0 = arith.muli %arg0, %mul3A : i32
    %add3A = arith.addi %mul3A_0, %arg1 : i32
    %mul3A_1 = arith.constant 10000 : i32
    %mul3A_2 = arith.muli %add3A, %mul3A_1 : i32
    %eq3A = arith.constant 0 : i32
    %eq3A_3 = arith.cmpi eq, %arg0, %eq3A : i32
    %convert_element_type3A = arith.extui %eq3A_3 : i1 to i32
    %cond3A = arith.constant 0 : i32
    %cond3A_4 = arith.cmpi ne, %convert_element_type3A, %cond3A : i32
    scf.if %cond3A_4 {
      "tpu.region"() ({
        %run_scoped3A = tpu.sem_alloc : memref<!tpu.dma_semaphore, #tpu.memory_space<semaphore_mem>>
        %dma_start3A_53 = tpu.memref_slice %arg3[%mul3A_2] : memref<320000xi32, #tpu.memory_space<hbm>> -> memref<128xi32, #tpu.memory_space<hbm>>
        %dma_start3A_54 = tpu.memref_slice %arg3[%mul3A_2] : memref<320000xi32, #tpu.memory_space<hbm>> -> memref<128xi32, #tpu.memory_space<hbm>>
        tpu.enqueue_dma source(%dma_start3A_54 : memref<128xi32, #tpu.memory_space<hbm>>) target(%arg8 : memref<128xi32, #tpu.memory_space<vmem>>) target_semaphore(%run_scoped3A : memref<!tpu.dma_semaphore, #tpu.memory_space<semaphore_mem>>)
        %dma_wait3A_55 = tpu.memref_slice %arg3[%mul3A_2] : memref<320000xi32, #tpu.memory_space<hbm>> -> memref<128xi32, #tpu.memory_space<hbm>>
        %dma_wait3A_56 = tpu.memref_slice %arg3[%mul3A_2] : memref<320000xi32, #tpu.memory_space<hbm>> -> memref<128xi32, #tpu.memory_space<hbm>>
        tpu.wait_dma2 semaphore(%run_scoped3A : memref<!tpu.dma_semaphore, #tpu.memory_space<semaphore_mem>>) src(%dma_wait3A_56 : memref<128xi32, #tpu.memory_space<hbm>>) dst(%arg8 : memref<128xi32, #tpu.memory_space<vmem>>)
        tpu.yield
      }) : () -> ()
      %dma_start3A = tpu.memref_slice %arg4[%mul3A_2] : memref<320000xi32, #tpu.memory_space<hbm>> -> memref<128xi32, #tpu.memory_space<hbm>>
      %dma_start3A_10 = tpu.memref_slice %arg4[%mul3A_2] : memref<320000xi32, #tpu.memory_space<hbm>> -> memref<128xi32, #tpu.memory_space<hbm>>
      tpu.enqueue_dma source(%dma_start3A_10 : memref<128xi32, #tpu.memory_space<hbm>>) target(%arg10 : memref<128xi32, #tpu.memory_space<vmem>>) target_semaphore(%arg20 : memref<!tpu.dma_semaphore, #tpu.memory_space<semaphore_mem>>)
      %dma_start3A_11 = arith.constant 0 : i32
      %dma_start3A_12 = arith.constant 0 : i32
      %dma_start3A_13 = tpu.memref_slice %arg2[%dma_start3A_11, %dma_start3A_12] : memref<10000x128xf32, #tpu.memory_space<hbm>> -> memref<10000x128xf32, #tpu.memory_space<hbm>>
      tpu.enqueue_indirect_dma source(%dma_start3A_13 : memref<10000x128xf32, #tpu.memory_space<hbm>>) target(%arg12 : memref<128x128xf32, #tpu.memory_space<vmem>>) offsets(%arg8 : memref<128xi32, #tpu.memory_space<vmem>>) semaphore(%arg22 : memref<!tpu.dma_semaphore, #tpu.memory_space<semaphore_mem>>)
      %add3A_14 = arith.constant 128 : i32
      %add3A_15 = arith.addi %mul3A_2, %add3A_14 : i32
      %dma_start3A_16 = tpu.memref_slice %arg3[%add3A_15] : memref<320000xi32, #tpu.memory_space<hbm>> -> memref<128xi32, #tpu.memory_space<hbm>>
      %dma_start3A_17 = tpu.memref_slice %arg3[%add3A_15] : memref<320000xi32, #tpu.memory_space<hbm>> -> memref<128xi32, #tpu.memory_space<hbm>>
      tpu.enqueue_dma source(%dma_start3A_17 : memref<128xi32, #tpu.memory_space<hbm>>) target(%arg9 : memref<128xi32, #tpu.memory_space<vmem>>) target_semaphore(%arg19 : memref<!tpu.dma_semaphore, #tpu.memory_space<semaphore_mem>>)
      %add3A_18 = arith.constant 128 : i32
      %add3A_19 = arith.addi %mul3A_2, %add3A_18 : i32
      %dma_start3A_20 = tpu.memref_slice %arg4[%add3A_19] : memref<320000xi32, #tpu.memory_space<hbm>> -> memref<128xi32, #tpu.memory_space<hbm>>
      %dma_start3A_21 = tpu.memref_slice %arg4[%add3A_19] : memref<320000xi32, #tpu.memory_space<hbm>> -> memref<128xi32, #tpu.memory_space<hbm>>
      tpu.enqueue_dma source(%dma_start3A_21 : memref<128xi32, #tpu.memory_space<hbm>>) target(%arg11 : memref<128xi32, #tpu.memory_space<vmem>>) target_semaphore(%arg21 : memref<!tpu.dma_semaphore, #tpu.memory_space<semaphore_mem>>)
      %mul3A_22 = arith.constant 624 : i32
      %mul3A_23 = arith.muli %arg1, %mul3A_22 : i32
      %mul3A_24 = arith.constant 624 : i32
      %mul3A_25 = arith.muli %arg1, %mul3A_24 : i32
      "tpu.region"() ({
        %run_scoped3A = tpu.sem_alloc : memref<!tpu.dma_semaphore, #tpu.memory_space<semaphore_mem>>
        %dma_start3A_53 = arith.constant 0 : i32
        %dma_start3A_54 = tpu.memref_slice %arg17[%mul3A_25, %dma_start3A_53] : memref<10000x128xf32, #tpu.memory_space<vmem_shared>> -> memref<624x128xf32, #tpu.memory_space<vmem_shared>>
        %dma_start3A_55 = arith.constant 0 : i32
        %dma_start3A_56 = tpu.memref_slice %arg5[%mul3A_23, %dma_start3A_55] : memref<10000x128xf32, #tpu.memory_space<hbm>> -> memref<624x128xf32, #tpu.memory_space<hbm>>
        tpu.enqueue_dma source(%dma_start3A_56 : memref<624x128xf32, #tpu.memory_space<hbm>>) target(%dma_start3A_54 : memref<624x128xf32, #tpu.memory_space<vmem_shared>>) target_semaphore(%run_scoped3A : memref<!tpu.dma_semaphore, #tpu.memory_space<semaphore_mem>>)
        %dma_wait3A_57 = arith.constant 0 : i32
        %dma_wait3A_58 = tpu.memref_slice %arg17[%mul3A_25, %dma_wait3A_57] : memref<10000x128xf32, #tpu.memory_space<vmem_shared>> -> memref<624x128xf32, #tpu.memory_space<vmem_shared>>
        %dma_wait3A_59 = arith.constant 0 : i32
        %dma_wait3A_60 = tpu.memref_slice %arg5[%mul3A_23, %dma_wait3A_59] : memref<10000x128xf32, #tpu.memory_space<hbm>> -> memref<624x128xf32, #tpu.memory_space<hbm>>
        tpu.wait_dma2 semaphore(%run_scoped3A : memref<!tpu.dma_semaphore, #tpu.memory_space<semaphore_mem>>) src(%dma_wait3A_60 : memref<624x128xf32, #tpu.memory_space<hbm>>) dst(%dma_wait3A_58 : memref<624x128xf32, #tpu.memory_space<vmem_shared>>)
        tpu.yield
      }) : () -> ()
      %eq3A_26 = arith.constant 0 : i32
      %eq3A_27 = arith.cmpi eq, %arg1, %eq3A_26 : i32
      %convert_element_type3A_28 = arith.extui %eq3A_27 : i1 to i32
      %cond3A_29 = arith.constant 0 : i32
      %cond3A_30 = arith.cmpi ne, %convert_element_type3A_28, %cond3A_29 : i32
      scf.if %cond3A_30 {
        "tpu.region"() ({
          %run_scoped3A = tpu.sem_alloc : memref<!tpu.dma_semaphore, #tpu.memory_space<semaphore_mem>>
          %dma_start3A_53 = arith.constant 9984 : i32
          %dma_start3A_54 = arith.constant 0 : i32
          %dma_start3A_55 = tpu.memref_slice %arg17[%dma_start3A_53, %dma_start3A_54] : memref<10000x128xf32, #tpu.memory_space<vmem_shared>> -> memref<16x128xf32, #tpu.memory_space<vmem_shared>>
          %dma_start3A_56 = arith.constant 9984 : i32
          %dma_start3A_57 = arith.constant 0 : i32
          %dma_start3A_58 = tpu.memref_slice %arg5[%dma_start3A_56, %dma_start3A_57] : memref<10000x128xf32, #tpu.memory_space<hbm>> -> memref<16x128xf32, #tpu.memory_space<hbm>>
          tpu.enqueue_dma source(%dma_start3A_58 : memref<16x128xf32, #tpu.memory_space<hbm>>) target(%dma_start3A_55 : memref<16x128xf32, #tpu.memory_space<vmem_shared>>) target_semaphore(%run_scoped3A : memref<!tpu.dma_semaphore, #tpu.memory_space<semaphore_mem>>)
          %dma_wait3A_59 = arith.constant 9984 : i32
          %dma_wait3A_60 = arith.constant 0 : i32
          %dma_wait3A_61 = tpu.memref_slice %arg17[%dma_wait3A_59, %dma_wait3A_60] : memref<10000x128xf32, #tpu.memory_space<vmem_shared>> -> memref<16x128xf32, #tpu.memory_space<vmem_shared>>
          %dma_wait3A_62 = arith.constant 9984 : i32
          %dma_wait3A_63 = arith.constant 0 : i32
          %dma_wait3A_64 = tpu.memref_slice %arg5[%dma_wait3A_62, %dma_wait3A_63] : memref<10000x128xf32, #tpu.memory_space<hbm>> -> memref<16x128xf32, #tpu.memory_space<hbm>>
          tpu.wait_dma2 semaphore(%run_scoped3A : memref<!tpu.dma_semaphore, #tpu.memory_space<semaphore_mem>>) src(%dma_wait3A_64 : memref<16x128xf32, #tpu.memory_space<hbm>>) dst(%dma_wait3A_61 : memref<16x128xf32, #tpu.memory_space<vmem_shared>>)
          tpu.yield
        }) : () -> ()
      } else {
      }
      %barrier3A = arith.constant 0 : index
      tpu.barrier barrier_id(%barrier3A)
      %scan3A = arith.constant 0 : i32
      %scan3A_31 = arith.constant 0 : i32
      %scan3A_32 = arith.constant 39 : i32
      %scan3A_33 = arith.addi %scan3A_31, %scan3A_32 : i32
      %scan3A_34 = arith.constant 1 : i32
      scf.for %scan3A_53 = %scan3A_31 to %scan3A_33 step %scan3A_34  : i32 {
        %mul3A_54 = arith.constant 2 : i32
        %mul3A_55 = arith.muli %mul3A_54, %scan3A_53 : i32
        %mul3A_56 = arith.constant 128 : i32
        %mul3A_57 = arith.muli %mul3A_55, %mul3A_56 : i32
        %add3A_58 = arith.addi %mul3A_2, %mul3A_57 : i32
        %add3A_59 = arith.constant 128 : i32
        %add3A_60 = arith.addi %add3A_58, %add3A_59 : i32
        %add3A_61 = arith.constant 128 : i32
        %add3A_62 = arith.addi %add3A_60, %add3A_61 : i32
        %add3A_63 = arith.constant 128 : i32
        %add3A_64 = arith.addi %add3A_62, %add3A_63 : i32
        %lt3A = arith.constant 38 : i32
        %lt3A_65 = arith.cmpi slt, %scan3A_53, %lt3A : i32
        %dma_wait3A_66 = tpu.memref_slice %arg3[%add3A_60] : memref<320000xi32, #tpu.memory_space<hbm>> -> memref<128xi32, #tpu.memory_space<hbm>>
        %dma_wait3A_67 = tpu.memref_slice %arg3[%add3A_60] : memref<320000xi32, #tpu.memory_space<hbm>> -> memref<128xi32, #tpu.memory_space<hbm>>
        tpu.wait_dma2 semaphore(%arg19 : memref<!tpu.dma_semaphore, #tpu.memory_space<semaphore_mem>>) src(%dma_wait3A_67 : memref<128xi32, #tpu.memory_space<hbm>>) dst(%arg9 : memref<128xi32, #tpu.memory_space<vmem>>)
        %dma_start3A_68 = arith.constant 0 : i32
        %dma_start3A_69 = arith.constant 0 : i32
        %dma_start3A_70 = tpu.memref_slice %arg2[%dma_start3A_68, %dma_start3A_69] : memref<10000x128xf32, #tpu.memory_space<hbm>> -> memref<10000x128xf32, #tpu.memory_space<hbm>>
        tpu.enqueue_indirect_dma source(%dma_start3A_70 : memref<10000x128xf32, #tpu.memory_space<hbm>>) target(%arg13 : memref<128x128xf32, #tpu.memory_space<vmem>>) offsets(%arg9 : memref<128xi32, #tpu.memory_space<vmem>>) semaphore(%arg23 : memref<!tpu.dma_semaphore, #tpu.memory_space<semaphore_mem>>)
        %dma_wait3A_71 = arith.constant 0 : i32
        %dma_wait3A_72 = arith.constant 0 : i32
        %dma_wait3A_73 = tpu.memref_slice %arg2[%dma_wait3A_71, %dma_wait3A_72] : memref<10000x128xf32, #tpu.memory_space<hbm>> -> memref<10000x128xf32, #tpu.memory_space<hbm>>
        tpu.wait_indirect_dma semaphore(%arg22 : memref<!tpu.dma_semaphore, #tpu.memory_space<semaphore_mem>>) src(%dma_wait3A_73 : memref<10000x128xf32, #tpu.memory_space<hbm>>) dst(%arg12 : memref<128x128xf32, #tpu.memory_space<vmem>>)
        %convert_element_type3A_74 = arith.extui %lt3A_65 : i1 to i32
        %cond3A_75 = arith.constant 0 : i32
        %cond3A_76 = arith.cmpi ne, %convert_element_type3A_74, %cond3A_75 : i32
        scf.if %cond3A_76 {
          %dma_start3A_93 = tpu.memref_slice %arg3[%add3A_62] : memref<320000xi32, #tpu.memory_space<hbm>> -> memref<128xi32, #tpu.memory_space<hbm>>
          %dma_start3A_94 = tpu.memref_slice %arg3[%add3A_62] : memref<320000xi32, #tpu.memory_space<hbm>> -> memref<128xi32, #tpu.memory_space<hbm>>
          tpu.enqueue_dma source(%dma_start3A_94 : memref<128xi32, #tpu.memory_space<hbm>>) target(%arg8 : memref<128xi32, #tpu.memory_space<vmem>>) target_semaphore(%arg18 : memref<!tpu.dma_semaphore, #tpu.memory_space<semaphore_mem>>)
        } else {
        }
        %dma_wait3A_77 = tpu.memref_slice %arg4[%add3A_58] : memref<320000xi32, #tpu.memory_space<hbm>> -> memref<128xi32, #tpu.memory_space<hbm>>
        %dma_wait3A_78 = tpu.memref_slice %arg4[%add3A_58] : memref<320000xi32, #tpu.memory_space<hbm>> -> memref<128xi32, #tpu.memory_space<hbm>>
        tpu.wait_dma2 semaphore(%arg20 : memref<!tpu.dma_semaphore, #tpu.memory_space<semaphore_mem>>) src(%dma_wait3A_78 : memref<128xi32, #tpu.memory_space<hbm>>) dst(%arg10 : memref<128xi32, #tpu.memory_space<vmem>>)
        "tpu.region"() ({
          %run_scoped3A = tpu.sem_alloc : memref<!tpu.dma_semaphore, #tpu.memory_space<semaphore_mem>>
          %dma_start3A_93 = arith.constant 0 : i32
          %dma_start3A_94 = arith.constant 0 : i32
          %dma_start3A_95 = tpu.memref_slice %arg17[%dma_start3A_93, %dma_start3A_94] : memref<10000x128xf32, #tpu.memory_space<vmem_shared>> -> memref<10000x128xf32, #tpu.memory_space<vmem_shared>>
          tpu.enqueue_indirect_dma source(%arg12 : memref<128x128xf32, #tpu.memory_space<vmem>>) target(%dma_start3A_95 : memref<10000x128xf32, #tpu.memory_space<vmem_shared>>) offsets(%arg10 : memref<128xi32, #tpu.memory_space<vmem>>) semaphore(%run_scoped3A : memref<!tpu.dma_semaphore, #tpu.memory_space<semaphore_mem>>) {add = true}
          %dma_wait3A_96 = arith.constant 0 : i32
          %dma_wait3A_97 = arith.constant 0 : i32
          %dma_wait3A_98 = tpu.memref_slice %arg17[%dma_wait3A_96, %dma_wait3A_97] : memref<10000x128xf32, #tpu.memory_space<vmem_shared>> -> memref<10000x128xf32, #tpu.memory_space<vmem_shared>>
          tpu.wait_indirect_dma semaphore(%run_scoped3A : memref<!tpu.dma_semaphore, #tpu.memory_space<semaphore_mem>>) src(%arg12 : memref<128x128xf32, #tpu.memory_space<vmem>>) dst(%dma_wait3A_98 : memref<10000x128xf32, #tpu.memory_space<vmem_shared>>)
          tpu.yield
        }) : () -> ()
        %convert_element_type3A_79 = arith.extui %lt3A_65 : i1 to i32
        %cond3A_80 = arith.constant 0 : i32
        %cond3A_81 = arith.cmpi ne, %convert_element_type3A_79, %cond3A_80 : i32
        scf.if %cond3A_81 {
          %dma_start3A_93 = tpu.memref_slice %arg4[%add3A_62] : memref<320000xi32, #tpu.memory_space<hbm>> -> memref<128xi32, #tpu.memory_space<hbm>>
          %dma_start3A_94 = tpu.memref_slice %arg4[%add3A_62] : memref<320000xi32, #tpu.memory_space<hbm>> -> memref<128xi32, #tpu.memory_space<hbm>>
          tpu.enqueue_dma source(%dma_start3A_94 : memref<128xi32, #tpu.memory_space<hbm>>) target(%arg10 : memref<128xi32, #tpu.memory_space<vmem>>) target_semaphore(%arg20 : memref<!tpu.dma_semaphore, #tpu.memory_space<semaphore_mem>>)
        } else {
        }
        %dma_wait3A_82 = arith.constant 0 : i32
        %dma_wait3A_83 = arith.constant 0 : i32
        %dma_wait3A_84 = tpu.memref_slice %arg2[%dma_wait3A_82, %dma_wait3A_83] : memref<10000x128xf32, #tpu.memory_space<hbm>> -> memref<10000x128xf32, #tpu.memory_space<hbm>>
        tpu.wait_indirect_dma semaphore(%arg23 : memref<!tpu.dma_semaphore, #tpu.memory_space<semaphore_mem>>) src(%dma_wait3A_84 : memref<10000x128xf32, #tpu.memory_space<hbm>>) dst(%arg13 : memref<128x128xf32, #tpu.memory_space<vmem>>)
        %convert_element_type3A_85 = arith.extui %lt3A_65 : i1 to i32
        %cond3A_86 = arith.constant 0 : i32
        %cond3A_87 = arith.cmpi ne, %convert_element_type3A_85, %cond3A_86 : i32
        scf.if %cond3A_87 {
          %dma_start3A_93 = tpu.memref_slice %arg3[%add3A_64] : memref<320000xi32, #tpu.memory_space<hbm>> -> memref<128xi32, #tpu.memory_space<hbm>>
          %dma_start3A_94 = tpu.memref_slice %arg3[%add3A_64] : memref<320000xi32, #tpu.memory_space<hbm>> -> memref<128xi32, #tpu.memory_space<hbm>>
          tpu.enqueue_dma source(%dma_start3A_94 : memref<128xi32, #tpu.memory_space<hbm>>) target(%arg9 : memref<128xi32, #tpu.memory_space<vmem>>) target_semaphore(%arg19 : memref<!tpu.dma_semaphore, #tpu.memory_space<semaphore_mem>>)
        } else {
        }
        %dma_wait3A_88 = tpu.memref_slice %arg4[%add3A_60] : memref<320000xi32, #tpu.memory_space<hbm>> -> memref<128xi32, #tpu.memory_space<hbm>>
        %dma_wait3A_89 = tpu.memref_slice %arg4[%add3A_60] : memref<320000xi32, #tpu.memory_space<hbm>> -> memref<128xi32, #tpu.memory_space<hbm>>
        tpu.wait_dma2 semaphore(%arg21 : memref<!tpu.dma_semaphore, #tpu.memory_space<semaphore_mem>>) src(%dma_wait3A_89 : memref<128xi32, #tpu.memory_space<hbm>>) dst(%arg11 : memref<128xi32, #tpu.memory_space<vmem>>)
        "tpu.region"() ({
          %run_scoped3A = tpu.sem_alloc : memref<!tpu.dma_semaphore, #tpu.memory_space<semaphore_mem>>
          %dma_start3A_93 = arith.constant 0 : i32
          %dma_start3A_94 = arith.constant 0 : i32
          %dma_start3A_95 = tpu.memref_slice %arg17[%dma_start3A_93, %dma_start3A_94] : memref<10000x128xf32, #tpu.memory_space<vmem_shared>> -> memref<10000x128xf32, #tpu.memory_space<vmem_shared>>
          tpu.enqueue_indirect_dma source(%arg13 : memref<128x128xf32, #tpu.memory_space<vmem>>) target(%dma_start3A_95 : memref<10000x128xf32, #tpu.memory_space<vmem_shared>>) offsets(%arg11 : memref<128xi32, #tpu.memory_space<vmem>>) semaphore(%run_scoped3A : memref<!tpu.dma_semaphore, #tpu.memory_space<semaphore_mem>>) {add = true}
          %dma_wait3A_96 = arith.constant 0 : i32
          %dma_wait3A_97 = arith.constant 0 : i32
          %dma_wait3A_98 = tpu.memref_slice %arg17[%dma_wait3A_96, %dma_wait3A_97] : memref<10000x128xf32, #tpu.memory_space<vmem_shared>> -> memref<10000x128xf32, #tpu.memory_space<vmem_shared>>
          tpu.wait_indirect_dma semaphore(%run_scoped3A : memref<!tpu.dma_semaphore, #tpu.memory_space<semaphore_mem>>) src(%arg13 : memref<128x128xf32, #tpu.memory_space<vmem>>) dst(%dma_wait3A_98 : memref<10000x128xf32, #tpu.memory_space<vmem_shared>>)
          tpu.yield
        }) : () -> ()
        %convert_element_type3A_90 = arith.extui %lt3A_65 : i1 to i32
        %cond3A_91 = arith.constant 0 : i32
        %cond3A_92 = arith.cmpi ne, %convert_element_type3A_90, %cond3A_91 : i32
        scf.if %cond3A_92 {
          %dma_start3A_93 = tpu.memref_slice %arg4[%add3A_64] : memref<320000xi32, #tpu.memory_space<hbm>> -> memref<128xi32, #tpu.memory_space<hbm>>
          %dma_start3A_94 = tpu.memref_slice %arg4[%add3A_64] : memref<320000xi32, #tpu.memory_space<hbm>> -> memref<128xi32, #tpu.memory_space<hbm>>
          tpu.enqueue_dma source(%dma_start3A_94 : memref<128xi32, #tpu.memory_space<hbm>>) target(%arg11 : memref<128xi32, #tpu.memory_space<vmem>>) target_semaphore(%arg21 : memref<!tpu.dma_semaphore, #tpu.memory_space<semaphore_mem>>)
          %dma_wait3A_95 = tpu.memref_slice %arg3[%add3A_62] : memref<320000xi32, #tpu.memory_space<hbm>> -> memref<128xi32, #tpu.memory_space<hbm>>
          %dma_wait3A_96 = tpu.memref_slice %arg3[%add3A_62] : memref<320000xi32, #tpu.memory_space<hbm>> -> memref<128xi32, #tpu.memory_space<hbm>>
          tpu.wait_dma2 semaphore(%arg18 : memref<!tpu.dma_semaphore, #tpu.memory_space<semaphore_mem>>) src(%dma_wait3A_96 : memref<128xi32, #tpu.memory_space<hbm>>) dst(%arg8 : memref<128xi32, #tpu.memory_space<vmem>>)
          %dma_start3A_97 = arith.constant 0 : i32
          %dma_start3A_98 = arith.constant 0 : i32
          %dma_start3A_99 = tpu.memref_slice %arg2[%dma_start3A_97, %dma_start3A_98] : memref<10000x128xf32, #tpu.memory_space<hbm>> -> memref<10000x128xf32, #tpu.memory_space<hbm>>
          tpu.enqueue_indirect_dma source(%dma_start3A_99 : memref<10000x128xf32, #tpu.memory_space<hbm>>) target(%arg12 : memref<128x128xf32, #tpu.memory_space<vmem>>) offsets(%arg8 : memref<128xi32, #tpu.memory_space<vmem>>) semaphore(%arg22 : memref<!tpu.dma_semaphore, #tpu.memory_space<semaphore_mem>>)
        } else {
        }
      }
      %scan3A_35 = arith.constant 39 : i32
      %add3A_36 = arith.constant 9984 : i32
      %add3A_37 = arith.addi %mul3A_2, %add3A_36 : i32
      "tpu.region"() ({
        %run_scoped3A = tpu.sem_alloc : memref<!tpu.dma_semaphore, #tpu.memory_space<semaphore_mem>>
        %dma_start3A_53 = tpu.memref_slice %arg3[%add3A_37] : memref<320000xi32, #tpu.memory_space<hbm>> -> memref<16xi32, #tpu.memory_space<hbm>>
        %dma_start3A_54 = tpu.memref_slice %arg3[%add3A_37] : memref<320000xi32, #tpu.memory_space<hbm>> -> memref<16xi32, #tpu.memory_space<hbm>>
        tpu.enqueue_dma source(%dma_start3A_54 : memref<16xi32, #tpu.memory_space<hbm>>) target(%arg14 : memref<16xi32, #tpu.memory_space<vmem>>) target_semaphore(%run_scoped3A : memref<!tpu.dma_semaphore, #tpu.memory_space<semaphore_mem>>)
        %dma_wait3A_55 = tpu.memref_slice %arg3[%add3A_37] : memref<320000xi32, #tpu.memory_space<hbm>> -> memref<16xi32, #tpu.memory_space<hbm>>
        %dma_wait3A_56 = tpu.memref_slice %arg3[%add3A_37] : memref<320000xi32, #tpu.memory_space<hbm>> -> memref<16xi32, #tpu.memory_space<hbm>>
        tpu.wait_dma2 semaphore(%run_scoped3A : memref<!tpu.dma_semaphore, #tpu.memory_space<semaphore_mem>>) src(%dma_wait3A_56 : memref<16xi32, #tpu.memory_space<hbm>>) dst(%arg14 : memref<16xi32, #tpu.memory_space<vmem>>)
        tpu.yield
      }) : () -> ()
      "tpu.region"() ({
        %run_scoped3A = tpu.sem_alloc : memref<!tpu.dma_semaphore, #tpu.memory_space<semaphore_mem>>
        %dma_start3A_53 = tpu.memref_slice %arg4[%add3A_37] : memref<320000xi32, #tpu.memory_space<hbm>> -> memref<16xi32, #tpu.memory_space<hbm>>
        %dma_start3A_54 = tpu.memref_slice %arg4[%add3A_37] : memref<320000xi32, #tpu.memory_space<hbm>> -> memref<16xi32, #tpu.memory_space<hbm>>
        tpu.enqueue_dma source(%dma_start3A_54 : memref<16xi32, #tpu.memory_space<hbm>>) target(%arg15 : memref<16xi32, #tpu.memory_space<vmem>>) target_semaphore(%run_scoped3A : memref<!tpu.dma_semaphore, #tpu.memory_space<semaphore_mem>>)
        %dma_wait3A_55 = tpu.memref_slice %arg4[%add3A_37] : memref<320000xi32, #tpu.memory_space<hbm>> -> memref<16xi32, #tpu.memory_space<hbm>>
        %dma_wait3A_56 = tpu.memref_slice %arg4[%add3A_37] : memref<320000xi32, #tpu.memory_space<hbm>> -> memref<16xi32, #tpu.memory_space<hbm>>
        tpu.wait_dma2 semaphore(%run_scoped3A : memref<!tpu.dma_semaphore, #tpu.memory_space<semaphore_mem>>) src(%dma_wait3A_56 : memref<16xi32, #tpu.memory_space<hbm>>) dst(%arg15 : memref<16xi32, #tpu.memory_space<vmem>>)
        tpu.yield
      }) : () -> ()
      %dma_start3A_38 = arith.constant 0 : i32
      %dma_start3A_39 = arith.constant 0 : i32
      %dma_start3A_40 = tpu.memref_slice %arg2[%dma_start3A_38, %dma_start3A_39] : memref<10000x128xf32, #tpu.memory_space<hbm>> -> memref<10000x128xf32, #tpu.memory_space<hbm>>
      tpu.enqueue_indirect_dma source(%dma_start3A_40 : memref<10000x128xf32, #tpu.memory_space<hbm>>) target(%arg16 : memref<16x128xf32, #tpu.memory_space<vmem>>) offsets(%arg14 : memref<16xi32, #tpu.memory_space<vmem>>) semaphore(%arg22 : memref<!tpu.dma_semaphore, #tpu.memory_space<semaphore_mem>>)
      %dma_wait3A = arith.constant 0 : i32
      %dma_wait3A_41 = arith.constant 0 : i32
      %dma_wait3A_42 = tpu.memref_slice %arg2[%dma_wait3A, %dma_wait3A_41] : memref<10000x128xf32, #tpu.memory_space<hbm>> -> memref<10000x128xf32, #tpu.memory_space<hbm>>
      tpu.wait_indirect_dma semaphore(%arg22 : memref<!tpu.dma_semaphore, #tpu.memory_space<semaphore_mem>>) src(%dma_wait3A_42 : memref<10000x128xf32, #tpu.memory_space<hbm>>) dst(%arg16 : memref<16x128xf32, #tpu.memory_space<vmem>>)
      "tpu.region"() ({
        %run_scoped3A = tpu.sem_alloc : memref<!tpu.dma_semaphore, #tpu.memory_space<semaphore_mem>>
        %dma_start3A_53 = arith.constant 0 : i32
        %dma_start3A_54 = arith.constant 0 : i32
        %dma_start3A_55 = tpu.memref_slice %arg17[%dma_start3A_53, %dma_start3A_54] : memref<10000x128xf32, #tpu.memory_space<vmem_shared>> -> memref<10000x128xf32, #tpu.memory_space<vmem_shared>>
        tpu.enqueue_indirect_dma source(%arg16 : memref<16x128xf32, #tpu.memory_space<vmem>>) target(%dma_start3A_55 : memref<10000x128xf32, #tpu.memory_space<vmem_shared>>) offsets(%arg15 : memref<16xi32, #tpu.memory_space<vmem>>) semaphore(%run_scoped3A : memref<!tpu.dma_semaphore, #tpu.memory_space<semaphore_mem>>) {add = true}
        %dma_wait3A_56 = arith.constant 0 : i32
        %dma_wait3A_57 = arith.constant 0 : i32
        %dma_wait3A_58 = tpu.memref_slice %arg17[%dma_wait3A_56, %dma_wait3A_57] : memref<10000x128xf32, #tpu.memory_space<vmem_shared>> -> memref<10000x128xf32, #tpu.memory_space<vmem_shared>>
        tpu.wait_indirect_dma semaphore(%run_scoped3A : memref<!tpu.dma_semaphore, #tpu.memory_space<semaphore_mem>>) src(%arg16 : memref<16x128xf32, #tpu.memory_space<vmem>>) dst(%dma_wait3A_58 : memref<10000x128xf32, #tpu.memory_space<vmem_shared>>)
        tpu.yield
      }) : () -> ()
      %barrier3A_43 = arith.constant 0 : index
      tpu.barrier barrier_id(%barrier3A_43)
      %mul3A_44 = arith.constant 624 : i32
      %mul3A_45 = arith.muli %arg1, %mul3A_44 : i32
      %mul3A_46 = arith.constant 624 : i32
      %mul3A_47 = arith.muli %arg1, %mul3A_46 : i32
      "tpu.region"() ({
        %run_scoped3A = tpu.sem_alloc : memref<!tpu.dma_semaphore, #tpu.memory_space<semaphore_mem>>
        %dma_start3A_53 = arith.constant 0 : i32
        %dma_start3A_54 = tpu.memref_slice %arg6[%mul3A_47, %dma_start3A_53] : memref<10000x128xf32, #tpu.memory_space<hbm>> -> memref<624x128xf32, #tpu.memory_space<hbm>>
        %dma_start3A_55 = arith.constant 0 : i32
        %dma_start3A_56 = tpu.memref_slice %arg17[%mul3A_45, %dma_start3A_55] : memref<10000x128xf32, #tpu.memory_space<vmem_shared>> -> memref<624x128xf32, #tpu.memory_space<vmem_shared>>
        tpu.enqueue_dma source(%dma_start3A_56 : memref<624x128xf32, #tpu.memory_space<vmem_shared>>) target(%dma_start3A_54 : memref<624x128xf32, #tpu.memory_space<hbm>>) target_semaphore(%run_scoped3A : memref<!tpu.dma_semaphore, #tpu.memory_space<semaphore_mem>>)
        %dma_wait3A_57 = arith.constant 0 : i32
        %dma_wait3A_58 = tpu.memref_slice %arg6[%mul3A_47, %dma_wait3A_57] : memref<10000x128xf32, #tpu.memory_space<hbm>> -> memref<624x128xf32, #tpu.memory_space<hbm>>
        %dma_wait3A_59 = arith.constant 0 : i32
        %dma_wait3A_60 = tpu.memref_slice %arg17[%mul3A_45, %dma_wait3A_59] : memref<10000x128xf32, #tpu.memory_space<vmem_shared>> -> memref<624x128xf32, #tpu.memory_space<vmem_shared>>
        tpu.wait_dma2 semaphore(%run_scoped3A : memref<!tpu.dma_semaphore, #tpu.memory_space<semaphore_mem>>) src(%dma_wait3A_60 : memref<624x128xf32, #tpu.memory_space<vmem_shared>>) dst(%dma_wait3A_58 : memref<624x128xf32, #tpu.memory_space<hbm>>)
        tpu.yield
      }) : () -> ()
      %eq3A_48 = arith.constant 0 : i32
      %eq3A_49 = arith.cmpi eq, %arg1, %eq3A_48 : i32
      %convert_element_type3A_50 = arith.extui %eq3A_49 : i1 to i32
      %cond3A_51 = arith.constant 0 : i32
      %cond3A_52 = arith.cmpi ne, %convert_element_type3A_50, %cond3A_51 : i32
      scf.if %cond3A_52 {
        "tpu.region"() ({
          %run_scoped3A = tpu.sem_alloc : memref<!tpu.dma_semaphore, #tpu.memory_space<semaphore_mem>>
          %dma_start3A_53 = arith.constant 9984 : i32
          %dma_start3A_54 = arith.constant 0 : i32
          %dma_start3A_55 = tpu.memref_slice %arg6[%dma_start3A_53, %dma_start3A_54] : memref<10000x128xf32, #tpu.memory_space<hbm>> -> memref<16x128xf32, #tpu.memory_space<hbm>>
          %dma_start3A_56 = arith.constant 9984 : i32
          %dma_start3A_57 = arith.constant 0 : i32
          %dma_start3A_58 = tpu.memref_slice %arg17[%dma_start3A_56, %dma_start3A_57] : memref<10000x128xf32, #tpu.memory_space<vmem_shared>> -> memref<16x128xf32, #tpu.memory_space<vmem_shared>>
          tpu.enqueue_dma source(%dma_start3A_58 : memref<16x128xf32, #tpu.memory_space<vmem_shared>>) target(%dma_start3A_55 : memref<16x128xf32, #tpu.memory_space<hbm>>) target_semaphore(%run_scoped3A : memref<!tpu.dma_semaphore, #tpu.memory_space<semaphore_mem>>)
          %dma_wait3A_59 = arith.constant 9984 : i32
          %dma_wait3A_60 = arith.constant 0 : i32
          %dma_wait3A_61 = tpu.memref_slice %arg6[%dma_wait3A_59, %dma_wait3A_60] : memref<10000x128xf32, #tpu.memory_space<hbm>> -> memref<16x128xf32, #tpu.memory_space<hbm>>
          %dma_wait3A_62 = arith.constant 9984 : i32
          %dma_wait3A_63 = arith.constant 0 : i32
          %dma_wait3A_64 = tpu.memref_slice %arg17[%dma_wait3A_62, %dma_wait3A_63] : memref<10000x128xf32, #tpu.memory_space<vmem_shared>> -> memref<16x128xf32, #tpu.memory_space<vmem_shared>>
          tpu.wait_dma2 semaphore(%run_scoped3A : memref<!tpu.dma_semaphore, #tpu.memory_space<semaphore_mem>>) src(%dma_wait3A_64 : memref<16x128xf32, #tpu.memory_space<vmem_shared>>) dst(%dma_wait3A_61 : memref<16x128xf32, #tpu.memory_space<hbm>>)
          tpu.yield
        }) : () -> ()
      } else {
      }
    } else {
    }
    %eq3A_5 = arith.constant 1 : i32
    %eq3A_6 = arith.cmpi eq, %arg0, %eq3A_5 : i32
    %convert_element_type3A_7 = arith.extui %eq3A_6 : i1 to i32
    %cond3A_8 = arith.constant 0 : i32
    %cond3A_9 = arith.cmpi ne, %convert_element_type3A_7, %cond3A_8 : i32
    scf.if %cond3A_9 {
      "tpu.region"() ({
        %run_scoped3A = tpu.sem_alloc : memref<!tpu.dma_semaphore, #tpu.memory_space<semaphore_mem>>
        %dma_start3A_53 = tpu.memref_slice %arg3[%mul3A_2] : memref<320000xi32, #tpu.memory_space<hbm>> -> memref<128xi32, #tpu.memory_space<hbm>>
        %dma_start3A_54 = tpu.memref_slice %arg3[%mul3A_2] : memref<320000xi32, #tpu.memory_space<hbm>> -> memref<128xi32, #tpu.memory_space<hbm>>
        tpu.enqueue_dma source(%dma_start3A_54 : memref<128xi32, #tpu.memory_space<hbm>>) target(%arg8 : memref<128xi32, #tpu.memory_space<vmem>>) target_semaphore(%run_scoped3A : memref<!tpu.dma_semaphore, #tpu.memory_space<semaphore_mem>>)
        %dma_wait3A_55 = tpu.memref_slice %arg3[%mul3A_2] : memref<320000xi32, #tpu.memory_space<hbm>> -> memref<128xi32, #tpu.memory_space<hbm>>
        %dma_wait3A_56 = tpu.memref_slice %arg3[%mul3A_2] : memref<320000xi32, #tpu.memory_space<hbm>> -> memref<128xi32, #tpu.memory_space<hbm>>
        tpu.wait_dma2 semaphore(%run_scoped3A : memref<!tpu.dma_semaphore, #tpu.memory_space<semaphore_mem>>) src(%dma_wait3A_56 : memref<128xi32, #tpu.memory_space<hbm>>) dst(%arg8 : memref<128xi32, #tpu.memory_space<vmem>>)
        tpu.yield
      }) : () -> ()
      %dma_start3A = tpu.memref_slice %arg4[%mul3A_2] : memref<320000xi32, #tpu.memory_space<hbm>> -> memref<128xi32, #tpu.memory_space<hbm>>
      %dma_start3A_10 = tpu.memref_slice %arg4[%mul3A_2] : memref<320000xi32, #tpu.memory_space<hbm>> -> memref<128xi32, #tpu.memory_space<hbm>>
      tpu.enqueue_dma source(%dma_start3A_10 : memref<128xi32, #tpu.memory_space<hbm>>) target(%arg10 : memref<128xi32, #tpu.memory_space<vmem>>) target_semaphore(%arg20 : memref<!tpu.dma_semaphore, #tpu.memory_space<semaphore_mem>>)
      %dma_start3A_11 = arith.constant 0 : i32
      %dma_start3A_12 = arith.constant 0 : i32
      %dma_start3A_13 = tpu.memref_slice %arg2[%dma_start3A_11, %dma_start3A_12] : memref<10000x128xf32, #tpu.memory_space<hbm>> -> memref<10000x128xf32, #tpu.memory_space<hbm>>
      tpu.enqueue_indirect_dma source(%dma_start3A_13 : memref<10000x128xf32, #tpu.memory_space<hbm>>) target(%arg12 : memref<128x128xf32, #tpu.memory_space<vmem>>) offsets(%arg8 : memref<128xi32, #tpu.memory_space<vmem>>) semaphore(%arg22 : memref<!tpu.dma_semaphore, #tpu.memory_space<semaphore_mem>>)
      %add3A_14 = arith.constant 128 : i32
      %add3A_15 = arith.addi %mul3A_2, %add3A_14 : i32
      %dma_start3A_16 = tpu.memref_slice %arg3[%add3A_15] : memref<320000xi32, #tpu.memory_space<hbm>> -> memref<128xi32, #tpu.memory_space<hbm>>
      %dma_start3A_17 = tpu.memref_slice %arg3[%add3A_15] : memref<320000xi32, #tpu.memory_space<hbm>> -> memref<128xi32, #tpu.memory_space<hbm>>
      tpu.enqueue_dma source(%dma_start3A_17 : memref<128xi32, #tpu.memory_space<hbm>>) target(%arg9 : memref<128xi32, #tpu.memory_space<vmem>>) target_semaphore(%arg19 : memref<!tpu.dma_semaphore, #tpu.memory_space<semaphore_mem>>)
      %add3A_18 = arith.constant 128 : i32
      %add3A_19 = arith.addi %mul3A_2, %add3A_18 : i32
      %dma_start3A_20 = tpu.memref_slice %arg4[%add3A_19] : memref<320000xi32, #tpu.memory_space<hbm>> -> memref<128xi32, #tpu.memory_space<hbm>>
      %dma_start3A_21 = tpu.memref_slice %arg4[%add3A_19] : memref<320000xi32, #tpu.memory_space<hbm>> -> memref<128xi32, #tpu.memory_space<hbm>>
      tpu.enqueue_dma source(%dma_start3A_21 : memref<128xi32, #tpu.memory_space<hbm>>) target(%arg11 : memref<128xi32, #tpu.memory_space<vmem>>) target_semaphore(%arg21 : memref<!tpu.dma_semaphore, #tpu.memory_space<semaphore_mem>>)
      %mul3A_22 = arith.constant 624 : i32
      %mul3A_23 = arith.muli %arg1, %mul3A_22 : i32
      %mul3A_24 = arith.constant 624 : i32
      %mul3A_25 = arith.muli %arg1, %mul3A_24 : i32
      "tpu.region"() ({
        %run_scoped3A = tpu.sem_alloc : memref<!tpu.dma_semaphore, #tpu.memory_space<semaphore_mem>>
        %dma_start3A_53 = arith.constant 0 : i32
        %dma_start3A_54 = tpu.memref_slice %arg17[%mul3A_25, %dma_start3A_53] : memref<10000x128xf32, #tpu.memory_space<vmem_shared>> -> memref<624x128xf32, #tpu.memory_space<vmem_shared>>
        %dma_start3A_55 = arith.constant 0 : i32
        %dma_start3A_56 = tpu.memref_slice %arg5[%mul3A_23, %dma_start3A_55] : memref<10000x128xf32, #tpu.memory_space<hbm>> -> memref<624x128xf32, #tpu.memory_space<hbm>>
        tpu.enqueue_dma source(%dma_start3A_56 : memref<624x128xf32, #tpu.memory_space<hbm>>) target(%dma_start3A_54 : memref<624x128xf32, #tpu.memory_space<vmem_shared>>) target_semaphore(%run_scoped3A : memref<!tpu.dma_semaphore, #tpu.memory_space<semaphore_mem>>)
        %dma_wait3A_57 = arith.constant 0 : i32
        %dma_wait3A_58 = tpu.memref_slice %arg17[%mul3A_25, %dma_wait3A_57] : memref<10000x128xf32, #tpu.memory_space<vmem_shared>> -> memref<624x128xf32, #tpu.memory_space<vmem_shared>>
        %dma_wait3A_59 = arith.constant 0 : i32
        %dma_wait3A_60 = tpu.memref_slice %arg5[%mul3A_23, %dma_wait3A_59] : memref<10000x128xf32, #tpu.memory_space<hbm>> -> memref<624x128xf32, #tpu.memory_space<hbm>>
        tpu.wait_dma2 semaphore(%run_scoped3A : memref<!tpu.dma_semaphore, #tpu.memory_space<semaphore_mem>>) src(%dma_wait3A_60 : memref<624x128xf32, #tpu.memory_space<hbm>>) dst(%dma_wait3A_58 : memref<624x128xf32, #tpu.memory_space<vmem_shared>>)
        tpu.yield
      }) : () -> ()
      %eq3A_26 = arith.constant 0 : i32
      %eq3A_27 = arith.cmpi eq, %arg1, %eq3A_26 : i32
      %convert_element_type3A_28 = arith.extui %eq3A_27 : i1 to i32
      %cond3A_29 = arith.constant 0 : i32
      %cond3A_30 = arith.cmpi ne, %convert_element_type3A_28, %cond3A_29 : i32
      scf.if %cond3A_30 {
        "tpu.region"() ({
          %run_scoped3A = tpu.sem_alloc : memref<!tpu.dma_semaphore, #tpu.memory_space<semaphore_mem>>
          %dma_start3A_53 = arith.constant 9984 : i32
          %dma_start3A_54 = arith.constant 0 : i32
          %dma_start3A_55 = tpu.memref_slice %arg17[%dma_start3A_53, %dma_start3A_54] : memref<10000x128xf32, #tpu.memory_space<vmem_shared>> -> memref<16x128xf32, #tpu.memory_space<vmem_shared>>
          %dma_start3A_56 = arith.constant 9984 : i32
          %dma_start3A_57 = arith.constant 0 : i32
          %dma_start3A_58 = tpu.memref_slice %arg5[%dma_start3A_56, %dma_start3A_57] : memref<10000x128xf32, #tpu.memory_space<hbm>> -> memref<16x128xf32, #tpu.memory_space<hbm>>
          tpu.enqueue_dma source(%dma_start3A_58 : memref<16x128xf32, #tpu.memory_space<hbm>>) target(%dma_start3A_55 : memref<16x128xf32, #tpu.memory_space<vmem_shared>>) target_semaphore(%run_scoped3A : memref<!tpu.dma_semaphore, #tpu.memory_space<semaphore_mem>>)
          %dma_wait3A_59 = arith.constant 9984 : i32
          %dma_wait3A_60 = arith.constant 0 : i32
          %dma_wait3A_61 = tpu.memref_slice %arg17[%dma_wait3A_59, %dma_wait3A_60] : memref<10000x128xf32, #tpu.memory_space<vmem_shared>> -> memref<16x128xf32, #tpu.memory_space<vmem_shared>>
          %dma_wait3A_62 = arith.constant 9984 : i32
          %dma_wait3A_63 = arith.constant 0 : i32
          %dma_wait3A_64 = tpu.memref_slice %arg5[%dma_wait3A_62, %dma_wait3A_63] : memref<10000x128xf32, #tpu.memory_space<hbm>> -> memref<16x128xf32, #tpu.memory_space<hbm>>
          tpu.wait_dma2 semaphore(%run_scoped3A : memref<!tpu.dma_semaphore, #tpu.memory_space<semaphore_mem>>) src(%dma_wait3A_64 : memref<16x128xf32, #tpu.memory_space<hbm>>) dst(%dma_wait3A_61 : memref<16x128xf32, #tpu.memory_space<vmem_shared>>)
          tpu.yield
        }) : () -> ()
      } else {
      }
      %barrier3A = arith.constant 0 : index
      tpu.barrier barrier_id(%barrier3A)
      %scan3A = arith.constant 0 : i32
      %scan3A_31 = arith.constant 0 : i32
      %scan3A_32 = arith.constant 39 : i32
      %scan3A_33 = arith.addi %scan3A_31, %scan3A_32 : i32
      %scan3A_34 = arith.constant 1 : i32
      scf.for %scan3A_53 = %scan3A_31 to %scan3A_33 step %scan3A_34  : i32 {
        %mul3A_54 = arith.constant 2 : i32
        %mul3A_55 = arith.muli %mul3A_54, %scan3A_53 : i32
        %mul3A_56 = arith.constant 128 : i32
        %mul3A_57 = arith.muli %mul3A_55, %mul3A_56 : i32
        %add3A_58 = arith.addi %mul3A_2, %mul3A_57 : i32
        %add3A_59 = arith.constant 128 : i32
        %add3A_60 = arith.addi %add3A_58, %add3A_59 : i32
        %add3A_61 = arith.constant 128 : i32
        %add3A_62 = arith.addi %add3A_60, %add3A_61 : i32
        %add3A_63 = arith.constant 128 : i32
        %add3A_64 = arith.addi %add3A_62, %add3A_63 : i32
        %lt3A = arith.constant 38 : i32
        %lt3A_65 = arith.cmpi slt, %scan3A_53, %lt3A : i32
        %dma_wait3A_66 = tpu.memref_slice %arg3[%add3A_60] : memref<320000xi32, #tpu.memory_space<hbm>> -> memref<128xi32, #tpu.memory_space<hbm>>
        %dma_wait3A_67 = tpu.memref_slice %arg3[%add3A_60] : memref<320000xi32, #tpu.memory_space<hbm>> -> memref<128xi32, #tpu.memory_space<hbm>>
        tpu.wait_dma2 semaphore(%arg19 : memref<!tpu.dma_semaphore, #tpu.memory_space<semaphore_mem>>) src(%dma_wait3A_67 : memref<128xi32, #tpu.memory_space<hbm>>) dst(%arg9 : memref<128xi32, #tpu.memory_space<vmem>>)
        %dma_start3A_68 = arith.constant 0 : i32
        %dma_start3A_69 = arith.constant 0 : i32
        %dma_start3A_70 = tpu.memref_slice %arg2[%dma_start3A_68, %dma_start3A_69] : memref<10000x128xf32, #tpu.memory_space<hbm>> -> memref<10000x128xf32, #tpu.memory_space<hbm>>
        tpu.enqueue_indirect_dma source(%dma_start3A_70 : memref<10000x128xf32, #tpu.memory_space<hbm>>) target(%arg13 : memref<128x128xf32, #tpu.memory_space<vmem>>) offsets(%arg9 : memref<128xi32, #tpu.memory_space<vmem>>) semaphore(%arg23 : memref<!tpu.dma_semaphore, #tpu.memory_space<semaphore_mem>>)
        %dma_wait3A_71 = arith.constant 0 : i32
        %dma_wait3A_72 = arith.constant 0 : i32
        %dma_wait3A_73 = tpu.memref_slice %arg2[%dma_wait3A_71, %dma_wait3A_72] : memref<10000x128xf32, #tpu.memory_space<hbm>> -> memref<10000x128xf32, #tpu.memory_space<hbm>>
        tpu.wait_indirect_dma semaphore(%arg22 : memref<!tpu.dma_semaphore, #tpu.memory_space<semaphore_mem>>) src(%dma_wait3A_73 : memref<10000x128xf32, #tpu.memory_space<hbm>>) dst(%arg12 : memref<128x128xf32, #tpu.memory_space<vmem>>)
        %convert_element_type3A_74 = arith.extui %lt3A_65 : i1 to i32
        %cond3A_75 = arith.constant 0 : i32
        %cond3A_76 = arith.cmpi ne, %convert_element_type3A_74, %cond3A_75 : i32
        scf.if %cond3A_76 {
          %dma_start3A_93 = tpu.memref_slice %arg3[%add3A_62] : memref<320000xi32, #tpu.memory_space<hbm>> -> memref<128xi32, #tpu.memory_space<hbm>>
          %dma_start3A_94 = tpu.memref_slice %arg3[%add3A_62] : memref<320000xi32, #tpu.memory_space<hbm>> -> memref<128xi32, #tpu.memory_space<hbm>>
          tpu.enqueue_dma source(%dma_start3A_94 : memref<128xi32, #tpu.memory_space<hbm>>) target(%arg8 : memref<128xi32, #tpu.memory_space<vmem>>) target_semaphore(%arg18 : memref<!tpu.dma_semaphore, #tpu.memory_space<semaphore_mem>>)
        } else {
        }
        %dma_wait3A_77 = tpu.memref_slice %arg4[%add3A_58] : memref<320000xi32, #tpu.memory_space<hbm>> -> memref<128xi32, #tpu.memory_space<hbm>>
        %dma_wait3A_78 = tpu.memref_slice %arg4[%add3A_58] : memref<320000xi32, #tpu.memory_space<hbm>> -> memref<128xi32, #tpu.memory_space<hbm>>
        tpu.wait_dma2 semaphore(%arg20 : memref<!tpu.dma_semaphore, #tpu.memory_space<semaphore_mem>>) src(%dma_wait3A_78 : memref<128xi32, #tpu.memory_space<hbm>>) dst(%arg10 : memref<128xi32, #tpu.memory_space<vmem>>)
        "tpu.region"() ({
          %run_scoped3A = tpu.sem_alloc : memref<!tpu.dma_semaphore, #tpu.memory_space<semaphore_mem>>
          %dma_start3A_93 = arith.constant 0 : i32
          %dma_start3A_94 = arith.constant 0 : i32
          %dma_start3A_95 = tpu.memref_slice %arg17[%dma_start3A_93, %dma_start3A_94] : memref<10000x128xf32, #tpu.memory_space<vmem_shared>> -> memref<10000x128xf32, #tpu.memory_space<vmem_shared>>
          tpu.enqueue_indirect_dma source(%arg12 : memref<128x128xf32, #tpu.memory_space<vmem>>) target(%dma_start3A_95 : memref<10000x128xf32, #tpu.memory_space<vmem_shared>>) offsets(%arg10 : memref<128xi32, #tpu.memory_space<vmem>>) semaphore(%run_scoped3A : memref<!tpu.dma_semaphore, #tpu.memory_space<semaphore_mem>>) {add = true}
          %dma_wait3A_96 = arith.constant 0 : i32
          %dma_wait3A_97 = arith.constant 0 : i32
          %dma_wait3A_98 = tpu.memref_slice %arg17[%dma_wait3A_96, %dma_wait3A_97] : memref<10000x128xf32, #tpu.memory_space<vmem_shared>> -> memref<10000x128xf32, #tpu.memory_space<vmem_shared>>
          tpu.wait_indirect_dma semaphore(%run_scoped3A : memref<!tpu.dma_semaphore, #tpu.memory_space<semaphore_mem>>) src(%arg12 : memref<128x128xf32, #tpu.memory_space<vmem>>) dst(%dma_wait3A_98 : memref<10000x128xf32, #tpu.memory_space<vmem_shared>>)
          tpu.yield
        }) : () -> ()
        %convert_element_type3A_79 = arith.extui %lt3A_65 : i1 to i32
        %cond3A_80 = arith.constant 0 : i32
        %cond3A_81 = arith.cmpi ne, %convert_element_type3A_79, %cond3A_80 : i32
        scf.if %cond3A_81 {
          %dma_start3A_93 = tpu.memref_slice %arg4[%add3A_62] : memref<320000xi32, #tpu.memory_space<hbm>> -> memref<128xi32, #tpu.memory_space<hbm>>
          %dma_start3A_94 = tpu.memref_slice %arg4[%add3A_62] : memref<320000xi32, #tpu.memory_space<hbm>> -> memref<128xi32, #tpu.memory_space<hbm>>
          tpu.enqueue_dma source(%dma_start3A_94 : memref<128xi32, #tpu.memory_space<hbm>>) target(%arg10 : memref<128xi32, #tpu.memory_space<vmem>>) target_semaphore(%arg20 : memref<!tpu.dma_semaphore, #tpu.memory_space<semaphore_mem>>)
        } else {
        }
        %dma_wait3A_82 = arith.constant 0 : i32
        %dma_wait3A_83 = arith.constant 0 : i32
        %dma_wait3A_84 = tpu.memref_slice %arg2[%dma_wait3A_82, %dma_wait3A_83] : memref<10000x128xf32, #tpu.memory_space<hbm>> -> memref<10000x128xf32, #tpu.memory_space<hbm>>
        tpu.wait_indirect_dma semaphore(%arg23 : memref<!tpu.dma_semaphore, #tpu.memory_space<semaphore_mem>>) src(%dma_wait3A_84 : memref<10000x128xf32, #tpu.memory_space<hbm>>) dst(%arg13 : memref<128x128xf32, #tpu.memory_space<vmem>>)
        %convert_element_type3A_85 = arith.extui %lt3A_65 : i1 to i32
        %cond3A_86 = arith.constant 0 : i32
        %cond3A_87 = arith.cmpi ne, %convert_element_type3A_85, %cond3A_86 : i32
        scf.if %cond3A_87 {
          %dma_start3A_93 = tpu.memref_slice %arg3[%add3A_64] : memref<320000xi32, #tpu.memory_space<hbm>> -> memref<128xi32, #tpu.memory_space<hbm>>
          %dma_start3A_94 = tpu.memref_slice %arg3[%add3A_64] : memref<320000xi32, #tpu.memory_space<hbm>> -> memref<128xi32, #tpu.memory_space<hbm>>
          tpu.enqueue_dma source(%dma_start3A_94 : memref<128xi32, #tpu.memory_space<hbm>>) target(%arg9 : memref<128xi32, #tpu.memory_space<vmem>>) target_semaphore(%arg19 : memref<!tpu.dma_semaphore, #tpu.memory_space<semaphore_mem>>)
        } else {
        }
        %dma_wait3A_88 = tpu.memref_slice %arg4[%add3A_60] : memref<320000xi32, #tpu.memory_space<hbm>> -> memref<128xi32, #tpu.memory_space<hbm>>
        %dma_wait3A_89 = tpu.memref_slice %arg4[%add3A_60] : memref<320000xi32, #tpu.memory_space<hbm>> -> memref<128xi32, #tpu.memory_space<hbm>>
        tpu.wait_dma2 semaphore(%arg21 : memref<!tpu.dma_semaphore, #tpu.memory_space<semaphore_mem>>) src(%dma_wait3A_89 : memref<128xi32, #tpu.memory_space<hbm>>) dst(%arg11 : memref<128xi32, #tpu.memory_space<vmem>>)
        "tpu.region"() ({
          %run_scoped3A = tpu.sem_alloc : memref<!tpu.dma_semaphore, #tpu.memory_space<semaphore_mem>>
          %dma_start3A_93 = arith.constant 0 : i32
          %dma_start3A_94 = arith.constant 0 : i32
          %dma_start3A_95 = tpu.memref_slice %arg17[%dma_start3A_93, %dma_start3A_94] : memref<10000x128xf32, #tpu.memory_space<vmem_shared>> -> memref<10000x128xf32, #tpu.memory_space<vmem_shared>>
          tpu.enqueue_indirect_dma source(%arg13 : memref<128x128xf32, #tpu.memory_space<vmem>>) target(%dma_start3A_95 : memref<10000x128xf32, #tpu.memory_space<vmem_shared>>) offsets(%arg11 : memref<128xi32, #tpu.memory_space<vmem>>) semaphore(%run_scoped3A : memref<!tpu.dma_semaphore, #tpu.memory_space<semaphore_mem>>) {add = true}
          %dma_wait3A_96 = arith.constant 0 : i32
          %dma_wait3A_97 = arith.constant 0 : i32
          %dma_wait3A_98 = tpu.memref_slice %arg17[%dma_wait3A_96, %dma_wait3A_97] : memref<10000x128xf32, #tpu.memory_space<vmem_shared>> -> memref<10000x128xf32, #tpu.memory_space<vmem_shared>>
          tpu.wait_indirect_dma semaphore(%run_scoped3A : memref<!tpu.dma_semaphore, #tpu.memory_space<semaphore_mem>>) src(%arg13 : memref<128x128xf32, #tpu.memory_space<vmem>>) dst(%dma_wait3A_98 : memref<10000x128xf32, #tpu.memory_space<vmem_shared>>)
          tpu.yield
        }) : () -> ()
        %convert_element_type3A_90 = arith.extui %lt3A_65 : i1 to i32
        %cond3A_91 = arith.constant 0 : i32
        %cond3A_92 = arith.cmpi ne, %convert_element_type3A_90, %cond3A_91 : i32
        scf.if %cond3A_92 {
          %dma_start3A_93 = tpu.memref_slice %arg4[%add3A_64] : memref<320000xi32, #tpu.memory_space<hbm>> -> memref<128xi32, #tpu.memory_space<hbm>>
          %dma_start3A_94 = tpu.memref_slice %arg4[%add3A_64] : memref<320000xi32, #tpu.memory_space<hbm>> -> memref<128xi32, #tpu.memory_space<hbm>>
          tpu.enqueue_dma source(%dma_start3A_94 : memref<128xi32, #tpu.memory_space<hbm>>) target(%arg11 : memref<128xi32, #tpu.memory_space<vmem>>) target_semaphore(%arg21 : memref<!tpu.dma_semaphore, #tpu.memory_space<semaphore_mem>>)
          %dma_wait3A_95 = tpu.memref_slice %arg3[%add3A_62] : memref<320000xi32, #tpu.memory_space<hbm>> -> memref<128xi32, #tpu.memory_space<hbm>>
          %dma_wait3A_96 = tpu.memref_slice %arg3[%add3A_62] : memref<320000xi32, #tpu.memory_space<hbm>> -> memref<128xi32, #tpu.memory_space<hbm>>
          tpu.wait_dma2 semaphore(%arg18 : memref<!tpu.dma_semaphore, #tpu.memory_space<semaphore_mem>>) src(%dma_wait3A_96 : memref<128xi32, #tpu.memory_space<hbm>>) dst(%arg8 : memref<128xi32, #tpu.memory_space<vmem>>)
          %dma_start3A_97 = arith.constant 0 : i32
          %dma_start3A_98 = arith.constant 0 : i32
          %dma_start3A_99 = tpu.memref_slice %arg2[%dma_start3A_97, %dma_start3A_98] : memref<10000x128xf32, #tpu.memory_space<hbm>> -> memref<10000x128xf32, #tpu.memory_space<hbm>>
          tpu.enqueue_indirect_dma source(%dma_start3A_99 : memref<10000x128xf32, #tpu.memory_space<hbm>>) target(%arg12 : memref<128x128xf32, #tpu.memory_space<vmem>>) offsets(%arg8 : memref<128xi32, #tpu.memory_space<vmem>>) semaphore(%arg22 : memref<!tpu.dma_semaphore, #tpu.memory_space<semaphore_mem>>)
        } else {
        }
      }
      %scan3A_35 = arith.constant 39 : i32
      %add3A_36 = arith.constant 9984 : i32
      %add3A_37 = arith.addi %mul3A_2, %add3A_36 : i32
      "tpu.region"() ({
        %run_scoped3A = tpu.sem_alloc : memref<!tpu.dma_semaphore, #tpu.memory_space<semaphore_mem>>
        %dma_start3A_53 = tpu.memref_slice %arg3[%add3A_37] : memref<320000xi32, #tpu.memory_space<hbm>> -> memref<16xi32, #tpu.memory_space<hbm>>
        %dma_start3A_54 = tpu.memref_slice %arg3[%add3A_37] : memref<320000xi32, #tpu.memory_space<hbm>> -> memref<16xi32, #tpu.memory_space<hbm>>
        tpu.enqueue_dma source(%dma_start3A_54 : memref<16xi32, #tpu.memory_space<hbm>>) target(%arg14 : memref<16xi32, #tpu.memory_space<vmem>>) target_semaphore(%run_scoped3A : memref<!tpu.dma_semaphore, #tpu.memory_space<semaphore_mem>>)
        %dma_wait3A_55 = tpu.memref_slice %arg3[%add3A_37] : memref<320000xi32, #tpu.memory_space<hbm>> -> memref<16xi32, #tpu.memory_space<hbm>>
        %dma_wait3A_56 = tpu.memref_slice %arg3[%add3A_37] : memref<320000xi32, #tpu.memory_space<hbm>> -> memref<16xi32, #tpu.memory_space<hbm>>
        tpu.wait_dma2 semaphore(%run_scoped3A : memref<!tpu.dma_semaphore, #tpu.memory_space<semaphore_mem>>) src(%dma_wait3A_56 : memref<16xi32, #tpu.memory_space<hbm>>) dst(%arg14 : memref<16xi32, #tpu.memory_space<vmem>>)
        tpu.yield
      }) : () -> ()
      "tpu.region"() ({
        %run_scoped3A = tpu.sem_alloc : memref<!tpu.dma_semaphore, #tpu.memory_space<semaphore_mem>>
        %dma_start3A_53 = tpu.memref_slice %arg4[%add3A_37] : memref<320000xi32, #tpu.memory_space<hbm>> -> memref<16xi32, #tpu.memory_space<hbm>>
        %dma_start3A_54 = tpu.memref_slice %arg4[%add3A_37] : memref<320000xi32, #tpu.memory_space<hbm>> -> memref<16xi32, #tpu.memory_space<hbm>>
        tpu.enqueue_dma source(%dma_start3A_54 : memref<16xi32, #tpu.memory_space<hbm>>) target(%arg15 : memref<16xi32, #tpu.memory_space<vmem>>) target_semaphore(%run_scoped3A : memref<!tpu.dma_semaphore, #tpu.memory_space<semaphore_mem>>)
        %dma_wait3A_55 = tpu.memref_slice %arg4[%add3A_37] : memref<320000xi32, #tpu.memory_space<hbm>> -> memref<16xi32, #tpu.memory_space<hbm>>
        %dma_wait3A_56 = tpu.memref_slice %arg4[%add3A_37] : memref<320000xi32, #tpu.memory_space<hbm>> -> memref<16xi32, #tpu.memory_space<hbm>>
        tpu.wait_dma2 semaphore(%run_scoped3A : memref<!tpu.dma_semaphore, #tpu.memory_space<semaphore_mem>>) src(%dma_wait3A_56 : memref<16xi32, #tpu.memory_space<hbm>>) dst(%arg15 : memref<16xi32, #tpu.memory_space<vmem>>)
        tpu.yield
      }) : () -> ()
      %dma_start3A_38 = arith.constant 0 : i32
      %dma_start3A_39 = arith.constant 0 : i32
      %dma_start3A_40 = tpu.memref_slice %arg2[%dma_start3A_38, %dma_start3A_39] : memref<10000x128xf32, #tpu.memory_space<hbm>> -> memref<10000x128xf32, #tpu.memory_space<hbm>>
      tpu.enqueue_indirect_dma source(%dma_start3A_40 : memref<10000x128xf32, #tpu.memory_space<hbm>>) target(%arg16 : memref<16x128xf32, #tpu.memory_space<vmem>>) offsets(%arg14 : memref<16xi32, #tpu.memory_space<vmem>>) semaphore(%arg22 : memref<!tpu.dma_semaphore, #tpu.memory_space<semaphore_mem>>)
      %dma_wait3A = arith.constant 0 : i32
      %dma_wait3A_41 = arith.constant 0 : i32
      %dma_wait3A_42 = tpu.memref_slice %arg2[%dma_wait3A, %dma_wait3A_41] : memref<10000x128xf32, #tpu.memory_space<hbm>> -> memref<10000x128xf32, #tpu.memory_space<hbm>>
      tpu.wait_indirect_dma semaphore(%arg22 : memref<!tpu.dma_semaphore, #tpu.memory_space<semaphore_mem>>) src(%dma_wait3A_42 : memref<10000x128xf32, #tpu.memory_space<hbm>>) dst(%arg16 : memref<16x128xf32, #tpu.memory_space<vmem>>)
      "tpu.region"() ({
        %run_scoped3A = tpu.sem_alloc : memref<!tpu.dma_semaphore, #tpu.memory_space<semaphore_mem>>
        %dma_start3A_53 = arith.constant 0 : i32
        %dma_start3A_54 = arith.constant 0 : i32
        %dma_start3A_55 = tpu.memref_slice %arg17[%dma_start3A_53, %dma_start3A_54] : memref<10000x128xf32, #tpu.memory_space<vmem_shared>> -> memref<10000x128xf32, #tpu.memory_space<vmem_shared>>
        tpu.enqueue_indirect_dma source(%arg16 : memref<16x128xf32, #tpu.memory_space<vmem>>) target(%dma_start3A_55 : memref<10000x128xf32, #tpu.memory_space<vmem_shared>>) offsets(%arg15 : memref<16xi32, #tpu.memory_space<vmem>>) semaphore(%run_scoped3A : memref<!tpu.dma_semaphore, #tpu.memory_space<semaphore_mem>>) {add = true}
        %dma_wait3A_56 = arith.constant 0 : i32
        %dma_wait3A_57 = arith.constant 0 : i32
        %dma_wait3A_58 = tpu.memref_slice %arg17[%dma_wait3A_56, %dma_wait3A_57] : memref<10000x128xf32, #tpu.memory_space<vmem_shared>> -> memref<10000x128xf32, #tpu.memory_space<vmem_shared>>
        tpu.wait_indirect_dma semaphore(%run_scoped3A : memref<!tpu.dma_semaphore, #tpu.memory_space<semaphore_mem>>) src(%arg16 : memref<16x128xf32, #tpu.memory_space<vmem>>) dst(%dma_wait3A_58 : memref<10000x128xf32, #tpu.memory_space<vmem_shared>>)
        tpu.yield
      }) : () -> ()
      %barrier3A_43 = arith.constant 0 : index
      tpu.barrier barrier_id(%barrier3A_43)
      %mul3A_44 = arith.constant 624 : i32
      %mul3A_45 = arith.muli %arg1, %mul3A_44 : i32
      %mul3A_46 = arith.constant 624 : i32
      %mul3A_47 = arith.muli %arg1, %mul3A_46 : i32
      "tpu.region"() ({
        %run_scoped3A = tpu.sem_alloc : memref<!tpu.dma_semaphore, #tpu.memory_space<semaphore_mem>>
        %dma_start3A_53 = arith.constant 0 : i32
        %dma_start3A_54 = tpu.memref_slice %arg7[%mul3A_47, %dma_start3A_53] : memref<10000x128xf32, #tpu.memory_space<hbm>> -> memref<624x128xf32, #tpu.memory_space<hbm>>
        %dma_start3A_55 = arith.constant 0 : i32
        %dma_start3A_56 = tpu.memref_slice %arg17[%mul3A_45, %dma_start3A_55] : memref<10000x128xf32, #tpu.memory_space<vmem_shared>> -> memref<624x128xf32, #tpu.memory_space<vmem_shared>>
        tpu.enqueue_dma source(%dma_start3A_56 : memref<624x128xf32, #tpu.memory_space<vmem_shared>>) target(%dma_start3A_54 : memref<624x128xf32, #tpu.memory_space<hbm>>) target_semaphore(%run_scoped3A : memref<!tpu.dma_semaphore, #tpu.memory_space<semaphore_mem>>)
        %dma_wait3A_57 = arith.constant 0 : i32
        %dma_wait3A_58 = tpu.memref_slice %arg7[%mul3A_47, %dma_wait3A_57] : memref<10000x128xf32, #tpu.memory_space<hbm>> -> memref<624x128xf32, #tpu.memory_space<hbm>>
        %dma_wait3A_59 = arith.constant 0 : i32
        %dma_wait3A_60 = tpu.memref_slice %arg17[%mul3A_45, %dma_wait3A_59] : memref<10000x128xf32, #tpu.memory_space<vmem_shared>> -> memref<624x128xf32, #tpu.memory_space<vmem_shared>>
        tpu.wait_dma2 semaphore(%run_scoped3A : memref<!tpu.dma_semaphore, #tpu.memory_space<semaphore_mem>>) src(%dma_wait3A_60 : memref<624x128xf32, #tpu.memory_space<vmem_shared>>) dst(%dma_wait3A_58 : memref<624x128xf32, #tpu.memory_space<hbm>>)
        tpu.yield
      }) : () -> ()
      %eq3A_48 = arith.constant 0 : i32
      %eq3A_49 = arith.cmpi eq, %arg1, %eq3A_48 : i32
      %convert_element_type3A_50 = arith.extui %eq3A_49 : i1 to i32
      %cond3A_51 = arith.constant 0 : i32
      %cond3A_52 = arith.cmpi ne, %convert_element_type3A_50, %cond3A_51 : i32
      scf.if %cond3A_52 {
        "tpu.region"() ({
          %run_scoped3A = tpu.sem_alloc : memref<!tpu.dma_semaphore, #tpu.memory_space<semaphore_mem>>
          %dma_start3A_53 = arith.constant 9984 : i32
          %dma_start3A_54 = arith.constant 0 : i32
          %dma_start3A_55 = tpu.memref_slice %arg7[%dma_start3A_53, %dma_start3A_54] : memref<10000x128xf32, #tpu.memory_space<hbm>> -> memref<16x128xf32, #tpu.memory_space<hbm>>
          %dma_start3A_56 = arith.constant 9984 : i32
          %dma_start3A_57 = arith.constant 0 : i32
          %dma_start3A_58 = tpu.memref_slice %arg17[%dma_start3A_56, %dma_start3A_57] : memref<10000x128xf32, #tpu.memory_space<vmem_shared>> -> memref<16x128xf32, #tpu.memory_space<vmem_shared>>
          tpu.enqueue_dma source(%dma_start3A_58 : memref<16x128xf32, #tpu.memory_space<vmem_shared>>) target(%dma_start3A_55 : memref<16x128xf32, #tpu.memory_space<hbm>>) target_semaphore(%run_scoped3A : memref<!tpu.dma_semaphore, #tpu.memory_space<semaphore_mem>>)
          %dma_wait3A_59 = arith.constant 9984 : i32
          %dma_wait3A_60 = arith.constant 0 : i32
          %dma_wait3A_61 = tpu.memref_slice %arg7[%dma_wait3A_59, %dma_wait3A_60] : memref<10000x128xf32, #tpu.memory_space<hbm>> -> memref<16x128xf32, #tpu.memory_space<hbm>>
          %dma_wait3A_62 = arith.constant 9984 : i32
          %dma_wait3A_63 = arith.constant 0 : i32
          %dma_wait3A_64 = tpu.memref_slice %arg17[%dma_wait3A_62, %dma_wait3A_63] : memref<10000x128xf32, #tpu.memory_space<vmem_shared>> -> memref<16x128xf32, #tpu.memory_space<vmem_shared>>
          tpu.wait_dma2 semaphore(%run_scoped3A : memref<!tpu.dma_semaphore, #tpu.memory_space<semaphore_mem>>) src(%dma_wait3A_64 : memref<16x128xf32, #tpu.memory_space<vmem_shared>>) dst(%dma_wait3A_61 : memref<16x128xf32, #tpu.memory_space<hbm>>)
          tpu.yield
        }) : () -> ()
      } else {
      }
    } else {
    }
    return
  }
}

#map = affine_map<(d0, d1) -> (0, 0)>
#map1 = affine_map<(d0, d1) -> (0)>
module attributes {stable_mosaic.version = 14 : i64} {
  func.func @_sc_agg_fs(%arg0: i32, %arg1: i32, %arg2: memref<10000x128xf32, #tpu.memory_space<hbm>>, %arg3: memref<10000x128xf32, #tpu.memory_space<hbm>>, %arg4: memref<320000xi32, #tpu.memory_space<hbm>>, %arg5: memref<320000xi32, #tpu.memory_space<hbm>>, %arg6: memref<10000x128xf32, #tpu.memory_space<hbm>>, %arg7: memref<10000x128xf32, #tpu.memory_space<hbm>>, %arg8: memref<10000x128xf32, #tpu.memory_space<hbm>>, %arg9: memref<128xi32, #tpu.memory_space<vmem>>, %arg10: memref<128xi32, #tpu.memory_space<vmem>>, %arg11: memref<128xi32, #tpu.memory_space<vmem>>, %arg12: memref<128xi32, #tpu.memory_space<vmem>>, %arg13: memref<128x128xf32, #tpu.memory_space<vmem>>, %arg14: memref<128x128xf32, #tpu.memory_space<vmem>>, %arg15: memref<32xi32, #tpu.memory_space<vmem>>, %arg16: memref<32xi32, #tpu.memory_space<vmem>>, %arg17: memref<32x128xf32, #tpu.memory_space<vmem>>, %arg18: memref<10000x128xf32, #tpu.memory_space<vmem_shared>>, %arg19: memref<!tpu.dma_semaphore, #tpu.memory_space<semaphore_mem>>, %arg20: memref<!tpu.dma_semaphore, #tpu.memory_space<semaphore_mem>>, %arg21: memref<!tpu.dma_semaphore, #tpu.memory_space<semaphore_mem>>, %arg22: memref<!tpu.dma_semaphore, #tpu.memory_space<semaphore_mem>>, %arg23: memref<!tpu.dma_semaphore, #tpu.memory_space<semaphore_mem>>, %arg24: memref<!tpu.dma_semaphore, #tpu.memory_space<semaphore_mem>>) attributes {dimension_semantics = [#tpu.dimension_semantics<core_parallel>, #tpu.dimension_semantics<subcore_parallel>], iteration_bounds = array<i64: 2, 16>, scalar_prefetch = 0 : i64, scratch_operands = 16 : i64, tpu.core_type = #tpu.core_type<sc_vector_subcore>, window_params = [{transform_indices = #map}, {transform_indices = #map}, {transform_indices = #map1}, {transform_indices = #map1}, {transform_indices = #map}, {transform_indices = #map}, {transform_indices = #map}]} {
    %mul3A = arith.constant 20000 : i32
    %mul3A_0 = arith.muli %arg1, %mul3A : i32
    %eq3A = arith.constant 0 : i32
    %eq3A_1 = arith.cmpi eq, %arg0, %eq3A : i32
    %convert_element_type3A = arith.extui %eq3A_1 : i1 to i32
    %cond3A = arith.constant 0 : i32
    %cond3A_2 = arith.cmpi ne, %convert_element_type3A, %cond3A : i32
    scf.if %cond3A_2 {
      "tpu.region"() ({
        %run_scoped3A = tpu.sem_alloc : memref<!tpu.dma_semaphore, #tpu.memory_space<semaphore_mem>>
        %dma_start3A_50 = tpu.memref_slice %arg4[%mul3A_0] : memref<320000xi32, #tpu.memory_space<hbm>> -> memref<128xi32, #tpu.memory_space<hbm>>
        %dma_start3A_51 = tpu.memref_slice %arg4[%mul3A_0] : memref<320000xi32, #tpu.memory_space<hbm>> -> memref<128xi32, #tpu.memory_space<hbm>>
        tpu.enqueue_dma source(%dma_start3A_51 : memref<128xi32, #tpu.memory_space<hbm>>) target(%arg9 : memref<128xi32, #tpu.memory_space<vmem>>) target_semaphore(%run_scoped3A : memref<!tpu.dma_semaphore, #tpu.memory_space<semaphore_mem>>)
        %dma_wait3A_52 = tpu.memref_slice %arg4[%mul3A_0] : memref<320000xi32, #tpu.memory_space<hbm>> -> memref<128xi32, #tpu.memory_space<hbm>>
        %dma_wait3A_53 = tpu.memref_slice %arg4[%mul3A_0] : memref<320000xi32, #tpu.memory_space<hbm>> -> memref<128xi32, #tpu.memory_space<hbm>>
        tpu.wait_dma2 semaphore(%run_scoped3A : memref<!tpu.dma_semaphore, #tpu.memory_space<semaphore_mem>>) src(%dma_wait3A_53 : memref<128xi32, #tpu.memory_space<hbm>>) dst(%arg9 : memref<128xi32, #tpu.memory_space<vmem>>)
        tpu.yield
      }) : () -> ()
      %dma_start3A = tpu.memref_slice %arg5[%mul3A_0] : memref<320000xi32, #tpu.memory_space<hbm>> -> memref<128xi32, #tpu.memory_space<hbm>>
      %dma_start3A_8 = tpu.memref_slice %arg5[%mul3A_0] : memref<320000xi32, #tpu.memory_space<hbm>> -> memref<128xi32, #tpu.memory_space<hbm>>
      tpu.enqueue_dma source(%dma_start3A_8 : memref<128xi32, #tpu.memory_space<hbm>>) target(%arg11 : memref<128xi32, #tpu.memory_space<vmem>>) target_semaphore(%arg21 : memref<!tpu.dma_semaphore, #tpu.memory_space<semaphore_mem>>)
      %dma_start3A_9 = arith.constant 0 : i32
      %dma_start3A_10 = arith.constant 0 : i32
      %dma_start3A_11 = tpu.memref_slice %arg2[%dma_start3A_9, %dma_start3A_10] : memref<10000x128xf32, #tpu.memory_space<hbm>> -> memref<10000x128xf32, #tpu.memory_space<hbm>>
      tpu.enqueue_indirect_dma source(%dma_start3A_11 : memref<10000x128xf32, #tpu.memory_space<hbm>>) target(%arg13 : memref<128x128xf32, #tpu.memory_space<vmem>>) offsets(%arg9 : memref<128xi32, #tpu.memory_space<vmem>>) semaphore(%arg23 : memref<!tpu.dma_semaphore, #tpu.memory_space<semaphore_mem>>)
      %add3A = arith.constant 128 : i32
      %add3A_12 = arith.addi %mul3A_0, %add3A : i32
      %dma_start3A_13 = tpu.memref_slice %arg4[%add3A_12] : memref<320000xi32, #tpu.memory_space<hbm>> -> memref<128xi32, #tpu.memory_space<hbm>>
      %dma_start3A_14 = tpu.memref_slice %arg4[%add3A_12] : memref<320000xi32, #tpu.memory_space<hbm>> -> memref<128xi32, #tpu.memory_space<hbm>>
      tpu.enqueue_dma source(%dma_start3A_14 : memref<128xi32, #tpu.memory_space<hbm>>) target(%arg10 : memref<128xi32, #tpu.memory_space<vmem>>) target_semaphore(%arg20 : memref<!tpu.dma_semaphore, #tpu.memory_space<semaphore_mem>>)
      %add3A_15 = arith.constant 128 : i32
      %add3A_16 = arith.addi %mul3A_0, %add3A_15 : i32
      %dma_start3A_17 = tpu.memref_slice %arg5[%add3A_16] : memref<320000xi32, #tpu.memory_space<hbm>> -> memref<128xi32, #tpu.memory_space<hbm>>
      %dma_start3A_18 = tpu.memref_slice %arg5[%add3A_16] : memref<320000xi32, #tpu.memory_space<hbm>> -> memref<128xi32, #tpu.memory_space<hbm>>
      tpu.enqueue_dma source(%dma_start3A_18 : memref<128xi32, #tpu.memory_space<hbm>>) target(%arg12 : memref<128xi32, #tpu.memory_space<vmem>>) target_semaphore(%arg22 : memref<!tpu.dma_semaphore, #tpu.memory_space<semaphore_mem>>)
      %mul3A_19 = arith.constant 624 : i32
      %mul3A_20 = arith.muli %arg1, %mul3A_19 : i32
      %mul3A_21 = arith.constant 624 : i32
      %mul3A_22 = arith.muli %arg1, %mul3A_21 : i32
      "tpu.region"() ({
        %run_scoped3A = tpu.sem_alloc : memref<!tpu.dma_semaphore, #tpu.memory_space<semaphore_mem>>
        %dma_start3A_50 = arith.constant 0 : i32
        %dma_start3A_51 = tpu.memref_slice %arg18[%mul3A_22, %dma_start3A_50] : memref<10000x128xf32, #tpu.memory_space<vmem_shared>> -> memref<624x128xf32, #tpu.memory_space<vmem_shared>>
        %dma_start3A_52 = arith.constant 0 : i32
        %dma_start3A_53 = tpu.memref_slice %arg6[%mul3A_20, %dma_start3A_52] : memref<10000x128xf32, #tpu.memory_space<hbm>> -> memref<624x128xf32, #tpu.memory_space<hbm>>
        tpu.enqueue_dma source(%dma_start3A_53 : memref<624x128xf32, #tpu.memory_space<hbm>>) target(%dma_start3A_51 : memref<624x128xf32, #tpu.memory_space<vmem_shared>>) target_semaphore(%run_scoped3A : memref<!tpu.dma_semaphore, #tpu.memory_space<semaphore_mem>>)
        %dma_wait3A_54 = arith.constant 0 : i32
        %dma_wait3A_55 = tpu.memref_slice %arg18[%mul3A_22, %dma_wait3A_54] : memref<10000x128xf32, #tpu.memory_space<vmem_shared>> -> memref<624x128xf32, #tpu.memory_space<vmem_shared>>
        %dma_wait3A_56 = arith.constant 0 : i32
        %dma_wait3A_57 = tpu.memref_slice %arg6[%mul3A_20, %dma_wait3A_56] : memref<10000x128xf32, #tpu.memory_space<hbm>> -> memref<624x128xf32, #tpu.memory_space<hbm>>
        tpu.wait_dma2 semaphore(%run_scoped3A : memref<!tpu.dma_semaphore, #tpu.memory_space<semaphore_mem>>) src(%dma_wait3A_57 : memref<624x128xf32, #tpu.memory_space<hbm>>) dst(%dma_wait3A_55 : memref<624x128xf32, #tpu.memory_space<vmem_shared>>)
        tpu.yield
      }) : () -> ()
      %eq3A_23 = arith.constant 0 : i32
      %eq3A_24 = arith.cmpi eq, %arg1, %eq3A_23 : i32
      %convert_element_type3A_25 = arith.extui %eq3A_24 : i1 to i32
      %cond3A_26 = arith.constant 0 : i32
      %cond3A_27 = arith.cmpi ne, %convert_element_type3A_25, %cond3A_26 : i32
      scf.if %cond3A_27 {
        "tpu.region"() ({
          %run_scoped3A = tpu.sem_alloc : memref<!tpu.dma_semaphore, #tpu.memory_space<semaphore_mem>>
          %dma_start3A_50 = arith.constant 9984 : i32
          %dma_start3A_51 = arith.constant 0 : i32
          %dma_start3A_52 = tpu.memref_slice %arg18[%dma_start3A_50, %dma_start3A_51] : memref<10000x128xf32, #tpu.memory_space<vmem_shared>> -> memref<16x128xf32, #tpu.memory_space<vmem_shared>>
          %dma_start3A_53 = arith.constant 9984 : i32
          %dma_start3A_54 = arith.constant 0 : i32
          %dma_start3A_55 = tpu.memref_slice %arg6[%dma_start3A_53, %dma_start3A_54] : memref<10000x128xf32, #tpu.memory_space<hbm>> -> memref<16x128xf32, #tpu.memory_space<hbm>>
          tpu.enqueue_dma source(%dma_start3A_55 : memref<16x128xf32, #tpu.memory_space<hbm>>) target(%dma_start3A_52 : memref<16x128xf32, #tpu.memory_space<vmem_shared>>) target_semaphore(%run_scoped3A : memref<!tpu.dma_semaphore, #tpu.memory_space<semaphore_mem>>)
          %dma_wait3A_56 = arith.constant 9984 : i32
          %dma_wait3A_57 = arith.constant 0 : i32
          %dma_wait3A_58 = tpu.memref_slice %arg18[%dma_wait3A_56, %dma_wait3A_57] : memref<10000x128xf32, #tpu.memory_space<vmem_shared>> -> memref<16x128xf32, #tpu.memory_space<vmem_shared>>
          %dma_wait3A_59 = arith.constant 9984 : i32
          %dma_wait3A_60 = arith.constant 0 : i32
          %dma_wait3A_61 = tpu.memref_slice %arg6[%dma_wait3A_59, %dma_wait3A_60] : memref<10000x128xf32, #tpu.memory_space<hbm>> -> memref<16x128xf32, #tpu.memory_space<hbm>>
          tpu.wait_dma2 semaphore(%run_scoped3A : memref<!tpu.dma_semaphore, #tpu.memory_space<semaphore_mem>>) src(%dma_wait3A_61 : memref<16x128xf32, #tpu.memory_space<hbm>>) dst(%dma_wait3A_58 : memref<16x128xf32, #tpu.memory_space<vmem_shared>>)
          tpu.yield
        }) : () -> ()
      } else {
      }
      %barrier3A = arith.constant 0 : index
      tpu.barrier barrier_id(%barrier3A)
      %scan3A = arith.constant 0 : i32
      %scan3A_28 = arith.constant 0 : i32
      %scan3A_29 = arith.constant 78 : i32
      %scan3A_30 = arith.addi %scan3A_28, %scan3A_29 : i32
      %scan3A_31 = arith.constant 1 : i32
      scf.for %scan3A_50 = %scan3A_28 to %scan3A_30 step %scan3A_31  : i32 {
        %mul3A_51 = arith.constant 2 : i32
        %mul3A_52 = arith.muli %mul3A_51, %scan3A_50 : i32
        %mul3A_53 = arith.constant 128 : i32
        %mul3A_54 = arith.muli %mul3A_52, %mul3A_53 : i32
        %add3A_55 = arith.addi %mul3A_0, %mul3A_54 : i32
        %add3A_56 = arith.constant 128 : i32
        %add3A_57 = arith.addi %add3A_55, %add3A_56 : i32
        %add3A_58 = arith.constant 128 : i32
        %add3A_59 = arith.addi %add3A_57, %add3A_58 : i32
        %add3A_60 = arith.constant 128 : i32
        %add3A_61 = arith.addi %add3A_59, %add3A_60 : i32
        %lt3A = arith.constant 77 : i32
        %lt3A_62 = arith.cmpi slt, %scan3A_50, %lt3A : i32
        %dma_wait3A_63 = tpu.memref_slice %arg4[%add3A_57] : memref<320000xi32, #tpu.memory_space<hbm>> -> memref<128xi32, #tpu.memory_space<hbm>>
        %dma_wait3A_64 = tpu.memref_slice %arg4[%add3A_57] : memref<320000xi32, #tpu.memory_space<hbm>> -> memref<128xi32, #tpu.memory_space<hbm>>
        tpu.wait_dma2 semaphore(%arg20 : memref<!tpu.dma_semaphore, #tpu.memory_space<semaphore_mem>>) src(%dma_wait3A_64 : memref<128xi32, #tpu.memory_space<hbm>>) dst(%arg10 : memref<128xi32, #tpu.memory_space<vmem>>)
        %dma_start3A_65 = arith.constant 0 : i32
        %dma_start3A_66 = arith.constant 0 : i32
        %dma_start3A_67 = tpu.memref_slice %arg2[%dma_start3A_65, %dma_start3A_66] : memref<10000x128xf32, #tpu.memory_space<hbm>> -> memref<10000x128xf32, #tpu.memory_space<hbm>>
        tpu.enqueue_indirect_dma source(%dma_start3A_67 : memref<10000x128xf32, #tpu.memory_space<hbm>>) target(%arg14 : memref<128x128xf32, #tpu.memory_space<vmem>>) offsets(%arg10 : memref<128xi32, #tpu.memory_space<vmem>>) semaphore(%arg24 : memref<!tpu.dma_semaphore, #tpu.memory_space<semaphore_mem>>)
        %dma_wait3A_68 = arith.constant 0 : i32
        %dma_wait3A_69 = arith.constant 0 : i32
        %dma_wait3A_70 = tpu.memref_slice %arg2[%dma_wait3A_68, %dma_wait3A_69] : memref<10000x128xf32, #tpu.memory_space<hbm>> -> memref<10000x128xf32, #tpu.memory_space<hbm>>
        tpu.wait_indirect_dma semaphore(%arg23 : memref<!tpu.dma_semaphore, #tpu.memory_space<semaphore_mem>>) src(%dma_wait3A_70 : memref<10000x128xf32, #tpu.memory_space<hbm>>) dst(%arg13 : memref<128x128xf32, #tpu.memory_space<vmem>>)
        %convert_element_type3A_71 = arith.extui %lt3A_62 : i1 to i32
        %cond3A_72 = arith.constant 0 : i32
        %cond3A_73 = arith.cmpi ne, %convert_element_type3A_71, %cond3A_72 : i32
        scf.if %cond3A_73 {
          %dma_start3A_90 = tpu.memref_slice %arg4[%add3A_59] : memref<320000xi32, #tpu.memory_space<hbm>> -> memref<128xi32, #tpu.memory_space<hbm>>
          %dma_start3A_91 = tpu.memref_slice %arg4[%add3A_59] : memref<320000xi32, #tpu.memory_space<hbm>> -> memref<128xi32, #tpu.memory_space<hbm>>
          tpu.enqueue_dma source(%dma_start3A_91 : memref<128xi32, #tpu.memory_space<hbm>>) target(%arg9 : memref<128xi32, #tpu.memory_space<vmem>>) target_semaphore(%arg19 : memref<!tpu.dma_semaphore, #tpu.memory_space<semaphore_mem>>)
        } else {
        }
        %dma_wait3A_74 = tpu.memref_slice %arg5[%add3A_55] : memref<320000xi32, #tpu.memory_space<hbm>> -> memref<128xi32, #tpu.memory_space<hbm>>
        %dma_wait3A_75 = tpu.memref_slice %arg5[%add3A_55] : memref<320000xi32, #tpu.memory_space<hbm>> -> memref<128xi32, #tpu.memory_space<hbm>>
        tpu.wait_dma2 semaphore(%arg21 : memref<!tpu.dma_semaphore, #tpu.memory_space<semaphore_mem>>) src(%dma_wait3A_75 : memref<128xi32, #tpu.memory_space<hbm>>) dst(%arg11 : memref<128xi32, #tpu.memory_space<vmem>>)
        "tpu.region"() ({
          %run_scoped3A = tpu.sem_alloc : memref<!tpu.dma_semaphore, #tpu.memory_space<semaphore_mem>>
          %dma_start3A_90 = arith.constant 0 : i32
          %dma_start3A_91 = arith.constant 0 : i32
          %dma_start3A_92 = tpu.memref_slice %arg18[%dma_start3A_90, %dma_start3A_91] : memref<10000x128xf32, #tpu.memory_space<vmem_shared>> -> memref<10000x128xf32, #tpu.memory_space<vmem_shared>>
          tpu.enqueue_indirect_dma source(%arg13 : memref<128x128xf32, #tpu.memory_space<vmem>>) target(%dma_start3A_92 : memref<10000x128xf32, #tpu.memory_space<vmem_shared>>) offsets(%arg11 : memref<128xi32, #tpu.memory_space<vmem>>) semaphore(%run_scoped3A : memref<!tpu.dma_semaphore, #tpu.memory_space<semaphore_mem>>) {add = true}
          %dma_wait3A_93 = arith.constant 0 : i32
          %dma_wait3A_94 = arith.constant 0 : i32
          %dma_wait3A_95 = tpu.memref_slice %arg18[%dma_wait3A_93, %dma_wait3A_94] : memref<10000x128xf32, #tpu.memory_space<vmem_shared>> -> memref<10000x128xf32, #tpu.memory_space<vmem_shared>>
          tpu.wait_indirect_dma semaphore(%run_scoped3A : memref<!tpu.dma_semaphore, #tpu.memory_space<semaphore_mem>>) src(%arg13 : memref<128x128xf32, #tpu.memory_space<vmem>>) dst(%dma_wait3A_95 : memref<10000x128xf32, #tpu.memory_space<vmem_shared>>)
          tpu.yield
        }) : () -> ()
        %convert_element_type3A_76 = arith.extui %lt3A_62 : i1 to i32
        %cond3A_77 = arith.constant 0 : i32
        %cond3A_78 = arith.cmpi ne, %convert_element_type3A_76, %cond3A_77 : i32
        scf.if %cond3A_78 {
          %dma_start3A_90 = tpu.memref_slice %arg5[%add3A_59] : memref<320000xi32, #tpu.memory_space<hbm>> -> memref<128xi32, #tpu.memory_space<hbm>>
          %dma_start3A_91 = tpu.memref_slice %arg5[%add3A_59] : memref<320000xi32, #tpu.memory_space<hbm>> -> memref<128xi32, #tpu.memory_space<hbm>>
          tpu.enqueue_dma source(%dma_start3A_91 : memref<128xi32, #tpu.memory_space<hbm>>) target(%arg11 : memref<128xi32, #tpu.memory_space<vmem>>) target_semaphore(%arg21 : memref<!tpu.dma_semaphore, #tpu.memory_space<semaphore_mem>>)
        } else {
        }
        %dma_wait3A_79 = arith.constant 0 : i32
        %dma_wait3A_80 = arith.constant 0 : i32
        %dma_wait3A_81 = tpu.memref_slice %arg2[%dma_wait3A_79, %dma_wait3A_80] : memref<10000x128xf32, #tpu.memory_space<hbm>> -> memref<10000x128xf32, #tpu.memory_space<hbm>>
        tpu.wait_indirect_dma semaphore(%arg24 : memref<!tpu.dma_semaphore, #tpu.memory_space<semaphore_mem>>) src(%dma_wait3A_81 : memref<10000x128xf32, #tpu.memory_space<hbm>>) dst(%arg14 : memref<128x128xf32, #tpu.memory_space<vmem>>)
        %convert_element_type3A_82 = arith.extui %lt3A_62 : i1 to i32
        %cond3A_83 = arith.constant 0 : i32
        %cond3A_84 = arith.cmpi ne, %convert_element_type3A_82, %cond3A_83 : i32
        scf.if %cond3A_84 {
          %dma_start3A_90 = tpu.memref_slice %arg4[%add3A_61] : memref<320000xi32, #tpu.memory_space<hbm>> -> memref<128xi32, #tpu.memory_space<hbm>>
          %dma_start3A_91 = tpu.memref_slice %arg4[%add3A_61] : memref<320000xi32, #tpu.memory_space<hbm>> -> memref<128xi32, #tpu.memory_space<hbm>>
          tpu.enqueue_dma source(%dma_start3A_91 : memref<128xi32, #tpu.memory_space<hbm>>) target(%arg10 : memref<128xi32, #tpu.memory_space<vmem>>) target_semaphore(%arg20 : memref<!tpu.dma_semaphore, #tpu.memory_space<semaphore_mem>>)
        } else {
        }
        %dma_wait3A_85 = tpu.memref_slice %arg5[%add3A_57] : memref<320000xi32, #tpu.memory_space<hbm>> -> memref<128xi32, #tpu.memory_space<hbm>>
        %dma_wait3A_86 = tpu.memref_slice %arg5[%add3A_57] : memref<320000xi32, #tpu.memory_space<hbm>> -> memref<128xi32, #tpu.memory_space<hbm>>
        tpu.wait_dma2 semaphore(%arg22 : memref<!tpu.dma_semaphore, #tpu.memory_space<semaphore_mem>>) src(%dma_wait3A_86 : memref<128xi32, #tpu.memory_space<hbm>>) dst(%arg12 : memref<128xi32, #tpu.memory_space<vmem>>)
        "tpu.region"() ({
          %run_scoped3A = tpu.sem_alloc : memref<!tpu.dma_semaphore, #tpu.memory_space<semaphore_mem>>
          %dma_start3A_90 = arith.constant 0 : i32
          %dma_start3A_91 = arith.constant 0 : i32
          %dma_start3A_92 = tpu.memref_slice %arg18[%dma_start3A_90, %dma_start3A_91] : memref<10000x128xf32, #tpu.memory_space<vmem_shared>> -> memref<10000x128xf32, #tpu.memory_space<vmem_shared>>
          tpu.enqueue_indirect_dma source(%arg14 : memref<128x128xf32, #tpu.memory_space<vmem>>) target(%dma_start3A_92 : memref<10000x128xf32, #tpu.memory_space<vmem_shared>>) offsets(%arg12 : memref<128xi32, #tpu.memory_space<vmem>>) semaphore(%run_scoped3A : memref<!tpu.dma_semaphore, #tpu.memory_space<semaphore_mem>>) {add = true}
          %dma_wait3A_93 = arith.constant 0 : i32
          %dma_wait3A_94 = arith.constant 0 : i32
          %dma_wait3A_95 = tpu.memref_slice %arg18[%dma_wait3A_93, %dma_wait3A_94] : memref<10000x128xf32, #tpu.memory_space<vmem_shared>> -> memref<10000x128xf32, #tpu.memory_space<vmem_shared>>
          tpu.wait_indirect_dma semaphore(%run_scoped3A : memref<!tpu.dma_semaphore, #tpu.memory_space<semaphore_mem>>) src(%arg14 : memref<128x128xf32, #tpu.memory_space<vmem>>) dst(%dma_wait3A_95 : memref<10000x128xf32, #tpu.memory_space<vmem_shared>>)
          tpu.yield
        }) : () -> ()
        %convert_element_type3A_87 = arith.extui %lt3A_62 : i1 to i32
        %cond3A_88 = arith.constant 0 : i32
        %cond3A_89 = arith.cmpi ne, %convert_element_type3A_87, %cond3A_88 : i32
        scf.if %cond3A_89 {
          %dma_start3A_90 = tpu.memref_slice %arg5[%add3A_61] : memref<320000xi32, #tpu.memory_space<hbm>> -> memref<128xi32, #tpu.memory_space<hbm>>
          %dma_start3A_91 = tpu.memref_slice %arg5[%add3A_61] : memref<320000xi32, #tpu.memory_space<hbm>> -> memref<128xi32, #tpu.memory_space<hbm>>
          tpu.enqueue_dma source(%dma_start3A_91 : memref<128xi32, #tpu.memory_space<hbm>>) target(%arg12 : memref<128xi32, #tpu.memory_space<vmem>>) target_semaphore(%arg22 : memref<!tpu.dma_semaphore, #tpu.memory_space<semaphore_mem>>)
          %dma_wait3A_92 = tpu.memref_slice %arg4[%add3A_59] : memref<320000xi32, #tpu.memory_space<hbm>> -> memref<128xi32, #tpu.memory_space<hbm>>
          %dma_wait3A_93 = tpu.memref_slice %arg4[%add3A_59] : memref<320000xi32, #tpu.memory_space<hbm>> -> memref<128xi32, #tpu.memory_space<hbm>>
          tpu.wait_dma2 semaphore(%arg19 : memref<!tpu.dma_semaphore, #tpu.memory_space<semaphore_mem>>) src(%dma_wait3A_93 : memref<128xi32, #tpu.memory_space<hbm>>) dst(%arg9 : memref<128xi32, #tpu.memory_space<vmem>>)
          %dma_start3A_94 = arith.constant 0 : i32
          %dma_start3A_95 = arith.constant 0 : i32
          %dma_start3A_96 = tpu.memref_slice %arg2[%dma_start3A_94, %dma_start3A_95] : memref<10000x128xf32, #tpu.memory_space<hbm>> -> memref<10000x128xf32, #tpu.memory_space<hbm>>
          tpu.enqueue_indirect_dma source(%dma_start3A_96 : memref<10000x128xf32, #tpu.memory_space<hbm>>) target(%arg13 : memref<128x128xf32, #tpu.memory_space<vmem>>) offsets(%arg9 : memref<128xi32, #tpu.memory_space<vmem>>) semaphore(%arg23 : memref<!tpu.dma_semaphore, #tpu.memory_space<semaphore_mem>>)
        } else {
        }
      }
      %scan3A_32 = arith.constant 78 : i32
      %add3A_33 = arith.constant 19968 : i32
      %add3A_34 = arith.addi %mul3A_0, %add3A_33 : i32
      "tpu.region"() ({
        %run_scoped3A = tpu.sem_alloc : memref<!tpu.dma_semaphore, #tpu.memory_space<semaphore_mem>>
        %dma_start3A_50 = tpu.memref_slice %arg4[%add3A_34] : memref<320000xi32, #tpu.memory_space<hbm>> -> memref<32xi32, #tpu.memory_space<hbm>>
        %dma_start3A_51 = tpu.memref_slice %arg4[%add3A_34] : memref<320000xi32, #tpu.memory_space<hbm>> -> memref<32xi32, #tpu.memory_space<hbm>>
        tpu.enqueue_dma source(%dma_start3A_51 : memref<32xi32, #tpu.memory_space<hbm>>) target(%arg15 : memref<32xi32, #tpu.memory_space<vmem>>) target_semaphore(%run_scoped3A : memref<!tpu.dma_semaphore, #tpu.memory_space<semaphore_mem>>)
        %dma_wait3A_52 = tpu.memref_slice %arg4[%add3A_34] : memref<320000xi32, #tpu.memory_space<hbm>> -> memref<32xi32, #tpu.memory_space<hbm>>
        %dma_wait3A_53 = tpu.memref_slice %arg4[%add3A_34] : memref<320000xi32, #tpu.memory_space<hbm>> -> memref<32xi32, #tpu.memory_space<hbm>>
        tpu.wait_dma2 semaphore(%run_scoped3A : memref<!tpu.dma_semaphore, #tpu.memory_space<semaphore_mem>>) src(%dma_wait3A_53 : memref<32xi32, #tpu.memory_space<hbm>>) dst(%arg15 : memref<32xi32, #tpu.memory_space<vmem>>)
        tpu.yield
      }) : () -> ()
      "tpu.region"() ({
        %run_scoped3A = tpu.sem_alloc : memref<!tpu.dma_semaphore, #tpu.memory_space<semaphore_mem>>
        %dma_start3A_50 = tpu.memref_slice %arg5[%add3A_34] : memref<320000xi32, #tpu.memory_space<hbm>> -> memref<32xi32, #tpu.memory_space<hbm>>
        %dma_start3A_51 = tpu.memref_slice %arg5[%add3A_34] : memref<320000xi32, #tpu.memory_space<hbm>> -> memref<32xi32, #tpu.memory_space<hbm>>
        tpu.enqueue_dma source(%dma_start3A_51 : memref<32xi32, #tpu.memory_space<hbm>>) target(%arg16 : memref<32xi32, #tpu.memory_space<vmem>>) target_semaphore(%run_scoped3A : memref<!tpu.dma_semaphore, #tpu.memory_space<semaphore_mem>>)
        %dma_wait3A_52 = tpu.memref_slice %arg5[%add3A_34] : memref<320000xi32, #tpu.memory_space<hbm>> -> memref<32xi32, #tpu.memory_space<hbm>>
        %dma_wait3A_53 = tpu.memref_slice %arg5[%add3A_34] : memref<320000xi32, #tpu.memory_space<hbm>> -> memref<32xi32, #tpu.memory_space<hbm>>
        tpu.wait_dma2 semaphore(%run_scoped3A : memref<!tpu.dma_semaphore, #tpu.memory_space<semaphore_mem>>) src(%dma_wait3A_53 : memref<32xi32, #tpu.memory_space<hbm>>) dst(%arg16 : memref<32xi32, #tpu.memory_space<vmem>>)
        tpu.yield
      }) : () -> ()
      %dma_start3A_35 = arith.constant 0 : i32
      %dma_start3A_36 = arith.constant 0 : i32
      %dma_start3A_37 = tpu.memref_slice %arg2[%dma_start3A_35, %dma_start3A_36] : memref<10000x128xf32, #tpu.memory_space<hbm>> -> memref<10000x128xf32, #tpu.memory_space<hbm>>
      tpu.enqueue_indirect_dma source(%dma_start3A_37 : memref<10000x128xf32, #tpu.memory_space<hbm>>) target(%arg17 : memref<32x128xf32, #tpu.memory_space<vmem>>) offsets(%arg15 : memref<32xi32, #tpu.memory_space<vmem>>) semaphore(%arg23 : memref<!tpu.dma_semaphore, #tpu.memory_space<semaphore_mem>>)
      %dma_wait3A = arith.constant 0 : i32
      %dma_wait3A_38 = arith.constant 0 : i32
      %dma_wait3A_39 = tpu.memref_slice %arg2[%dma_wait3A, %dma_wait3A_38] : memref<10000x128xf32, #tpu.memory_space<hbm>> -> memref<10000x128xf32, #tpu.memory_space<hbm>>
      tpu.wait_indirect_dma semaphore(%arg23 : memref<!tpu.dma_semaphore, #tpu.memory_space<semaphore_mem>>) src(%dma_wait3A_39 : memref<10000x128xf32, #tpu.memory_space<hbm>>) dst(%arg17 : memref<32x128xf32, #tpu.memory_space<vmem>>)
      "tpu.region"() ({
        %run_scoped3A = tpu.sem_alloc : memref<!tpu.dma_semaphore, #tpu.memory_space<semaphore_mem>>
        %dma_start3A_50 = arith.constant 0 : i32
        %dma_start3A_51 = arith.constant 0 : i32
        %dma_start3A_52 = tpu.memref_slice %arg18[%dma_start3A_50, %dma_start3A_51] : memref<10000x128xf32, #tpu.memory_space<vmem_shared>> -> memref<10000x128xf32, #tpu.memory_space<vmem_shared>>
        tpu.enqueue_indirect_dma source(%arg17 : memref<32x128xf32, #tpu.memory_space<vmem>>) target(%dma_start3A_52 : memref<10000x128xf32, #tpu.memory_space<vmem_shared>>) offsets(%arg16 : memref<32xi32, #tpu.memory_space<vmem>>) semaphore(%run_scoped3A : memref<!tpu.dma_semaphore, #tpu.memory_space<semaphore_mem>>) {add = true}
        %dma_wait3A_53 = arith.constant 0 : i32
        %dma_wait3A_54 = arith.constant 0 : i32
        %dma_wait3A_55 = tpu.memref_slice %arg18[%dma_wait3A_53, %dma_wait3A_54] : memref<10000x128xf32, #tpu.memory_space<vmem_shared>> -> memref<10000x128xf32, #tpu.memory_space<vmem_shared>>
        tpu.wait_indirect_dma semaphore(%run_scoped3A : memref<!tpu.dma_semaphore, #tpu.memory_space<semaphore_mem>>) src(%arg17 : memref<32x128xf32, #tpu.memory_space<vmem>>) dst(%dma_wait3A_55 : memref<10000x128xf32, #tpu.memory_space<vmem_shared>>)
        tpu.yield
      }) : () -> ()
      %barrier3A_40 = arith.constant 0 : index
      tpu.barrier barrier_id(%barrier3A_40)
      %mul3A_41 = arith.constant 624 : i32
      %mul3A_42 = arith.muli %arg1, %mul3A_41 : i32
      %mul3A_43 = arith.constant 624 : i32
      %mul3A_44 = arith.muli %arg1, %mul3A_43 : i32
      "tpu.region"() ({
        %run_scoped3A = tpu.sem_alloc : memref<!tpu.dma_semaphore, #tpu.memory_space<semaphore_mem>>
        %dma_start3A_50 = arith.constant 0 : i32
        %dma_start3A_51 = tpu.memref_slice %arg7[%mul3A_44, %dma_start3A_50] : memref<10000x128xf32, #tpu.memory_space<hbm>> -> memref<624x128xf32, #tpu.memory_space<hbm>>
        %dma_start3A_52 = arith.constant 0 : i32
        %dma_start3A_53 = tpu.memref_slice %arg18[%mul3A_42, %dma_start3A_52] : memref<10000x128xf32, #tpu.memory_space<vmem_shared>> -> memref<624x128xf32, #tpu.memory_space<vmem_shared>>
        tpu.enqueue_dma source(%dma_start3A_53 : memref<624x128xf32, #tpu.memory_space<vmem_shared>>) target(%dma_start3A_51 : memref<624x128xf32, #tpu.memory_space<hbm>>) target_semaphore(%run_scoped3A : memref<!tpu.dma_semaphore, #tpu.memory_space<semaphore_mem>>)
        %dma_wait3A_54 = arith.constant 0 : i32
        %dma_wait3A_55 = tpu.memref_slice %arg7[%mul3A_44, %dma_wait3A_54] : memref<10000x128xf32, #tpu.memory_space<hbm>> -> memref<624x128xf32, #tpu.memory_space<hbm>>
        %dma_wait3A_56 = arith.constant 0 : i32
        %dma_wait3A_57 = tpu.memref_slice %arg18[%mul3A_42, %dma_wait3A_56] : memref<10000x128xf32, #tpu.memory_space<vmem_shared>> -> memref<624x128xf32, #tpu.memory_space<vmem_shared>>
        tpu.wait_dma2 semaphore(%run_scoped3A : memref<!tpu.dma_semaphore, #tpu.memory_space<semaphore_mem>>) src(%dma_wait3A_57 : memref<624x128xf32, #tpu.memory_space<vmem_shared>>) dst(%dma_wait3A_55 : memref<624x128xf32, #tpu.memory_space<hbm>>)
        tpu.yield
      }) : () -> ()
      %eq3A_45 = arith.constant 0 : i32
      %eq3A_46 = arith.cmpi eq, %arg1, %eq3A_45 : i32
      %convert_element_type3A_47 = arith.extui %eq3A_46 : i1 to i32
      %cond3A_48 = arith.constant 0 : i32
      %cond3A_49 = arith.cmpi ne, %convert_element_type3A_47, %cond3A_48 : i32
      scf.if %cond3A_49 {
        "tpu.region"() ({
          %run_scoped3A = tpu.sem_alloc : memref<!tpu.dma_semaphore, #tpu.memory_space<semaphore_mem>>
          %dma_start3A_50 = arith.constant 9984 : i32
          %dma_start3A_51 = arith.constant 0 : i32
          %dma_start3A_52 = tpu.memref_slice %arg7[%dma_start3A_50, %dma_start3A_51] : memref<10000x128xf32, #tpu.memory_space<hbm>> -> memref<16x128xf32, #tpu.memory_space<hbm>>
          %dma_start3A_53 = arith.constant 9984 : i32
          %dma_start3A_54 = arith.constant 0 : i32
          %dma_start3A_55 = tpu.memref_slice %arg18[%dma_start3A_53, %dma_start3A_54] : memref<10000x128xf32, #tpu.memory_space<vmem_shared>> -> memref<16x128xf32, #tpu.memory_space<vmem_shared>>
          tpu.enqueue_dma source(%dma_start3A_55 : memref<16x128xf32, #tpu.memory_space<vmem_shared>>) target(%dma_start3A_52 : memref<16x128xf32, #tpu.memory_space<hbm>>) target_semaphore(%run_scoped3A : memref<!tpu.dma_semaphore, #tpu.memory_space<semaphore_mem>>)
          %dma_wait3A_56 = arith.constant 9984 : i32
          %dma_wait3A_57 = arith.constant 0 : i32
          %dma_wait3A_58 = tpu.memref_slice %arg7[%dma_wait3A_56, %dma_wait3A_57] : memref<10000x128xf32, #tpu.memory_space<hbm>> -> memref<16x128xf32, #tpu.memory_space<hbm>>
          %dma_wait3A_59 = arith.constant 9984 : i32
          %dma_wait3A_60 = arith.constant 0 : i32
          %dma_wait3A_61 = tpu.memref_slice %arg18[%dma_wait3A_59, %dma_wait3A_60] : memref<10000x128xf32, #tpu.memory_space<vmem_shared>> -> memref<16x128xf32, #tpu.memory_space<vmem_shared>>
          tpu.wait_dma2 semaphore(%run_scoped3A : memref<!tpu.dma_semaphore, #tpu.memory_space<semaphore_mem>>) src(%dma_wait3A_61 : memref<16x128xf32, #tpu.memory_space<vmem_shared>>) dst(%dma_wait3A_58 : memref<16x128xf32, #tpu.memory_space<hbm>>)
          tpu.yield
        }) : () -> ()
      } else {
      }
    } else {
    }
    %eq3A_3 = arith.constant 1 : i32
    %eq3A_4 = arith.cmpi eq, %arg0, %eq3A_3 : i32
    %convert_element_type3A_5 = arith.extui %eq3A_4 : i1 to i32
    %cond3A_6 = arith.constant 0 : i32
    %cond3A_7 = arith.cmpi ne, %convert_element_type3A_5, %cond3A_6 : i32
    scf.if %cond3A_7 {
      "tpu.region"() ({
        %run_scoped3A = tpu.sem_alloc : memref<!tpu.dma_semaphore, #tpu.memory_space<semaphore_mem>>
        %dma_start3A_50 = tpu.memref_slice %arg4[%mul3A_0] : memref<320000xi32, #tpu.memory_space<hbm>> -> memref<128xi32, #tpu.memory_space<hbm>>
        %dma_start3A_51 = tpu.memref_slice %arg4[%mul3A_0] : memref<320000xi32, #tpu.memory_space<hbm>> -> memref<128xi32, #tpu.memory_space<hbm>>
        tpu.enqueue_dma source(%dma_start3A_51 : memref<128xi32, #tpu.memory_space<hbm>>) target(%arg9 : memref<128xi32, #tpu.memory_space<vmem>>) target_semaphore(%run_scoped3A : memref<!tpu.dma_semaphore, #tpu.memory_space<semaphore_mem>>)
        %dma_wait3A_52 = tpu.memref_slice %arg4[%mul3A_0] : memref<320000xi32, #tpu.memory_space<hbm>> -> memref<128xi32, #tpu.memory_space<hbm>>
        %dma_wait3A_53 = tpu.memref_slice %arg4[%mul3A_0] : memref<320000xi32, #tpu.memory_space<hbm>> -> memref<128xi32, #tpu.memory_space<hbm>>
        tpu.wait_dma2 semaphore(%run_scoped3A : memref<!tpu.dma_semaphore, #tpu.memory_space<semaphore_mem>>) src(%dma_wait3A_53 : memref<128xi32, #tpu.memory_space<hbm>>) dst(%arg9 : memref<128xi32, #tpu.memory_space<vmem>>)
        tpu.yield
      }) : () -> ()
      %dma_start3A = tpu.memref_slice %arg5[%mul3A_0] : memref<320000xi32, #tpu.memory_space<hbm>> -> memref<128xi32, #tpu.memory_space<hbm>>
      %dma_start3A_8 = tpu.memref_slice %arg5[%mul3A_0] : memref<320000xi32, #tpu.memory_space<hbm>> -> memref<128xi32, #tpu.memory_space<hbm>>
      tpu.enqueue_dma source(%dma_start3A_8 : memref<128xi32, #tpu.memory_space<hbm>>) target(%arg11 : memref<128xi32, #tpu.memory_space<vmem>>) target_semaphore(%arg21 : memref<!tpu.dma_semaphore, #tpu.memory_space<semaphore_mem>>)
      %dma_start3A_9 = arith.constant 0 : i32
      %dma_start3A_10 = arith.constant 0 : i32
      %dma_start3A_11 = tpu.memref_slice %arg3[%dma_start3A_9, %dma_start3A_10] : memref<10000x128xf32, #tpu.memory_space<hbm>> -> memref<10000x128xf32, #tpu.memory_space<hbm>>
      tpu.enqueue_indirect_dma source(%dma_start3A_11 : memref<10000x128xf32, #tpu.memory_space<hbm>>) target(%arg13 : memref<128x128xf32, #tpu.memory_space<vmem>>) offsets(%arg9 : memref<128xi32, #tpu.memory_space<vmem>>) semaphore(%arg23 : memref<!tpu.dma_semaphore, #tpu.memory_space<semaphore_mem>>)
      %add3A = arith.constant 128 : i32
      %add3A_12 = arith.addi %mul3A_0, %add3A : i32
      %dma_start3A_13 = tpu.memref_slice %arg4[%add3A_12] : memref<320000xi32, #tpu.memory_space<hbm>> -> memref<128xi32, #tpu.memory_space<hbm>>
      %dma_start3A_14 = tpu.memref_slice %arg4[%add3A_12] : memref<320000xi32, #tpu.memory_space<hbm>> -> memref<128xi32, #tpu.memory_space<hbm>>
      tpu.enqueue_dma source(%dma_start3A_14 : memref<128xi32, #tpu.memory_space<hbm>>) target(%arg10 : memref<128xi32, #tpu.memory_space<vmem>>) target_semaphore(%arg20 : memref<!tpu.dma_semaphore, #tpu.memory_space<semaphore_mem>>)
      %add3A_15 = arith.constant 128 : i32
      %add3A_16 = arith.addi %mul3A_0, %add3A_15 : i32
      %dma_start3A_17 = tpu.memref_slice %arg5[%add3A_16] : memref<320000xi32, #tpu.memory_space<hbm>> -> memref<128xi32, #tpu.memory_space<hbm>>
      %dma_start3A_18 = tpu.memref_slice %arg5[%add3A_16] : memref<320000xi32, #tpu.memory_space<hbm>> -> memref<128xi32, #tpu.memory_space<hbm>>
      tpu.enqueue_dma source(%dma_start3A_18 : memref<128xi32, #tpu.memory_space<hbm>>) target(%arg12 : memref<128xi32, #tpu.memory_space<vmem>>) target_semaphore(%arg22 : memref<!tpu.dma_semaphore, #tpu.memory_space<semaphore_mem>>)
      %mul3A_19 = arith.constant 624 : i32
      %mul3A_20 = arith.muli %arg1, %mul3A_19 : i32
      %mul3A_21 = arith.constant 624 : i32
      %mul3A_22 = arith.muli %arg1, %mul3A_21 : i32
      "tpu.region"() ({
        %run_scoped3A = tpu.sem_alloc : memref<!tpu.dma_semaphore, #tpu.memory_space<semaphore_mem>>
        %dma_start3A_50 = arith.constant 0 : i32
        %dma_start3A_51 = tpu.memref_slice %arg18[%mul3A_22, %dma_start3A_50] : memref<10000x128xf32, #tpu.memory_space<vmem_shared>> -> memref<624x128xf32, #tpu.memory_space<vmem_shared>>
        %dma_start3A_52 = arith.constant 0 : i32
        %dma_start3A_53 = tpu.memref_slice %arg6[%mul3A_20, %dma_start3A_52] : memref<10000x128xf32, #tpu.memory_space<hbm>> -> memref<624x128xf32, #tpu.memory_space<hbm>>
        tpu.enqueue_dma source(%dma_start3A_53 : memref<624x128xf32, #tpu.memory_space<hbm>>) target(%dma_start3A_51 : memref<624x128xf32, #tpu.memory_space<vmem_shared>>) target_semaphore(%run_scoped3A : memref<!tpu.dma_semaphore, #tpu.memory_space<semaphore_mem>>)
        %dma_wait3A_54 = arith.constant 0 : i32
        %dma_wait3A_55 = tpu.memref_slice %arg18[%mul3A_22, %dma_wait3A_54] : memref<10000x128xf32, #tpu.memory_space<vmem_shared>> -> memref<624x128xf32, #tpu.memory_space<vmem_shared>>
        %dma_wait3A_56 = arith.constant 0 : i32
        %dma_wait3A_57 = tpu.memref_slice %arg6[%mul3A_20, %dma_wait3A_56] : memref<10000x128xf32, #tpu.memory_space<hbm>> -> memref<624x128xf32, #tpu.memory_space<hbm>>
        tpu.wait_dma2 semaphore(%run_scoped3A : memref<!tpu.dma_semaphore, #tpu.memory_space<semaphore_mem>>) src(%dma_wait3A_57 : memref<624x128xf32, #tpu.memory_space<hbm>>) dst(%dma_wait3A_55 : memref<624x128xf32, #tpu.memory_space<vmem_shared>>)
        tpu.yield
      }) : () -> ()
      %eq3A_23 = arith.constant 0 : i32
      %eq3A_24 = arith.cmpi eq, %arg1, %eq3A_23 : i32
      %convert_element_type3A_25 = arith.extui %eq3A_24 : i1 to i32
      %cond3A_26 = arith.constant 0 : i32
      %cond3A_27 = arith.cmpi ne, %convert_element_type3A_25, %cond3A_26 : i32
      scf.if %cond3A_27 {
        "tpu.region"() ({
          %run_scoped3A = tpu.sem_alloc : memref<!tpu.dma_semaphore, #tpu.memory_space<semaphore_mem>>
          %dma_start3A_50 = arith.constant 9984 : i32
          %dma_start3A_51 = arith.constant 0 : i32
          %dma_start3A_52 = tpu.memref_slice %arg18[%dma_start3A_50, %dma_start3A_51] : memref<10000x128xf32, #tpu.memory_space<vmem_shared>> -> memref<16x128xf32, #tpu.memory_space<vmem_shared>>
          %dma_start3A_53 = arith.constant 9984 : i32
          %dma_start3A_54 = arith.constant 0 : i32
          %dma_start3A_55 = tpu.memref_slice %arg6[%dma_start3A_53, %dma_start3A_54] : memref<10000x128xf32, #tpu.memory_space<hbm>> -> memref<16x128xf32, #tpu.memory_space<hbm>>
          tpu.enqueue_dma source(%dma_start3A_55 : memref<16x128xf32, #tpu.memory_space<hbm>>) target(%dma_start3A_52 : memref<16x128xf32, #tpu.memory_space<vmem_shared>>) target_semaphore(%run_scoped3A : memref<!tpu.dma_semaphore, #tpu.memory_space<semaphore_mem>>)
          %dma_wait3A_56 = arith.constant 9984 : i32
          %dma_wait3A_57 = arith.constant 0 : i32
          %dma_wait3A_58 = tpu.memref_slice %arg18[%dma_wait3A_56, %dma_wait3A_57] : memref<10000x128xf32, #tpu.memory_space<vmem_shared>> -> memref<16x128xf32, #tpu.memory_space<vmem_shared>>
          %dma_wait3A_59 = arith.constant 9984 : i32
          %dma_wait3A_60 = arith.constant 0 : i32
          %dma_wait3A_61 = tpu.memref_slice %arg6[%dma_wait3A_59, %dma_wait3A_60] : memref<10000x128xf32, #tpu.memory_space<hbm>> -> memref<16x128xf32, #tpu.memory_space<hbm>>
          tpu.wait_dma2 semaphore(%run_scoped3A : memref<!tpu.dma_semaphore, #tpu.memory_space<semaphore_mem>>) src(%dma_wait3A_61 : memref<16x128xf32, #tpu.memory_space<hbm>>) dst(%dma_wait3A_58 : memref<16x128xf32, #tpu.memory_space<vmem_shared>>)
          tpu.yield
        }) : () -> ()
      } else {
      }
      %barrier3A = arith.constant 0 : index
      tpu.barrier barrier_id(%barrier3A)
      %scan3A = arith.constant 0 : i32
      %scan3A_28 = arith.constant 0 : i32
      %scan3A_29 = arith.constant 78 : i32
      %scan3A_30 = arith.addi %scan3A_28, %scan3A_29 : i32
      %scan3A_31 = arith.constant 1 : i32
      scf.for %scan3A_50 = %scan3A_28 to %scan3A_30 step %scan3A_31  : i32 {
        %mul3A_51 = arith.constant 2 : i32
        %mul3A_52 = arith.muli %mul3A_51, %scan3A_50 : i32
        %mul3A_53 = arith.constant 128 : i32
        %mul3A_54 = arith.muli %mul3A_52, %mul3A_53 : i32
        %add3A_55 = arith.addi %mul3A_0, %mul3A_54 : i32
        %add3A_56 = arith.constant 128 : i32
        %add3A_57 = arith.addi %add3A_55, %add3A_56 : i32
        %add3A_58 = arith.constant 128 : i32
        %add3A_59 = arith.addi %add3A_57, %add3A_58 : i32
        %add3A_60 = arith.constant 128 : i32
        %add3A_61 = arith.addi %add3A_59, %add3A_60 : i32
        %lt3A = arith.constant 77 : i32
        %lt3A_62 = arith.cmpi slt, %scan3A_50, %lt3A : i32
        %dma_wait3A_63 = tpu.memref_slice %arg4[%add3A_57] : memref<320000xi32, #tpu.memory_space<hbm>> -> memref<128xi32, #tpu.memory_space<hbm>>
        %dma_wait3A_64 = tpu.memref_slice %arg4[%add3A_57] : memref<320000xi32, #tpu.memory_space<hbm>> -> memref<128xi32, #tpu.memory_space<hbm>>
        tpu.wait_dma2 semaphore(%arg20 : memref<!tpu.dma_semaphore, #tpu.memory_space<semaphore_mem>>) src(%dma_wait3A_64 : memref<128xi32, #tpu.memory_space<hbm>>) dst(%arg10 : memref<128xi32, #tpu.memory_space<vmem>>)
        %dma_start3A_65 = arith.constant 0 : i32
        %dma_start3A_66 = arith.constant 0 : i32
        %dma_start3A_67 = tpu.memref_slice %arg3[%dma_start3A_65, %dma_start3A_66] : memref<10000x128xf32, #tpu.memory_space<hbm>> -> memref<10000x128xf32, #tpu.memory_space<hbm>>
        tpu.enqueue_indirect_dma source(%dma_start3A_67 : memref<10000x128xf32, #tpu.memory_space<hbm>>) target(%arg14 : memref<128x128xf32, #tpu.memory_space<vmem>>) offsets(%arg10 : memref<128xi32, #tpu.memory_space<vmem>>) semaphore(%arg24 : memref<!tpu.dma_semaphore, #tpu.memory_space<semaphore_mem>>)
        %dma_wait3A_68 = arith.constant 0 : i32
        %dma_wait3A_69 = arith.constant 0 : i32
        %dma_wait3A_70 = tpu.memref_slice %arg3[%dma_wait3A_68, %dma_wait3A_69] : memref<10000x128xf32, #tpu.memory_space<hbm>> -> memref<10000x128xf32, #tpu.memory_space<hbm>>
        tpu.wait_indirect_dma semaphore(%arg23 : memref<!tpu.dma_semaphore, #tpu.memory_space<semaphore_mem>>) src(%dma_wait3A_70 : memref<10000x128xf32, #tpu.memory_space<hbm>>) dst(%arg13 : memref<128x128xf32, #tpu.memory_space<vmem>>)
        %convert_element_type3A_71 = arith.extui %lt3A_62 : i1 to i32
        %cond3A_72 = arith.constant 0 : i32
        %cond3A_73 = arith.cmpi ne, %convert_element_type3A_71, %cond3A_72 : i32
        scf.if %cond3A_73 {
          %dma_start3A_90 = tpu.memref_slice %arg4[%add3A_59] : memref<320000xi32, #tpu.memory_space<hbm>> -> memref<128xi32, #tpu.memory_space<hbm>>
          %dma_start3A_91 = tpu.memref_slice %arg4[%add3A_59] : memref<320000xi32, #tpu.memory_space<hbm>> -> memref<128xi32, #tpu.memory_space<hbm>>
          tpu.enqueue_dma source(%dma_start3A_91 : memref<128xi32, #tpu.memory_space<hbm>>) target(%arg9 : memref<128xi32, #tpu.memory_space<vmem>>) target_semaphore(%arg19 : memref<!tpu.dma_semaphore, #tpu.memory_space<semaphore_mem>>)
        } else {
        }
        %dma_wait3A_74 = tpu.memref_slice %arg5[%add3A_55] : memref<320000xi32, #tpu.memory_space<hbm>> -> memref<128xi32, #tpu.memory_space<hbm>>
        %dma_wait3A_75 = tpu.memref_slice %arg5[%add3A_55] : memref<320000xi32, #tpu.memory_space<hbm>> -> memref<128xi32, #tpu.memory_space<hbm>>
        tpu.wait_dma2 semaphore(%arg21 : memref<!tpu.dma_semaphore, #tpu.memory_space<semaphore_mem>>) src(%dma_wait3A_75 : memref<128xi32, #tpu.memory_space<hbm>>) dst(%arg11 : memref<128xi32, #tpu.memory_space<vmem>>)
        "tpu.region"() ({
          %run_scoped3A = tpu.sem_alloc : memref<!tpu.dma_semaphore, #tpu.memory_space<semaphore_mem>>
          %dma_start3A_90 = arith.constant 0 : i32
          %dma_start3A_91 = arith.constant 0 : i32
          %dma_start3A_92 = tpu.memref_slice %arg18[%dma_start3A_90, %dma_start3A_91] : memref<10000x128xf32, #tpu.memory_space<vmem_shared>> -> memref<10000x128xf32, #tpu.memory_space<vmem_shared>>
          tpu.enqueue_indirect_dma source(%arg13 : memref<128x128xf32, #tpu.memory_space<vmem>>) target(%dma_start3A_92 : memref<10000x128xf32, #tpu.memory_space<vmem_shared>>) offsets(%arg11 : memref<128xi32, #tpu.memory_space<vmem>>) semaphore(%run_scoped3A : memref<!tpu.dma_semaphore, #tpu.memory_space<semaphore_mem>>) {add = true}
          %dma_wait3A_93 = arith.constant 0 : i32
          %dma_wait3A_94 = arith.constant 0 : i32
          %dma_wait3A_95 = tpu.memref_slice %arg18[%dma_wait3A_93, %dma_wait3A_94] : memref<10000x128xf32, #tpu.memory_space<vmem_shared>> -> memref<10000x128xf32, #tpu.memory_space<vmem_shared>>
          tpu.wait_indirect_dma semaphore(%run_scoped3A : memref<!tpu.dma_semaphore, #tpu.memory_space<semaphore_mem>>) src(%arg13 : memref<128x128xf32, #tpu.memory_space<vmem>>) dst(%dma_wait3A_95 : memref<10000x128xf32, #tpu.memory_space<vmem_shared>>)
          tpu.yield
        }) : () -> ()
        %convert_element_type3A_76 = arith.extui %lt3A_62 : i1 to i32
        %cond3A_77 = arith.constant 0 : i32
        %cond3A_78 = arith.cmpi ne, %convert_element_type3A_76, %cond3A_77 : i32
        scf.if %cond3A_78 {
          %dma_start3A_90 = tpu.memref_slice %arg5[%add3A_59] : memref<320000xi32, #tpu.memory_space<hbm>> -> memref<128xi32, #tpu.memory_space<hbm>>
          %dma_start3A_91 = tpu.memref_slice %arg5[%add3A_59] : memref<320000xi32, #tpu.memory_space<hbm>> -> memref<128xi32, #tpu.memory_space<hbm>>
          tpu.enqueue_dma source(%dma_start3A_91 : memref<128xi32, #tpu.memory_space<hbm>>) target(%arg11 : memref<128xi32, #tpu.memory_space<vmem>>) target_semaphore(%arg21 : memref<!tpu.dma_semaphore, #tpu.memory_space<semaphore_mem>>)
        } else {
        }
        %dma_wait3A_79 = arith.constant 0 : i32
        %dma_wait3A_80 = arith.constant 0 : i32
        %dma_wait3A_81 = tpu.memref_slice %arg3[%dma_wait3A_79, %dma_wait3A_80] : memref<10000x128xf32, #tpu.memory_space<hbm>> -> memref<10000x128xf32, #tpu.memory_space<hbm>>
        tpu.wait_indirect_dma semaphore(%arg24 : memref<!tpu.dma_semaphore, #tpu.memory_space<semaphore_mem>>) src(%dma_wait3A_81 : memref<10000x128xf32, #tpu.memory_space<hbm>>) dst(%arg14 : memref<128x128xf32, #tpu.memory_space<vmem>>)
        %convert_element_type3A_82 = arith.extui %lt3A_62 : i1 to i32
        %cond3A_83 = arith.constant 0 : i32
        %cond3A_84 = arith.cmpi ne, %convert_element_type3A_82, %cond3A_83 : i32
        scf.if %cond3A_84 {
          %dma_start3A_90 = tpu.memref_slice %arg4[%add3A_61] : memref<320000xi32, #tpu.memory_space<hbm>> -> memref<128xi32, #tpu.memory_space<hbm>>
          %dma_start3A_91 = tpu.memref_slice %arg4[%add3A_61] : memref<320000xi32, #tpu.memory_space<hbm>> -> memref<128xi32, #tpu.memory_space<hbm>>
          tpu.enqueue_dma source(%dma_start3A_91 : memref<128xi32, #tpu.memory_space<hbm>>) target(%arg10 : memref<128xi32, #tpu.memory_space<vmem>>) target_semaphore(%arg20 : memref<!tpu.dma_semaphore, #tpu.memory_space<semaphore_mem>>)
        } else {
        }
        %dma_wait3A_85 = tpu.memref_slice %arg5[%add3A_57] : memref<320000xi32, #tpu.memory_space<hbm>> -> memref<128xi32, #tpu.memory_space<hbm>>
        %dma_wait3A_86 = tpu.memref_slice %arg5[%add3A_57] : memref<320000xi32, #tpu.memory_space<hbm>> -> memref<128xi32, #tpu.memory_space<hbm>>
        tpu.wait_dma2 semaphore(%arg22 : memref<!tpu.dma_semaphore, #tpu.memory_space<semaphore_mem>>) src(%dma_wait3A_86 : memref<128xi32, #tpu.memory_space<hbm>>) dst(%arg12 : memref<128xi32, #tpu.memory_space<vmem>>)
        "tpu.region"() ({
          %run_scoped3A = tpu.sem_alloc : memref<!tpu.dma_semaphore, #tpu.memory_space<semaphore_mem>>
          %dma_start3A_90 = arith.constant 0 : i32
          %dma_start3A_91 = arith.constant 0 : i32
          %dma_start3A_92 = tpu.memref_slice %arg18[%dma_start3A_90, %dma_start3A_91] : memref<10000x128xf32, #tpu.memory_space<vmem_shared>> -> memref<10000x128xf32, #tpu.memory_space<vmem_shared>>
          tpu.enqueue_indirect_dma source(%arg14 : memref<128x128xf32, #tpu.memory_space<vmem>>) target(%dma_start3A_92 : memref<10000x128xf32, #tpu.memory_space<vmem_shared>>) offsets(%arg12 : memref<128xi32, #tpu.memory_space<vmem>>) semaphore(%run_scoped3A : memref<!tpu.dma_semaphore, #tpu.memory_space<semaphore_mem>>) {add = true}
          %dma_wait3A_93 = arith.constant 0 : i32
          %dma_wait3A_94 = arith.constant 0 : i32
          %dma_wait3A_95 = tpu.memref_slice %arg18[%dma_wait3A_93, %dma_wait3A_94] : memref<10000x128xf32, #tpu.memory_space<vmem_shared>> -> memref<10000x128xf32, #tpu.memory_space<vmem_shared>>
          tpu.wait_indirect_dma semaphore(%run_scoped3A : memref<!tpu.dma_semaphore, #tpu.memory_space<semaphore_mem>>) src(%arg14 : memref<128x128xf32, #tpu.memory_space<vmem>>) dst(%dma_wait3A_95 : memref<10000x128xf32, #tpu.memory_space<vmem_shared>>)
          tpu.yield
        }) : () -> ()
        %convert_element_type3A_87 = arith.extui %lt3A_62 : i1 to i32
        %cond3A_88 = arith.constant 0 : i32
        %cond3A_89 = arith.cmpi ne, %convert_element_type3A_87, %cond3A_88 : i32
        scf.if %cond3A_89 {
          %dma_start3A_90 = tpu.memref_slice %arg5[%add3A_61] : memref<320000xi32, #tpu.memory_space<hbm>> -> memref<128xi32, #tpu.memory_space<hbm>>
          %dma_start3A_91 = tpu.memref_slice %arg5[%add3A_61] : memref<320000xi32, #tpu.memory_space<hbm>> -> memref<128xi32, #tpu.memory_space<hbm>>
          tpu.enqueue_dma source(%dma_start3A_91 : memref<128xi32, #tpu.memory_space<hbm>>) target(%arg12 : memref<128xi32, #tpu.memory_space<vmem>>) target_semaphore(%arg22 : memref<!tpu.dma_semaphore, #tpu.memory_space<semaphore_mem>>)
          %dma_wait3A_92 = tpu.memref_slice %arg4[%add3A_59] : memref<320000xi32, #tpu.memory_space<hbm>> -> memref<128xi32, #tpu.memory_space<hbm>>
          %dma_wait3A_93 = tpu.memref_slice %arg4[%add3A_59] : memref<320000xi32, #tpu.memory_space<hbm>> -> memref<128xi32, #tpu.memory_space<hbm>>
          tpu.wait_dma2 semaphore(%arg19 : memref<!tpu.dma_semaphore, #tpu.memory_space<semaphore_mem>>) src(%dma_wait3A_93 : memref<128xi32, #tpu.memory_space<hbm>>) dst(%arg9 : memref<128xi32, #tpu.memory_space<vmem>>)
          %dma_start3A_94 = arith.constant 0 : i32
          %dma_start3A_95 = arith.constant 0 : i32
          %dma_start3A_96 = tpu.memref_slice %arg3[%dma_start3A_94, %dma_start3A_95] : memref<10000x128xf32, #tpu.memory_space<hbm>> -> memref<10000x128xf32, #tpu.memory_space<hbm>>
          tpu.enqueue_indirect_dma source(%dma_start3A_96 : memref<10000x128xf32, #tpu.memory_space<hbm>>) target(%arg13 : memref<128x128xf32, #tpu.memory_space<vmem>>) offsets(%arg9 : memref<128xi32, #tpu.memory_space<vmem>>) semaphore(%arg23 : memref<!tpu.dma_semaphore, #tpu.memory_space<semaphore_mem>>)
        } else {
        }
      }
      %scan3A_32 = arith.constant 78 : i32
      %add3A_33 = arith.constant 19968 : i32
      %add3A_34 = arith.addi %mul3A_0, %add3A_33 : i32
      "tpu.region"() ({
        %run_scoped3A = tpu.sem_alloc : memref<!tpu.dma_semaphore, #tpu.memory_space<semaphore_mem>>
        %dma_start3A_50 = tpu.memref_slice %arg4[%add3A_34] : memref<320000xi32, #tpu.memory_space<hbm>> -> memref<32xi32, #tpu.memory_space<hbm>>
        %dma_start3A_51 = tpu.memref_slice %arg4[%add3A_34] : memref<320000xi32, #tpu.memory_space<hbm>> -> memref<32xi32, #tpu.memory_space<hbm>>
        tpu.enqueue_dma source(%dma_start3A_51 : memref<32xi32, #tpu.memory_space<hbm>>) target(%arg15 : memref<32xi32, #tpu.memory_space<vmem>>) target_semaphore(%run_scoped3A : memref<!tpu.dma_semaphore, #tpu.memory_space<semaphore_mem>>)
        %dma_wait3A_52 = tpu.memref_slice %arg4[%add3A_34] : memref<320000xi32, #tpu.memory_space<hbm>> -> memref<32xi32, #tpu.memory_space<hbm>>
        %dma_wait3A_53 = tpu.memref_slice %arg4[%add3A_34] : memref<320000xi32, #tpu.memory_space<hbm>> -> memref<32xi32, #tpu.memory_space<hbm>>
        tpu.wait_dma2 semaphore(%run_scoped3A : memref<!tpu.dma_semaphore, #tpu.memory_space<semaphore_mem>>) src(%dma_wait3A_53 : memref<32xi32, #tpu.memory_space<hbm>>) dst(%arg15 : memref<32xi32, #tpu.memory_space<vmem>>)
        tpu.yield
      }) : () -> ()
      "tpu.region"() ({
        %run_scoped3A = tpu.sem_alloc : memref<!tpu.dma_semaphore, #tpu.memory_space<semaphore_mem>>
        %dma_start3A_50 = tpu.memref_slice %arg5[%add3A_34] : memref<320000xi32, #tpu.memory_space<hbm>> -> memref<32xi32, #tpu.memory_space<hbm>>
        %dma_start3A_51 = tpu.memref_slice %arg5[%add3A_34] : memref<320000xi32, #tpu.memory_space<hbm>> -> memref<32xi32, #tpu.memory_space<hbm>>
        tpu.enqueue_dma source(%dma_start3A_51 : memref<32xi32, #tpu.memory_space<hbm>>) target(%arg16 : memref<32xi32, #tpu.memory_space<vmem>>) target_semaphore(%run_scoped3A : memref<!tpu.dma_semaphore, #tpu.memory_space<semaphore_mem>>)
        %dma_wait3A_52 = tpu.memref_slice %arg5[%add3A_34] : memref<320000xi32, #tpu.memory_space<hbm>> -> memref<32xi32, #tpu.memory_space<hbm>>
        %dma_wait3A_53 = tpu.memref_slice %arg5[%add3A_34] : memref<320000xi32, #tpu.memory_space<hbm>> -> memref<32xi32, #tpu.memory_space<hbm>>
        tpu.wait_dma2 semaphore(%run_scoped3A : memref<!tpu.dma_semaphore, #tpu.memory_space<semaphore_mem>>) src(%dma_wait3A_53 : memref<32xi32, #tpu.memory_space<hbm>>) dst(%arg16 : memref<32xi32, #tpu.memory_space<vmem>>)
        tpu.yield
      }) : () -> ()
      %dma_start3A_35 = arith.constant 0 : i32
      %dma_start3A_36 = arith.constant 0 : i32
      %dma_start3A_37 = tpu.memref_slice %arg3[%dma_start3A_35, %dma_start3A_36] : memref<10000x128xf32, #tpu.memory_space<hbm>> -> memref<10000x128xf32, #tpu.memory_space<hbm>>
      tpu.enqueue_indirect_dma source(%dma_start3A_37 : memref<10000x128xf32, #tpu.memory_space<hbm>>) target(%arg17 : memref<32x128xf32, #tpu.memory_space<vmem>>) offsets(%arg15 : memref<32xi32, #tpu.memory_space<vmem>>) semaphore(%arg23 : memref<!tpu.dma_semaphore, #tpu.memory_space<semaphore_mem>>)
      %dma_wait3A = arith.constant 0 : i32
      %dma_wait3A_38 = arith.constant 0 : i32
      %dma_wait3A_39 = tpu.memref_slice %arg3[%dma_wait3A, %dma_wait3A_38] : memref<10000x128xf32, #tpu.memory_space<hbm>> -> memref<10000x128xf32, #tpu.memory_space<hbm>>
      tpu.wait_indirect_dma semaphore(%arg23 : memref<!tpu.dma_semaphore, #tpu.memory_space<semaphore_mem>>) src(%dma_wait3A_39 : memref<10000x128xf32, #tpu.memory_space<hbm>>) dst(%arg17 : memref<32x128xf32, #tpu.memory_space<vmem>>)
      "tpu.region"() ({
        %run_scoped3A = tpu.sem_alloc : memref<!tpu.dma_semaphore, #tpu.memory_space<semaphore_mem>>
        %dma_start3A_50 = arith.constant 0 : i32
        %dma_start3A_51 = arith.constant 0 : i32
        %dma_start3A_52 = tpu.memref_slice %arg18[%dma_start3A_50, %dma_start3A_51] : memref<10000x128xf32, #tpu.memory_space<vmem_shared>> -> memref<10000x128xf32, #tpu.memory_space<vmem_shared>>
        tpu.enqueue_indirect_dma source(%arg17 : memref<32x128xf32, #tpu.memory_space<vmem>>) target(%dma_start3A_52 : memref<10000x128xf32, #tpu.memory_space<vmem_shared>>) offsets(%arg16 : memref<32xi32, #tpu.memory_space<vmem>>) semaphore(%run_scoped3A : memref<!tpu.dma_semaphore, #tpu.memory_space<semaphore_mem>>) {add = true}
        %dma_wait3A_53 = arith.constant 0 : i32
        %dma_wait3A_54 = arith.constant 0 : i32
        %dma_wait3A_55 = tpu.memref_slice %arg18[%dma_wait3A_53, %dma_wait3A_54] : memref<10000x128xf32, #tpu.memory_space<vmem_shared>> -> memref<10000x128xf32, #tpu.memory_space<vmem_shared>>
        tpu.wait_indirect_dma semaphore(%run_scoped3A : memref<!tpu.dma_semaphore, #tpu.memory_space<semaphore_mem>>) src(%arg17 : memref<32x128xf32, #tpu.memory_space<vmem>>) dst(%dma_wait3A_55 : memref<10000x128xf32, #tpu.memory_space<vmem_shared>>)
        tpu.yield
      }) : () -> ()
      %barrier3A_40 = arith.constant 0 : index
      tpu.barrier barrier_id(%barrier3A_40)
      %mul3A_41 = arith.constant 624 : i32
      %mul3A_42 = arith.muli %arg1, %mul3A_41 : i32
      %mul3A_43 = arith.constant 624 : i32
      %mul3A_44 = arith.muli %arg1, %mul3A_43 : i32
      "tpu.region"() ({
        %run_scoped3A = tpu.sem_alloc : memref<!tpu.dma_semaphore, #tpu.memory_space<semaphore_mem>>
        %dma_start3A_50 = arith.constant 0 : i32
        %dma_start3A_51 = tpu.memref_slice %arg8[%mul3A_44, %dma_start3A_50] : memref<10000x128xf32, #tpu.memory_space<hbm>> -> memref<624x128xf32, #tpu.memory_space<hbm>>
        %dma_start3A_52 = arith.constant 0 : i32
        %dma_start3A_53 = tpu.memref_slice %arg18[%mul3A_42, %dma_start3A_52] : memref<10000x128xf32, #tpu.memory_space<vmem_shared>> -> memref<624x128xf32, #tpu.memory_space<vmem_shared>>
        tpu.enqueue_dma source(%dma_start3A_53 : memref<624x128xf32, #tpu.memory_space<vmem_shared>>) target(%dma_start3A_51 : memref<624x128xf32, #tpu.memory_space<hbm>>) target_semaphore(%run_scoped3A : memref<!tpu.dma_semaphore, #tpu.memory_space<semaphore_mem>>)
        %dma_wait3A_54 = arith.constant 0 : i32
        %dma_wait3A_55 = tpu.memref_slice %arg8[%mul3A_44, %dma_wait3A_54] : memref<10000x128xf32, #tpu.memory_space<hbm>> -> memref<624x128xf32, #tpu.memory_space<hbm>>
        %dma_wait3A_56 = arith.constant 0 : i32
        %dma_wait3A_57 = tpu.memref_slice %arg18[%mul3A_42, %dma_wait3A_56] : memref<10000x128xf32, #tpu.memory_space<vmem_shared>> -> memref<624x128xf32, #tpu.memory_space<vmem_shared>>
        tpu.wait_dma2 semaphore(%run_scoped3A : memref<!tpu.dma_semaphore, #tpu.memory_space<semaphore_mem>>) src(%dma_wait3A_57 : memref<624x128xf32, #tpu.memory_space<vmem_shared>>) dst(%dma_wait3A_55 : memref<624x128xf32, #tpu.memory_space<hbm>>)
        tpu.yield
      }) : () -> ()
      %eq3A_45 = arith.constant 0 : i32
      %eq3A_46 = arith.cmpi eq, %arg1, %eq3A_45 : i32
      %convert_element_type3A_47 = arith.extui %eq3A_46 : i1 to i32
      %cond3A_48 = arith.constant 0 : i32
      %cond3A_49 = arith.cmpi ne, %convert_element_type3A_47, %cond3A_48 : i32
      scf.if %cond3A_49 {
        "tpu.region"() ({
          %run_scoped3A = tpu.sem_alloc : memref<!tpu.dma_semaphore, #tpu.memory_space<semaphore_mem>>
          %dma_start3A_50 = arith.constant 9984 : i32
          %dma_start3A_51 = arith.constant 0 : i32
          %dma_start3A_52 = tpu.memref_slice %arg8[%dma_start3A_50, %dma_start3A_51] : memref<10000x128xf32, #tpu.memory_space<hbm>> -> memref<16x128xf32, #tpu.memory_space<hbm>>
          %dma_start3A_53 = arith.constant 9984 : i32
          %dma_start3A_54 = arith.constant 0 : i32
          %dma_start3A_55 = tpu.memref_slice %arg18[%dma_start3A_53, %dma_start3A_54] : memref<10000x128xf32, #tpu.memory_space<vmem_shared>> -> memref<16x128xf32, #tpu.memory_space<vmem_shared>>
          tpu.enqueue_dma source(%dma_start3A_55 : memref<16x128xf32, #tpu.memory_space<vmem_shared>>) target(%dma_start3A_52 : memref<16x128xf32, #tpu.memory_space<hbm>>) target_semaphore(%run_scoped3A : memref<!tpu.dma_semaphore, #tpu.memory_space<semaphore_mem>>)
          %dma_wait3A_56 = arith.constant 9984 : i32
          %dma_wait3A_57 = arith.constant 0 : i32
          %dma_wait3A_58 = tpu.memref_slice %arg8[%dma_wait3A_56, %dma_wait3A_57] : memref<10000x128xf32, #tpu.memory_space<hbm>> -> memref<16x128xf32, #tpu.memory_space<hbm>>
          %dma_wait3A_59 = arith.constant 9984 : i32
          %dma_wait3A_60 = arith.constant 0 : i32
          %dma_wait3A_61 = tpu.memref_slice %arg18[%dma_wait3A_59, %dma_wait3A_60] : memref<10000x128xf32, #tpu.memory_space<vmem_shared>> -> memref<16x128xf32, #tpu.memory_space<vmem_shared>>
          tpu.wait_dma2 semaphore(%run_scoped3A : memref<!tpu.dma_semaphore, #tpu.memory_space<semaphore_mem>>) src(%dma_wait3A_61 : memref<16x128xf32, #tpu.memory_space<vmem_shared>>) dst(%dma_wait3A_58 : memref<16x128xf32, #tpu.memory_space<hbm>>)
          tpu.yield
        }) : () -> ()
      } else {
      }
    } else {
    }
    return
  }
}

module attributes {stable_mosaic.version = 14 : i64} {
  func.func @_mlp0_body(%arg0: i32, %arg1: memref<1000x128xf32, #tpu.memory_space<vmem>>, %arg2: memref<1000x128xf32, #tpu.memory_space<vmem>>, %arg3: memref<1000x128xf32, #tpu.memory_space<vmem>>, %arg4: memref<1x1xf32, #tpu.memory_space<vmem>>, %arg5: memref<128x256xbf16, #tpu.memory_space<vmem>>, %arg6: memref<256xf32, #tpu.memory_space<vmem>>, %arg7: memref<256x256xbf16, #tpu.memory_space<vmem>>, %arg8: memref<256xf32, #tpu.memory_space<vmem>>, %arg9: memref<1000x128xf32, #tpu.memory_space<vmem>>, %arg10: memref<1000x128xf32, #tpu.memory_space<vmem>>) attributes {dimension_semantics = [#tpu.dimension_semantics<arbitrary>], iteration_bounds = array<i64: 10>, scalar_prefetch = 0 : i64, scratch_operands = 0 : i64, tpu.core_type = #tpu.core_type<tc>, window_params = [{transform_indices = @transform_0, window_bounds = array<i64: 1000, 128>}, {transform_indices = @transform_1, window_bounds = array<i64: 1000, 128>}, {transform_indices = @transform_2, window_bounds = array<i64: 1000, 128>}, {pipeline_mode = #tpu.pipeline_mode<synchronous>, transform_indices = @transform_3, window_bounds = array<i64: 1, 1>}, {pipeline_mode = #tpu.pipeline_mode<synchronous>, transform_indices = @transform_4, window_bounds = array<i64: 128, 256>}, {pipeline_mode = #tpu.pipeline_mode<synchronous>, transform_indices = @transform_5, window_bounds = array<i64: 256>}, {pipeline_mode = #tpu.pipeline_mode<synchronous>, transform_indices = @transform_6, window_bounds = array<i64: 256, 256>}, {pipeline_mode = #tpu.pipeline_mode<synchronous>, transform_indices = @transform_7, window_bounds = array<i64: 256>}, {transform_indices = @transform_8, window_bounds = array<i64: 1000, 128>}, {transform_indices = @transform_9, window_bounds = array<i64: 1000, 128>}]} {
    %get3A = arith.constant 0 : index
    %get3A_0 = arith.constant 0 : index
    %get3A_1 = vector.load %arg4[%get3A, %get3A_0] : memref<1x1xf32, #tpu.memory_space<vmem>>, vector<1x1xf32>
    %get3A_2 = vector.extract %get3A_1[0, 0] : f32 from vector<1x1xf32>
    %get3A_3 = arith.constant 0 : index
    %get3A_4 = arith.constant 0 : index
    %get3A_5 = vector.load %arg1[%get3A_3, %get3A_4] : memref<1000x128xf32, #tpu.memory_space<vmem>>, vector<1000x128xf32>
    %mul3A = vector.broadcast %get3A_2 : f32 to vector<1000x128xf32>
    %mul3A_6 = arith.mulf %mul3A, %get3A_5 : vector<1000x128xf32>
    %get3A_7 = arith.constant 0 : index
    %get3A_8 = arith.constant 0 : index
    %get3A_9 = vector.load %arg2[%get3A_7, %get3A_8] : memref<1000x128xf32, #tpu.memory_space<vmem>>, vector<1000x128xf32>
    %add3A = arith.addf %mul3A_6, %get3A_9 : vector<1000x128xf32>
    %get3A_10 = arith.constant 0 : index
    %get3A_11 = arith.constant 0 : index
    %get3A_12 = vector.load %arg3[%get3A_10, %get3A_11] : memref<1000x128xf32, #tpu.memory_space<vmem>>, vector<1000x128xf32>
    %add3A_13 = arith.addf %add3A, %get3A_12 : vector<1000x128xf32>
    %convert_element_type3A = arith.truncf %add3A_13 : vector<1000x128xf32> to vector<1000x128xbf16>
    %get3A_14 = arith.constant 0 : index
    %get3A_15 = arith.constant 0 : index
    %get3A_16 = vector.load %arg5[%get3A_14, %get3A_15] : memref<128x256xbf16, #tpu.memory_space<vmem>>, vector<128x256xbf16>
    %dot_general3A = arith.constant dense<0.000000e+00> : vector<1000x256xf32>
    %dot_general3A_17 = tpu.matmul %convert_element_type3A, %get3A_16, %dot_general3A {dimension_numbers = #tpu.dot_dimension_numbers<[1], [0], [0], [1], [0, 0, 1, 1], [], []>, transpose_lhs_hint = false} : vector<1000x128xbf16>, vector<128x256xbf16>, vector<1000x256xf32> -> vector<1000x256xf32>
    %get3A_18 = arith.constant 0 : index
    %get3A_19 = vector.load %arg6[%get3A_18] : memref<256xf32, #tpu.memory_space<vmem>>, vector<256xf32>
    %broadcast_in_dim3A = vector.shape_cast %get3A_19 : vector<256xf32> to vector<1x256xf32>
    %add3A_20 = vector.broadcast %broadcast_in_dim3A : vector<1x256xf32> to vector<1000x256xf32>
    %add3A_21 = arith.addf %dot_general3A_17, %add3A_20 : vector<1000x256xf32>
    %max3A = arith.constant 0.000000e+00 : f32
    %max3A_22 = vector.broadcast %max3A : f32 to vector<1000x256xf32>
    %max3A_23 = arith.maximumf %add3A_21, %max3A_22 : vector<1000x256xf32>
    %convert_element_type3A_24 = arith.truncf %max3A_23 : vector<1000x256xf32> to vector<1000x256xbf16>
    %get3A_25 = arith.constant 0 : index
    %get3A_26 = arith.constant 0 : index
    %get3A_27 = vector.load %arg7[%get3A_25, %get3A_26] : memref<256x256xbf16, #tpu.memory_space<vmem>>, vector<256x256xbf16>
    %dot_general3A_28 = arith.constant dense<0.000000e+00> : vector<1000x256xf32>
    %dot_general3A_29 = tpu.matmul %convert_element_type3A_24, %get3A_27, %dot_general3A_28 {dimension_numbers = #tpu.dot_dimension_numbers<[1], [0], [0], [1], [0, 0, 1, 1], [], []>, transpose_lhs_hint = false} : vector<1000x256xbf16>, vector<256x256xbf16>, vector<1000x256xf32> -> vector<1000x256xf32>
    %get3A_30 = arith.constant 0 : index
    %get3A_31 = vector.load %arg8[%get3A_30] : memref<256xf32, #tpu.memory_space<vmem>>, vector<256xf32>
    %broadcast_in_dim3A_32 = vector.shape_cast %get3A_31 : vector<256xf32> to vector<1x256xf32>
    %add3A_33 = vector.broadcast %broadcast_in_dim3A_32 : vector<1x256xf32> to vector<1000x256xf32>
    %add3A_34 = arith.addf %dot_general3A_29, %add3A_33 : vector<1000x256xf32>
    %slice3A = vector.extract_strided_slice %add3A_34 {offsets = [0, 0], sizes = [1000, 128], strides = [1, 1]} : vector<1000x256xf32> to vector<1000x128xf32>
    %swap3A = arith.constant 0 : index
    %swap3A_35 = arith.constant 0 : index
    %swap3A_36 = vector.load %arg9[%swap3A, %swap3A_35] : memref<1000x128xf32, #tpu.memory_space<vmem>>, vector<1000x128xf32>
    tpu.vector_store %arg9[%swap3A, %swap3A_35], %slice3A {strides = array<i32>} : memref<1000x128xf32, #tpu.memory_space<vmem>>, vector<1000x128xf32>,
    %slice3A_37 = vector.extract_strided_slice %add3A_34 {offsets = [0, 128], sizes = [1000, 128], strides = [1, 1]} : vector<1000x256xf32> to vector<1000x128xf32>
    %swap3A_38 = arith.constant 0 : index
    %swap3A_39 = arith.constant 0 : index
    %swap3A_40 = vector.load %arg10[%swap3A_38, %swap3A_39] : memref<1000x128xf32, #tpu.memory_space<vmem>>, vector<1000x128xf32>
    tpu.vector_store %arg10[%swap3A_38, %swap3A_39], %slice3A_37 {strides = array<i32>} : memref<1000x128xf32, #tpu.memory_space<vmem>>, vector<1000x128xf32>,
    return
  }
  func.func @transform_0(%arg0: i32) -> (i32, i32) {
    %c0_i32 = arith.constant 0 : i32
    %c0_i32_0 = arith.constant 0 : i32
    return %arg0, %c0_i32 : i32, i32
  }
  func.func @transform_1(%arg0: i32) -> (i32, i32) {
    %c0_i32 = arith.constant 0 : i32
    %c0_i32_0 = arith.constant 0 : i32
    return %arg0, %c0_i32 : i32, i32
  }
  func.func @transform_2(%arg0: i32) -> (i32, i32) {
    %c0_i32 = arith.constant 0 : i32
    %c0_i32_0 = arith.constant 0 : i32
    return %arg0, %c0_i32 : i32, i32
  }
  func.func @transform_3(%arg0: i32) -> (i32, i32) {
    %c0_i32 = arith.constant 0 : i32
    %c0_i32_0 = arith.constant 0 : i32
    %c0_i32_1 = arith.constant 0 : i32
    return %c0_i32, %c0_i32_0 : i32, i32
  }
  func.func @transform_4(%arg0: i32) -> (i32, i32) {
    %c0_i32 = arith.constant 0 : i32
    %c0_i32_0 = arith.constant 0 : i32
    %c0_i32_1 = arith.constant 0 : i32
    return %c0_i32, %c0_i32_0 : i32, i32
  }
  func.func @transform_5(%arg0: i32) -> i32 {
    %c0_i32 = arith.constant 0 : i32
    %c0_i32_0 = arith.constant 0 : i32
    return %c0_i32 : i32
  }
  func.func @transform_6(%arg0: i32) -> (i32, i32) {
    %c0_i32 = arith.constant 0 : i32
    %c0_i32_0 = arith.constant 0 : i32
    %c0_i32_1 = arith.constant 0 : i32
    return %c0_i32, %c0_i32_0 : i32, i32
  }
  func.func @transform_7(%arg0: i32) -> i32 {
    %c0_i32 = arith.constant 0 : i32
    %c0_i32_0 = arith.constant 0 : i32
    return %c0_i32 : i32
  }
  func.func @transform_8(%arg0: i32) -> (i32, i32) {
    %c0_i32 = arith.constant 0 : i32
    %c0_i32_0 = arith.constant 0 : i32
    return %arg0, %c0_i32 : i32, i32
  }
  func.func @transform_9(%arg0: i32) -> (i32, i32) {
    %c0_i32 = arith.constant 0 : i32
    %c0_i32_0 = arith.constant 0 : i32
    return %arg0, %c0_i32 : i32, i32
  }
}

module attributes {stable_mosaic.version = 14 : i64} {
  func.func @_mlp2_body(%arg0: i32, %arg1: memref<1000x128xf32, #tpu.memory_space<vmem>>, %arg2: memref<1000x128xf32, #tpu.memory_space<vmem>>, %arg3: memref<1000x128xf32, #tpu.memory_space<vmem>>, %arg4: memref<1000x128xf32, #tpu.memory_space<vmem>>, %arg5: memref<1x1xf32, #tpu.memory_space<vmem>>, %arg6: memref<256x256xbf16, #tpu.memory_space<vmem>>, %arg7: memref<256xf32, #tpu.memory_space<vmem>>, %arg8: memref<256x256xbf16, #tpu.memory_space<vmem>>, %arg9: memref<256xf32, #tpu.memory_space<vmem>>, %arg10: memref<1000x128xf32, #tpu.memory_space<vmem>>, %arg11: memref<1000x128xf32, #tpu.memory_space<vmem>>) attributes {dimension_semantics = [#tpu.dimension_semantics<arbitrary>], iteration_bounds = array<i64: 10>, scalar_prefetch = 0 : i64, scratch_operands = 0 : i64, tpu.core_type = #tpu.core_type<tc>, window_params = [{transform_indices = @transform_0, window_bounds = array<i64: 1000, 128>}, {transform_indices = @transform_1, window_bounds = array<i64: 1000, 128>}, {transform_indices = @transform_2, window_bounds = array<i64: 1000, 128>}, {transform_indices = @transform_3, window_bounds = array<i64: 1000, 128>}, {pipeline_mode = #tpu.pipeline_mode<synchronous>, transform_indices = @transform_4, window_bounds = array<i64: 1, 1>}, {pipeline_mode = #tpu.pipeline_mode<synchronous>, transform_indices = @transform_5, window_bounds = array<i64: 256, 256>}, {pipeline_mode = #tpu.pipeline_mode<synchronous>, transform_indices = @transform_6, window_bounds = array<i64: 256>}, {pipeline_mode = #tpu.pipeline_mode<synchronous>, transform_indices = @transform_7, window_bounds = array<i64: 256, 256>}, {pipeline_mode = #tpu.pipeline_mode<synchronous>, transform_indices = @transform_8, window_bounds = array<i64: 256>}, {transform_indices = @transform_9, window_bounds = array<i64: 1000, 128>}, {transform_indices = @transform_10, window_bounds = array<i64: 1000, 128>}]} {
    %get3A = arith.constant 0 : index
    %get3A_0 = arith.constant 0 : index
    %get3A_1 = vector.load %arg5[%get3A, %get3A_0] : memref<1x1xf32, #tpu.memory_space<vmem>>, vector<1x1xf32>
    %get3A_2 = vector.extract %get3A_1[0, 0] : f32 from vector<1x1xf32>
    %get3A_3 = arith.constant 0 : index
    %get3A_4 = arith.constant 0 : index
    %get3A_5 = vector.load %arg1[%get3A_3, %get3A_4] : memref<1000x128xf32, #tpu.memory_space<vmem>>, vector<1000x128xf32>
    %mul3A = vector.broadcast %get3A_2 : f32 to vector<1000x128xf32>
    %mul3A_6 = arith.mulf %mul3A, %get3A_5 : vector<1000x128xf32>
    %get3A_7 = arith.constant 0 : index
    %get3A_8 = arith.constant 0 : index
    %get3A_9 = vector.load %arg3[%get3A_7, %get3A_8] : memref<1000x128xf32, #tpu.memory_space<vmem>>, vector<1000x128xf32>
    %add3A = arith.addf %mul3A_6, %get3A_9 : vector<1000x128xf32>
    %get3A_10 = arith.constant 0 : index
    %get3A_11 = arith.constant 0 : index
    %get3A_12 = vector.load %arg5[%get3A_10, %get3A_11] : memref<1x1xf32, #tpu.memory_space<vmem>>, vector<1x1xf32>
    %get3A_13 = vector.extract %get3A_12[0, 0] : f32 from vector<1x1xf32>
    %get3A_14 = arith.constant 0 : index
    %get3A_15 = arith.constant 0 : index
    %get3A_16 = vector.load %arg2[%get3A_14, %get3A_15] : memref<1000x128xf32, #tpu.memory_space<vmem>>, vector<1000x128xf32>
    %mul3A_17 = vector.broadcast %get3A_13 : f32 to vector<1000x128xf32>
    %mul3A_18 = arith.mulf %mul3A_17, %get3A_16 : vector<1000x128xf32>
    %get3A_19 = arith.constant 0 : index
    %get3A_20 = arith.constant 0 : index
    %get3A_21 = vector.load %arg4[%get3A_19, %get3A_20] : memref<1000x128xf32, #tpu.memory_space<vmem>>, vector<1000x128xf32>
    %add3A_22 = arith.addf %mul3A_18, %get3A_21 : vector<1000x128xf32>
    %concatenate3A = tpu.concatenate %add3A, %add3A_22 in 1 : vector<1000x128xf32>, vector<1000x128xf32> -> vector<1000x256xf32>
    %convert_element_type3A = arith.truncf %concatenate3A : vector<1000x256xf32> to vector<1000x256xbf16>
    %get3A_23 = arith.constant 0 : index
    %get3A_24 = arith.constant 0 : index
    %get3A_25 = vector.load %arg6[%get3A_23, %get3A_24] : memref<256x256xbf16, #tpu.memory_space<vmem>>, vector<256x256xbf16>
    %dot_general3A = arith.constant dense<0.000000e+00> : vector<1000x256xf32>
    %dot_general3A_26 = tpu.matmul %convert_element_type3A, %get3A_25, %dot_general3A {dimension_numbers = #tpu.dot_dimension_numbers<[1], [0], [0], [1], [0, 0, 1, 1], [], []>, transpose_lhs_hint = false} : vector<1000x256xbf16>, vector<256x256xbf16>, vector<1000x256xf32> -> vector<1000x256xf32>
    %get3A_27 = arith.constant 0 : index
    %get3A_28 = vector.load %arg7[%get3A_27] : memref<256xf32, #tpu.memory_space<vmem>>, vector<256xf32>
    %broadcast_in_dim3A = vector.shape_cast %get3A_28 : vector<256xf32> to vector<1x256xf32>
    %add3A_29 = vector.broadcast %broadcast_in_dim3A : vector<1x256xf32> to vector<1000x256xf32>
    %add3A_30 = arith.addf %dot_general3A_26, %add3A_29 : vector<1000x256xf32>
    %max3A = arith.constant 0.000000e+00 : f32
    %max3A_31 = vector.broadcast %max3A : f32 to vector<1000x256xf32>
    %max3A_32 = arith.maximumf %add3A_30, %max3A_31 : vector<1000x256xf32>
    %convert_element_type3A_33 = arith.truncf %max3A_32 : vector<1000x256xf32> to vector<1000x256xbf16>
    %get3A_34 = arith.constant 0 : index
    %get3A_35 = arith.constant 0 : index
    %get3A_36 = vector.load %arg8[%get3A_34, %get3A_35] : memref<256x256xbf16, #tpu.memory_space<vmem>>, vector<256x256xbf16>
    %dot_general3A_37 = arith.constant dense<0.000000e+00> : vector<1000x256xf32>
    %dot_general3A_38 = tpu.matmul %convert_element_type3A_33, %get3A_36, %dot_general3A_37 {dimension_numbers = #tpu.dot_dimension_numbers<[1], [0], [0], [1], [0, 0, 1, 1], [], []>, transpose_lhs_hint = false} : vector<1000x256xbf16>, vector<256x256xbf16>, vector<1000x256xf32> -> vector<1000x256xf32>
    %get3A_39 = arith.constant 0 : index
    %get3A_40 = vector.load %arg9[%get3A_39] : memref<256xf32, #tpu.memory_space<vmem>>, vector<256xf32>
    %broadcast_in_dim3A_41 = vector.shape_cast %get3A_40 : vector<256xf32> to vector<1x256xf32>
    %add3A_42 = vector.broadcast %broadcast_in_dim3A_41 : vector<1x256xf32> to vector<1000x256xf32>
    %add3A_43 = arith.addf %dot_general3A_38, %add3A_42 : vector<1000x256xf32>
    %slice3A = vector.extract_strided_slice %add3A_43 {offsets = [0, 0], sizes = [1000, 128], strides = [1, 1]} : vector<1000x256xf32> to vector<1000x128xf32>
    %swap3A = arith.constant 0 : index
    %swap3A_44 = arith.constant 0 : index
    %swap3A_45 = vector.load %arg10[%swap3A, %swap3A_44] : memref<1000x128xf32, #tpu.memory_space<vmem>>, vector<1000x128xf32>
    tpu.vector_store %arg10[%swap3A, %swap3A_44], %slice3A {strides = array<i32>} : memref<1000x128xf32, #tpu.memory_space<vmem>>, vector<1000x128xf32>,
    %slice3A_46 = vector.extract_strided_slice %add3A_43 {offsets = [0, 128], sizes = [1000, 128], strides = [1, 1]} : vector<1000x256xf32> to vector<1000x128xf32>
    %swap3A_47 = arith.constant 0 : index
    %swap3A_48 = arith.constant 0 : index
    %swap3A_49 = vector.load %arg11[%swap3A_47, %swap3A_48] : memref<1000x128xf32, #tpu.memory_space<vmem>>, vector<1000x128xf32>
    tpu.vector_store %arg11[%swap3A_47, %swap3A_48], %slice3A_46 {strides = array<i32>} : memref<1000x128xf32, #tpu.memory_space<vmem>>, vector<1000x128xf32>,
    return
  }
  func.func @transform_0(%arg0: i32) -> (i32, i32) {
    %c0_i32 = arith.constant 0 : i32
    %c0_i32_0 = arith.constant 0 : i32
    return %arg0, %c0_i32 : i32, i32
  }
  func.func @transform_1(%arg0: i32) -> (i32, i32) {
    %c0_i32 = arith.constant 0 : i32
    %c0_i32_0 = arith.constant 0 : i32
    return %arg0, %c0_i32 : i32, i32
  }
  func.func @transform_2(%arg0: i32) -> (i32, i32) {
    %c0_i32 = arith.constant 0 : i32
    %c0_i32_0 = arith.constant 0 : i32
    return %arg0, %c0_i32 : i32, i32
  }
  func.func @transform_3(%arg0: i32) -> (i32, i32) {
    %c0_i32 = arith.constant 0 : i32
    %c0_i32_0 = arith.constant 0 : i32
    return %arg0, %c0_i32 : i32, i32
  }
  func.func @transform_4(%arg0: i32) -> (i32, i32) {
    %c0_i32 = arith.constant 0 : i32
    %c0_i32_0 = arith.constant 0 : i32
    %c0_i32_1 = arith.constant 0 : i32
    return %c0_i32, %c0_i32_0 : i32, i32
  }
  func.func @transform_5(%arg0: i32) -> (i32, i32) {
    %c0_i32 = arith.constant 0 : i32
    %c0_i32_0 = arith.constant 0 : i32
    %c0_i32_1 = arith.constant 0 : i32
    return %c0_i32, %c0_i32_0 : i32, i32
  }
  func.func @transform_6(%arg0: i32) -> i32 {
    %c0_i32 = arith.constant 0 : i32
    %c0_i32_0 = arith.constant 0 : i32
    return %c0_i32 : i32
  }
  func.func @transform_7(%arg0: i32) -> (i32, i32) {
    %c0_i32 = arith.constant 0 : i32
    %c0_i32_0 = arith.constant 0 : i32
    %c0_i32_1 = arith.constant 0 : i32
    return %c0_i32, %c0_i32_0 : i32, i32
  }
  func.func @transform_8(%arg0: i32) -> i32 {
    %c0_i32 = arith.constant 0 : i32
    %c0_i32_0 = arith.constant 0 : i32
    return %c0_i32 : i32
  }
  func.func @transform_9(%arg0: i32) -> (i32, i32) {
    %c0_i32 = arith.constant 0 : i32
    %c0_i32_0 = arith.constant 0 : i32
    return %arg0, %c0_i32 : i32, i32
  }
  func.func @transform_10(%arg0: i32) -> (i32, i32) {
    %c0_i32 = arith.constant 0 : i32
    %c0_i32_0 = arith.constant 0 : i32
    return %arg0, %c0_i32 : i32, i32
  }
}

module attributes {stable_mosaic.version = 14 : i64} {
  func.func @_pool_body(%arg0: i32, %arg1: memref<1000x128xf32, #tpu.memory_space<vmem>>, %arg2: memref<1000x128xf32, #tpu.memory_space<vmem>>, %arg3: memref<1x1x1000xi32, #tpu.memory_space<vmem>>, %arg4: memref<500x256xf32, #tpu.memory_space<vmem>>, %arg5: memref<500x256xf32, #tpu.memory_space<vmem>>) attributes {dimension_semantics = [#tpu.dimension_semantics<arbitrary>], iteration_bounds = array<i64: 10>, scalar_prefetch = 0 : i64, scratch_operands = 1 : i64, tpu.core_type = #tpu.core_type<tc>, window_params = [{transform_indices = @transform_0, window_bounds = array<i64: 1000, 128>}, {transform_indices = @transform_1, window_bounds = array<i64: 1000, 128>}, {transform_indices = @transform_2, window_bounds = array<i64: 1, 1, 1000>}, {pipeline_mode = #tpu.pipeline_mode<synchronous>, transform_indices = @transform_3, window_bounds = array<i64: 500, 256>}]} {
    %get3A = arith.constant 0 : index
    %get3A_0 = arith.constant 0 : index
    %get3A_1 = vector.load %arg1[%get3A, %get3A_0] : memref<1000x128xf32, #tpu.memory_space<vmem>>, vector<1000x128xf32>
    %get3A_2 = arith.constant 0 : index
    %get3A_3 = arith.constant 0 : index
    %get3A_4 = vector.load %arg2[%get3A_2, %get3A_3] : memref<1000x128xf32, #tpu.memory_space<vmem>>, vector<1000x128xf32>
    %concatenate3A = tpu.concatenate %get3A_1, %get3A_4 in 1 : vector<1000x128xf32>, vector<1000x128xf32> -> vector<1000x256xf32>
    %convert_element_type3A = arith.truncf %concatenate3A : vector<1000x256xf32> to vector<1000x256xbf16>
    %iota3A = tpu.iota {dimensions = array<i32: 0>} : vector<500x1000xi32>
    %get3A_5 = arith.constant 0 : index
    %get3A_6 = arith.constant 0 : index
    %get3A_7 = arith.constant 0 : index
    %get3A_8 = vector.load %arg3[%get3A_5, %get3A_6, %get3A_7] : memref<1x1x1000xi32, #tpu.memory_space<vmem>>, vector<1x1x1000xi32>
    %get3A_9 = vector.shape_cast %get3A_8 : vector<1x1x1000xi32> to vector<1x1000xi32>
    %eq3A = vector.broadcast %get3A_9 : vector<1x1000xi32> to vector<500x1000xi32>
    %eq3A_10 = arith.cmpi eq, %iota3A, %eq3A : vector<500x1000xi32>
    %convert_element_type3A_11 = arith.extui %eq3A_10 : vector<500x1000xi1> to vector<500x1000xi32>
    %convert_element_type3A_12 = arith.sitofp %convert_element_type3A_11 : vector<500x1000xi32> to vector<500x1000xf32>
    %convert_element_type3A_13 = arith.truncf %convert_element_type3A_12 : vector<500x1000xf32> to vector<500x1000xbf16>
    %dot_general3A = arith.constant dense<0.000000e+00> : vector<500x256xf32>
    %dot_general3A_14 = tpu.matmul %convert_element_type3A_13, %convert_element_type3A, %dot_general3A {dimension_numbers = #tpu.dot_dimension_numbers<[1], [0], [0], [1], [0, 0, 1, 1], [], []>, transpose_lhs_hint = false} : vector<500x1000xbf16>, vector<1000x256xbf16>, vector<500x256xf32> -> vector<500x256xf32>
    %eq3A_15 = arith.constant 0 : i32
    %eq3A_16 = arith.cmpi eq, %arg0, %eq3A_15 : i32
    %convert_element_type3A_17 = arith.extui %eq3A_16 : i1 to i32
    %cond3A = arith.constant 0 : i32
    %cond3A_18 = arith.cmpi ne, %convert_element_type3A_17, %cond3A : i32
    scf.if %cond3A_18 {
      %swap3A = arith.constant 0 : index
      %swap3A_28 = arith.constant 0 : index
      %swap3A_29 = vector.load %arg5[%swap3A, %swap3A_28] : memref<500x256xf32, #tpu.memory_space<vmem>>, vector<500x256xf32>
      tpu.vector_store %arg5[%swap3A, %swap3A_28], %dot_general3A_14 {strides = array<i32>} : memref<500x256xf32, #tpu.memory_space<vmem>>, vector<500x256xf32>,
    } else {
    }
    %gt3A = arith.constant 0 : i32
    %gt3A_19 = arith.cmpi sgt, %arg0, %gt3A : i32
    %convert_element_type3A_20 = arith.extui %gt3A_19 : i1 to i32
    %cond3A_21 = arith.constant 0 : i32
    %cond3A_22 = arith.cmpi ne, %convert_element_type3A_20, %cond3A_21 : i32
    scf.if %cond3A_22 {
      %get3A_28 = arith.constant 0 : index
      %get3A_29 = arith.constant 0 : index
      %get3A_30 = vector.load %arg5[%get3A_28, %get3A_29] : memref<500x256xf32, #tpu.memory_space<vmem>>, vector<500x256xf32>
      %add3A = arith.addf %get3A_30, %dot_general3A_14 : vector<500x256xf32>
      %swap3A = arith.constant 0 : index
      %swap3A_31 = arith.constant 0 : index
      %swap3A_32 = vector.load %arg5[%swap3A, %swap3A_31] : memref<500x256xf32, #tpu.memory_space<vmem>>, vector<500x256xf32>
      tpu.vector_store %arg5[%swap3A, %swap3A_31], %add3A {strides = array<i32>} : memref<500x256xf32, #tpu.memory_space<vmem>>, vector<500x256xf32>,
    } else {
    }
    %eq3A_23 = arith.constant 9 : i32
    %eq3A_24 = arith.cmpi eq, %arg0, %eq3A_23 : i32
    %convert_element_type3A_25 = arith.extui %eq3A_24 : i1 to i32
    %cond3A_26 = arith.constant 0 : i32
    %cond3A_27 = arith.cmpi ne, %convert_element_type3A_25, %cond3A_26 : i32
    scf.if %cond3A_27 {
      %get3A_28 = arith.constant 0 : index
      %get3A_29 = arith.constant 0 : index
      %get3A_30 = vector.load %arg5[%get3A_28, %get3A_29] : memref<500x256xf32, #tpu.memory_space<vmem>>, vector<500x256xf32>
      %swap3A = arith.constant 0 : index
      %swap3A_31 = arith.constant 0 : index
      %swap3A_32 = vector.load %arg4[%swap3A, %swap3A_31] : memref<500x256xf32, #tpu.memory_space<vmem>>, vector<500x256xf32>
      tpu.vector_store %arg4[%swap3A, %swap3A_31], %get3A_30 {strides = array<i32>} : memref<500x256xf32, #tpu.memory_space<vmem>>, vector<500x256xf32>,
    } else {
    }
    return
  }
  func.func @transform_0(%arg0: i32) -> (i32, i32) {
    %c0_i32 = arith.constant 0 : i32
    %c0_i32_0 = arith.constant 0 : i32
    return %arg0, %c0_i32 : i32, i32
  }
  func.func @transform_1(%arg0: i32) -> (i32, i32) {
    %c0_i32 = arith.constant 0 : i32
    %c0_i32_0 = arith.constant 0 : i32
    return %arg0, %c0_i32 : i32, i32
  }
  func.func @transform_2(%arg0: i32) -> (i32, i32, i32) {
    %c0_i32 = arith.constant 0 : i32
    %c0_i32_0 = arith.constant 0 : i32
    %c0_i32_1 = arith.constant 0 : i32
    return %arg0, %c0_i32, %c0_i32_0 : i32, i32, i32
  }
  func.func @transform_3(%arg0: i32) -> (i32, i32) {
    %c0_i32 = arith.constant 0 : i32
    %c0_i32_0 = arith.constant 0 : i32
    %c0_i32_1 = arith.constant 0 : i32
    return %c0_i32, %c0_i32_0 : i32, i32
  }
}

module attributes {stable_mosaic.version = 14 : i64} {
  func.func @_mlp2ph_body(%arg0: i32, %arg1: memref<1000x128xf32, #tpu.memory_space<vmem>>, %arg2: memref<1000x128xf32, #tpu.memory_space<vmem>>, %arg3: memref<1000x128xf32, #tpu.memory_space<vmem>>, %arg4: memref<1000x128xf32, #tpu.memory_space<vmem>>, %arg5: memref<1x1xf32, #tpu.memory_space<vmem>>, %arg6: memref<256x256xbf16, #tpu.memory_space<vmem>>, %arg7: memref<256xf32, #tpu.memory_space<vmem>>, %arg8: memref<256x256xbf16, #tpu.memory_space<vmem>>, %arg9: memref<256xf32, #tpu.memory_space<vmem>>, %arg10: memref<1x1x1000xi32, #tpu.memory_space<vmem>>, %arg11: memref<500x256xf32, #tpu.memory_space<vmem>>, %arg12: memref<500x256xf32, #tpu.memory_space<vmem>>, %arg13: memref<1x1x500xi32, #tpu.memory_space<vmem>>, %arg14: memref<768x256xf32, #tpu.memory_space<vmem>>, %arg15: memref<256xf32, #tpu.memory_space<vmem>>, %arg16: memref<256x256xf32, #tpu.memory_space<vmem>>, %arg17: memref<256xf32, #tpu.memory_space<vmem>>, %arg18: memref<32x256xf32, #tpu.memory_space<vmem>>, %arg19: memref<500x256xf32, #tpu.memory_space<vmem>>) attributes {dimension_semantics = [#tpu.dimension_semantics<arbitrary>], iteration_bounds = array<i64: 10>, scalar_prefetch = 0 : i64, scratch_operands = 1 : i64, tpu.core_type = #tpu.core_type<tc>, window_params = [{transform_indices = @transform_0, window_bounds = array<i64: 1000, 128>}, {transform_indices = @transform_1, window_bounds = array<i64: 1000, 128>}, {transform_indices = @transform_2, window_bounds = array<i64: 1000, 128>}, {transform_indices = @transform_3, window_bounds = array<i64: 1000, 128>}, {pipeline_mode = #tpu.pipeline_mode<synchronous>, transform_indices = @transform_4, window_bounds = array<i64: 1, 1>}, {pipeline_mode = #tpu.pipeline_mode<synchronous>, transform_indices = @transform_5, window_bounds = array<i64: 256, 256>}, {pipeline_mode = #tpu.pipeline_mode<synchronous>, transform_indices = @transform_6, window_bounds = array<i64: 256>}, {pipeline_mode = #tpu.pipeline_mode<synchronous>, transform_indices = @transform_7, window_bounds = array<i64: 256, 256>}, {pipeline_mode = #tpu.pipeline_mode<synchronous>, transform_indices = @transform_8, window_bounds = array<i64: 256>}, {transform_indices = @transform_9, window_bounds = array<i64: 1, 1, 1000>}, {pipeline_mode = #tpu.pipeline_mode<synchronous>, transform_indices = @transform_10, window_bounds = array<i64: 500, 256>}, {pipeline_mode = #tpu.pipeline_mode<synchronous>, transform_indices = @transform_11, window_bounds = array<i64: 500, 256>}, {pipeline_mode = #tpu.pipeline_mode<synchronous>, transform_indices = @transform_12, window_bounds = array<i64: 1, 1, 500>}, {pipeline_mode = #tpu.pipeline_mode<synchronous>, transform_indices = @transform_13, window_bounds = array<i64: 768, 256>}, {pipeline_mode = #tpu.pipeline_mode<synchronous>, transform_indices = @transform_14, window_bounds = array<i64: 256>}, {pipeline_mode = #tpu.pipeline_mode<synchronous>, transform_indices = @transform_15, window_bounds = array<i64: 256, 256>}, {pipeline_mode = #tpu.pipeline_mode<synchronous>, transform_indices = @transform_16, window_bounds = array<i64: 256>}, {pipeline_mode = #tpu.pipeline_mode<synchronous>, transform_indices = @transform_17, window_bounds = array<i64: 32, 256>}]} {
    %get3A = arith.constant 0 : index
    %get3A_0 = arith.constant 0 : index
    %get3A_1 = vector.load %arg5[%get3A, %get3A_0] : memref<1x1xf32, #tpu.memory_space<vmem>>, vector<1x1xf32>
    %get3A_2 = vector.extract %get3A_1[0, 0] : f32 from vector<1x1xf32>
    %get3A_3 = arith.constant 0 : index
    %get3A_4 = arith.constant 0 : index
    %get3A_5 = vector.load %arg1[%get3A_3, %get3A_4] : memref<1000x128xf32, #tpu.memory_space<vmem>>, vector<1000x128xf32>
    %mul3A = vector.broadcast %get3A_2 : f32 to vector<1000x128xf32>
    %mul3A_6 = arith.mulf %mul3A, %get3A_5 : vector<1000x128xf32>
    %get3A_7 = arith.constant 0 : index
    %get3A_8 = arith.constant 0 : index
    %get3A_9 = vector.load %arg3[%get3A_7, %get3A_8] : memref<1000x128xf32, #tpu.memory_space<vmem>>, vector<1000x128xf32>
    %add3A = arith.addf %mul3A_6, %get3A_9 : vector<1000x128xf32>
    %get3A_10 = arith.constant 0 : index
    %get3A_11 = arith.constant 0 : index
    %get3A_12 = vector.load %arg5[%get3A_10, %get3A_11] : memref<1x1xf32, #tpu.memory_space<vmem>>, vector<1x1xf32>
    %get3A_13 = vector.extract %get3A_12[0, 0] : f32 from vector<1x1xf32>
    %get3A_14 = arith.constant 0 : index
    %get3A_15 = arith.constant 0 : index
    %get3A_16 = vector.load %arg2[%get3A_14, %get3A_15] : memref<1000x128xf32, #tpu.memory_space<vmem>>, vector<1000x128xf32>
    %mul3A_17 = vector.broadcast %get3A_13 : f32 to vector<1000x128xf32>
    %mul3A_18 = arith.mulf %mul3A_17, %get3A_16 : vector<1000x128xf32>
    %get3A_19 = arith.constant 0 : index
    %get3A_20 = arith.constant 0 : index
    %get3A_21 = vector.load %arg4[%get3A_19, %get3A_20] : memref<1000x128xf32, #tpu.memory_space<vmem>>, vector<1000x128xf32>
    %add3A_22 = arith.addf %mul3A_18, %get3A_21 : vector<1000x128xf32>
    %concatenate3A = tpu.concatenate %add3A, %add3A_22 in 1 : vector<1000x128xf32>, vector<1000x128xf32> -> vector<1000x256xf32>
    %convert_element_type3A = arith.truncf %concatenate3A : vector<1000x256xf32> to vector<1000x256xbf16>
    %get3A_23 = arith.constant 0 : index
    %get3A_24 = arith.constant 0 : index
    %get3A_25 = vector.load %arg6[%get3A_23, %get3A_24] : memref<256x256xbf16, #tpu.memory_space<vmem>>, vector<256x256xbf16>
    %dot_general3A = arith.constant dense<0.000000e+00> : vector<1000x256xf32>
    %dot_general3A_26 = tpu.matmul %convert_element_type3A, %get3A_25, %dot_general3A {dimension_numbers = #tpu.dot_dimension_numbers<[1], [0], [0], [1], [0, 0, 1, 1], [], []>, transpose_lhs_hint = false} : vector<1000x256xbf16>, vector<256x256xbf16>, vector<1000x256xf32> -> vector<1000x256xf32>
    %get3A_27 = arith.constant 0 : index
    %get3A_28 = vector.load %arg7[%get3A_27] : memref<256xf32, #tpu.memory_space<vmem>>, vector<256xf32>
    %broadcast_in_dim3A = vector.shape_cast %get3A_28 : vector<256xf32> to vector<1x256xf32>
    %add3A_29 = vector.broadcast %broadcast_in_dim3A : vector<1x256xf32> to vector<1000x256xf32>
    %add3A_30 = arith.addf %dot_general3A_26, %add3A_29 : vector<1000x256xf32>
    %max3A = arith.constant 0.000000e+00 : f32
    %max3A_31 = vector.broadcast %max3A : f32 to vector<1000x256xf32>
    %max3A_32 = arith.maximumf %add3A_30, %max3A_31 : vector<1000x256xf32>
    %convert_element_type3A_33 = arith.truncf %max3A_32 : vector<1000x256xf32> to vector<1000x256xbf16>
    %get3A_34 = arith.constant 0 : index
    %get3A_35 = arith.constant 0 : index
    %get3A_36 = vector.load %arg8[%get3A_34, %get3A_35] : memref<256x256xbf16, #tpu.memory_space<vmem>>, vector<256x256xbf16>
    %dot_general3A_37 = arith.constant dense<0.000000e+00> : vector<1000x256xf32>
    %dot_general3A_38 = tpu.matmul %convert_element_type3A_33, %get3A_36, %dot_general3A_37 {dimension_numbers = #tpu.dot_dimension_numbers<[1], [0], [0], [1], [0, 0, 1, 1], [], []>, transpose_lhs_hint = false} : vector<1000x256xbf16>, vector<256x256xbf16>, vector<1000x256xf32> -> vector<1000x256xf32>
    %get3A_39 = arith.constant 0 : index
    %get3A_40 = vector.load %arg9[%get3A_39] : memref<256xf32, #tpu.memory_space<vmem>>, vector<256xf32>
    %broadcast_in_dim3A_41 = vector.shape_cast %get3A_40 : vector<256xf32> to vector<1x256xf32>
    %add3A_42 = vector.broadcast %broadcast_in_dim3A_41 : vector<1x256xf32> to vector<1000x256xf32>
    %add3A_43 = arith.addf %dot_general3A_38, %add3A_42 : vector<1000x256xf32>
    %iota3A = tpu.iota {dimensions = array<i32: 0>} : vector<500x1000xi32>
    %get3A_44 = arith.constant 0 : index
    %get3A_45 = arith.constant 0 : index
    %get3A_46 = arith.constant 0 : index
    %get3A_47 = vector.load %arg10[%get3A_44, %get3A_45, %get3A_46] : memref<1x1x1000xi32, #tpu.memory_space<vmem>>, vector<1x1x1000xi32>
    %get3A_48 = vector.shape_cast %get3A_47 : vector<1x1x1000xi32> to vector<1x1000xi32>
    %eq3A = vector.broadcast %get3A_48 : vector<1x1000xi32> to vector<500x1000xi32>
    %eq3A_49 = arith.cmpi eq, %iota3A, %eq3A : vector<500x1000xi32>
    %convert_element_type3A_50 = arith.extui %eq3A_49 : vector<500x1000xi1> to vector<500x1000xi32>
    %convert_element_type3A_51 = arith.sitofp %convert_element_type3A_50 : vector<500x1000xi32> to vector<500x1000xf32>
    %convert_element_type3A_52 = arith.truncf %convert_element_type3A_51 : vector<500x1000xf32> to vector<500x1000xbf16>
    %convert_element_type3A_53 = arith.truncf %add3A_43 : vector<1000x256xf32> to vector<1000x256xbf16>
    %dot_general3A_54 = arith.constant dense<0.000000e+00> : vector<500x256xf32>
    %dot_general3A_55 = tpu.matmul %convert_element_type3A_52, %convert_element_type3A_53, %dot_general3A_54 {dimension_numbers = #tpu.dot_dimension_numbers<[1], [0], [0], [1], [0, 0, 1, 1], [], []>, transpose_lhs_hint = false} : vector<500x1000xbf16>, vector<1000x256xbf16>, vector<500x256xf32> -> vector<500x256xf32>
    %eq3A_56 = arith.constant 0 : i32
    %eq3A_57 = arith.cmpi eq, %arg0, %eq3A_56 : i32
    %convert_element_type3A_58 = arith.extui %eq3A_57 : i1 to i32
    %cond3A = arith.constant 0 : i32
    %cond3A_59 = arith.cmpi ne, %convert_element_type3A_58, %cond3A : i32
    scf.if %cond3A_59 {
      %swap3A = arith.constant 0 : index
      %swap3A_69 = arith.constant 0 : index
      %swap3A_70 = vector.load %arg19[%swap3A, %swap3A_69] : memref<500x256xf32, #tpu.memory_space<vmem>>, vector<500x256xf32>
      tpu.vector_store %arg19[%swap3A, %swap3A_69], %dot_general3A_55 {strides = array<i32>} : memref<500x256xf32, #tpu.memory_space<vmem>>, vector<500x256xf32>,
    } else {
    }
    %gt3A = arith.constant 0 : i32
    %gt3A_60 = arith.cmpi sgt, %arg0, %gt3A : i32
    %convert_element_type3A_61 = arith.extui %gt3A_60 : i1 to i32
    %cond3A_62 = arith.constant 0 : i32
    %cond3A_63 = arith.cmpi ne, %convert_element_type3A_61, %cond3A_62 : i32
    scf.if %cond3A_63 {
      %get3A_69 = arith.constant 0 : index
      %get3A_70 = arith.constant 0 : index
      %get3A_71 = vector.load %arg19[%get3A_69, %get3A_70] : memref<500x256xf32, #tpu.memory_space<vmem>>, vector<500x256xf32>
      %add3A_72 = arith.addf %get3A_71, %dot_general3A_55 : vector<500x256xf32>
      %swap3A = arith.constant 0 : index
      %swap3A_73 = arith.constant 0 : index
      %swap3A_74 = vector.load %arg19[%swap3A, %swap3A_73] : memref<500x256xf32, #tpu.memory_space<vmem>>, vector<500x256xf32>
      tpu.vector_store %arg19[%swap3A, %swap3A_73], %add3A_72 {strides = array<i32>} : memref<500x256xf32, #tpu.memory_space<vmem>>, vector<500x256xf32>,
    } else {
    }
    %eq3A_64 = arith.constant 9 : i32
    %eq3A_65 = arith.cmpi eq, %arg0, %eq3A_64 : i32
    %convert_element_type3A_66 = arith.extui %eq3A_65 : i1 to i32
    %cond3A_67 = arith.constant 0 : i32
    %cond3A_68 = arith.cmpi ne, %convert_element_type3A_66, %cond3A_67 : i32
    scf.if %cond3A_68 {
      %get3A_69 = arith.constant 0 : index
      %get3A_70 = arith.constant 0 : index
      %get3A_71 = vector.load %arg11[%get3A_69, %get3A_70] : memref<500x256xf32, #tpu.memory_space<vmem>>, vector<500x256xf32>
      %get3A_72 = arith.constant 0 : index
      %get3A_73 = arith.constant 0 : index
      %get3A_74 = vector.load %arg12[%get3A_72, %get3A_73] : memref<500x256xf32, #tpu.memory_space<vmem>>, vector<500x256xf32>
      %get3A_75 = arith.constant 0 : index
      %get3A_76 = arith.constant 0 : index
      %get3A_77 = vector.load %arg19[%get3A_75, %get3A_76] : memref<500x256xf32, #tpu.memory_space<vmem>>, vector<500x256xf32>
      %concatenate3A_78 = tpu.concatenate %get3A_71, %get3A_74, %get3A_77 in 1 : vector<500x256xf32>, vector<500x256xf32>, vector<500x256xf32> -> vector<500x768xf32>
      %iota3A_79 = tpu.iota {dimensions = array<i32: 0>} : vector<32x500xi32>
      %get3A_80 = arith.constant 0 : index
      %get3A_81 = arith.constant 0 : index
      %get3A_82 = arith.constant 0 : index
      %get3A_83 = vector.load %arg13[%get3A_80, %get3A_81, %get3A_82] : memref<1x1x500xi32, #tpu.memory_space<vmem>>, vector<1x1x500xi32>
      %get3A_84 = vector.shape_cast %get3A_83 : vector<1x1x500xi32> to vector<500xi32>
      %broadcast_in_dim3A_85 = vector.shape_cast %get3A_84 : vector<500xi32> to vector<1x500xi32>
      %eq3A_86 = vector.broadcast %broadcast_in_dim3A_85 : vector<1x500xi32> to vector<32x500xi32>
      %eq3A_87 = arith.cmpi eq, %iota3A_79, %eq3A_86 : vector<32x500xi32>
      %convert_element_type3A_88 = arith.extui %eq3A_87 : vector<32x500xi1> to vector<32x500xi32>
      %convert_element_type3A_89 = arith.sitofp %convert_element_type3A_88 : vector<32x500xi32> to vector<32x500xf32>
      %dot_general3A_90 = arith.constant dense<0.000000e+00> : vector<32x768xf32>
      %dot_general3A_91 = tpu.matmul %convert_element_type3A_89, %concatenate3A_78, %dot_general3A_90 {dimension_numbers = #tpu.dot_dimension_numbers<[1], [0], [0], [1], [0, 0, 1, 1], [], []>, transpose_lhs_hint = false} : vector<32x500xf32>, vector<500x768xf32>, vector<32x768xf32> -> vector<32x768xf32>
      %get3A_92 = arith.constant 0 : index
      %get3A_93 = arith.constant 0 : index
      %get3A_94 = vector.load %arg14[%get3A_92, %get3A_93] : memref<768x256xf32, #tpu.memory_space<vmem>>, vector<768x256xf32>
      %dot_general3A_95 = arith.constant dense<0.000000e+00> : vector<32x256xf32>
      %dot_general3A_96 = tpu.matmul %dot_general3A_91, %get3A_94, %dot_general3A_95 {dimension_numbers = #tpu.dot_dimension_numbers<[1], [0], [0], [1], [0, 0, 1, 1], [], []>, transpose_lhs_hint = false} : vector<32x768xf32>, vector<768x256xf32>, vector<32x256xf32> -> vector<32x256xf32>
      %get3A_97 = arith.constant 0 : index
      %get3A_98 = vector.load %arg15[%get3A_97] : memref<256xf32, #tpu.memory_space<vmem>>, vector<256xf32>
      %broadcast_in_dim3A_99 = vector.shape_cast %get3A_98 : vector<256xf32> to vector<1x256xf32>
      %add3A_100 = vector.broadcast %broadcast_in_dim3A_99 : vector<1x256xf32> to vector<32x256xf32>
      %add3A_101 = arith.addf %dot_general3A_96, %add3A_100 : vector<32x256xf32>
      %max3A_102 = arith.constant 0.000000e+00 : f32
      %max3A_103 = vector.broadcast %max3A_102 : f32 to vector<32x256xf32>
      %max3A_104 = arith.maximumf %add3A_101, %max3A_103 : vector<32x256xf32>
      %get3A_105 = arith.constant 0 : index
      %get3A_106 = arith.constant 0 : index
      %get3A_107 = vector.load %arg16[%get3A_105, %get3A_106] : memref<256x256xf32, #tpu.memory_space<vmem>>, vector<256x256xf32>
      %dot_general3A_108 = arith.constant dense<0.000000e+00> : vector<32x256xf32>
      %dot_general3A_109 = tpu.matmul %max3A_104, %get3A_107, %dot_general3A_108 {dimension_numbers = #tpu.dot_dimension_numbers<[1], [0], [0], [1], [0, 0, 1, 1], [], []>, transpose_lhs_hint = false} : vector<32x256xf32>, vector<256x256xf32>, vector<32x256xf32> -> vector<32x256xf32>
      %get3A_110 = arith.constant 0 : index
      %get3A_111 = vector.load %arg17[%get3A_110] : memref<256xf32, #tpu.memory_space<vmem>>, vector<256xf32>
      %broadcast_in_dim3A_112 = vector.shape_cast %get3A_111 : vector<256xf32> to vector<1x256xf32>
      %add3A_113 = vector.broadcast %broadcast_in_dim3A_112 : vector<1x256xf32> to vector<32x256xf32>
      %add3A_114 = arith.addf %dot_general3A_109, %add3A_113 : vector<32x256xf32>
      %reduce_max3A = arith.constant dense<0xFF800000> : vector<32xf32>
      %reduce_max3A_115 = vector.multi_reduction <maximumf>, %add3A_114, %reduce_max3A [1] : vector<32x256xf32> to vector<32xf32>
      %broadcast_in_dim3A_116 = vector.shape_cast %reduce_max3A_115 : vector<32xf32> to vector<32x1xf32>
      %sub3A = vector.broadcast %broadcast_in_dim3A_116 : vector<32x1xf32> to vector<32x256xf32>
      %sub3A_117 = arith.subf %add3A_114, %sub3A : vector<32x256xf32>
      %exp3A = math.exp %sub3A_117 : vector<32x256xf32>
      %reduce_sum3A = arith.constant dense<0.000000e+00> : vector<32xf32>
      %reduce_sum3A_118 = vector.multi_reduction <add>, %exp3A, %reduce_sum3A [1] : vector<32x256xf32> to vector<32xf32>
      %broadcast_in_dim3A_119 = vector.shape_cast %reduce_sum3A_118 : vector<32xf32> to vector<32x1xf32>
      %log3A = math.log %broadcast_in_dim3A_119 : vector<32x1xf32>
      %add3A_120 = arith.addf %log3A, %broadcast_in_dim3A_116 : vector<32x1xf32>
      %sub3A_121 = vector.broadcast %add3A_120 : vector<32x1xf32> to vector<32x256xf32>
      %sub3A_122 = arith.subf %add3A_114, %sub3A_121 : vector<32x256xf32>
      %swap3A = arith.constant 0 : index
      %swap3A_123 = arith.constant 0 : index
      %swap3A_124 = vector.load %arg18[%swap3A, %swap3A_123] : memref<32x256xf32, #tpu.memory_space<vmem>>, vector<32x256xf32>
      tpu.vector_store %arg18[%swap3A, %swap3A_123], %sub3A_122 {strides = array<i32>} : memref<32x256xf32, #tpu.memory_space<vmem>>, vector<32x256xf32>,
    } else {
    }
    return
  }
  func.func @transform_0(%arg0: i32) -> (i32, i32) {
    %c0_i32 = arith.constant 0 : i32
    %c0_i32_0 = arith.constant 0 : i32
    return %arg0, %c0_i32 : i32, i32
  }
  func.func @transform_1(%arg0: i32) -> (i32, i32) {
    %c0_i32 = arith.constant 0 : i32
    %c0_i32_0 = arith.constant 0 : i32
    return %arg0, %c0_i32 : i32, i32
  }
  func.func @transform_2(%arg0: i32) -> (i32, i32) {
    %c0_i32 = arith.constant 0 : i32
    %c0_i32_0 = arith.constant 0 : i32
    return %arg0, %c0_i32 : i32, i32
  }
  func.func @transform_3(%arg0: i32) -> (i32, i32) {
    %c0_i32 = arith.constant 0 : i32
    %c0_i32_0 = arith.constant 0 : i32
    return %arg0, %c0_i32 : i32, i32
  }
  func.func @transform_4(%arg0: i32) -> (i32, i32) {
    %c0_i32 = arith.constant 0 : i32
    %c0_i32_0 = arith.constant 0 : i32
    %c0_i32_1 = arith.constant 0 : i32
    return %c0_i32, %c0_i32_0 : i32, i32
  }
  func.func @transform_5(%arg0: i32) -> (i32, i32) {
    %c0_i32 = arith.constant 0 : i32
    %c0_i32_0 = arith.constant 0 : i32
    %c0_i32_1 = arith.constant 0 : i32
    return %c0_i32, %c0_i32_0 : i32, i32
  }
  func.func @transform_6(%arg0: i32) -> i32 {
    %c0_i32 = arith.constant 0 : i32
    %c0_i32_0 = arith.constant 0 : i32
    return %c0_i32 : i32
  }
  func.func @transform_7(%arg0: i32) -> (i32, i32) {
    %c0_i32 = arith.constant 0 : i32
    %c0_i32_0 = arith.constant 0 : i32
    %c0_i32_1 = arith.constant 0 : i32
    return %c0_i32, %c0_i32_0 : i32, i32
  }
  func.func @transform_8(%arg0: i32) -> i32 {
    %c0_i32 = arith.constant 0 : i32
    %c0_i32_0 = arith.constant 0 : i32
    return %c0_i32 : i32
  }
  func.func @transform_9(%arg0: i32) -> (i32, i32, i32) {
    %c0_i32 = arith.constant 0 : i32
    %c0_i32_0 = arith.constant 0 : i32
    %c0_i32_1 = arith.constant 0 : i32
    return %arg0, %c0_i32, %c0_i32_0 : i32, i32, i32
  }
  func.func @transform_10(%arg0: i32) -> (i32, i32) {
    %c0_i32 = arith.constant 0 : i32
    %c0_i32_0 = arith.constant 0 : i32
    %c0_i32_1 = arith.constant 0 : i32
    return %c0_i32, %c0_i32_0 : i32, i32
  }
  func.func @transform_11(%arg0: i32) -> (i32, i32) {
    %c0_i32 = arith.constant 0 : i32
    %c0_i32_0 = arith.constant 0 : i32
    %c0_i32_1 = arith.constant 0 : i32
    return %c0_i32, %c0_i32_0 : i32, i32
  }
  func.func @transform_12(%arg0: i32) -> (i32, i32, i32) {
    %c0_i32 = arith.constant 0 : i32
    %c0_i32_0 = arith.constant 0 : i32
    %c0_i32_1 = arith.constant 0 : i32
    %c0_i32_2 = arith.constant 0 : i32
    return %c0_i32, %c0_i32_0, %c0_i32_1 : i32, i32, i32
  }
  func.func @transform_13(%arg0: i32) -> (i32, i32) {
    %c0_i32 = arith.constant 0 : i32
    %c0_i32_0 = arith.constant 0 : i32
    %c0_i32_1 = arith.constant 0 : i32
    return %c0_i32, %c0_i32_0 : i32, i32
  }
  func.func @transform_14(%arg0: i32) -> i32 {
    %c0_i32 = arith.constant 0 : i32
    %c0_i32_0 = arith.constant 0 : i32
    return %c0_i32 : i32
  }
  func.func @transform_15(%arg0: i32) -> (i32, i32) {
    %c0_i32 = arith.constant 0 : i32
    %c0_i32_0 = arith.constant 0 : i32
    %c0_i32_1 = arith.constant 0 : i32
    return %c0_i32, %c0_i32_0 : i32, i32
  }
  func.func @transform_16(%arg0: i32) -> i32 {
    %c0_i32 = arith.constant 0 : i32
    %c0_i32_0 = arith.constant 0 : i32
    return %c0_i32 : i32
  }
  func.func @transform_17(%arg0: i32) -> (i32, i32) {
    %c0_i32 = arith.constant 0 : i32
    %c0_i32_0 = arith.constant 0 : i32
    %c0_i32_1 = arith.constant 0 : i32
    return %c0_i32, %c0_i32_0 : i32, i32
  }
}

</mosaic_0001>

<sc_bundles>
// kernel: kernel.10.cloned.1.call-start
scs
__scs_entry_jumppad:
0x0: {  	(pc) =	sbr.rel $0x88, $3  }
0x1: {  	(tag) =	ssettag $0x0;
	lr =	simm.s32 $0x1  }
0x2: {  	[smem:$0x3F8A] =	sst lr;
	_ =	strace $0xD0000000  }
0x3: {  	_ = 	snop  }
0x4: {  	_ = 	snop  }
0x5: {  	_ = 	snop  }
0x6: {  	_ = 	snop  }
0x7: {  	_ = 	snop  }
__scs_overlays_trampoline_lowered:
0x8: {  	[smem:$0x3F99] =	sst s0  }
0x9: {  	[smem:$0x3F9A] =	sst s1  }
0xa: {  	[smem:$0x3F9B] =	sst s2  }
0xb: {  	[smem:$0x3F9C] =	sst s3  }
0xc: {  	[smem:$0x3F9D] =	sst s4  }
0xd: {  	[smem:$0x3F9E] =	sst s5  }
0xe: {  	[smem:$0x3F9F] =	sst s6  }
0xf: {  	[smem:$0x3FA0] =	sst s7  }
0x10: {  	[smem:$0x3FA1] =	sst s8  }
0x11: {  	[smem:$0x3FA2] =	sst s9;
	s0 =	simm.s32 @!p0 $0x0  }
0x12: {  	s1 =	sld [smem:$0x3F88];
	s0 =	simm.s32 @p0 $0x1  }
0x13: {  	[smem:$0x3FA3] =	sst s0;
	s0 =	simm.s32 @!p1 $0x0  }
0x14: {  	s2 =	sld [smem:$0x3F87];
	s0 =	simm.s32 @p1 $0x1  }
0x15: {  	[smem:$0x3FA4] =	sst s0;
	s0 =	simm.s32 @!p2 $0x0  }
0x16: {  	s3 =	sld [smem:$0x3FDB];
	s0 =	simm.s32 @p2 $0x1  }
0x17: {  	s4 =	simm.s32 $0x1BF5;
	[smem:$0x3FA6] =	sst s0  }
0x18: {  	s0 =	sld [smem:$0x3F89];
	_ =	swait.ge [sflag:s4], $0x0  }
0x19: {  	s7 =	sld [smem:$0x3F8A]  }
0x1a: {  	s8 =	sadd.s32 $0xFFFFE003, lr  }
0x1b: {  	s9 =	sadd.s32 $0xFFFFFEF7, lr;
	s5 =	simm.s32 $0xFFFFFFFF;
	p2 =	slt.u32 s8, $0xFFFFF086  }
0x1c: {  	p1 =	slt.u32 s9, $0xF7A;
	s5 =	simm.s32 @!p2 $0x0  }
0x1d: {  	s5 =	simm.s32 @p1 $0x1;
	p0 =	seq.s32 s7, s2  }
0x1e: {  	s7 =	smul.u32 @!p0 $0xF7A, s2;
	p2 =	seq.s32 @!p0 s5, $0x0  }
0x1f: {  	s9 =	smul.u32 $0xF7A, s1;
	s8 =	simm.s32 @!p0 $0x1BF5;
	p2 =	por !p2, p0  }
0x20: {  	[sflag:s8] =	ssyncset.s32 @!p0 $0xFFFFF086;
	s6 =	sadd.s32 @!p0 s3, s7;
	s7 =	simm.s32 @!p0 $0x108  }
0x21: {  	s3 =	sadd.s32 s3, s9;
	s6 =	sadd.s32 @!p0 $0x88, s6;
	s7 =	simm.s32 @p2 $0x1082  }
0x22: {  	[simem:s7], [sflag:s8] =	dma.local @!p0 [hbm:s6], $0xF7A  }
0x23: {  	s9 =	sor.u32 $0xD0000000, s2;
	s6 =	simm.s32 $0x108;
	_ =	swait.ge @!p0 [sflag:s8], $0x0  }
0x24: {  	s3 =	sadd.s32 $0x88, s3;
	s6 =	simm.s32 @!p1 $0x1082;
	[sflag:s4] =	ssyncset.s32 $0xFFFFF086  }
0x25: {  	[simem:s6], [sflag:s4] =	dma.local [hbm:s3], $0xF7A  }
0x26: {  	[smem:$0x3F8A] =	sst s1;
	(tag) =	ssettag s2;
	_ =	strace s9  }
0x27: {  	s1 =	sld [smem:$0x3F9A]  }
0x28: {  	s2 =	sld [smem:$0x3F9B]  }
0x29: {  	s4 =	sld [smem:$0x3F9D]  }
0x2a: {  	p0 =	seq.s32 s5, $0x0;
	s5 =	sld [smem:$0x3F9E]  }
0x2b: {  	s6 =	sld [smem:$0x3F9F]  }
0x2c: {  	s7 =	sld [smem:$0x3FA0]  }
0x2d: {  	s3 =	simm.s32 $0x108;
	s8 =	sld [smem:$0x3FA1]  }
0x2e: {  	s3 =	simm.s32 @!p0 $0x1082;
	s9 =	sld [smem:$0x3FA2]  }
0x2f: {  	lr =	sadd.s32 s0, s3;
	s0 =	sld [smem:$0x3F99]  }
0x30: {  	s3 =	sld [smem:$0x3F9C]  }
0x31: {  	[smem:$0x3FA5] =	sst s10  }
0x32: {  	s10 =	sld [smem:$0x3FA3];
	_ =	sdelay $0x3  }
0x33: {  	p0 =	seq.s32 s10, $0x1;
	s10 =	sld [smem:$0x3FA5];
	_ =	sdelay $0x3  }
0x34: {  	[smem:$0x3FA5] =	sst s10  }
0x35: {  	s10 =	sld [smem:$0x3FA4];
	_ =	sdelay $0x3  }
0x36: {  	p1 =	seq.s32 s10, $0x1;
	s10 =	sld [smem:$0x3FA5];
	_ =	sdelay $0x3  }
0x37: {  	[smem:$0x3FA5] =	sst s10  }
0x38: {  	s10 =	sld [smem:$0x3FA6]  }
0x39: {  	_ = 	snop;
	(pc) =	sbr.ind lr, $3  }
0x3a: {  	_ = 	snop  }
0x3b: {  	_ = 	snop  }
0x3c: {  	p2 =	seq.s32 s10, $0x1;
	s10 =	sld [smem:$0x3FA5]  }
0x3d: {  	_ =	shalt  }
0x3e: {  	_ =	shalt  }
0x3f: {  	_ =	shalt  }
0x40: {  	_ =	shalt  }
0x41: {  	_ =	shalt  }
0x42: {  	_ =	shalt  }
0x43: {  	_ =	shalt  }
0x44: {  	_ =	shalt  }
0x45: {  	_ =	shalt  }
0x46: {  	_ =	shalt  }
0x47: {  	_ =	shalt  }
0x48: {  	_ =	shalt  }
0x49: {  	_ =	shalt  }
0x4a: {  	_ =	shalt  }
0x4b: {  	_ =	shalt  }
0x4c: {  	_ =	shalt  }
0x4d: {  	_ =	shalt  }
0x4e: {  	_ =	shalt  }
0x4f: {  	_ =	shalt  }
0x50: {  	_ =	shalt  }
0x51: {  	_ =	shalt  }
0x52: {  	_ =	shalt  }
0x53: {  	_ =	shalt  }
0x54: {  	_ =	shalt  }
0x55: {  	_ =	shalt  }
0x56: {  	_ =	shalt  }
0x57: {  	_ =	shalt  }
0x58: {  	_ =	shalt  }
0x59: {  	_ =	shalt  }
0x5a: {  	_ =	shalt  }
0x5b: {  	_ =	shalt  }
0x5c: {  	_ =	shalt  }
0x5d: {  	_ =	shalt  }
0x5e: {  	_ =	shalt  }
0x5f: {  	_ =	shalt  }
0x60: {  	_ =	shalt  }
0x61: {  	_ =	shalt  }
0x62: {  	_ =	shalt  }
0x63: {  	_ =	shalt  }
0x64: {  	_ =	shalt  }
0x65: {  	_ =	shalt  }
0x66: {  	_ =	shalt  }
0x67: {  	_ =	shalt  }
0x68: {  	_ =	shalt  }
0x69: {  	_ =	shalt  }
0x6a: {  	_ =	shalt  }
0x6b: {  	_ =	shalt  }
0x6c: {  	_ =	shalt  }
0x6d: {  	_ =	shalt  }
0x6e: {  	_ =	shalt  }
0x6f: {  	_ =	shalt  }
0x70: {  	_ =	shalt  }
0x71: {  	_ =	shalt  }
0x72: {  	_ =	shalt  }
0x73: {  	_ =	shalt  }
0x74: {  	_ =	shalt  }
0x75: {  	_ =	shalt  }
0x76: {  	_ =	shalt  }
0x77: {  	_ =	shalt  }
0x78: {  	_ =	shalt  }
0x79: {  	_ =	shalt  }
0x7a: {  	_ =	shalt  }
0x7b: {  	_ =	shalt  }
0x7c: {  	_ =	shalt  }
0x7d: {  	_ =	shalt  }
0x7e: {  	_ =	shalt  }
0x7f: {  	_ =	shalt  }
0x80: {  	_ =	shalt  }
0x81: {  	_ =	shalt  }
0x82: {  	_ =	shalt  }
0x83: {  	_ =	shalt  }
0x84: {  	_ =	shalt  }
0x85: {  	_ =	shalt  }
0x86: {  	_ =	shalt  }
0x87: {  	_ =	shalt  }
.Lfunc_end0:
.L_simem_size_0:
called_computation_lowered:
.L_overlay_start_0:
0x88: {  	s2 =	sld [smem:$0x3FD9]  }
0x89: {  	s3 =	sld [smem:$0x3FFE];
	_ =	sdelay $0x1  }
0x8a: {  	s1 =	srdreg.scid  }
0x8b: {  	s0 =	sand.u32 $0x1, s1  }
0x8c: {  	s17 =	sshll.u32 s0, $0xA;
	s2 =	sadd.s32 s3, s2  }
0x8d: {  	s2 =	sadd.s32 s2, s17  }
0x8e: {  	[smem:$0x3FB1] =	sst s2  }
0x8f: {  	_ = 	snop  }
0x90: {  	s2 =	sld [smem:$0x3FC9];
	(tm) =	ssettm $0x1  }
0x91: {  	s18 =	sld [smem:$0x3FFB];
	_ =	sdelay $0x3  }
0x92: {  	_ =	strace s18  }
0x93: {  	s3 =	sld [smem:$0x3FFC];
	_ =	sdelay $0x3  }
0x94: {  	_ =	strace s3  }
0x95: {  	s3 =	sld [smem:$0x3FFD];
	_ =	sdelay $0x3  }
0x96: {  	_ =	strace s3  }
0x97: {  	_ =	strace $0x8FFFFFFF  }
0x98: {  	s19 =	sld [smem:$0x3FDB];
	_ =	sdelay $0x1  }
0x99: {  	s4 =	simm.s32 $_scs_section_size  }
0x9a: {  	s5 =	simm.s32 $_size__tile_overlayer_lowered;
	s6 =	simm.s32 $_tile_overlayer_lowered  }
0x9b: {  	s22 =	simm.s32 $0x1BFF;
	s21 =	sshll.u32 s6, $0x1;
	s3 =	sadd.s32 s4, s19  }
0x9c: {  	s7 =	simm.s32 $0x0;
	s20 =	sshll.u32 s5, $0x1;
	s5 =	sadd.s32 s21, s3  }
0x9d: {  	[timem:s7], [sflag:s22] =	dma.local [hbm:s5], s20  }
0x9e: {  	_ =	swait.ge [sflag:s22], s20  }
0x9f: {  	s4 =	ssub.s32 $0x0, s20;
	[sflag:s22] =	ssyncset.done $0x0  }
0xa0: {  	[sflag:s22] =	ssyncadd.s32 s4;
	_ =	sdelay $0x1  }
0xa1: {  	s23 =	simm.s32 $0x1B8B  }
0xa2: {  	_ =	swait.ge [sflag:s23], $0x1  }
0xa3: {  	[sflag:s23] =	ssyncset.done $0x0  }
0xa4: {  	s25 =	simm.s32 $0x1B8E;
	s24 =	sld [smem:$0x3FFE];
	[sflag:s23] =	ssyncadd.s32 $0xFFFFFFFF  }
0xa5: {  	s26 =	simm.s32 $execute0_lowered;
	[smem:$0x3FD2] =	sst s25  }
0xa6: {  	s5 =	sshll.u32 s26, $0x1;
	_ =	strace $0x80000046;
	[dreg:$0x1] =	wrdreg $0xFFFFFFFF  }
0xa7: {  	s28 =	simm.s32 $_size_execute0_lowered;
	s3 =	sadd.s32 s3, s5;
	[dreg:$0x0] =	wrdreg $0x0  }
0xa8: {  	s5 =	sshll.u32 s28, $0x1;
	[dreg:$0x2] =	wrdreg s3  }
0xa9: {  	[dreg:$0x3] =	wrdreg s5  }
0xaa: {  	[dreg:$0x4] =	wrdreg $0xC0  }
0xab: {  	_ =	task [dreg:s7], $0x5FFFF  }
0xac: {  	[dreg:$0x1] =	wrdreg $0xFFFFFFFF  }
0xad: {  	[dreg:$0x0] =	wrdreg $0x60  }
0xae: {  	[dreg:$0x2] =	wrdreg s2  }
0xaf: {  	[dreg:$0x3] =	wrdreg s24  }
0xb0: {  	[dreg:$0x4] =	wrdreg $0x8B000  }
0xb1: {  	[dreg:$0x5] =	wrdreg $0x9  }
0xb2: {  	_ =	task.clear_ibuf [dreg:s7], $0x6FFFF;
	_ =	strace $0x90000046  }
0xb3: {  	s29 =	simm.s32 $0x9;
	_ =	strace $0x80000048  }
0xb4: {  	_ =	swait.ge [sflag:s29], $0x1  }
0xb5: {  	[sflag:s29] =	ssyncadd.s32 $0xFFFFFFFF  }
0xb6: {  	_ =	strace $0x90000048  }
0xb7: {  	_ =	sfence  }
0xb8: {  	s30 =	sld [smem:$0x0];
	_ =	sdelay $0x2  }
0xb9: {  	s31 =	sshll.u32 s1, $0xD;
	s1 =	sshrl.u32 s1, $0x2  }
0xba: {  	s3 =	sand.u32 $0x4000, s31;
	s1 =	sadd.s32 s1, s30  }
0xbb: {  	s0 =	sor.u32 s3, s0;
	s1 =	sshll.u32 s1, $0x11  }
0xbc: {  	s0 =	sor.u32 s1, s0  }
0xbd: {  	s0 =	sadd.s32 $0x8F2B, s0  }
0xbe: {  	[sflag:s0] =	ssyncadd.remote.s32 $0x1  }
0xbf: {  	_ =	sfence.sel $0xFFFF  }
0xc0: {  	[dreg:$0x0] =	wrdreg $0xFFFFFFFF;
	(pc) =	sbr.abs _section_cstart, $3  }
0xc1: {  	[dreg:$0x1] =	wrdreg $0xFFFFFFFF  }
0xc2: {  	_ =	task.clear_ibuf [dreg:s7], $0x2FFFF;
	_ =	strace $0x9FFFFFFF  }
0xc3: {  	(tm) =	ssettm $0x7FFFFFFF  }
tec
execute0_lowered:
.L_overlay_start_1:
0x0: {  	(tag) =	ssettag $0x1  }
0x1: {  	s1 =	rddreg [dreg:$0x0]  }
0x2: {  	s0 =	rddreg [dreg:$0x1]  }
0x3: {  	s2 =	rddreg [dreg:$0x2];
	s3 =	simm.s32 $0x0;
	s4 =	srdreg.scid  }
0x4: {  	s14 =	stileid.u32;
	s28 =	simm.s32 $0x80;
	s29 =	simm.s32 $0x200  }
0x5: {  	s30 =	simm.s32 $0x180;
	s31 =	simm.s32 $0x2;
	[smem:$0x7FF] =	sst s3  }
0x6: {  	s4 =	sand.u32 $0x1, s4;
	s5 =	sadd.s32 $0xFA00, s0;
	s7 =	smul.u32 $0x2700, s14  }
0x7: {  	s16 =	sadd.s32 $0x40A00, s0;
	s17 =	sadd.s32 $0x67C00, s0;
	s20 =	smul.u32 $0x4E000, s14  }
0x8: {  	s22 =	smul.u32 $0x2710, s14;
	s15 =	sadd.s32 $0x138000, s2;
	p1 =	sne.s32 s14, $0x0  }
0x9: {  	p2 =	seq.s32 s14, $0x0;
	_ =	strace $0x80000047;
	s6 =	sshll.u32 s4, $0x4  }
0xa: {  	s9 =	ssub.s32 $0x2, s4;
	p0 =	seq.s32 s4, $0x1;
	[dreg:$0x4] =	wrdreg s16  }
0xb: {  	s4 =	smul.u32 $0x27100, s4;
	[dreg:$0x5] =	wrdreg s17;
	s8 =	sor.u32 s14, s6  }
0xc: {  	s6 =	sadd.s32 $0x5C00, s0;
	s10 =	sadd.s32 s7, s0;
	s11 =	sshrl.u32 s9, $0x1  }
0xd: {  	s0 =	sadd.s32 $0x40800, s0;
	s25 =	sadd.s32 s16, s7;
	s7 =	sadd.s32 s17, s7  }
0xe: {  	s8 =	smul.u32 $0x2710, s8;
	s9 =	ssub.s32 s9, s11;
	[dreg:$0xc] =	wrdreg s0  }
0xf: {  	s11 =	sshrl.u32 s20, $0x2;
	s10 =	sadd.s32 $0x19800, s10;
	[dreg:$0xf] =	wrdreg s25  }
0x10: {  	s4 =	sadd.s32 s22, s4;
	[dreg:$0x10] =	wrdreg s7;
	s25 =	simm.s32 $0x7  }
0x11: {  	s20 =	simm.s32 $0x3;
	s7 =	simm.s32 $0x6;
	s11 =	sadd.s32 s11, s2  }
0x12: {  	[dreg:$0xb] =	wrdreg s10;
	s24 =	sadd.s32 $0x180, s4;
	s26 =	smax.u32 s9, $0x1  }
0x13: {  	s8 =	sshrl.u32 s8, $0x3;
	[dreg:$0xa] =	wrdreg s11;
	s0 =	sshrl.u32 s24, $0x3  }
0x14: {  	[dreg:$0x11] =	wrdreg s26;
	s24 =	sadd.s32 $0x100, s4;
	s26 =	simm.s32 $0x100  }
0x15: {  	s4 =	simm.s32 $0x1;
	s11 =	simm.s32 $0x10;
	s19 =	sadd.s32 s5, s8  }
0x16: {  	s12 =	sadd.s32 s6, s8;
	s21 =	sadd.s32 $0x10, s8;
	[dreg:$0x6] =	wrdreg s19  }
0x17: {  	s8 =	sadd.s32 $0x4E0, s8;
	[dreg:$0x7] =	wrdreg s12;
	s13 =	sadd.s32 s5, s21  }
.Ltmp0:
0x18: {  	s12 =	sadd.s32 s6, s21;
	[dreg:$0x8] =	wrdreg s13;
	(pc) =	sbr.rel .LBB2_1-.Ltmp0, $4  }
0x19: {  	s22 =	sadd.s32 s0, s6;
	s23 =	sadd.s32 s5, s8;
	[dreg:$0x9] =	wrdreg s12  }
0x1a: {  	s8 =	sadd.s32 s6, s8;
	s19 =	simm.s32 $0x5;
	[dreg:$0xd] =	wrdreg s23  }
0x1b: {  	[dreg:$0xe] =	wrdreg s8;
	s23 =	sadd.s32 s0, s5;
	s0 =	simm.s32 $0x4200  }
0x1c: {  	s8 =	simm.s32 $0x4;
	s12 =	simm.s32 $0x8300;
	s13 =	simm.s32 $0x0  }
.LBB2_8:
0x1d: {  	s9 =	sadd.s32 $0x27000, s16;
	s10 =	sshrl.u32 s15, $0x3  }
0x1e: {  	[hbm:s9], [sflag:s14] =	dma.local [spmem:s10], $0x100  }
0x1f: {  	_ =	swait.ge [sflag:s25], $0x100  }
0x20: {  	[sflag:s25] =	ssyncset.done $0x0  }
0x21: {  	[sflag:s25] =	ssyncadd.s32 $0xFFFFFF00  }
.LBB2_9:
0x22: {  	s13 =	sadd.s32 $0x1, s13;
	s9 =	rddreg [dreg:$0x11]  }
0x23: {  	p3 =	sne.s32 s13, s9  }
.Ltmp1:
0x24: {  	_ = 	snop;
	(pc) =	sbr.rel @!p3 .LBB2_10-.Ltmp1, $1  }
0x25: {  	_ =	sdelay $0x3  }
.LBB2_1:
0x26: {  	s9 =	rddreg [dreg:$0x6]  }
0x27: {  	[tilespmem:s3], [sflag:$0x7] =	stream.linear.gather [hbm4b:s9+s3], $0x80, $0x38;
	[tilespmem:$0x1C380] =	vst v63  }
0x28: {  	_ =	swait.ge [sflag:s25], $0x80  }
0x29: {  	[sflag:s25] =	ssyncset.done $0x0;
	s10 =	rddreg [dreg:$0x7]  }
0x2a: {  	s14 =	rddreg [dreg:$0x8];
	[sflag:s25] =	ssyncadd.s32 $0xFFFFFF80  }
0x2b: {  	[tilespmem:s26], [sflag:$0x3] =	stream.linear.gather [hbm4b:s10+s3], $0x80, $0x38;
	[tilespmem:$0x1C380] =	vst v63  }
0x2c: {  	s16 =	rddreg [dreg:$0x9]  }
0x2d: {  	[tilespmem:s29], [sflag:$0x5] =	stream.indirect.gather [hbm4b:s1+s28], $0x80, s3, s28, $0xb8;
	[tilespmem:$0x1C380] =	vst v63  }
0x2e: {  	s17 =	stileid.u32;
	s18 =	rddreg [dreg:$0xa]  }
0x2f: {  	[tilespmem:s28], [sflag:$0x2] =	stream.linear.gather [hbm4b:s14+s3], $0x80, $0x38;
	[tilespmem:$0x1C380] =	vst v63  }
0x30: {  	s21 =	rddreg [dreg:$0xb];
	s14 =	sshll.u32 s17, $0x6  }
0x31: {  	[tilespmem:s30], [sflag:$0x4] =	stream.linear.gather [hbm4b:s16+s3], $0x80, $0x38;
	[tilespmem:$0x1C380] =	vst v63  }
.Ltmp2:
0x32: {  	s14 =	sor.u32 $0x1C07, s14;
	s16 =	sshrl.u32 s18, $0x3;
	(pc) =	sbr.rel @!p0 .LBB2_2-.Ltmp2, $4  }
0x33: {  	[spmem:s16], [sflag:s14] =	dma.local [hbm:s21], $0x2700  }
0x34: {  	_ =	swait.ge [sflag:s25], $0x2700  }
0x35: {  	[sflag:s25] =	ssyncset.done $0x0  }
0x36: {  	s17 =	sshrl.u32 @!p1 s15, $0x3;
	[sflag:s25] =	ssyncadd.s32 $0xFFFFD900  }
0x37: {  	s9 =	rddreg [dreg:$0xc]  }
0x38: {  	[spmem:s17], [sflag:s14] =	dma.local @!p1 [hbm:s9], $0x100  }
0x39: {  	s9 =	simm.s32 @!p1 $0x7  }
0x3a: {  	_ =	swait.ge @!p1 [sflag:s9], $0x100  }
0x3b: {  	[sflag:s9] =	ssyncset.done @!p1 $0x0  }
0x3c: {  	[sflag:s9] =	ssyncadd.s32 @!p1 $0xFFFFFF00  }
0x3d: {  	[bflag:$0x0] =	sbarrier.arrive $0xFFFF  }
0x3e: {  	_ =	swait.ge [sflag:s31], $0x80  }
0x3f: {  	[sflag:s31] =	ssyncset.done $0x0  }
0x40: {  	[sflag:s31] =	ssyncadd.s32 $0xFFFFFF80  }
0x41: {  	[tilespmem:s0], [sflag:$0x6] =	stream.indirect.gather [hbm4b:s1+s28], $0x80, s28, s28, $0xb8;
	[tilespmem:$0x1C380] =	vst v63  }
0x42: {  	_ =	swait.ge [sflag:s19], $0x4000  }
0x43: {  	s17 =	sshrl.u32 s24, $0x3;
	[sflag:s19] =	ssyncset.done $0x0  }
0x44: {  	s10 =	sadd.s32 s5, s17;
	[sflag:s19] =	ssyncadd.s32 $0xFFFFC000  }
0x45: {  	[tilespmem:s3], [sflag:$0x1] =	stream.linear.gather [hbm4b:s10+s3], $0x80, $0x38;
	[tilespmem:$0x1C380] =	vst v63  }
0x46: {  	_ =	swait.ge [sflag:s20], $0x80  }
0x47: {  	[sflag:s20] =	ssyncset.done $0x0  }
0x48: {  	[sflag:s20] =	ssyncadd.s32 $0xFFFFFF80  }
0x49: {  	[spmem:s2] =	stream.indirect.scatter.add.f32 [tilespmem:s29], [sflag:$0x7], $0x80, s26, s28, $0xb8;
	[tilespmem:$0x1C380] =	vst v63  }
0x4a: {  	_ =	swait.ge [sflag:s25], $0x4000  }
0x4b: {  	[sflag:s25] =	ssyncset.done $0x0  }
0x4c: {  	s9 =	sadd.s32 s6, s17;
	[sflag:s25] =	ssyncadd.s32 $0xFFFFC000  }
0x4d: {  	[tilespmem:s26], [sflag:$0x3] =	stream.linear.gather [hbm4b:s9+s3], $0x80, $0x38;
	[tilespmem:$0x1C380] =	vst v63  }
0x4e: {  	_ =	swait.ge [sflag:s7], $0x4000  }
0x4f: {  	[sflag:s7] =	ssyncset.done $0x0  }
0x50: {  	s18 =	sadd.s32 $0x0, s23;
	[sflag:s7] =	ssyncadd.s32 $0xFFFFC000  }
0x51: {  	[tilespmem:s28], [sflag:$0x2] =	stream.linear.gather [hbm4b:s18+s3], $0x80, $0x38;
	[tilespmem:$0x1C380] =	vst v63  }
0x52: {  	_ =	swait.ge [sflag:s8], $0x80  }
0x53: {  	[sflag:s8] =	ssyncset.done $0x0  }
0x54: {  	[sflag:s8] =	ssyncadd.s32 $0xFFFFFF80  }
0x55: {  	[spmem:s2] =	stream.indirect.scatter.add.f32 [tilespmem:s0], [sflag:$0x7], $0x80, s30, s28, $0xb8;
	[tilespmem:$0x1C380] =	vst v63  }
0x56: {  	_ =	swait.ge [sflag:s25], $0x4000  }
0x57: {  	[sflag:s25] =	ssyncset.done $0x0  }
0x58: {  	s21 =	sadd.s32 $0x0, s22;
	[sflag:s25] =	ssyncadd.s32 $0xFFFFC000  }
0x59: {  	[tilespmem:s30], [sflag:$0x4] =	stream.linear.gather [hbm4b:s21+s3], $0x80, $0x38;
	[tilespmem:$0x1C380] =	vst v63  }
0x5a: {  	_ =	swait.ge [sflag:s4], $0x80  }
0x5b: {  	[sflag:s4] =	ssyncset.done $0x0  }
0x5c: {  	s17 =	simm.s32 $0x20;
	s18 =	sadd.s32 $0x100, s24;
	[sflag:s4] =	ssyncadd.s32 $0xFFFFFF80  }
.LBB2_6:
0x5d: {  	[tilespmem:s29], [sflag:$0x5] =	stream.indirect.gather [hbm4b:s1+s28], $0x80, s3, s28, $0xb8;
	[tilespmem:$0x1C380] =	vst v63  }
0x5e: {  	s9 =	smov.u32 s17  }
0x5f: {  	p3 =	sne.s32 s17, $0x4A0;
	s17 =	sadd.s32 $0x20, s17;
	_ =	swait.ge [sflag:s31], $0x80  }
0x60: {  	[sflag:s31] =	ssyncset.done $0x0  }
0x61: {  	[sflag:s31] =	ssyncadd.s32 $0xFFFFFF80  }
0x62: {  	[tilespmem:s0], [sflag:$0x6] =	stream.indirect.gather [hbm4b:s1+s28], $0x80, s28, s28, $0xb8;
	[tilespmem:$0x1C380] =	vst v63  }
0x63: {  	_ =	swait.ge [sflag:s19], $0x4000  }
0x64: {  	s10 =	sshrl.u32 s18, $0x3;
	[sflag:s19] =	ssyncset.done $0x0  }
0x65: {  	s21 =	sadd.s32 s5, s10;
	[sflag:s19] =	ssyncadd.s32 $0xFFFFC000  }
0x66: {  	[tilespmem:s3], [sflag:$0x1] =	stream.linear.gather [hbm4b:s21+s3], $0x80, $0x38;
	[tilespmem:$0x1C380] =	vst v63  }
0x67: {  	_ =	swait.ge [sflag:s20], $0x80  }
0x68: {  	[sflag:s20] =	ssyncset.done $0x0  }
0x69: {  	[sflag:s20] =	ssyncadd.s32 $0xFFFFFF80  }
0x6a: {  	[spmem:s2] =	stream.indirect.scatter.add.f32 [tilespmem:s29], [sflag:$0x7], $0x80, s26, s28, $0xb8;
	[tilespmem:$0x1C380] =	vst v63  }
0x6b: {  	_ =	swait.ge [sflag:s25], $0x4000  }
0x6c: {  	[sflag:s25] =	ssyncset.done $0x0  }
0x6d: {  	s10 =	sadd.s32 s6, s10;
	[sflag:s25] =	ssyncadd.s32 $0xFFFFC000  }
0x6e: {  	[tilespmem:s26], [sflag:$0x3] =	stream.linear.gather [hbm4b:s10+s3], $0x80, $0x38;
	[tilespmem:$0x1C380] =	vst v63  }
0x6f: {  	_ =	swait.ge [sflag:s7], $0x4000  }
0x70: {  	[sflag:s7] =	ssyncset.done $0x0  }
0x71: {  	s10 =	sadd.s32 s9, s23;
	[sflag:s7] =	ssyncadd.s32 $0xFFFFC000  }
0x72: {  	[tilespmem:s28], [sflag:$0x2] =	stream.linear.gather [hbm4b:s10+s3], $0x80, $0x38;
	[tilespmem:$0x1C380] =	vst v63  }
0x73: {  	_ =	swait.ge [sflag:s8], $0x80  }
0x74: {  	[sflag:s8] =	ssyncset.done $0x0  }
0x75: {  	[sflag:s8] =	ssyncadd.s32 $0xFFFFFF80  }
0x76: {  	[spmem:s2] =	stream.indirect.scatter.add.f32 [tilespmem:s0], [sflag:$0x7], $0x80, s30, s28, $0xb8;
	[tilespmem:$0x1C380] =	vst v63  }
0x77: {  	_ =	swait.ge [sflag:s25], $0x4000  }
0x78: {  	[sflag:s25] =	ssyncset.done $0x0  }
.Ltmp3:
0x79: {  	s9 =	sadd.s32 s9, s22;
	[sflag:s25] =	ssyncadd.s32 $0xFFFFC000;
	(pc) =	sbr.rel @p3 .LBB2_6-.Ltmp3, $4  }
0x7a: {  	[tilespmem:s30], [sflag:$0x4] =	stream.linear.gather [hbm4b:s9+s3], $0x80, $0x38;
	[tilespmem:$0x1C380] =	vst v63  }
0x7b: {  	_ =	swait.ge [sflag:s4], $0x80  }
0x7c: {  	[sflag:s4] =	ssyncset.done $0x0  }
0x7d: {  	s18 =	sadd.s32 $0x100, s18;
	[sflag:s4] =	ssyncadd.s32 $0xFFFFFF80  }
0x7e: {  	[tilespmem:s29], [sflag:$0x5] =	stream.indirect.gather [hbm4b:s1+s28], $0x80, s3, s28, $0xb8;
	[tilespmem:$0x1C380] =	vst v63  }
0x7f: {  	_ =	swait.ge [sflag:s31], $0x80  }
0x80: {  	[sflag:s31] =	ssyncset.done $0x0  }
0x81: {  	[sflag:s31] =	ssyncadd.s32 $0xFFFFFF80  }
0x82: {  	[tilespmem:s0], [sflag:$0x6] =	stream.indirect.gather [hbm4b:s1+s28], $0x80, s28, s28, $0xb8;
	[tilespmem:$0x1C380] =	vst v63  }
0x83: {  	_ =	swait.ge [sflag:s19], $0x4000  }
0x84: {  	[sflag:s19] =	ssyncset.done $0x0  }
0x85: {  	[sflag:s19] =	ssyncadd.s32 $0xFFFFC000  }
0x86: {  	_ =	swait.ge [sflag:s20], $0x80  }
0x87: {  	[sflag:s20] =	ssyncset.done $0x0  }
0x88: {  	[sflag:s20] =	ssyncadd.s32 $0xFFFFFF80  }
0x89: {  	[spmem:s2] =	stream.indirect.scatter.add.f32 [tilespmem:s29], [sflag:$0x7], $0x80, s26, s28, $0xb8;
	[tilespmem:$0x1C380] =	vst v63  }
0x8a: {  	_ =	swait.ge [sflag:s25], $0x4000  }
0x8b: {  	[sflag:s25] =	ssyncset.done $0x0  }
0x8c: {  	[sflag:s25] =	ssyncadd.s32 $0xFFFFC000  }
0x8d: {  	_ =	swait.ge [sflag:s7], $0x4000  }
0x8e: {  	[sflag:s7] =	ssyncset.done $0x0  }
0x8f: {  	[sflag:s7] =	ssyncadd.s32 $0xFFFFC000  }
0x90: {  	_ =	swait.ge [sflag:s8], $0x80  }
0x91: {  	[sflag:s8] =	ssyncset.done $0x0  }
0x92: {  	[sflag:s8] =	ssyncadd.s32 $0xFFFFFF80  }
0x93: {  	[spmem:s2] =	stream.indirect.scatter.add.f32 [tilespmem:s0], [sflag:$0x7], $0x80, s30, s28, $0xb8;
	[tilespmem:$0x1C380] =	vst v63  }
0x94: {  	_ =	swait.ge [sflag:s25], $0x4000  }
0x95: {  	[sflag:s25] =	ssyncset.done $0x0  }
0x96: {  	s10 =	simm.s32 $0x8200;
	s9 =	rddreg [dreg:$0xd];
	[sflag:s25] =	ssyncadd.s32 $0xFFFFC000  }
0x97: {  	[tilespmem:s10], [sflag:$0x7] =	stream.linear.gather [hbm4b:s9+s3], $0x10, $0x38;
	[tilespmem:$0x1C380] =	vst v63  }
0x98: {  	_ =	swait.ge [sflag:s25], $0x10  }
0x99: {  	[sflag:s25] =	ssyncset.done $0x0  }
0x9a: {  	s17 =	simm.s32 $0x8280;
	s18 =	rddreg [dreg:$0xe];
	[sflag:s25] =	ssyncadd.s32 $0xFFFFFFF0  }
0x9b: {  	[tilespmem:s17], [sflag:$0x7] =	stream.linear.gather [hbm4b:s18+s3], $0x10, $0x38;
	[tilespmem:$0x1C380] =	vst v63  }
0x9c: {  	_ =	swait.ge [sflag:s25], $0x10  }
0x9d: {  	[sflag:s25] =	ssyncset.done $0x0  }
0x9e: {  	[sflag:s25] =	ssyncadd.s32 $0xFFFFFFF0  }
0x9f: {  	[tilespmem:s12], [sflag:$0x5] =	stream.indirect.gather [hbm4b:s1+s11], $0x80, s10, s11, $0xb8;
	[tilespmem:$0x1C380] =	vst v63  }
0xa0: {  	_ =	swait.ge [sflag:s19], $0x800  }
0xa1: {  	[sflag:s19] =	ssyncset.done $0x0  }
0xa2: {  	[sflag:s19] =	ssyncadd.s32 $0xFFFFF800  }
0xa3: {  	[spmem:s2] =	stream.indirect.scatter.add.f32 [tilespmem:s12], [sflag:$0x7], $0x80, s17, s11, $0xb8;
	[tilespmem:$0x1C380] =	vst v63  }
0xa4: {  	_ =	swait.ge [sflag:s25], $0x800  }
0xa5: {  	[sflag:s25] =	ssyncset.done $0x0  }
0xa6: {  	[sflag:s25] =	ssyncadd.s32 $0xFFFFF800  }
0xa7: {  	[bflag:$0x0] =	sbarrier.arrive $0xFFFF  }
0xa8: {  	s21 =	rddreg [dreg:$0x10]  }
0xa9: {  	[hbm:s21], [sflag:s14] =	dma.local [spmem:s16], $0x2700  }
.Ltmp4:
0xaa: {  	_ = 	snop;
	(pc) =	sbr.rel @p1 .LBB2_9-.Ltmp4, $4  }
.Ltmp5:
0xab: {  	_ = 	snop;
	(pc) =	sbr.rel @!p1 .LBB2_8-.Ltmp5, $4  }
0xac: {  	_ =	swait.ge [sflag:s25], $0x2700  }
0xad: {  	[sflag:s25] =	ssyncset.done $0x0  }
0xae: {  	s16 =	rddreg [dreg:$0x5];
	[sflag:s25] =	ssyncadd.s32 $0xFFFFD900  }
0xaf: {  	_ = 	snop  }
.LBB2_2:
0xb0: {  	s9 =	rddreg [dreg:$0xc]  }
0xb1: {  	[spmem:s17], [sflag:s14] =	dma.local @!p1 [hbm:s9], $0x100  }
0xb2: {  	s17 =	simm.s32 @!p1 $0x7  }
0xb3: {  	_ =	swait.ge @!p1 [sflag:s17], $0x100  }
0xb4: {  	[sflag:s17] =	ssyncset.done @!p1 $0x0  }
0xb5: {  	[sflag:s17] =	ssyncadd.s32 @!p1 $0xFFFFFF00  }
0xb6: {  	[bflag:$0x0] =	sbarrier.arrive $0xFFFF  }
0xb7: {  	_ =	swait.ge [sflag:s31], $0x80  }
0xb8: {  	[sflag:s31] =	ssyncset.done $0x0  }
0xb9: {  	[sflag:s31] =	ssyncadd.s32 $0xFFFFFF80  }
0xba: {  	[tilespmem:s0], [sflag:$0x6] =	stream.indirect.gather [hbm4b:s1+s28], $0x80, s28, s28, $0xb8;
	[tilespmem:$0x1C380] =	vst v63  }
0xbb: {  	_ =	swait.ge [sflag:s19], $0x4000  }
0xbc: {  	s10 =	sshrl.u32 s24, $0x3;
	[sflag:s19] =	ssyncset.done $0x0  }
0xbd: {  	s18 =	sadd.s32 s5, s10;
	[sflag:s19] =	ssyncadd.s32 $0xFFFFC000  }
0xbe: {  	[tilespmem:s3], [sflag:$0x1] =	stream.linear.gather [hbm4b:s18+s3], $0x80, $0x38;
	[tilespmem:$0x1C380] =	vst v63  }
0xbf: {  	_ =	swait.ge [sflag:s20], $0x80  }
0xc0: {  	[sflag:s20] =	ssyncset.done $0x0  }
0xc1: {  	[sflag:s20] =	ssyncadd.s32 $0xFFFFFF80  }
0xc2: {  	[spmem:s2] =	stream.indirect.scatter.add.f32 [tilespmem:s29], [sflag:$0x7], $0x80, s26, s28, $0xb8;
	[tilespmem:$0x1C380] =	vst v63  }
0xc3: {  	_ =	swait.ge [sflag:s25], $0x4000  }
0xc4: {  	[sflag:s25] =	ssyncset.done $0x0  }
0xc5: {  	s17 =	sadd.s32 s6, s10;
	[sflag:s25] =	ssyncadd.s32 $0xFFFFC000  }
0xc6: {  	[tilespmem:s26], [sflag:$0x3] =	stream.linear.gather [hbm4b:s17+s3], $0x80, $0x38;
	[tilespmem:$0x1C380] =	vst v63  }
0xc7: {  	_ =	swait.ge [sflag:s7], $0x4000  }
0xc8: {  	[sflag:s7] =	ssyncset.done $0x0  }
0xc9: {  	s18 =	sadd.s32 $0x0, s23;
	[sflag:s7] =	ssyncadd.s32 $0xFFFFC000  }
0xca: {  	[tilespmem:s28], [sflag:$0x2] =	stream.linear.gather [hbm4b:s18+s3], $0x80, $0x38;
	[tilespmem:$0x1C380] =	vst v63  }
0xcb: {  	_ =	swait.ge [sflag:s8], $0x80  }
0xcc: {  	[sflag:s8] =	ssyncset.done $0x0  }
0xcd: {  	[sflag:s8] =	ssyncadd.s32 $0xFFFFFF80  }
0xce: {  	[spmem:s2] =	stream.indirect.scatter.add.f32 [tilespmem:s0], [sflag:$0x7], $0x80, s30, s28, $0xb8;
	[tilespmem:$0x1C380] =	vst v63  }
0xcf: {  	_ =	swait.ge [sflag:s25], $0x4000  }
0xd0: {  	[sflag:s25] =	ssyncset.done $0x0  }
0xd1: {  	s21 =	sadd.s32 $0x0, s22;
	[sflag:s25] =	ssyncadd.s32 $0xFFFFC000  }
0xd2: {  	[tilespmem:s30], [sflag:$0x4] =	stream.linear.gather [hbm4b:s21+s3], $0x80, $0x38;
	[tilespmem:$0x1C380] =	vst v63  }
0xd3: {  	_ =	swait.ge [sflag:s4], $0x80  }
0xd4: {  	[sflag:s4] =	ssyncset.done $0x0  }
0xd5: {  	s17 =	simm.s32 $0x20;
	s18 =	sadd.s32 $0x100, s24;
	[sflag:s4] =	ssyncadd.s32 $0xFFFFFF80  }
.LBB2_3:
0xd6: {  	[tilespmem:s29], [sflag:$0x5] =	stream.indirect.gather [hbm4b:s1+s28], $0x80, s3, s28, $0xb8;
	[tilespmem:$0x1C380] =	vst v63  }
0xd7: {  	s21 =	smov.u32 s17  }
0xd8: {  	p3 =	sne.s32 s17, $0x4A0;
	s17 =	sadd.s32 $0x20, s17;
	_ =	swait.ge [sflag:s31], $0x80  }
0xd9: {  	[sflag:s31] =	ssyncset.done $0x0  }
0xda: {  	[sflag:s31] =	ssyncadd.s32 $0xFFFFFF80  }
0xdb: {  	[tilespmem:s0], [sflag:$0x6] =	stream.indirect.gather [hbm4b:s1+s28], $0x80, s28, s28, $0xb8;
	[tilespmem:$0x1C380] =	vst v63  }
0xdc: {  	_ =	swait.ge [sflag:s19], $0x4000  }
0xdd: {  	s9 =	sshrl.u32 s18, $0x3;
	[sflag:s19] =	ssyncset.done $0x0  }
0xde: {  	s10 =	sadd.s32 s5, s9;
	[sflag:s19] =	ssyncadd.s32 $0xFFFFC000  }
0xdf: {  	[tilespmem:s3], [sflag:$0x1] =	stream.linear.gather [hbm4b:s10+s3], $0x80, $0x38;
	[tilespmem:$0x1C380] =	vst v63  }
0xe0: {  	_ =	swait.ge [sflag:s20], $0x80  }
0xe1: {  	[sflag:s20] =	ssyncset.done $0x0  }
0xe2: {  	[sflag:s20] =	ssyncadd.s32 $0xFFFFFF80  }
0xe3: {  	[spmem:s2] =	stream.indirect.scatter.add.f32 [tilespmem:s29], [sflag:$0x7], $0x80, s26, s28, $0xb8;
	[tilespmem:$0x1C380] =	vst v63  }
0xe4: {  	_ =	swait.ge [sflag:s25], $0x4000  }
0xe5: {  	[sflag:s25] =	ssyncset.done $0x0  }
0xe6: {  	s9 =	sadd.s32 s6, s9;
	[sflag:s25] =	ssyncadd.s32 $0xFFFFC000  }
0xe7: {  	[tilespmem:s26], [sflag:$0x3] =	stream.linear.gather [hbm4b:s9+s3], $0x80, $0x38;
	[tilespmem:$0x1C380] =	vst v63  }
0xe8: {  	_ =	swait.ge [sflag:s7], $0x4000  }
0xe9: {  	[sflag:s7] =	ssyncset.done $0x0  }
0xea: {  	s9 =	sadd.s32 s21, s23;
	[sflag:s7] =	ssyncadd.s32 $0xFFFFC000  }
0xeb: {  	[tilespmem:s28], [sflag:$0x2] =	stream.linear.gather [hbm4b:s9+s3], $0x80, $0x38;
	[tilespmem:$0x1C380] =	vst v63  }
0xec: {  	_ =	swait.ge [sflag:s8], $0x80  }
0xed: {  	[sflag:s8] =	ssyncset.done $0x0  }
0xee: {  	[sflag:s8] =	ssyncadd.s32 $0xFFFFFF80  }
0xef: {  	[spmem:s2] =	stream.indirect.scatter.add.f32 [tilespmem:s0], [sflag:$0x7], $0x80, s30, s28, $0xb8;
	[tilespmem:$0x1C380] =	vst v63  }
0xf0: {  	_ =	swait.ge [sflag:s25], $0x4000  }
0xf1: {  	[sflag:s25] =	ssyncset.done $0x0  }
.Ltmp6:
0xf2: {  	s9 =	sadd.s32 s21, s22;
	[sflag:s25] =	ssyncadd.s32 $0xFFFFC000;
	(pc) =	sbr.rel @p3 .LBB2_3-.Ltmp6, $4  }
0xf3: {  	[tilespmem:s30], [sflag:$0x4] =	stream.linear.gather [hbm4b:s9+s3], $0x80, $0x38;
	[tilespmem:$0x1C380] =	vst v63  }
0xf4: {  	_ =	swait.ge [sflag:s4], $0x80  }
0xf5: {  	[sflag:s4] =	ssyncset.done $0x0  }
0xf6: {  	s18 =	sadd.s32 $0x100, s18;
	[sflag:s4] =	ssyncadd.s32 $0xFFFFFF80  }
0xf7: {  	[tilespmem:s29], [sflag:$0x5] =	stream.indirect.gather [hbm4b:s1+s28], $0x80, s3, s28, $0xb8;
	[tilespmem:$0x1C380] =	vst v63  }
0xf8: {  	_ =	swait.ge [sflag:s31], $0x80  }
0xf9: {  	[sflag:s31] =	ssyncset.done $0x0  }
0xfa: {  	[sflag:s31] =	ssyncadd.s32 $0xFFFFFF80  }
0xfb: {  	[tilespmem:s0], [sflag:$0x6] =	stream.indirect.gather [hbm4b:s1+s28], $0x80, s28, s28, $0xb8;
	[tilespmem:$0x1C380] =	vst v63  }
0xfc: {  	_ =	swait.ge [sflag:s19], $0x4000  }
0xfd: {  	[sflag:s19] =	ssyncset.done $0x0  }
0xfe: {  	[sflag:s19] =	ssyncadd.s32 $0xFFFFC000  }
0xff: {  	_ =	swait.ge [sflag:s20], $0x80  }
0x100: {  	[sflag:s20] =	ssyncset.done $0x0  }
0x101: {  	[sflag:s20] =	ssyncadd.s32 $0xFFFFFF80  }
0x102: {  	[spmem:s2] =	stream.indirect.scatter.add.f32 [tilespmem:s29], [sflag:$0x7], $0x80, s26, s28, $0xb8;
	[tilespmem:$0x1C380] =	vst v63  }
0x103: {  	_ =	swait.ge [sflag:s25], $0x4000  }
0x104: {  	[sflag:s25] =	ssyncset.done $0x0  }
0x105: {  	[sflag:s25] =	ssyncadd.s32 $0xFFFFC000  }
0x106: {  	_ =	swait.ge [sflag:s7], $0x4000  }
0x107: {  	[sflag:s7] =	ssyncset.done $0x0  }
0x108: {  	[sflag:s7] =	ssyncadd.s32 $0xFFFFC000  }
0x109: {  	_ =	swait.ge [sflag:s8], $0x80  }
0x10a: {  	[sflag:s8] =	ssyncset.done $0x0  }
0x10b: {  	[sflag:s8] =	ssyncadd.s32 $0xFFFFFF80  }
0x10c: {  	[spmem:s2] =	stream.indirect.scatter.add.f32 [tilespmem:s0], [sflag:$0x7], $0x80, s30, s28, $0xb8;
	[tilespmem:$0x1C380] =	vst v63  }
0x10d: {  	_ =	swait.ge [sflag:s25], $0x4000  }
0x10e: {  	[sflag:s25] =	ssyncset.done $0x0  }
0x10f: {  	s10 =	simm.s32 $0x8200;
	s9 =	rddreg [dreg:$0xd];
	[sflag:s25] =	ssyncadd.s32 $0xFFFFC000  }
0x110: {  	[tilespmem:s10], [sflag:$0x7] =	stream.linear.gather [hbm4b:s9+s3], $0x10, $0x38;
	[tilespmem:$0x1C380] =	vst v63  }
0x111: {  	_ =	swait.ge [sflag:s25], $0x10  }
0x112: {  	[sflag:s25] =	ssyncset.done $0x0  }
0x113: {  	s17 =	simm.s32 $0x8280;
	s18 =	rddreg [dreg:$0xe];
	[sflag:s25] =	ssyncadd.s32 $0xFFFFFFF0  }
0x114: {  	[tilespmem:s17], [sflag:$0x7] =	stream.linear.gather [hbm4b:s18+s3], $0x10, $0x38;
	[tilespmem:$0x1C380] =	vst v63  }
0x115: {  	_ =	swait.ge [sflag:s25], $0x10  }
0x116: {  	[sflag:s25] =	ssyncset.done $0x0  }
0x117: {  	[sflag:s25] =	ssyncadd.s32 $0xFFFFFFF0  }
0x118: {  	[tilespmem:s12], [sflag:$0x5] =	stream.indirect.gather [hbm4b:s1+s11], $0x80, s10, s11, $0xb8;
	[tilespmem:$0x1C380] =	vst v63  }
0x119: {  	_ =	swait.ge [sflag:s19], $0x800  }
0x11a: {  	[sflag:s19] =	ssyncset.done $0x0  }
0x11b: {  	[sflag:s19] =	ssyncadd.s32 $0xFFFFF800  }
0x11c: {  	[spmem:s2] =	stream.indirect.scatter.add.f32 [tilespmem:s12], [sflag:$0x7], $0x80, s17, s11, $0xb8;
	[tilespmem:$0x1C380] =	vst v63  }
0x11d: {  	_ =	swait.ge [sflag:s25], $0x800  }
0x11e: {  	[sflag:s25] =	ssyncset.done $0x0  }
0x11f: {  	[sflag:s25] =	ssyncadd.s32 $0xFFFFF800  }
0x120: {  	[bflag:$0x0] =	sbarrier.arrive $0xFFFF  }
0x121: {  	s21 =	rddreg [dreg:$0xf]  }
0x122: {  	[hbm:s21], [sflag:s14] =	dma.local [spmem:s16], $0x2700  }
.Ltmp7:
0x123: {  	_ = 	snop;
	(pc) =	sbr.rel @!p2 .LBB2_9-.Ltmp7, $4  }
.Ltmp8:
0x124: {  	_ = 	snop;
	(pc) =	sbr.rel @p2 .LBB2_8-.Ltmp8, $4  }
0x125: {  	_ =	swait.ge [sflag:s25], $0x2700  }
0x126: {  	[sflag:s25] =	ssyncset.done $0x0  }
0x127: {  	s16 =	rddreg [dreg:$0x4];
	[sflag:s25] =	ssyncadd.s32 $0xFFFFD900  }
0x128: {  	_ = 	snop  }
.LBB2_10:
0x129: {  	_ =	sfence.sel $0x180000  }
0x12a: {  	[bflag:$0x0] =	sbarrier.arrive $0xFFFF  }
0x12b: {  	_ =	strace $0x90000047  }
0x12c: {  	[bflag:$0x2] =	sbarrier.arrive $0xFFFF  }
0x12d: {  	s0 =	rddreg [dreg:$0x3]  }
0x12e: {  	s0 =	sadd.s32 @!p1 $0x100000, s0  }
0x12f: {  	[sflag:s0] =	ssyncadd.tile.s32 @!p1 $0x1;
	_ =	shalt  }
.Lfunc_end2:
_tile_overlayer_lowered:
.L_overlay_start_2:
0x130: {  	(tag) =	ssettag $0x2  }
0x131: {  	s0 =	rddreg [dreg:$0x0];
	s2 =	stileid.u32  }
0x132: {  	s1 =	rddreg [dreg:$0x1];
	p0 =	sne.s32 s2, $0x0  }
0x133: {  	s3 =	rddreg [dreg:$0x2];
	[bflag:$0x3] =	sbarrier.arrive $0xFFFF;
	s2 =	simm.s32 @!p0 $0x1C07  }
0x134: {  	[timem:s3], [sflag:s2] =	dma.local @!p0 [hbm:s0], s1  }
0x135: {  	s0 =	simm.s32 @!p0 $0x7  }
0x136: {  	_ =	swait.ge @!p0 [sflag:s0], s1  }
0x137: {  	s1 =	ssub.s32 @!p0 $0x0, s1;
	[sflag:s0] =	ssyncset.done @!p0 $0x0  }
0x138: {  	[sflag:s0] =	ssyncadd.s32 @!p0 s1  }
0x139: {  	[bflag:$0x3] =	sbarrier.arrive $0xFFFF  }
0x13a: {  	_ =	shalt  }

// kernel: kernel.13.cloned.1.call-start
scs
__scs_entry_jumppad:
0x0: {  	(pc) =	sbr.rel $0x88, $3  }
0x1: {  	(tag) =	ssettag $0x0;
	lr =	simm.s32 $0x1  }
0x2: {  	[smem:$0x3F8A] =	sst lr;
	_ =	strace $0xD0000000  }
0x3: {  	_ = 	snop  }
0x4: {  	_ = 	snop  }
0x5: {  	_ = 	snop  }
0x6: {  	_ = 	snop  }
0x7: {  	_ = 	snop  }
__scs_overlays_trampoline_lowered:
0x8: {  	[smem:$0x3F99] =	sst s0  }
0x9: {  	[smem:$0x3F9A] =	sst s1  }
0xa: {  	[smem:$0x3F9B] =	sst s2  }
0xb: {  	[smem:$0x3F9C] =	sst s3  }
0xc: {  	[smem:$0x3F9D] =	sst s4  }
0xd: {  	[smem:$0x3F9E] =	sst s5  }
0xe: {  	[smem:$0x3F9F] =	sst s6  }
0xf: {  	[smem:$0x3FA0] =	sst s7  }
0x10: {  	[smem:$0x3FA1] =	sst s8  }
0x11: {  	[smem:$0x3FA2] =	sst s9;
	s0 =	simm.s32 @!p0 $0x0  }
0x12: {  	s1 =	sld [smem:$0x3F88];
	s0 =	simm.s32 @p0 $0x1  }
0x13: {  	[smem:$0x3FA3] =	sst s0;
	s0 =	simm.s32 @!p1 $0x0  }
0x14: {  	s2 =	sld [smem:$0x3F87];
	s0 =	simm.s32 @p1 $0x1  }
0x15: {  	[smem:$0x3FA4] =	sst s0;
	s0 =	simm.s32 @!p2 $0x0  }
0x16: {  	s3 =	sld [smem:$0x3FDB];
	s0 =	simm.s32 @p2 $0x1  }
0x17: {  	s4 =	simm.s32 $0x1BF5;
	[smem:$0x3FA6] =	sst s0  }
0x18: {  	s0 =	sld [smem:$0x3F89];
	_ =	swait.ge [sflag:s4], $0x0  }
0x19: {  	s7 =	sld [smem:$0x3F8A]  }
0x1a: {  	s8 =	sadd.s32 $0xFFFFE003, lr  }
0x1b: {  	s9 =	sadd.s32 $0xFFFFFEF7, lr;
	s5 =	simm.s32 $0xFFFFFFFF;
	p2 =	slt.u32 s8, $0xFFFFF086  }
0x1c: {  	p1 =	slt.u32 s9, $0xF7A;
	s5 =	simm.s32 @!p2 $0x0  }
0x1d: {  	s5 =	simm.s32 @p1 $0x1;
	p0 =	seq.s32 s7, s2  }
0x1e: {  	s7 =	smul.u32 @!p0 $0xF7A, s2;
	p2 =	seq.s32 @!p0 s5, $0x0  }
0x1f: {  	s9 =	smul.u32 $0xF7A, s1;
	s8 =	simm.s32 @!p0 $0x1BF5;
	p2 =	por !p2, p0  }
0x20: {  	[sflag:s8] =	ssyncset.s32 @!p0 $0xFFFFF086;
	s6 =	sadd.s32 @!p0 s3, s7;
	s7 =	simm.s32 @!p0 $0x108  }
0x21: {  	s3 =	sadd.s32 s3, s9;
	s6 =	sadd.s32 @!p0 $0x88, s6;
	s7 =	simm.s32 @p2 $0x1082  }
0x22: {  	[simem:s7], [sflag:s8] =	dma.local @!p0 [hbm:s6], $0xF7A  }
0x23: {  	s9 =	sor.u32 $0xD0000000, s2;
	s6 =	simm.s32 $0x108;
	_ =	swait.ge @!p0 [sflag:s8], $0x0  }
0x24: {  	s3 =	sadd.s32 $0x88, s3;
	s6 =	simm.s32 @!p1 $0x1082;
	[sflag:s4] =	ssyncset.s32 $0xFFFFF086  }
0x25: {  	[simem:s6], [sflag:s4] =	dma.local [hbm:s3], $0xF7A  }
0x26: {  	[smem:$0x3F8A] =	sst s1;
	(tag) =	ssettag s2;
	_ =	strace s9  }
0x27: {  	s1 =	sld [smem:$0x3F9A]  }
0x28: {  	s2 =	sld [smem:$0x3F9B]  }
0x29: {  	s4 =	sld [smem:$0x3F9D]  }
0x2a: {  	p0 =	seq.s32 s5, $0x0;
	s5 =	sld [smem:$0x3F9E]  }
0x2b: {  	s6 =	sld [smem:$0x3F9F]  }
0x2c: {  	s7 =	sld [smem:$0x3FA0]  }
0x2d: {  	s3 =	simm.s32 $0x108;
	s8 =	sld [smem:$0x3FA1]  }
0x2e: {  	s3 =	simm.s32 @!p0 $0x1082;
	s9 =	sld [smem:$0x3FA2]  }
0x2f: {  	lr =	sadd.s32 s0, s3;
	s0 =	sld [smem:$0x3F99]  }
0x30: {  	s3 =	sld [smem:$0x3F9C]  }
0x31: {  	[smem:$0x3FA5] =	sst s10  }
0x32: {  	s10 =	sld [smem:$0x3FA3];
	_ =	sdelay $0x3  }
0x33: {  	p0 =	seq.s32 s10, $0x1;
	s10 =	sld [smem:$0x3FA5];
	_ =	sdelay $0x3  }
0x34: {  	[smem:$0x3FA5] =	sst s10  }
0x35: {  	s10 =	sld [smem:$0x3FA4];
	_ =	sdelay $0x3  }
0x36: {  	p1 =	seq.s32 s10, $0x1;
	s10 =	sld [smem:$0x3FA5];
	_ =	sdelay $0x3  }
0x37: {  	[smem:$0x3FA5] =	sst s10  }
0x38: {  	s10 =	sld [smem:$0x3FA6]  }
0x39: {  	_ = 	snop;
	(pc) =	sbr.ind lr, $3  }
0x3a: {  	_ = 	snop  }
0x3b: {  	_ = 	snop  }
0x3c: {  	p2 =	seq.s32 s10, $0x1;
	s10 =	sld [smem:$0x3FA5]  }
0x3d: {  	_ =	shalt  }
0x3e: {  	_ =	shalt  }
0x3f: {  	_ =	shalt  }
0x40: {  	_ =	shalt  }
0x41: {  	_ =	shalt  }
0x42: {  	_ =	shalt  }
0x43: {  	_ =	shalt  }
0x44: {  	_ =	shalt  }
0x45: {  	_ =	shalt  }
0x46: {  	_ =	shalt  }
0x47: {  	_ =	shalt  }
0x48: {  	_ =	shalt  }
0x49: {  	_ =	shalt  }
0x4a: {  	_ =	shalt  }
0x4b: {  	_ =	shalt  }
0x4c: {  	_ =	shalt  }
0x4d: {  	_ =	shalt  }
0x4e: {  	_ =	shalt  }
0x4f: {  	_ =	shalt  }
0x50: {  	_ =	shalt  }
0x51: {  	_ =	shalt  }
0x52: {  	_ =	shalt  }
0x53: {  	_ =	shalt  }
0x54: {  	_ =	shalt  }
0x55: {  	_ =	shalt  }
0x56: {  	_ =	shalt  }
0x57: {  	_ =	shalt  }
0x58: {  	_ =	shalt  }
0x59: {  	_ =	shalt  }
0x5a: {  	_ =	shalt  }
0x5b: {  	_ =	shalt  }
0x5c: {  	_ =	shalt  }
0x5d: {  	_ =	shalt  }
0x5e: {  	_ =	shalt  }
0x5f: {  	_ =	shalt  }
0x60: {  	_ =	shalt  }
0x61: {  	_ =	shalt  }
0x62: {  	_ =	shalt  }
0x63: {  	_ =	shalt  }
0x64: {  	_ =	shalt  }
0x65: {  	_ =	shalt  }
0x66: {  	_ =	shalt  }
0x67: {  	_ =	shalt  }
0x68: {  	_ =	shalt  }
0x69: {  	_ =	shalt  }
0x6a: {  	_ =	shalt  }
0x6b: {  	_ =	shalt  }
0x6c: {  	_ =	shalt  }
0x6d: {  	_ =	shalt  }
0x6e: {  	_ =	shalt  }
0x6f: {  	_ =	shalt  }
0x70: {  	_ =	shalt  }
0x71: {  	_ =	shalt  }
0x72: {  	_ =	shalt  }
0x73: {  	_ =	shalt  }
0x74: {  	_ =	shalt  }
0x75: {  	_ =	shalt  }
0x76: {  	_ =	shalt  }
0x77: {  	_ =	shalt  }
0x78: {  	_ =	shalt  }
0x79: {  	_ =	shalt  }
0x7a: {  	_ =	shalt  }
0x7b: {  	_ =	shalt  }
0x7c: {  	_ =	shalt  }
0x7d: {  	_ =	shalt  }
0x7e: {  	_ =	shalt  }
0x7f: {  	_ =	shalt  }
0x80: {  	_ =	shalt  }
0x81: {  	_ =	shalt  }
0x82: {  	_ =	shalt  }
0x83: {  	_ =	shalt  }
0x84: {  	_ =	shalt  }
0x85: {  	_ =	shalt  }
0x86: {  	_ =	shalt  }
0x87: {  	_ =	shalt  }
.Lfunc_end0:
.L_simem_size_0:
called_computation.1_lowered:
.L_overlay_start_0:
0x88: {  	s2 =	sld [smem:$0x3FD9]  }
0x89: {  	s3 =	sld [smem:$0x3FFE];
	_ =	sdelay $0x1  }
0x8a: {  	s1 =	srdreg.scid  }
0x8b: {  	s0 =	sand.u32 $0x1, s1  }
0x8c: {  	s16 =	sshll.u32 s0, $0xA;
	s2 =	sadd.s32 s3, s2  }
0x8d: {  	s2 =	sadd.s32 s2, s16  }
0x8e: {  	[smem:$0x3FB1] =	sst s2  }
0x8f: {  	_ = 	snop  }
0x90: {  	(tm) =	ssettm $0x1  }
0x91: {  	s17 =	sld [smem:$0x3FFB];
	_ =	sdelay $0x3  }
0x92: {  	_ =	strace s17  }
0x93: {  	s2 =	sld [smem:$0x3FFC];
	_ =	sdelay $0x3  }
0x94: {  	_ =	strace s2  }
0x95: {  	s2 =	sld [smem:$0x3FFD];
	_ =	sdelay $0x3  }
0x96: {  	_ =	strace s2  }
0x97: {  	_ =	strace $0x8FFFFFFF  }
0x98: {  	s18 =	sld [smem:$0x3FDB];
	_ =	sdelay $0x1  }
0x99: {  	s19 =	simm.s32 $_scs_section_size  }
0x9a: {  	s4 =	simm.s32 $_size__tile_overlayer_lowered;
	s5 =	simm.s32 $_tile_overlayer_lowered  }
0x9b: {  	s22 =	simm.s32 $0x1BFF;
	s21 =	sshll.u32 s5, $0x1;
	s2 =	sadd.s32 s19, s18  }
0x9c: {  	s6 =	simm.s32 $0x0;
	s20 =	sshll.u32 s4, $0x1;
	s4 =	sadd.s32 s21, s2  }
0x9d: {  	[timem:s6], [sflag:s22] =	dma.local [hbm:s4], s20  }
0x9e: {  	_ =	swait.ge [sflag:s22], s20  }
0x9f: {  	s3 =	ssub.s32 $0x0, s20;
	[sflag:s22] =	ssyncset.done $0x0  }
0xa0: {  	[sflag:s22] =	ssyncadd.s32 s3;
	_ =	sdelay $0x1  }
0xa1: {  	s23 =	simm.s32 $0x1B8B  }
0xa2: {  	_ =	swait.ge [sflag:s23], $0x1  }
0xa3: {  	[sflag:s23] =	ssyncset.done $0x0  }
0xa4: {  	s25 =	simm.s32 $0x1B8E;
	s24 =	sld [smem:$0x3FFE];
	[sflag:s23] =	ssyncadd.s32 $0xFFFFFFFF  }
0xa5: {  	s26 =	simm.s32 $execute0_lowered;
	[smem:$0x3FD2] =	sst s25  }
0xa6: {  	s4 =	sshll.u32 s26, $0x1;
	_ =	strace $0x80000049;
	[dreg:$0x1] =	wrdreg $0xFFFFFFFF  }
0xa7: {  	s28 =	simm.s32 $_size_execute0_lowered;
	s2 =	sadd.s32 s2, s4;
	[dreg:$0x0] =	wrdreg $0x0  }
0xa8: {  	s4 =	sshll.u32 s28, $0x1;
	[dreg:$0x2] =	wrdreg s2  }
0xa9: {  	[dreg:$0x3] =	wrdreg s4  }
0xaa: {  	[dreg:$0x4] =	wrdreg $0xC0  }
0xab: {  	_ =	task [dreg:s6], $0x5FFFF  }
0xac: {  	[dreg:$0x1] =	wrdreg $0xFFFFFFFF  }
0xad: {  	[dreg:$0x0] =	wrdreg $0x60  }
0xae: {  	[dreg:$0x2] =	wrdreg s24  }
0xaf: {  	[dreg:$0x3] =	wrdreg $0x93000  }
0xb0: {  	[dreg:$0x4] =	wrdreg $0x9  }
0xb1: {  	_ =	task.clear_ibuf [dreg:s6], $0x5FFFF;
	_ =	strace $0x90000049  }
0xb2: {  	s29 =	simm.s32 $0x9;
	_ =	strace $0x8000004B  }
0xb3: {  	_ =	swait.ge [sflag:s29], $0x1  }
0xb4: {  	[sflag:s29] =	ssyncadd.s32 $0xFFFFFFFF  }
0xb5: {  	_ =	strace $0x9000004B  }
0xb6: {  	_ =	sfence  }
0xb7: {  	s30 =	sld [smem:$0x0];
	_ =	sdelay $0x2  }
0xb8: {  	s31 =	sshll.u32 s1, $0xD;
	s1 =	sshrl.u32 s1, $0x2  }
0xb9: {  	s3 =	sand.u32 $0x4000, s31;
	s1 =	sadd.s32 s1, s30  }
0xba: {  	s0 =	sor.u32 s3, s0;
	s1 =	sshll.u32 s1, $0x11  }
0xbb: {  	s0 =	sor.u32 s1, s0  }
0xbc: {  	s0 =	sadd.s32 $0x8F2B, s0  }
0xbd: {  	[sflag:s0] =	ssyncadd.remote.s32 $0x1  }
0xbe: {  	_ =	sfence.sel $0xFFFF  }
0xbf: {  	[dreg:$0x0] =	wrdreg $0xFFFFFFFF;
	(pc) =	sbr.abs _section_cstart, $3  }
0xc0: {  	[dreg:$0x1] =	wrdreg $0xFFFFFFFF  }
0xc1: {  	_ =	task.clear_ibuf [dreg:s6], $0x2FFFF;
	_ =	strace $0x9FFFFFFF  }
0xc2: {  	(tm) =	ssettm $0x7FFFFFFF  }
0xc3: {  	_ =	shalt  }
tec
execute0_lowered:
.L_overlay_start_1:
0x0: {  	(tag) =	ssettag $0x1  }
0x1: {  	s0 =	rddreg [dreg:$0x0]  }
0x2: {  	s1 =	rddreg [dreg:$0x1];
	s2 =	simm.s32 $0x0  }
0x3: {  	s13 =	stileid.u32;
	s6 =	srdreg.scid;
	s28 =	simm.s32 $0x180  }
0x4: {  	s29 =	simm.s32 $0x2;
	s30 =	simm.s32 $0x4200;
	s31 =	simm.s32 $0x5  }
0x5: {  	[smem:$0x7FF] =	sst s2;
	s3 =	sadd.s32 $0x40A00, s0;
	s4 =	smul.u32 $0x2700, s13  }
0x6: {  	s5 =	sadd.s32 $0x67C00, s0;
	s7 =	sadd.s32 $0xFA00, s0;
	s11 =	smul.u32 $0x4E20, s13  }
0x7: {  	s8 =	sadd.s32 $0x5C00, s0;
	s6 =	sand.u32 $0x1, s6;
	s17 =	smul.u32 $0x4E000, s13  }
0x8: {  	s15 =	sadd.s32 $0x8EE00, s0;
	s16 =	sadd.s32 $0xB6000, s0;
	s25 =	smul.u32 $0x9C4, s13  }
0x9: {  	p1 =	sne.s32 s13, $0x0;
	p2 =	seq.s32 s13, $0x0;
	_ =	strace $0x8000004A  }
0xa: {  	s10 =	ssub.s32 $0x2, s6;
	p0 =	seq.s32 s6, $0x1;
	[dreg:$0x3] =	wrdreg s15  }
0xb: {  	[dreg:$0x4] =	wrdreg s16;
	s9 =	sadd.s32 s4, s0;
	s12 =	sshrl.u32 s10, $0x1  }
0xc: {  	s11 =	sshrl.u32 s11, $0x3;
	s0 =	sadd.s32 $0x40800, s0;
	s26 =	sadd.s32 s15, s4  }
0xd: {  	s4 =	sadd.s32 s16, s4;
	s10 =	ssub.s32 s10, s12;
	s18 =	sadd.s32 s7, s11  }
0xe: {  	s19 =	sadd.s32 $0x10, s11;
	s14 =	sadd.s32 s8, s11;
	[dreg:$0xb] =	wrdreg s0  }
0xf: {  	s12 =	sshrl.u32 s17, $0x2;
	s22 =	sadd.s32 $0x19800, s9;
	[dreg:$0xe] =	wrdreg s26  }
0x10: {  	s23 =	sadd.s32 $0x9C0, s11;
	[dreg:$0xf] =	wrdreg s4;
	s26 =	simm.s32 $0x200  }
0x11: {  	s4 =	simm.s32 $0x8280;
	s9 =	simm.s32 $0x8300;
	[dreg:$0x5] =	wrdreg s18  }
0x12: {  	[dreg:$0x6] =	wrdreg s14;
	s20 =	sadd.s32 s7, s19;
	s6 =	sadd.s32 s8, s19  }
0x13: {  	s21 =	sadd.s32 s12, s1;
	[dreg:$0xa] =	wrdreg s22;
	s14 =	sadd.s32 $0x138000, s1  }
0x14: {  	s24 =	sadd.s32 s7, s23;
	s0 =	sadd.s32 s8, s23;
	[dreg:$0x7] =	wrdreg s20  }
0x15: {  	s22 =	sadd.s32 s25, s7;
	s23 =	simm.s32 $0x7;
	[dreg:$0x8] =	wrdreg s6  }
.Ltmp0:
0x16: {  	s18 =	simm.s32 $0x6;
	[dreg:$0x9] =	wrdreg s21;
	(pc) =	sbr.rel .LBB2_1-.Ltmp0, $4  }
0x17: {  	s19 =	simm.s32 $0x4;
	s7 =	simm.s32 $0x8200;
	[dreg:$0xc] =	wrdreg s24  }
0x18: {  	[dreg:$0xd] =	wrdreg s0;
	s20 =	smax.u32 s10, $0x1;
	s21 =	sadd.s32 s25, s8  }
0x19: {  	s24 =	simm.s32 $0x100;
	s25 =	simm.s32 $0x80;
	s0 =	simm.s32 $0x3  }
0x1a: {  	s6 =	simm.s32 $0x1;
	s8 =	simm.s32 $0x20;
	s10 =	simm.s32 $0x0  }
.LBB2_8:
0x1b: {  	s12 =	sadd.s32 $0x27000, s12;
	s13 =	sshrl.u32 s14, $0x3  }
0x1c: {  	[hbm:s12], [sflag:s11] =	dma.local [spmem:s13], $0x100  }
0x1d: {  	_ =	swait.ge [sflag:s23], $0x100  }
0x1e: {  	[sflag:s23] =	ssyncset.done $0x0  }
0x1f: {  	[sflag:s23] =	ssyncadd.s32 $0xFFFFFF00  }
.LBB2_9:
0x20: {  	s10 =	sadd.s32 $0x1, s10  }
0x21: {  	p3 =	sne.s32 s10, s20  }
.Ltmp1:
0x22: {  	_ = 	snop;
	(pc) =	sbr.rel @!p3 .LBB2_10-.Ltmp1, $1  }
0x23: {  	_ =	sdelay $0x3  }
.LBB2_1:
0x24: {  	s11 =	rddreg [dreg:$0x5]  }
0x25: {  	[tilespmem:s2], [sflag:$0x7] =	stream.linear.gather [hbm4b:s11+s2], $0x80, $0x38;
	[tilespmem:$0x1CB80] =	vst v63  }
.Ltmp2:
0x26: {  	_ = 	snop;
	(pc) =	sbr.rel @!p0 .LBB2_2-.Ltmp2, $4  }
0x27: {  	s17 =	stileid.u32;
	_ =	swait.ge [sflag:s23], $0x80  }
0x28: {  	s13 =	sshrl.u32 @!p1 s14, $0x3;
	s12 =	sshll.u32 s17, $0x6;
	[sflag:s23] =	ssyncset.done $0x0  }
0x29: {  	s11 =	sor.u32 $0x1C07, s12;
	s16 =	rddreg [dreg:$0x6];
	[sflag:s23] =	ssyncadd.s32 $0xFFFFFF80  }
0x2a: {  	[tilespmem:s24], [sflag:$0x3] =	stream.linear.gather [hbm4b:s16+s2], $0x80, $0x38;
	[tilespmem:$0x1CB80] =	vst v63  }
0x2b: {  	[tilespmem:s26], [sflag:$0x5] =	stream.indirect.gather [hbm4b:s5+s25], $0x80, s2, s25, $0xb8;
	[tilespmem:$0x1CB80] =	vst v63  }
0x2c: {  	s11 =	rddreg [dreg:$0x7]  }
0x2d: {  	s17 =	rddreg [dreg:$0x8]  }
0x2e: {  	s15 =	rddreg [dreg:$0x9]  }
0x2f: {  	[tilespmem:s25], [sflag:$0x2] =	stream.linear.gather [hbm4b:s11+s2], $0x80, $0x38;
	[tilespmem:$0x1CB80] =	vst v63  }
0x30: {  	s11 =	sor.u32 $0x1C07, s12;
	s12 =	sshrl.u32 s15, $0x3;
	s15 =	rddreg [dreg:$0xa]  }
0x31: {  	[tilespmem:s28], [sflag:$0x4] =	stream.linear.gather [hbm4b:s17+s2], $0x80, $0x38;
	[tilespmem:$0x1CB80] =	vst v63  }
0x32: {  	[spmem:s12], [sflag:s11] =	dma.local [hbm:s15], $0x2700  }
0x33: {  	_ =	swait.ge [sflag:s23], $0x2700  }
0x34: {  	[sflag:s23] =	ssyncset.done $0x0  }
0x35: {  	s15 =	rddreg [dreg:$0xb];
	[sflag:s23] =	ssyncadd.s32 $0xFFFFD900  }
0x36: {  	[spmem:s13], [sflag:s11] =	dma.local @!p1 [hbm:s15], $0x100  }
0x37: {  	s13 =	simm.s32 @!p1 $0x7  }
0x38: {  	_ =	swait.ge @!p1 [sflag:s13], $0x100  }
0x39: {  	[sflag:s13] =	ssyncset.done @!p1 $0x0  }
0x3a: {  	[sflag:s13] =	ssyncadd.s32 @!p1 $0xFFFFFF00  }
0x3b: {  	[bflag:$0x0] =	sbarrier.arrive $0xFFFF  }
0x3c: {  	_ =	swait.ge [sflag:s29], $0x80  }
0x3d: {  	[sflag:s29] =	ssyncset.done $0x0  }
0x3e: {  	[sflag:s29] =	ssyncadd.s32 $0xFFFFFF80  }
0x3f: {  	[tilespmem:s30], [sflag:$0x6] =	stream.indirect.gather [hbm4b:s5+s25], $0x80, s25, s25, $0xb8;
	[tilespmem:$0x1CB80] =	vst v63  }
0x40: {  	_ =	swait.ge [sflag:s31], $0x4000  }
0x41: {  	s13 =	sadd.s32 $0xFFFFF660, s22;
	[sflag:s31] =	ssyncset.done $0x0  }
0x42: {  	s16 =	sadd.s32 $0x9C0, s13;
	[sflag:s31] =	ssyncadd.s32 $0xFFFFC000  }
0x43: {  	[tilespmem:s2], [sflag:$0x1] =	stream.linear.gather [hbm4b:s16+s2], $0x80, $0x38;
	[tilespmem:$0x1CB80] =	vst v63  }
0x44: {  	_ =	swait.ge [sflag:s0], $0x80  }
0x45: {  	[sflag:s0] =	ssyncset.done $0x0  }
0x46: {  	[sflag:s0] =	ssyncadd.s32 $0xFFFFFF80  }
0x47: {  	[spmem:s1] =	stream.indirect.scatter.add.f32 [tilespmem:s26], [sflag:$0x7], $0x80, s24, s25, $0xb8;
	[tilespmem:$0x1CB80] =	vst v63  }
0x48: {  	_ =	swait.ge [sflag:s23], $0x4000  }
0x49: {  	s17 =	sadd.s32 $0xFFFFF660, s21;
	[sflag:s23] =	ssyncset.done $0x0  }
0x4a: {  	s16 =	sadd.s32 $0x9C0, s17;
	[sflag:s23] =	ssyncadd.s32 $0xFFFFC000  }
0x4b: {  	[tilespmem:s24], [sflag:$0x3] =	stream.linear.gather [hbm4b:s16+s2], $0x80, $0x38;
	[tilespmem:$0x1CB80] =	vst v63  }
0x4c: {  	_ =	swait.ge [sflag:s18], $0x4000  }
0x4d: {  	[sflag:s18] =	ssyncset.done $0x0  }
0x4e: {  	s13 =	sadd.s32 $0x9D0, s13;
	[sflag:s18] =	ssyncadd.s32 $0xFFFFC000  }
0x4f: {  	[tilespmem:s25], [sflag:$0x2] =	stream.linear.gather [hbm4b:s13+s2], $0x80, $0x38;
	[tilespmem:$0x1CB80] =	vst v63  }
0x50: {  	_ =	swait.ge [sflag:s19], $0x80  }
0x51: {  	[sflag:s19] =	ssyncset.done $0x0  }
0x52: {  	[sflag:s19] =	ssyncadd.s32 $0xFFFFFF80  }
0x53: {  	[spmem:s1] =	stream.indirect.scatter.add.f32 [tilespmem:s30], [sflag:$0x7], $0x80, s28, s25, $0xb8;
	[tilespmem:$0x1CB80] =	vst v63  }
0x54: {  	_ =	swait.ge [sflag:s23], $0x4000  }
0x55: {  	[sflag:s23] =	ssyncset.done $0x0  }
0x56: {  	s17 =	sadd.s32 $0x9D0, s17;
	[sflag:s23] =	ssyncadd.s32 $0xFFFFC000  }
0x57: {  	[tilespmem:s28], [sflag:$0x4] =	stream.linear.gather [hbm4b:s17+s2], $0x80, $0x38;
	[tilespmem:$0x1CB80] =	vst v63  }
0x58: {  	_ =	swait.ge [sflag:s6], $0x80  }
0x59: {  	[sflag:s6] =	ssyncset.done $0x0  }
0x5a: {  	s13 =	simm.s32 $0xFFFFF680;
	[sflag:s6] =	ssyncadd.s32 $0xFFFFFF80  }
.LBB2_6:
0x5b: {  	[tilespmem:s26], [sflag:$0x5] =	stream.indirect.gather [hbm4b:s5+s25], $0x80, s2, s25, $0xb8;
	[tilespmem:$0x1CB80] =	vst v63  }
0x5c: {  	s15 =	smov.u32 s13  }
0x5d: {  	p3 =	sne.s32 s13, $0xFFFFFFE0;
	s13 =	sadd.s32 $0x20, s13;
	_ =	swait.ge [sflag:s29], $0x80  }
0x5e: {  	[sflag:s29] =	ssyncset.done $0x0  }
0x5f: {  	[sflag:s29] =	ssyncadd.s32 $0xFFFFFF80  }
0x60: {  	[tilespmem:s30], [sflag:$0x6] =	stream.indirect.gather [hbm4b:s5+s25], $0x80, s25, s25, $0xb8;
	[tilespmem:$0x1CB80] =	vst v63  }
0x61: {  	_ =	swait.ge [sflag:s31], $0x4000  }
0x62: {  	s16 =	sadd.s32 s15, s22;
	[sflag:s31] =	ssyncset.done $0x0  }
0x63: {  	s17 =	sadd.s32 $0x9C0, s16;
	[sflag:s31] =	ssyncadd.s32 $0xFFFFC000  }
0x64: {  	[tilespmem:s2], [sflag:$0x1] =	stream.linear.gather [hbm4b:s17+s2], $0x80, $0x38;
	[tilespmem:$0x1CB80] =	vst v63  }
0x65: {  	_ =	swait.ge [sflag:s0], $0x80  }
0x66: {  	[sflag:s0] =	ssyncset.done $0x0  }
0x67: {  	[sflag:s0] =	ssyncadd.s32 $0xFFFFFF80  }
0x68: {  	[spmem:s1] =	stream.indirect.scatter.add.f32 [tilespmem:s26], [sflag:$0x7], $0x80, s24, s25, $0xb8;
	[tilespmem:$0x1CB80] =	vst v63  }
0x69: {  	_ =	swait.ge [sflag:s23], $0x4000  }
0x6a: {  	s15 =	sadd.s32 s15, s21;
	[sflag:s23] =	ssyncset.done $0x0  }
0x6b: {  	s17 =	sadd.s32 $0x9C0, s15;
	[sflag:s23] =	ssyncadd.s32 $0xFFFFC000  }
0x6c: {  	[tilespmem:s24], [sflag:$0x3] =	stream.linear.gather [hbm4b:s17+s2], $0x80, $0x38;
	[tilespmem:$0x1CB80] =	vst v63  }
0x6d: {  	_ =	swait.ge [sflag:s18], $0x4000  }
0x6e: {  	[sflag:s18] =	ssyncset.done $0x0  }
0x6f: {  	s16 =	sadd.s32 $0x9D0, s16;
	[sflag:s18] =	ssyncadd.s32 $0xFFFFC000  }
0x70: {  	[tilespmem:s25], [sflag:$0x2] =	stream.linear.gather [hbm4b:s16+s2], $0x80, $0x38;
	[tilespmem:$0x1CB80] =	vst v63  }
0x71: {  	_ =	swait.ge [sflag:s19], $0x80  }
0x72: {  	[sflag:s19] =	ssyncset.done $0x0  }
0x73: {  	[sflag:s19] =	ssyncadd.s32 $0xFFFFFF80  }
0x74: {  	[spmem:s1] =	stream.indirect.scatter.add.f32 [tilespmem:s30], [sflag:$0x7], $0x80, s28, s25, $0xb8;
	[tilespmem:$0x1CB80] =	vst v63  }
0x75: {  	_ =	swait.ge [sflag:s23], $0x4000  }
0x76: {  	[sflag:s23] =	ssyncset.done $0x0  }
.Ltmp3:
0x77: {  	s15 =	sadd.s32 $0x9D0, s15;
	[sflag:s23] =	ssyncadd.s32 $0xFFFFC000;
	(pc) =	sbr.rel @p3 .LBB2_6-.Ltmp3, $4  }
0x78: {  	[tilespmem:s28], [sflag:$0x4] =	stream.linear.gather [hbm4b:s15+s2], $0x80, $0x38;
	[tilespmem:$0x1CB80] =	vst v63  }
0x79: {  	_ =	swait.ge [sflag:s6], $0x80  }
0x7a: {  	[sflag:s6] =	ssyncset.done $0x0  }
0x7b: {  	[sflag:s6] =	ssyncadd.s32 $0xFFFFFF80  }
0x7c: {  	[tilespmem:s26], [sflag:$0x5] =	stream.indirect.gather [hbm4b:s5+s25], $0x80, s2, s25, $0xb8;
	[tilespmem:$0x1CB80] =	vst v63  }
0x7d: {  	_ =	swait.ge [sflag:s29], $0x80  }
0x7e: {  	[sflag:s29] =	ssyncset.done $0x0  }
0x7f: {  	[sflag:s29] =	ssyncadd.s32 $0xFFFFFF80  }
0x80: {  	[tilespmem:s30], [sflag:$0x6] =	stream.indirect.gather [hbm4b:s5+s25], $0x80, s25, s25, $0xb8;
	[tilespmem:$0x1CB80] =	vst v63  }
0x81: {  	_ =	swait.ge [sflag:s31], $0x4000  }
0x82: {  	[sflag:s31] =	ssyncset.done $0x0  }
0x83: {  	[sflag:s31] =	ssyncadd.s32 $0xFFFFC000  }
0x84: {  	_ =	swait.ge [sflag:s0], $0x80  }
0x85: {  	[sflag:s0] =	ssyncset.done $0x0  }
0x86: {  	[sflag:s0] =	ssyncadd.s32 $0xFFFFFF80  }
0x87: {  	[spmem:s1] =	stream.indirect.scatter.add.f32 [tilespmem:s26], [sflag:$0x7], $0x80, s24, s25, $0xb8;
	[tilespmem:$0x1CB80] =	vst v63  }
0x88: {  	_ =	swait.ge [sflag:s23], $0x4000  }
0x89: {  	[sflag:s23] =	ssyncset.done $0x0  }
0x8a: {  	[sflag:s23] =	ssyncadd.s32 $0xFFFFC000  }
0x8b: {  	_ =	swait.ge [sflag:s18], $0x4000  }
0x8c: {  	[sflag:s18] =	ssyncset.done $0x0  }
0x8d: {  	[sflag:s18] =	ssyncadd.s32 $0xFFFFC000  }
0x8e: {  	_ =	swait.ge [sflag:s19], $0x80  }
0x8f: {  	[sflag:s19] =	ssyncset.done $0x0  }
0x90: {  	[sflag:s19] =	ssyncadd.s32 $0xFFFFFF80  }
0x91: {  	[spmem:s1] =	stream.indirect.scatter.add.f32 [tilespmem:s30], [sflag:$0x7], $0x80, s28, s25, $0xb8;
	[tilespmem:$0x1CB80] =	vst v63  }
0x92: {  	_ =	swait.ge [sflag:s23], $0x4000  }
0x93: {  	[sflag:s23] =	ssyncset.done $0x0  }
0x94: {  	s13 =	rddreg [dreg:$0xc];
	[sflag:s23] =	ssyncadd.s32 $0xFFFFC000  }
0x95: {  	[tilespmem:s7], [sflag:$0x7] =	stream.linear.gather [hbm4b:s13+s2], $0x20, $0x38;
	[tilespmem:$0x1CB80] =	vst v63  }
0x96: {  	_ =	swait.ge [sflag:s23], $0x20  }
0x97: {  	[sflag:s23] =	ssyncset.done $0x0  }
0x98: {  	s16 =	rddreg [dreg:$0xd];
	[sflag:s23] =	ssyncadd.s32 $0xFFFFFFE0  }
0x99: {  	[tilespmem:s4], [sflag:$0x7] =	stream.linear.gather [hbm4b:s16+s2], $0x20, $0x38;
	[tilespmem:$0x1CB80] =	vst v63  }
0x9a: {  	_ =	swait.ge [sflag:s23], $0x20  }
0x9b: {  	[sflag:s23] =	ssyncset.done $0x0  }
0x9c: {  	[sflag:s23] =	ssyncadd.s32 $0xFFFFFFE0  }
0x9d: {  	[tilespmem:s9], [sflag:$0x5] =	stream.indirect.gather [hbm4b:s5+s8], $0x80, s7, s8, $0xb8;
	[tilespmem:$0x1CB80] =	vst v63  }
0x9e: {  	_ =	swait.ge [sflag:s31], $0x1000  }
0x9f: {  	[sflag:s31] =	ssyncset.done $0x0  }
0xa0: {  	[sflag:s31] =	ssyncadd.s32 $0xFFFFF000  }
0xa1: {  	[spmem:s1] =	stream.indirect.scatter.add.f32 [tilespmem:s9], [sflag:$0x7], $0x80, s4, s8, $0xb8;
	[tilespmem:$0x1CB80] =	vst v63  }
0xa2: {  	_ =	swait.ge [sflag:s23], $0x1000  }
0xa3: {  	[sflag:s23] =	ssyncset.done $0x0  }
0xa4: {  	[sflag:s23] =	ssyncadd.s32 $0xFFFFF000  }
0xa5: {  	[bflag:$0x0] =	sbarrier.arrive $0xFFFF  }
0xa6: {  	s17 =	rddreg [dreg:$0xf]  }
0xa7: {  	[hbm:s17], [sflag:s11] =	dma.local [spmem:s12], $0x2700  }
.Ltmp4:
0xa8: {  	_ = 	snop;
	(pc) =	sbr.rel @p1 .LBB2_9-.Ltmp4, $4  }
.Ltmp5:
0xa9: {  	_ = 	snop;
	(pc) =	sbr.rel @!p1 .LBB2_8-.Ltmp5, $4  }
0xaa: {  	_ =	swait.ge [sflag:s23], $0x2700  }
0xab: {  	[sflag:s23] =	ssyncset.done $0x0  }
0xac: {  	s12 =	rddreg [dreg:$0x4];
	[sflag:s23] =	ssyncadd.s32 $0xFFFFD900  }
0xad: {  	_ = 	snop  }
.LBB2_2:
0xae: {  	[tilespmem:s26], [sflag:$0x5] =	stream.indirect.gather [hbm4b:s3+s25], $0x80, s2, s25, $0xb8;
	[tilespmem:$0x1CB80] =	vst v63  }
0xaf: {  	s12 =	rddreg [dreg:$0x7]  }
0xb0: {  	s17 =	rddreg [dreg:$0x8]  }
0xb1: {  	s15 =	rddreg [dreg:$0x9]  }
0xb2: {  	[tilespmem:s25], [sflag:$0x2] =	stream.linear.gather [hbm4b:s12+s2], $0x80, $0x38;
	[tilespmem:$0x1CB80] =	vst v63  }
0xb3: {  	s12 =	sshrl.u32 s15, $0x3;
	s15 =	rddreg [dreg:$0xa]  }
0xb4: {  	[tilespmem:s28], [sflag:$0x4] =	stream.linear.gather [hbm4b:s17+s2], $0x80, $0x38;
	[tilespmem:$0x1CB80] =	vst v63  }
0xb5: {  	[spmem:s12], [sflag:s11] =	dma.local [hbm:s15], $0x2700  }
0xb6: {  	_ =	swait.ge [sflag:s23], $0x2700  }
0xb7: {  	[sflag:s23] =	ssyncset.done $0x0  }
0xb8: {  	s15 =	rddreg [dreg:$0xb];
	[sflag:s23] =	ssyncadd.s32 $0xFFFFD900  }
0xb9: {  	[spmem:s13], [sflag:s11] =	dma.local @!p1 [hbm:s15], $0x100  }
0xba: {  	s13 =	simm.s32 @!p1 $0x7  }
0xbb: {  	_ =	swait.ge @!p1 [sflag:s13], $0x100  }
0xbc: {  	[sflag:s13] =	ssyncset.done @!p1 $0x0  }
0xbd: {  	[sflag:s13] =	ssyncadd.s32 @!p1 $0xFFFFFF00  }
0xbe: {  	[bflag:$0x0] =	sbarrier.arrive $0xFFFF  }
0xbf: {  	_ =	swait.ge [sflag:s29], $0x80  }
0xc0: {  	[sflag:s29] =	ssyncset.done $0x0  }
0xc1: {  	[sflag:s29] =	ssyncadd.s32 $0xFFFFFF80  }
0xc2: {  	[tilespmem:s30], [sflag:$0x6] =	stream.indirect.gather [hbm4b:s3+s25], $0x80, s25, s25, $0xb8;
	[tilespmem:$0x1CB80] =	vst v63  }
0xc3: {  	_ =	swait.ge [sflag:s31], $0x4000  }
0xc4: {  	s13 =	sadd.s32 $0xFFFFF660, s22;
	[sflag:s31] =	ssyncset.done $0x0  }
0xc5: {  	s16 =	sadd.s32 $0x9C0, s13;
	[sflag:s31] =	ssyncadd.s32 $0xFFFFC000  }
0xc6: {  	[tilespmem:s2], [sflag:$0x1] =	stream.linear.gather [hbm4b:s16+s2], $0x80, $0x38;
	[tilespmem:$0x1CB80] =	vst v63  }
0xc7: {  	_ =	swait.ge [sflag:s0], $0x80  }
0xc8: {  	[sflag:s0] =	ssyncset.done $0x0  }
0xc9: {  	[sflag:s0] =	ssyncadd.s32 $0xFFFFFF80  }
0xca: {  	[spmem:s1] =	stream.indirect.scatter.add.f32 [tilespmem:s26], [sflag:$0x7], $0x80, s24, s25, $0xb8;
	[tilespmem:$0x1CB80] =	vst v63  }
0xcb: {  	_ =	swait.ge [sflag:s23], $0x4000  }
0xcc: {  	s17 =	sadd.s32 $0xFFFFF660, s21;
	[sflag:s23] =	ssyncset.done $0x0  }
0xcd: {  	s16 =	sadd.s32 $0x9C0, s17;
	[sflag:s23] =	ssyncadd.s32 $0xFFFFC000  }
0xce: {  	[tilespmem:s24], [sflag:$0x3] =	stream.linear.gather [hbm4b:s16+s2], $0x80, $0x38;
	[tilespmem:$0x1CB80] =	vst v63  }
0xcf: {  	_ =	swait.ge [sflag:s18], $0x4000  }
0xd0: {  	[sflag:s18] =	ssyncset.done $0x0  }
0xd1: {  	s13 =	sadd.s32 $0x9D0, s13;
	[sflag:s18] =	ssyncadd.s32 $0xFFFFC000  }
0xd2: {  	[tilespmem:s25], [sflag:$0x2] =	stream.linear.gather [hbm4b:s13+s2], $0x80, $0x38;
	[tilespmem:$0x1CB80] =	vst v63  }
0xd3: {  	_ =	swait.ge [sflag:s19], $0x80  }
0xd4: {  	[sflag:s19] =	ssyncset.done $0x0  }
0xd5: {  	[sflag:s19] =	ssyncadd.s32 $0xFFFFFF80  }
0xd6: {  	[spmem:s1] =	stream.indirect.scatter.add.f32 [tilespmem:s30], [sflag:$0x7], $0x80, s28, s25, $0xb8;
	[tilespmem:$0x1CB80] =	vst v63  }
0xd7: {  	_ =	swait.ge [sflag:s23], $0x4000  }
0xd8: {  	[sflag:s23] =	ssyncset.done $0x0  }
0xd9: {  	s17 =	sadd.s32 $0x9D0, s17;
	[sflag:s23] =	ssyncadd.s32 $0xFFFFC000  }
0xda: {  	[tilespmem:s28], [sflag:$0x4] =	stream.linear.gather [hbm4b:s17+s2], $0x80, $0x38;
	[tilespmem:$0x1CB80] =	vst v63  }
0xdb: {  	_ =	swait.ge [sflag:s6], $0x80  }
0xdc: {  	[sflag:s6] =	ssyncset.done $0x0  }
0xdd: {  	s13 =	simm.s32 $0xFFFFF680;
	[sflag:s6] =	ssyncadd.s32 $0xFFFFFF80  }
.LBB2_3:
0xde: {  	[tilespmem:s26], [sflag:$0x5] =	stream.indirect.gather [hbm4b:s3+s25], $0x80, s2, s25, $0xb8;
	[tilespmem:$0x1CB80] =	vst v63  }
0xdf: {  	s15 =	smov.u32 s13  }
0xe0: {  	p3 =	sne.s32 s13, $0xFFFFFFE0;
	s13 =	sadd.s32 $0x20, s13;
	_ =	swait.ge [sflag:s29], $0x80  }
0xe1: {  	[sflag:s29] =	ssyncset.done $0x0  }
0xe2: {  	[sflag:s29] =	ssyncadd.s32 $0xFFFFFF80  }
0xe3: {  	[tilespmem:s30], [sflag:$0x6] =	stream.indirect.gather [hbm4b:s3+s25], $0x80, s25, s25, $0xb8;
	[tilespmem:$0x1CB80] =	vst v63  }
0xe4: {  	_ =	swait.ge [sflag:s31], $0x4000  }
0xe5: {  	s16 =	sadd.s32 s15, s22;
	[sflag:s31] =	ssyncset.done $0x0  }
0xe6: {  	s17 =	sadd.s32 $0x9C0, s16;
	[sflag:s31] =	ssyncadd.s32 $0xFFFFC000  }
0xe7: {  	[tilespmem:s2], [sflag:$0x1] =	stream.linear.gather [hbm4b:s17+s2], $0x80, $0x38;
	[tilespmem:$0x1CB80] =	vst v63  }
0xe8: {  	_ =	swait.ge [sflag:s0], $0x80  }
0xe9: {  	[sflag:s0] =	ssyncset.done $0x0  }
0xea: {  	[sflag:s0] =	ssyncadd.s32 $0xFFFFFF80  }
0xeb: {  	[spmem:s1] =	stream.indirect.scatter.add.f32 [tilespmem:s26], [sflag:$0x7], $0x80, s24, s25, $0xb8;
	[tilespmem:$0x1CB80] =	vst v63  }
0xec: {  	_ =	swait.ge [sflag:s23], $0x4000  }
0xed: {  	s15 =	sadd.s32 s15, s21;
	[sflag:s23] =	ssyncset.done $0x0  }
0xee: {  	s17 =	sadd.s32 $0x9C0, s15;
	[sflag:s23] =	ssyncadd.s32 $0xFFFFC000  }
0xef: {  	[tilespmem:s24], [sflag:$0x3] =	stream.linear.gather [hbm4b:s17+s2], $0x80, $0x38;
	[tilespmem:$0x1CB80] =	vst v63  }
0xf0: {  	_ =	swait.ge [sflag:s18], $0x4000  }
0xf1: {  	[sflag:s18] =	ssyncset.done $0x0  }
0xf2: {  	s16 =	sadd.s32 $0x9D0, s16;
	[sflag:s18] =	ssyncadd.s32 $0xFFFFC000  }
0xf3: {  	[tilespmem:s25], [sflag:$0x2] =	stream.linear.gather [hbm4b:s16+s2], $0x80, $0x38;
	[tilespmem:$0x1CB80] =	vst v63  }
0xf4: {  	_ =	swait.ge [sflag:s19], $0x80  }
0xf5: {  	[sflag:s19] =	ssyncset.done $0x0  }
0xf6: {  	[sflag:s19] =	ssyncadd.s32 $0xFFFFFF80  }
0xf7: {  	[spmem:s1] =	stream.indirect.scatter.add.f32 [tilespmem:s30], [sflag:$0x7], $0x80, s28, s25, $0xb8;
	[tilespmem:$0x1CB80] =	vst v63  }
0xf8: {  	_ =	swait.ge [sflag:s23], $0x4000  }
0xf9: {  	[sflag:s23] =	ssyncset.done $0x0  }
.Ltmp6:
0xfa: {  	s15 =	sadd.s32 $0x9D0, s15;
	[sflag:s23] =	ssyncadd.s32 $0xFFFFC000;
	(pc) =	sbr.rel @p3 .LBB2_3-.Ltmp6, $4  }
0xfb: {  	[tilespmem:s28], [sflag:$0x4] =	stream.linear.gather [hbm4b:s15+s2], $0x80, $0x38;
	[tilespmem:$0x1CB80] =	vst v63  }
0xfc: {  	_ =	swait.ge [sflag:s6], $0x80  }
0xfd: {  	[sflag:s6] =	ssyncset.done $0x0  }
0xfe: {  	[sflag:s6] =	ssyncadd.s32 $0xFFFFFF80  }
0xff: {  	[tilespmem:s26], [sflag:$0x5] =	stream.indirect.gather [hbm4b:s3+s25], $0x80, s2, s25, $0xb8;
	[tilespmem:$0x1CB80] =	vst v63  }
0x100: {  	_ =	swait.ge [sflag:s29], $0x80  }
0x101: {  	[sflag:s29] =	ssyncset.done $0x0  }
0x102: {  	[sflag:s29] =	ssyncadd.s32 $0xFFFFFF80  }
0x103: {  	[tilespmem:s30], [sflag:$0x6] =	stream.indirect.gather [hbm4b:s3+s25], $0x80, s25, s25, $0xb8;
	[tilespmem:$0x1CB80] =	vst v63  }
0x104: {  	_ =	swait.ge [sflag:s31], $0x4000  }
0x105: {  	[sflag:s31] =	ssyncset.done $0x0  }
0x106: {  	[sflag:s31] =	ssyncadd.s32 $0xFFFFC000  }
0x107: {  	_ =	swait.ge [sflag:s0], $0x80  }
0x108: {  	[sflag:s0] =	ssyncset.done $0x0  }
0x109: {  	[sflag:s0] =	ssyncadd.s32 $0xFFFFFF80  }
0x10a: {  	[spmem:s1] =	stream.indirect.scatter.add.f32 [tilespmem:s26], [sflag:$0x7], $0x80, s24, s25, $0xb8;
	[tilespmem:$0x1CB80] =	vst v63  }
0x10b: {  	_ =	swait.ge [sflag:s23], $0x4000  }
0x10c: {  	[sflag:s23] =	ssyncset.done $0x0  }
0x10d: {  	[sflag:s23] =	ssyncadd.s32 $0xFFFFC000  }
0x10e: {  	_ =	swait.ge [sflag:s18], $0x4000  }
0x10f: {  	[sflag:s18] =	ssyncset.done $0x0  }
0x110: {  	[sflag:s18] =	ssyncadd.s32 $0xFFFFC000  }
0x111: {  	_ =	swait.ge [sflag:s19], $0x80  }
0x112: {  	[sflag:s19] =	ssyncset.done $0x0  }
0x113: {  	[sflag:s19] =	ssyncadd.s32 $0xFFFFFF80  }
0x114: {  	[spmem:s1] =	stream.indirect.scatter.add.f32 [tilespmem:s30], [sflag:$0x7], $0x80, s28, s25, $0xb8;
	[tilespmem:$0x1CB80] =	vst v63  }
0x115: {  	_ =	swait.ge [sflag:s23], $0x4000  }
0x116: {  	[sflag:s23] =	ssyncset.done $0x0  }
0x117: {  	s13 =	rddreg [dreg:$0xc];
	[sflag:s23] =	ssyncadd.s32 $0xFFFFC000  }
0x118: {  	[tilespmem:s7], [sflag:$0x7] =	stream.linear.gather [hbm4b:s13+s2], $0x20, $0x38;
	[tilespmem:$0x1CB80] =	vst v63  }
0x119: {  	_ =	swait.ge [sflag:s23], $0x20  }
0x11a: {  	[sflag:s23] =	ssyncset.done $0x0  }
0x11b: {  	s16 =	rddreg [dreg:$0xd];
	[sflag:s23] =	ssyncadd.s32 $0xFFFFFFE0  }
0x11c: {  	[tilespmem:s4], [sflag:$0x7] =	stream.linear.gather [hbm4b:s16+s2], $0x20, $0x38;
	[tilespmem:$0x1CB80] =	vst v63  }
0x11d: {  	_ =	swait.ge [sflag:s23], $0x20  }
0x11e: {  	[sflag:s23] =	ssyncset.done $0x0  }
0x11f: {  	[sflag:s23] =	ssyncadd.s32 $0xFFFFFFE0  }
0x120: {  	[tilespmem:s9], [sflag:$0x5] =	stream.indirect.gather [hbm4b:s3+s8], $0x80, s7, s8, $0xb8;
	[tilespmem:$0x1CB80] =	vst v63  }
0x121: {  	_ =	swait.ge [sflag:s31], $0x1000  }
0x122: {  	[sflag:s31] =	ssyncset.done $0x0  }
0x123: {  	[sflag:s31] =	ssyncadd.s32 $0xFFFFF000  }
0x124: {  	[spmem:s1] =	stream.indirect.scatter.add.f32 [tilespmem:s9], [sflag:$0x7], $0x80, s4, s8, $0xb8;
	[tilespmem:$0x1CB80] =	vst v63  }
0x125: {  	_ =	swait.ge [sflag:s23], $0x1000  }
0x126: {  	[sflag:s23] =	ssyncset.done $0x0  }
0x127: {  	[sflag:s23] =	ssyncadd.s32 $0xFFFFF000  }
0x128: {  	[bflag:$0x0] =	sbarrier.arrive $0xFFFF  }
0x129: {  	s17 =	rddreg [dreg:$0xe]  }
0x12a: {  	[hbm:s17], [sflag:s11] =	dma.local [spmem:s12], $0x2700  }
.Ltmp7:
0x12b: {  	_ = 	snop;
	(pc) =	sbr.rel @!p2 .LBB2_9-.Ltmp7, $4  }
.Ltmp8:
0x12c: {  	_ = 	snop;
	(pc) =	sbr.rel @p2 .LBB2_8-.Ltmp8, $4  }
0x12d: {  	_ =	swait.ge [sflag:s23], $0x2700  }
0x12e: {  	[sflag:s23] =	ssyncset.done $0x0  }
0x12f: {  	s12 =	rddreg [dreg:$0x3];
	[sflag:s23] =	ssyncadd.s32 $0xFFFFD900  }
0x130: {  	_ = 	snop  }
.LBB2_10:
0x131: {  	_ =	sfence.sel $0x180000  }
0x132: {  	[bflag:$0x0] =	sbarrier.arrive $0xFFFF  }
0x133: {  	_ =	strace $0x9000004A  }
0x134: {  	[bflag:$0x2] =	sbarrier.arrive $0xFFFF  }
0x135: {  	s0 =	rddreg [dreg:$0x2]  }
0x136: {  	s0 =	sadd.s32 @!p1 $0x100000, s0  }
0x137: {  	[sflag:s0] =	ssyncadd.tile.s32 @!p1 $0x1;
	_ =	shalt  }
.Lfunc_end2:
_tile_overlayer_lowered:
.L_overlay_start_2:
0x138: {  	(tag) =	ssettag $0x2  }
0x139: {  	s0 =	rddreg [dreg:$0x0];
	s2 =	stileid.u32  }
0x13a: {  	s1 =	rddreg [dreg:$0x1];
	p0 =	sne.s32 s2, $0x0  }
0x13b: {  	s3 =	rddreg [dreg:$0x2];
	[bflag:$0x3] =	sbarrier.arrive $0xFFFF;
	s2 =	simm.s32 @!p0 $0x1C07  }
0x13c: {  	[timem:s3], [sflag:s2] =	dma.local @!p0 [hbm:s0], s1  }
0x13d: {  	s0 =	simm.s32 @!p0 $0x7  }
0x13e: {  	_ =	swait.ge @!p0 [sflag:s0], s1  }
0x13f: {  	s1 =	ssub.s32 @!p0 $0x0, s1;
	[sflag:s0] =	ssyncset.done @!p0 $0x0  }
0x140: {  	[sflag:s0] =	ssyncadd.s32 @!p0 s1  }
0x141: {  	[bflag:$0x3] =	sbarrier.arrive $0xFFFF  }
0x142: {  	_ =	shalt  }

// kernel: kernel.16.cloned.1.call-start
scs
__scs_entry_jumppad:
0x0: {  	(pc) =	sbr.rel $0x88, $3  }
0x1: {  	(tag) =	ssettag $0x0;
	lr =	simm.s32 $0x1  }
0x2: {  	[smem:$0x3F8A] =	sst lr;
	_ =	strace $0xD0000000  }
0x3: {  	_ = 	snop  }
0x4: {  	_ = 	snop  }
0x5: {  	_ = 	snop  }
0x6: {  	_ = 	snop  }
0x7: {  	_ = 	snop  }
__scs_overlays_trampoline_lowered:
0x8: {  	[smem:$0x3F99] =	sst s0  }
0x9: {  	[smem:$0x3F9A] =	sst s1  }
0xa: {  	[smem:$0x3F9B] =	sst s2  }
0xb: {  	[smem:$0x3F9C] =	sst s3  }
0xc: {  	[smem:$0x3F9D] =	sst s4  }
0xd: {  	[smem:$0x3F9E] =	sst s5  }
0xe: {  	[smem:$0x3F9F] =	sst s6  }
0xf: {  	[smem:$0x3FA0] =	sst s7  }
0x10: {  	[smem:$0x3FA1] =	sst s8  }
0x11: {  	[smem:$0x3FA2] =	sst s9;
	s0 =	simm.s32 @!p0 $0x0  }
0x12: {  	s1 =	sld [smem:$0x3F88];
	s0 =	simm.s32 @p0 $0x1  }
0x13: {  	[smem:$0x3FA3] =	sst s0;
	s0 =	simm.s32 @!p1 $0x0  }
0x14: {  	s2 =	sld [smem:$0x3F87];
	s0 =	simm.s32 @p1 $0x1  }
0x15: {  	[smem:$0x3FA4] =	sst s0;
	s0 =	simm.s32 @!p2 $0x0  }
0x16: {  	s3 =	sld [smem:$0x3FDB];
	s0 =	simm.s32 @p2 $0x1  }
0x17: {  	s4 =	simm.s32 $0x1BF5;
	[smem:$0x3FA6] =	sst s0  }
0x18: {  	s0 =	sld [smem:$0x3F89];
	_ =	swait.ge [sflag:s4], $0x0  }
0x19: {  	s7 =	sld [smem:$0x3F8A]  }
0x1a: {  	s8 =	sadd.s32 $0xFFFFE003, lr  }
0x1b: {  	s9 =	sadd.s32 $0xFFFFFEF7, lr;
	s5 =	simm.s32 $0xFFFFFFFF;
	p2 =	slt.u32 s8, $0xFFFFF086  }
0x1c: {  	p1 =	slt.u32 s9, $0xF7A;
	s5 =	simm.s32 @!p2 $0x0  }
0x1d: {  	s5 =	simm.s32 @p1 $0x1;
	p0 =	seq.s32 s7, s2  }
0x1e: {  	s7 =	smul.u32 @!p0 $0xF7A, s2;
	p2 =	seq.s32 @!p0 s5, $0x0  }
0x1f: {  	s9 =	smul.u32 $0xF7A, s1;
	s8 =	simm.s32 @!p0 $0x1BF5;
	p2 =	por !p2, p0  }
0x20: {  	[sflag:s8] =	ssyncset.s32 @!p0 $0xFFFFF086;
	s6 =	sadd.s32 @!p0 s3, s7;
	s7 =	simm.s32 @!p0 $0x108  }
0x21: {  	s3 =	sadd.s32 s3, s9;
	s6 =	sadd.s32 @!p0 $0x88, s6;
	s7 =	simm.s32 @p2 $0x1082  }
0x22: {  	[simem:s7], [sflag:s8] =	dma.local @!p0 [hbm:s6], $0xF7A  }
0x23: {  	s9 =	sor.u32 $0xD0000000, s2;
	s6 =	simm.s32 $0x108;
	_ =	swait.ge @!p0 [sflag:s8], $0x0  }
0x24: {  	s3 =	sadd.s32 $0x88, s3;
	s6 =	simm.s32 @!p1 $0x1082;
	[sflag:s4] =	ssyncset.s32 $0xFFFFF086  }
0x25: {  	[simem:s6], [sflag:s4] =	dma.local [hbm:s3], $0xF7A  }
0x26: {  	[smem:$0x3F8A] =	sst s1;
	(tag) =	ssettag s2;
	_ =	strace s9  }
0x27: {  	s1 =	sld [smem:$0x3F9A]  }
0x28: {  	s2 =	sld [smem:$0x3F9B]  }
0x29: {  	s4 =	sld [smem:$0x3F9D]  }
0x2a: {  	p0 =	seq.s32 s5, $0x0;
	s5 =	sld [smem:$0x3F9E]  }
0x2b: {  	s6 =	sld [smem:$0x3F9F]  }
0x2c: {  	s7 =	sld [smem:$0x3FA0]  }
0x2d: {  	s3 =	simm.s32 $0x108;
	s8 =	sld [smem:$0x3FA1]  }
0x2e: {  	s3 =	simm.s32 @!p0 $0x1082;
	s9 =	sld [smem:$0x3FA2]  }
0x2f: {  	lr =	sadd.s32 s0, s3;
	s0 =	sld [smem:$0x3F99]  }
0x30: {  	s3 =	sld [smem:$0x3F9C]  }
0x31: {  	[smem:$0x3FA5] =	sst s10  }
0x32: {  	s10 =	sld [smem:$0x3FA3];
	_ =	sdelay $0x3  }
0x33: {  	p0 =	seq.s32 s10, $0x1;
	s10 =	sld [smem:$0x3FA5];
	_ =	sdelay $0x3  }
0x34: {  	[smem:$0x3FA5] =	sst s10  }
0x35: {  	s10 =	sld [smem:$0x3FA4];
	_ =	sdelay $0x3  }
0x36: {  	p1 =	seq.s32 s10, $0x1;
	s10 =	sld [smem:$0x3FA5];
	_ =	sdelay $0x3  }
0x37: {  	[smem:$0x3FA5] =	sst s10  }
0x38: {  	s10 =	sld [smem:$0x3FA6]  }
0x39: {  	_ = 	snop;
	(pc) =	sbr.ind lr, $3  }
0x3a: {  	_ = 	snop  }
0x3b: {  	_ = 	snop  }
0x3c: {  	p2 =	seq.s32 s10, $0x1;
	s10 =	sld [smem:$0x3FA5]  }
0x3d: {  	_ =	shalt  }
0x3e: {  	_ =	shalt  }
0x3f: {  	_ =	shalt  }
0x40: {  	_ =	shalt  }
0x41: {  	_ =	shalt  }
0x42: {  	_ =	shalt  }
0x43: {  	_ =	shalt  }
0x44: {  	_ =	shalt  }
0x45: {  	_ =	shalt  }
0x46: {  	_ =	shalt  }
0x47: {  	_ =	shalt  }
0x48: {  	_ =	shalt  }
0x49: {  	_ =	shalt  }
0x4a: {  	_ =	shalt  }
0x4b: {  	_ =	shalt  }
0x4c: {  	_ =	shalt  }
0x4d: {  	_ =	shalt  }
0x4e: {  	_ =	shalt  }
0x4f: {  	_ =	shalt  }
0x50: {  	_ =	shalt  }
0x51: {  	_ =	shalt  }
0x52: {  	_ =	shalt  }
0x53: {  	_ =	shalt  }
0x54: {  	_ =	shalt  }
0x55: {  	_ =	shalt  }
0x56: {  	_ =	shalt  }
0x57: {  	_ =	shalt  }
0x58: {  	_ =	shalt  }
0x59: {  	_ =	shalt  }
0x5a: {  	_ =	shalt  }
0x5b: {  	_ =	shalt  }
0x5c: {  	_ =	shalt  }
0x5d: {  	_ =	shalt  }
0x5e: {  	_ =	shalt  }
0x5f: {  	_ =	shalt  }
0x60: {  	_ =	shalt  }
0x61: {  	_ =	shalt  }
0x62: {  	_ =	shalt  }
0x63: {  	_ =	shalt  }
0x64: {  	_ =	shalt  }
0x65: {  	_ =	shalt  }
0x66: {  	_ =	shalt  }
0x67: {  	_ =	shalt  }
0x68: {  	_ =	shalt  }
0x69: {  	_ =	shalt  }
0x6a: {  	_ =	shalt  }
0x6b: {  	_ =	shalt  }
0x6c: {  	_ =	shalt  }
0x6d: {  	_ =	shalt  }
0x6e: {  	_ =	shalt  }
0x6f: {  	_ =	shalt  }
0x70: {  	_ =	shalt  }
0x71: {  	_ =	shalt  }
0x72: {  	_ =	shalt  }
0x73: {  	_ =	shalt  }
0x74: {  	_ =	shalt  }
0x75: {  	_ =	shalt  }
0x76: {  	_ =	shalt  }
0x77: {  	_ =	shalt  }
0x78: {  	_ =	shalt  }
0x79: {  	_ =	shalt  }
0x7a: {  	_ =	shalt  }
0x7b: {  	_ =	shalt  }
0x7c: {  	_ =	shalt  }
0x7d: {  	_ =	shalt  }
0x7e: {  	_ =	shalt  }
0x7f: {  	_ =	shalt  }
0x80: {  	_ =	shalt  }
0x81: {  	_ =	shalt  }
0x82: {  	_ =	shalt  }
0x83: {  	_ =	shalt  }
0x84: {  	_ =	shalt  }
0x85: {  	_ =	shalt  }
0x86: {  	_ =	shalt  }
0x87: {  	_ =	shalt  }
.Lfunc_end0:
.L_simem_size_0:
called_computation.2_lowered:
.L_overlay_start_0:
0x88: {  	s2 =	sld [smem:$0x3FD9]  }
0x89: {  	s3 =	sld [smem:$0x3FFE];
	_ =	sdelay $0x1  }
0x8a: {  	s1 =	srdreg.scid  }
0x8b: {  	s0 =	sand.u32 $0x1, s1  }
0x8c: {  	s16 =	sshll.u32 s0, $0xA;
	s2 =	sadd.s32 s3, s2  }
0x8d: {  	s2 =	sadd.s32 s2, s16  }
0x8e: {  	[smem:$0x3FB1] =	sst s2  }
0x8f: {  	_ = 	snop  }
0x90: {  	(tm) =	ssettm $0x1  }
0x91: {  	s17 =	sld [smem:$0x3FFB];
	_ =	sdelay $0x3  }
0x92: {  	_ =	strace s17  }
0x93: {  	s2 =	sld [smem:$0x3FFC];
	_ =	sdelay $0x3  }
0x94: {  	_ =	strace s2  }
0x95: {  	s2 =	sld [smem:$0x3FFD];
	_ =	sdelay $0x3  }
0x96: {  	_ =	strace s2  }
0x97: {  	_ =	strace $0x8FFFFFFF  }
0x98: {  	s18 =	sld [smem:$0x3FDB];
	_ =	sdelay $0x1  }
0x99: {  	s19 =	simm.s32 $_scs_section_size  }
0x9a: {  	s4 =	simm.s32 $_size__tile_overlayer_lowered;
	s5 =	simm.s32 $_tile_overlayer_lowered  }
0x9b: {  	s22 =	simm.s32 $0x1BFF;
	s21 =	sshll.u32 s5, $0x1;
	s2 =	sadd.s32 s19, s18  }
0x9c: {  	s6 =	simm.s32 $0x0;
	s20 =	sshll.u32 s4, $0x1;
	s4 =	sadd.s32 s21, s2  }
0x9d: {  	[timem:s6], [sflag:s22] =	dma.local [hbm:s4], s20  }
0x9e: {  	_ =	swait.ge [sflag:s22], s20  }
0x9f: {  	s3 =	ssub.s32 $0x0, s20;
	[sflag:s22] =	ssyncset.done $0x0  }
0xa0: {  	[sflag:s22] =	ssyncadd.s32 s3;
	_ =	sdelay $0x1  }
0xa1: {  	s23 =	simm.s32 $0x1B8B  }
0xa2: {  	_ =	swait.ge [sflag:s23], $0x1  }
0xa3: {  	[sflag:s23] =	ssyncset.done $0x0  }
0xa4: {  	s25 =	simm.s32 $0x1B8E;
	s24 =	sld [smem:$0x3FFE];
	[sflag:s23] =	ssyncadd.s32 $0xFFFFFFFF  }
0xa5: {  	s26 =	simm.s32 $execute0_lowered;
	[smem:$0x3FD2] =	sst s25  }
0xa6: {  	s4 =	sshll.u32 s26, $0x1;
	_ =	strace $0x8000004C;
	[dreg:$0x1] =	wrdreg $0xFFFFFFFF  }
0xa7: {  	s28 =	simm.s32 $_size_execute0_lowered;
	s2 =	sadd.s32 s2, s4;
	[dreg:$0x0] =	wrdreg $0x0  }
0xa8: {  	s4 =	sshll.u32 s28, $0x1;
	[dreg:$0x2] =	wrdreg s2  }
0xa9: {  	[dreg:$0x3] =	wrdreg s4  }
0xaa: {  	[dreg:$0x4] =	wrdreg $0xC0  }
0xab: {  	_ =	task [dreg:s6], $0x5FFFF  }
0xac: {  	[dreg:$0x1] =	wrdreg $0xFFFFFFFF  }
0xad: {  	[dreg:$0x0] =	wrdreg $0x60  }
0xae: {  	[dreg:$0x2] =	wrdreg s24  }
0xaf: {  	[dreg:$0x3] =	wrdreg $0x93000  }
0xb0: {  	[dreg:$0x4] =	wrdreg $0x9  }
0xb1: {  	_ =	task.clear_ibuf [dreg:s6], $0x5FFFF;
	_ =	strace $0x9000004C  }
0xb2: {  	s29 =	simm.s32 $0x9;
	_ =	strace $0x8000004E  }
0xb3: {  	_ =	swait.ge [sflag:s29], $0x1  }
0xb4: {  	[sflag:s29] =	ssyncadd.s32 $0xFFFFFFFF  }
0xb5: {  	_ =	strace $0x9000004E  }
0xb6: {  	_ =	sfence  }
0xb7: {  	s30 =	sld [smem:$0x0];
	_ =	sdelay $0x2  }
0xb8: {  	s31 =	sshll.u32 s1, $0xD;
	s1 =	sshrl.u32 s1, $0x2  }
0xb9: {  	s3 =	sand.u32 $0x4000, s31;
	s1 =	sadd.s32 s1, s30  }
0xba: {  	s0 =	sor.u32 s3, s0;
	s1 =	sshll.u32 s1, $0x11  }
0xbb: {  	s0 =	sor.u32 s1, s0  }
0xbc: {  	s0 =	sadd.s32 $0x8F2B, s0  }
0xbd: {  	[sflag:s0] =	ssyncadd.remote.s32 $0x1  }
0xbe: {  	_ =	sfence.sel $0xFFFF  }
0xbf: {  	[dreg:$0x0] =	wrdreg $0xFFFFFFFF;
	(pc) =	sbr.abs _section_cstart, $3  }
0xc0: {  	[dreg:$0x1] =	wrdreg $0xFFFFFFFF  }
0xc1: {  	_ =	task.clear_ibuf [dreg:s6], $0x2FFFF;
	_ =	strace $0x9FFFFFFF  }
0xc2: {  	(tm) =	ssettm $0x7FFFFFFF  }
0xc3: {  	_ =	shalt  }
tec
execute0_lowered:
.L_overlay_start_1:
0x0: {  	(tag) =	ssettag $0x1  }
0x1: {  	s0 =	rddreg [dreg:$0x0]  }
0x2: {  	s1 =	rddreg [dreg:$0x1];
	s2 =	simm.s32 $0x0  }
0x3: {  	s13 =	stileid.u32;
	s6 =	srdreg.scid;
	s28 =	simm.s32 $0x180  }
0x4: {  	s29 =	simm.s32 $0x2;
	s30 =	simm.s32 $0x4200;
	s31 =	simm.s32 $0x5  }
0x5: {  	[smem:$0x7FF] =	sst s2;
	s3 =	sadd.s32 $0x40A00, s0;
	s4 =	smul.u32 $0x2700, s13  }
0x6: {  	s5 =	sadd.s32 $0x67C00, s0;
	s7 =	sadd.s32 $0xFA00, s0;
	s11 =	smul.u32 $0x4E20, s13  }
0x7: {  	s8 =	sadd.s32 $0x5C00, s0;
	s6 =	sand.u32 $0x1, s6;
	s17 =	smul.u32 $0x4E000, s13  }
0x8: {  	s15 =	sadd.s32 $0x8EE00, s0;
	s16 =	sadd.s32 $0xB6000, s0;
	s25 =	smul.u32 $0x9C4, s13  }
0x9: {  	p1 =	sne.s32 s13, $0x0;
	p2 =	seq.s32 s13, $0x0;
	_ =	strace $0x8000004D  }
0xa: {  	s10 =	ssub.s32 $0x2, s6;
	p0 =	seq.s32 s6, $0x1;
	[dreg:$0x3] =	wrdreg s15  }
0xb: {  	[dreg:$0x4] =	wrdreg s16;
	s9 =	sadd.s32 s4, s0;
	s12 =	sshrl.u32 s10, $0x1  }
0xc: {  	s11 =	sshrl.u32 s11, $0x3;
	s0 =	sadd.s32 $0x40800, s0;
	s26 =	sadd.s32 s15, s4  }
0xd: {  	s4 =	sadd.s32 s16, s4;
	s10 =	ssub.s32 s10, s12;
	s18 =	sadd.s32 s7, s11  }
0xe: {  	s19 =	sadd.s32 $0x10, s11;
	s14 =	sadd.s32 s8, s11;
	[dreg:$0xb] =	wrdreg s0  }
0xf: {  	s12 =	sshrl.u32 s17, $0x2;
	s22 =	sadd.s32 $0x19800, s9;
	[dreg:$0xe] =	wrdreg s26  }
0x10: {  	s23 =	sadd.s32 $0x9C0, s11;
	[dreg:$0xf] =	wrdreg s4;
	s26 =	simm.s32 $0x200  }
0x11: {  	s4 =	simm.s32 $0x8280;
	s9 =	simm.s32 $0x8300;
	[dreg:$0x5] =	wrdreg s18  }
0x12: {  	[dreg:$0x6] =	wrdreg s14;
	s20 =	sadd.s32 s7, s19;
	s6 =	sadd.s32 s8, s19  }
0x13: {  	s21 =	sadd.s32 s12, s1;
	[dreg:$0xa] =	wrdreg s22;
	s14 =	sadd.s32 $0x138000, s1  }
0x14: {  	s24 =	sadd.s32 s7, s23;
	s0 =	sadd.s32 s8, s23;
	[dreg:$0x7] =	wrdreg s20  }
0x15: {  	s22 =	sadd.s32 s25, s7;
	s23 =	simm.s32 $0x7;
	[dreg:$0x8] =	wrdreg s6  }
.Ltmp0:
0x16: {  	s18 =	simm.s32 $0x6;
	[dreg:$0x9] =	wrdreg s21;
	(pc) =	sbr.rel .LBB2_1-.Ltmp0, $4  }
0x17: {  	s19 =	simm.s32 $0x4;
	s7 =	simm.s32 $0x8200;
	[dreg:$0xc] =	wrdreg s24  }
0x18: {  	[dreg:$0xd] =	wrdreg s0;
	s20 =	smax.u32 s10, $0x1;
	s21 =	sadd.s32 s25, s8  }
0x19: {  	s24 =	simm.s32 $0x100;
	s25 =	simm.s32 $0x80;
	s0 =	simm.s32 $0x3  }
0x1a: {  	s6 =	simm.s32 $0x1;
	s8 =	simm.s32 $0x20;
	s10 =	simm.s32 $0x0  }
.LBB2_8:
0x1b: {  	s12 =	sadd.s32 $0x27000, s12;
	s13 =	sshrl.u32 s14, $0x3  }
0x1c: {  	[hbm:s12], [sflag:s11] =	dma.local [spmem:s13], $0x100  }
0x1d: {  	_ =	swait.ge [sflag:s23], $0x100  }
0x1e: {  	[sflag:s23] =	ssyncset.done $0x0  }
0x1f: {  	[sflag:s23] =	ssyncadd.s32 $0xFFFFFF00  }
.LBB2_9:
0x20: {  	s10 =	sadd.s32 $0x1, s10  }
0x21: {  	p3 =	sne.s32 s10, s20  }
.Ltmp1:
0x22: {  	_ = 	snop;
	(pc) =	sbr.rel @!p3 .LBB2_10-.Ltmp1, $1  }
0x23: {  	_ =	sdelay $0x3  }
.LBB2_1:
0x24: {  	s11 =	rddreg [dreg:$0x5]  }
0x25: {  	[tilespmem:s2], [sflag:$0x7] =	stream.linear.gather [hbm4b:s11+s2], $0x80, $0x38;
	[tilespmem:$0x1CB80] =	vst v63  }
.Ltmp2:
0x26: {  	_ = 	snop;
	(pc) =	sbr.rel @!p0 .LBB2_2-.Ltmp2, $4  }
0x27: {  	s17 =	stileid.u32;
	_ =	swait.ge [sflag:s23], $0x80  }
0x28: {  	s13 =	sshrl.u32 @!p1 s14, $0x3;
	s12 =	sshll.u32 s17, $0x6;
	[sflag:s23] =	ssyncset.done $0x0  }
0x29: {  	s11 =	sor.u32 $0x1C07, s12;
	s16 =	rddreg [dreg:$0x6];
	[sflag:s23] =	ssyncadd.s32 $0xFFFFFF80  }
0x2a: {  	[tilespmem:s24], [sflag:$0x3] =	stream.linear.gather [hbm4b:s16+s2], $0x80, $0x38;
	[tilespmem:$0x1CB80] =	vst v63  }
0x2b: {  	[tilespmem:s26], [sflag:$0x5] =	stream.indirect.gather [hbm4b:s5+s25], $0x80, s2, s25, $0xb8;
	[tilespmem:$0x1CB80] =	vst v63  }
0x2c: {  	s11 =	rddreg [dreg:$0x7]  }
0x2d: {  	s17 =	rddreg [dreg:$0x8]  }
0x2e: {  	s15 =	rddreg [dreg:$0x9]  }
0x2f: {  	[tilespmem:s25], [sflag:$0x2] =	stream.linear.gather [hbm4b:s11+s2], $0x80, $0x38;
	[tilespmem:$0x1CB80] =	vst v63  }
0x30: {  	s11 =	sor.u32 $0x1C07, s12;
	s12 =	sshrl.u32 s15, $0x3;
	s15 =	rddreg [dreg:$0xa]  }
0x31: {  	[tilespmem:s28], [sflag:$0x4] =	stream.linear.gather [hbm4b:s17+s2], $0x80, $0x38;
	[tilespmem:$0x1CB80] =	vst v63  }
0x32: {  	[spmem:s12], [sflag:s11] =	dma.local [hbm:s15], $0x2700  }
0x33: {  	_ =	swait.ge [sflag:s23], $0x2700  }
0x34: {  	[sflag:s23] =	ssyncset.done $0x0  }
0x35: {  	s15 =	rddreg [dreg:$0xb];
	[sflag:s23] =	ssyncadd.s32 $0xFFFFD900  }
0x36: {  	[spmem:s13], [sflag:s11] =	dma.local @!p1 [hbm:s15], $0x100  }
0x37: {  	s13 =	simm.s32 @!p1 $0x7  }
0x38: {  	_ =	swait.ge @!p1 [sflag:s13], $0x100  }
0x39: {  	[sflag:s13] =	ssyncset.done @!p1 $0x0  }
0x3a: {  	[sflag:s13] =	ssyncadd.s32 @!p1 $0xFFFFFF00  }
0x3b: {  	[bflag:$0x0] =	sbarrier.arrive $0xFFFF  }
0x3c: {  	_ =	swait.ge [sflag:s29], $0x80  }
0x3d: {  	[sflag:s29] =	ssyncset.done $0x0  }
0x3e: {  	[sflag:s29] =	ssyncadd.s32 $0xFFFFFF80  }
0x3f: {  	[tilespmem:s30], [sflag:$0x6] =	stream.indirect.gather [hbm4b:s5+s25], $0x80, s25, s25, $0xb8;
	[tilespmem:$0x1CB80] =	vst v63  }
0x40: {  	_ =	swait.ge [sflag:s31], $0x4000  }
0x41: {  	s13 =	sadd.s32 $0xFFFFF660, s22;
	[sflag:s31] =	ssyncset.done $0x0  }
0x42: {  	s16 =	sadd.s32 $0x9C0, s13;
	[sflag:s31] =	ssyncadd.s32 $0xFFFFC000  }
0x43: {  	[tilespmem:s2], [sflag:$0x1] =	stream.linear.gather [hbm4b:s16+s2], $0x80, $0x38;
	[tilespmem:$0x1CB80] =	vst v63  }
0x44: {  	_ =	swait.ge [sflag:s0], $0x80  }
0x45: {  	[sflag:s0] =	ssyncset.done $0x0  }
0x46: {  	[sflag:s0] =	ssyncadd.s32 $0xFFFFFF80  }
0x47: {  	[spmem:s1] =	stream.indirect.scatter.add.f32 [tilespmem:s26], [sflag:$0x7], $0x80, s24, s25, $0xb8;
	[tilespmem:$0x1CB80] =	vst v63  }
0x48: {  	_ =	swait.ge [sflag:s23], $0x4000  }
0x49: {  	s17 =	sadd.s32 $0xFFFFF660, s21;
	[sflag:s23] =	ssyncset.done $0x0  }
0x4a: {  	s16 =	sadd.s32 $0x9C0, s17;
	[sflag:s23] =	ssyncadd.s32 $0xFFFFC000  }
0x4b: {  	[tilespmem:s24], [sflag:$0x3] =	stream.linear.gather [hbm4b:s16+s2], $0x80, $0x38;
	[tilespmem:$0x1CB80] =	vst v63  }
0x4c: {  	_ =	swait.ge [sflag:s18], $0x4000  }
0x4d: {  	[sflag:s18] =	ssyncset.done $0x0  }
0x4e: {  	s13 =	sadd.s32 $0x9D0, s13;
	[sflag:s18] =	ssyncadd.s32 $0xFFFFC000  }
0x4f: {  	[tilespmem:s25], [sflag:$0x2] =	stream.linear.gather [hbm4b:s13+s2], $0x80, $0x38;
	[tilespmem:$0x1CB80] =	vst v63  }
0x50: {  	_ =	swait.ge [sflag:s19], $0x80  }
0x51: {  	[sflag:s19] =	ssyncset.done $0x0  }
0x52: {  	[sflag:s19] =	ssyncadd.s32 $0xFFFFFF80  }
0x53: {  	[spmem:s1] =	stream.indirect.scatter.add.f32 [tilespmem:s30], [sflag:$0x7], $0x80, s28, s25, $0xb8;
	[tilespmem:$0x1CB80] =	vst v63  }
0x54: {  	_ =	swait.ge [sflag:s23], $0x4000  }
0x55: {  	[sflag:s23] =	ssyncset.done $0x0  }
0x56: {  	s17 =	sadd.s32 $0x9D0, s17;
	[sflag:s23] =	ssyncadd.s32 $0xFFFFC000  }
0x57: {  	[tilespmem:s28], [sflag:$0x4] =	stream.linear.gather [hbm4b:s17+s2], $0x80, $0x38;
	[tilespmem:$0x1CB80] =	vst v63  }
0x58: {  	_ =	swait.ge [sflag:s6], $0x80  }
0x59: {  	[sflag:s6] =	ssyncset.done $0x0  }
0x5a: {  	s13 =	simm.s32 $0xFFFFF680;
	[sflag:s6] =	ssyncadd.s32 $0xFFFFFF80  }
.LBB2_6:
0x5b: {  	[tilespmem:s26], [sflag:$0x5] =	stream.indirect.gather [hbm4b:s5+s25], $0x80, s2, s25, $0xb8;
	[tilespmem:$0x1CB80] =	vst v63  }
0x5c: {  	s15 =	smov.u32 s13  }
0x5d: {  	p3 =	sne.s32 s13, $0xFFFFFFE0;
	s13 =	sadd.s32 $0x20, s13;
	_ =	swait.ge [sflag:s29], $0x80  }
0x5e: {  	[sflag:s29] =	ssyncset.done $0x0  }
0x5f: {  	[sflag:s29] =	ssyncadd.s32 $0xFFFFFF80  }
0x60: {  	[tilespmem:s30], [sflag:$0x6] =	stream.indirect.gather [hbm4b:s5+s25], $0x80, s25, s25, $0xb8;
	[tilespmem:$0x1CB80] =	vst v63  }
0x61: {  	_ =	swait.ge [sflag:s31], $0x4000  }
0x62: {  	s16 =	sadd.s32 s15, s22;
	[sflag:s31] =	ssyncset.done $0x0  }
0x63: {  	s17 =	sadd.s32 $0x9C0, s16;
	[sflag:s31] =	ssyncadd.s32 $0xFFFFC000  }
0x64: {  	[tilespmem:s2], [sflag:$0x1] =	stream.linear.gather [hbm4b:s17+s2], $0x80, $0x38;
	[tilespmem:$0x1CB80] =	vst v63  }
0x65: {  	_ =	swait.ge [sflag:s0], $0x80  }
0x66: {  	[sflag:s0] =	ssyncset.done $0x0  }
0x67: {  	[sflag:s0] =	ssyncadd.s32 $0xFFFFFF80  }
0x68: {  	[spmem:s1] =	stream.indirect.scatter.add.f32 [tilespmem:s26], [sflag:$0x7], $0x80, s24, s25, $0xb8;
	[tilespmem:$0x1CB80] =	vst v63  }
0x69: {  	_ =	swait.ge [sflag:s23], $0x4000  }
0x6a: {  	s15 =	sadd.s32 s15, s21;
	[sflag:s23] =	ssyncset.done $0x0  }
0x6b: {  	s17 =	sadd.s32 $0x9C0, s15;
	[sflag:s23] =	ssyncadd.s32 $0xFFFFC000  }
0x6c: {  	[tilespmem:s24], [sflag:$0x3] =	stream.linear.gather [hbm4b:s17+s2], $0x80, $0x38;
	[tilespmem:$0x1CB80] =	vst v63  }
0x6d: {  	_ =	swait.ge [sflag:s18], $0x4000  }
0x6e: {  	[sflag:s18] =	ssyncset.done $0x0  }
0x6f: {  	s16 =	sadd.s32 $0x9D0, s16;
	[sflag:s18] =	ssyncadd.s32 $0xFFFFC000  }
0x70: {  	[tilespmem:s25], [sflag:$0x2] =	stream.linear.gather [hbm4b:s16+s2], $0x80, $0x38;
	[tilespmem:$0x1CB80] =	vst v63  }
0x71: {  	_ =	swait.ge [sflag:s19], $0x80  }
0x72: {  	[sflag:s19] =	ssyncset.done $0x0  }
0x73: {  	[sflag:s19] =	ssyncadd.s32 $0xFFFFFF80  }
0x74: {  	[spmem:s1] =	stream.indirect.scatter.add.f32 [tilespmem:s30], [sflag:$0x7], $0x80, s28, s25, $0xb8;
	[tilespmem:$0x1CB80] =	vst v63  }
0x75: {  	_ =	swait.ge [sflag:s23], $0x4000  }
0x76: {  	[sflag:s23] =	ssyncset.done $0x0  }
.Ltmp3:
0x77: {  	s15 =	sadd.s32 $0x9D0, s15;
	[sflag:s23] =	ssyncadd.s32 $0xFFFFC000;
	(pc) =	sbr.rel @p3 .LBB2_6-.Ltmp3, $4  }
0x78: {  	[tilespmem:s28], [sflag:$0x4] =	stream.linear.gather [hbm4b:s15+s2], $0x80, $0x38;
	[tilespmem:$0x1CB80] =	vst v63  }
0x79: {  	_ =	swait.ge [sflag:s6], $0x80  }
0x7a: {  	[sflag:s6] =	ssyncset.done $0x0  }
0x7b: {  	[sflag:s6] =	ssyncadd.s32 $0xFFFFFF80  }
0x7c: {  	[tilespmem:s26], [sflag:$0x5] =	stream.indirect.gather [hbm4b:s5+s25], $0x80, s2, s25, $0xb8;
	[tilespmem:$0x1CB80] =	vst v63  }
0x7d: {  	_ =	swait.ge [sflag:s29], $0x80  }
0x7e: {  	[sflag:s29] =	ssyncset.done $0x0  }
0x7f: {  	[sflag:s29] =	ssyncadd.s32 $0xFFFFFF80  }
0x80: {  	[tilespmem:s30], [sflag:$0x6] =	stream.indirect.gather [hbm4b:s5+s25], $0x80, s25, s25, $0xb8;
	[tilespmem:$0x1CB80] =	vst v63  }
0x81: {  	_ =	swait.ge [sflag:s31], $0x4000  }
0x82: {  	[sflag:s31] =	ssyncset.done $0x0  }
0x83: {  	[sflag:s31] =	ssyncadd.s32 $0xFFFFC000  }
0x84: {  	_ =	swait.ge [sflag:s0], $0x80  }
0x85: {  	[sflag:s0] =	ssyncset.done $0x0  }
0x86: {  	[sflag:s0] =	ssyncadd.s32 $0xFFFFFF80  }
0x87: {  	[spmem:s1] =	stream.indirect.scatter.add.f32 [tilespmem:s26], [sflag:$0x7], $0x80, s24, s25, $0xb8;
	[tilespmem:$0x1CB80] =	vst v63  }
0x88: {  	_ =	swait.ge [sflag:s23], $0x4000  }
0x89: {  	[sflag:s23] =	ssyncset.done $0x0  }
0x8a: {  	[sflag:s23] =	ssyncadd.s32 $0xFFFFC000  }
0x8b: {  	_ =	swait.ge [sflag:s18], $0x4000  }
0x8c: {  	[sflag:s18] =	ssyncset.done $0x0  }
0x8d: {  	[sflag:s18] =	ssyncadd.s32 $0xFFFFC000  }
0x8e: {  	_ =	swait.ge [sflag:s19], $0x80  }
0x8f: {  	[sflag:s19] =	ssyncset.done $0x0  }
0x90: {  	[sflag:s19] =	ssyncadd.s32 $0xFFFFFF80  }
0x91: {  	[spmem:s1] =	stream.indirect.scatter.add.f32 [tilespmem:s30], [sflag:$0x7], $0x80, s28, s25, $0xb8;
	[tilespmem:$0x1CB80] =	vst v63  }
0x92: {  	_ =	swait.ge [sflag:s23], $0x4000  }
0x93: {  	[sflag:s23] =	ssyncset.done $0x0  }
0x94: {  	s13 =	rddreg [dreg:$0xc];
	[sflag:s23] =	ssyncadd.s32 $0xFFFFC000  }
0x95: {  	[tilespmem:s7], [sflag:$0x7] =	stream.linear.gather [hbm4b:s13+s2], $0x20, $0x38;
	[tilespmem:$0x1CB80] =	vst v63  }
0x96: {  	_ =	swait.ge [sflag:s23], $0x20  }
0x97: {  	[sflag:s23] =	ssyncset.done $0x0  }
0x98: {  	s16 =	rddreg [dreg:$0xd];
	[sflag:s23] =	ssyncadd.s32 $0xFFFFFFE0  }
0x99: {  	[tilespmem:s4], [sflag:$0x7] =	stream.linear.gather [hbm4b:s16+s2], $0x20, $0x38;
	[tilespmem:$0x1CB80] =	vst v63  }
0x9a: {  	_ =	swait.ge [sflag:s23], $0x20  }
0x9b: {  	[sflag:s23] =	ssyncset.done $0x0  }
0x9c: {  	[sflag:s23] =	ssyncadd.s32 $0xFFFFFFE0  }
0x9d: {  	[tilespmem:s9], [sflag:$0x5] =	stream.indirect.gather [hbm4b:s5+s8], $0x80, s7, s8, $0xb8;
	[tilespmem:$0x1CB80] =	vst v63  }
0x9e: {  	_ =	swait.ge [sflag:s31], $0x1000  }
0x9f: {  	[sflag:s31] =	ssyncset.done $0x0  }
0xa0: {  	[sflag:s31] =	ssyncadd.s32 $0xFFFFF000  }
0xa1: {  	[spmem:s1] =	stream.indirect.scatter.add.f32 [tilespmem:s9], [sflag:$0x7], $0x80, s4, s8, $0xb8;
	[tilespmem:$0x1CB80] =	vst v63  }
0xa2: {  	_ =	swait.ge [sflag:s23], $0x1000  }
0xa3: {  	[sflag:s23] =	ssyncset.done $0x0  }
0xa4: {  	[sflag:s23] =	ssyncadd.s32 $0xFFFFF000  }
0xa5: {  	[bflag:$0x0] =	sbarrier.arrive $0xFFFF  }
0xa6: {  	s17 =	rddreg [dreg:$0xf]  }
0xa7: {  	[hbm:s17], [sflag:s11] =	dma.local [spmem:s12], $0x2700  }
.Ltmp4:
0xa8: {  	_ = 	snop;
	(pc) =	sbr.rel @p1 .LBB2_9-.Ltmp4, $4  }
.Ltmp5:
0xa9: {  	_ = 	snop;
	(pc) =	sbr.rel @!p1 .LBB2_8-.Ltmp5, $4  }
0xaa: {  	_ =	swait.ge [sflag:s23], $0x2700  }
0xab: {  	[sflag:s23] =	ssyncset.done $0x0  }
0xac: {  	s12 =	rddreg [dreg:$0x4];
	[sflag:s23] =	ssyncadd.s32 $0xFFFFD900  }
0xad: {  	_ = 	snop  }
.LBB2_2:
0xae: {  	[tilespmem:s26], [sflag:$0x5] =	stream.indirect.gather [hbm4b:s3+s25], $0x80, s2, s25, $0xb8;
	[tilespmem:$0x1CB80] =	vst v63  }
0xaf: {  	s12 =	rddreg [dreg:$0x7]  }
0xb0: {  	s17 =	rddreg [dreg:$0x8]  }
0xb1: {  	s15 =	rddreg [dreg:$0x9]  }
0xb2: {  	[tilespmem:s25], [sflag:$0x2] =	stream.linear.gather [hbm4b:s12+s2], $0x80, $0x38;
	[tilespmem:$0x1CB80] =	vst v63  }
0xb3: {  	s12 =	sshrl.u32 s15, $0x3;
	s15 =	rddreg [dreg:$0xa]  }
0xb4: {  	[tilespmem:s28], [sflag:$0x4] =	stream.linear.gather [hbm4b:s17+s2], $0x80, $0x38;
	[tilespmem:$0x1CB80] =	vst v63  }
0xb5: {  	[spmem:s12], [sflag:s11] =	dma.local [hbm:s15], $0x2700  }
0xb6: {  	_ =	swait.ge [sflag:s23], $0x2700  }
0xb7: {  	[sflag:s23] =	ssyncset.done $0x0  }
0xb8: {  	s15 =	rddreg [dreg:$0xb];
	[sflag:s23] =	ssyncadd.s32 $0xFFFFD900  }
0xb9: {  	[spmem:s13], [sflag:s11] =	dma.local @!p1 [hbm:s15], $0x100  }
0xba: {  	s13 =	simm.s32 @!p1 $0x7  }
0xbb: {  	_ =	swait.ge @!p1 [sflag:s13], $0x100  }
0xbc: {  	[sflag:s13] =	ssyncset.done @!p1 $0x0  }
0xbd: {  	[sflag:s13] =	ssyncadd.s32 @!p1 $0xFFFFFF00  }
0xbe: {  	[bflag:$0x0] =	sbarrier.arrive $0xFFFF  }
0xbf: {  	_ =	swait.ge [sflag:s29], $0x80  }
0xc0: {  	[sflag:s29] =	ssyncset.done $0x0  }
0xc1: {  	[sflag:s29] =	ssyncadd.s32 $0xFFFFFF80  }
0xc2: {  	[tilespmem:s30], [sflag:$0x6] =	stream.indirect.gather [hbm4b:s3+s25], $0x80, s25, s25, $0xb8;
	[tilespmem:$0x1CB80] =	vst v63  }
0xc3: {  	_ =	swait.ge [sflag:s31], $0x4000  }
0xc4: {  	s13 =	sadd.s32 $0xFFFFF660, s22;
	[sflag:s31] =	ssyncset.done $0x0  }
0xc5: {  	s16 =	sadd.s32 $0x9C0, s13;
	[sflag:s31] =	ssyncadd.s32 $0xFFFFC000  }
0xc6: {  	[tilespmem:s2], [sflag:$0x1] =	stream.linear.gather [hbm4b:s16+s2], $0x80, $0x38;
	[tilespmem:$0x1CB80] =	vst v63  }
0xc7: {  	_ =	swait.ge [sflag:s0], $0x80  }
0xc8: {  	[sflag:s0] =	ssyncset.done $0x0  }
0xc9: {  	[sflag:s0] =	ssyncadd.s32 $0xFFFFFF80  }
0xca: {  	[spmem:s1] =	stream.indirect.scatter.add.f32 [tilespmem:s26], [sflag:$0x7], $0x80, s24, s25, $0xb8;
	[tilespmem:$0x1CB80] =	vst v63  }
0xcb: {  	_ =	swait.ge [sflag:s23], $0x4000  }
0xcc: {  	s17 =	sadd.s32 $0xFFFFF660, s21;
	[sflag:s23] =	ssyncset.done $0x0  }
0xcd: {  	s16 =	sadd.s32 $0x9C0, s17;
	[sflag:s23] =	ssyncadd.s32 $0xFFFFC000  }
0xce: {  	[tilespmem:s24], [sflag:$0x3] =	stream.linear.gather [hbm4b:s16+s2], $0x80, $0x38;
	[tilespmem:$0x1CB80] =	vst v63  }
0xcf: {  	_ =	swait.ge [sflag:s18], $0x4000  }
0xd0: {  	[sflag:s18] =	ssyncset.done $0x0  }
0xd1: {  	s13 =	sadd.s32 $0x9D0, s13;
	[sflag:s18] =	ssyncadd.s32 $0xFFFFC000  }
0xd2: {  	[tilespmem:s25], [sflag:$0x2] =	stream.linear.gather [hbm4b:s13+s2], $0x80, $0x38;
	[tilespmem:$0x1CB80] =	vst v63  }
0xd3: {  	_ =	swait.ge [sflag:s19], $0x80  }
0xd4: {  	[sflag:s19] =	ssyncset.done $0x0  }
0xd5: {  	[sflag:s19] =	ssyncadd.s32 $0xFFFFFF80  }
0xd6: {  	[spmem:s1] =	stream.indirect.scatter.add.f32 [tilespmem:s30], [sflag:$0x7], $0x80, s28, s25, $0xb8;
	[tilespmem:$0x1CB80] =	vst v63  }
0xd7: {  	_ =	swait.ge [sflag:s23], $0x4000  }
0xd8: {  	[sflag:s23] =	ssyncset.done $0x0  }
0xd9: {  	s17 =	sadd.s32 $0x9D0, s17;
	[sflag:s23] =	ssyncadd.s32 $0xFFFFC000  }
0xda: {  	[tilespmem:s28], [sflag:$0x4] =	stream.linear.gather [hbm4b:s17+s2], $0x80, $0x38;
	[tilespmem:$0x1CB80] =	vst v63  }
0xdb: {  	_ =	swait.ge [sflag:s6], $0x80  }
0xdc: {  	[sflag:s6] =	ssyncset.done $0x0  }
0xdd: {  	s13 =	simm.s32 $0xFFFFF680;
	[sflag:s6] =	ssyncadd.s32 $0xFFFFFF80  }
.LBB2_3:
0xde: {  	[tilespmem:s26], [sflag:$0x5] =	stream.indirect.gather [hbm4b:s3+s25], $0x80, s2, s25, $0xb8;
	[tilespmem:$0x1CB80] =	vst v63  }
0xdf: {  	s15 =	smov.u32 s13  }
0xe0: {  	p3 =	sne.s32 s13, $0xFFFFFFE0;
	s13 =	sadd.s32 $0x20, s13;
	_ =	swait.ge [sflag:s29], $0x80  }
0xe1: {  	[sflag:s29] =	ssyncset.done $0x0  }
0xe2: {  	[sflag:s29] =	ssyncadd.s32 $0xFFFFFF80  }
0xe3: {  	[tilespmem:s30], [sflag:$0x6] =	stream.indirect.gather [hbm4b:s3+s25], $0x80, s25, s25, $0xb8;
	[tilespmem:$0x1CB80] =	vst v63  }
0xe4: {  	_ =	swait.ge [sflag:s31], $0x4000  }
0xe5: {  	s16 =	sadd.s32 s15, s22;
	[sflag:s31] =	ssyncset.done $0x0  }
0xe6: {  	s17 =	sadd.s32 $0x9C0, s16;
	[sflag:s31] =	ssyncadd.s32 $0xFFFFC000  }
0xe7: {  	[tilespmem:s2], [sflag:$0x1] =	stream.linear.gather [hbm4b:s17+s2], $0x80, $0x38;
	[tilespmem:$0x1CB80] =	vst v63  }
0xe8: {  	_ =	swait.ge [sflag:s0], $0x80  }
0xe9: {  	[sflag:s0] =	ssyncset.done $0x0  }
0xea: {  	[sflag:s0] =	ssyncadd.s32 $0xFFFFFF80  }
0xeb: {  	[spmem:s1] =	stream.indirect.scatter.add.f32 [tilespmem:s26], [sflag:$0x7], $0x80, s24, s25, $0xb8;
	[tilespmem:$0x1CB80] =	vst v63  }
0xec: {  	_ =	swait.ge [sflag:s23], $0x4000  }
0xed: {  	s15 =	sadd.s32 s15, s21;
	[sflag:s23] =	ssyncset.done $0x0  }
0xee: {  	s17 =	sadd.s32 $0x9C0, s15;
	[sflag:s23] =	ssyncadd.s32 $0xFFFFC000  }
0xef: {  	[tilespmem:s24], [sflag:$0x3] =	stream.linear.gather [hbm4b:s17+s2], $0x80, $0x38;
	[tilespmem:$0x1CB80] =	vst v63  }
0xf0: {  	_ =	swait.ge [sflag:s18], $0x4000  }
0xf1: {  	[sflag:s18] =	ssyncset.done $0x0  }
0xf2: {  	s16 =	sadd.s32 $0x9D0, s16;
	[sflag:s18] =	ssyncadd.s32 $0xFFFFC000  }
0xf3: {  	[tilespmem:s25], [sflag:$0x2] =	stream.linear.gather [hbm4b:s16+s2], $0x80, $0x38;
	[tilespmem:$0x1CB80] =	vst v63  }
0xf4: {  	_ =	swait.ge [sflag:s19], $0x80  }
0xf5: {  	[sflag:s19] =	ssyncset.done $0x0  }
0xf6: {  	[sflag:s19] =	ssyncadd.s32 $0xFFFFFF80  }
0xf7: {  	[spmem:s1] =	stream.indirect.scatter.add.f32 [tilespmem:s30], [sflag:$0x7], $0x80, s28, s25, $0xb8;
	[tilespmem:$0x1CB80] =	vst v63  }
0xf8: {  	_ =	swait.ge [sflag:s23], $0x4000  }
0xf9: {  	[sflag:s23] =	ssyncset.done $0x0  }
.Ltmp6:
0xfa: {  	s15 =	sadd.s32 $0x9D0, s15;
	[sflag:s23] =	ssyncadd.s32 $0xFFFFC000;
	(pc) =	sbr.rel @p3 .LBB2_3-.Ltmp6, $4  }
0xfb: {  	[tilespmem:s28], [sflag:$0x4] =	stream.linear.gather [hbm4b:s15+s2], $0x80, $0x38;
	[tilespmem:$0x1CB80] =	vst v63  }
0xfc: {  	_ =	swait.ge [sflag:s6], $0x80  }
0xfd: {  	[sflag:s6] =	ssyncset.done $0x0  }
0xfe: {  	[sflag:s6] =	ssyncadd.s32 $0xFFFFFF80  }
0xff: {  	[tilespmem:s26], [sflag:$0x5] =	stream.indirect.gather [hbm4b:s3+s25], $0x80, s2, s25, $0xb8;
	[tilespmem:$0x1CB80] =	vst v63  }
0x100: {  	_ =	swait.ge [sflag:s29], $0x80  }
0x101: {  	[sflag:s29] =	ssyncset.done $0x0  }
0x102: {  	[sflag:s29] =	ssyncadd.s32 $0xFFFFFF80  }
0x103: {  	[tilespmem:s30], [sflag:$0x6] =	stream.indirect.gather [hbm4b:s3+s25], $0x80, s25, s25, $0xb8;
	[tilespmem:$0x1CB80] =	vst v63  }
0x104: {  	_ =	swait.ge [sflag:s31], $0x4000  }
0x105: {  	[sflag:s31] =	ssyncset.done $0x0  }
0x106: {  	[sflag:s31] =	ssyncadd.s32 $0xFFFFC000  }
0x107: {  	_ =	swait.ge [sflag:s0], $0x80  }
0x108: {  	[sflag:s0] =	ssyncset.done $0x0  }
0x109: {  	[sflag:s0] =	ssyncadd.s32 $0xFFFFFF80  }
0x10a: {  	[spmem:s1] =	stream.indirect.scatter.add.f32 [tilespmem:s26], [sflag:$0x7], $0x80, s24, s25, $0xb8;
	[tilespmem:$0x1CB80] =	vst v63  }
0x10b: {  	_ =	swait.ge [sflag:s23], $0x4000  }
0x10c: {  	[sflag:s23] =	ssyncset.done $0x0  }
0x10d: {  	[sflag:s23] =	ssyncadd.s32 $0xFFFFC000  }
0x10e: {  	_ =	swait.ge [sflag:s18], $0x4000  }
0x10f: {  	[sflag:s18] =	ssyncset.done $0x0  }
0x110: {  	[sflag:s18] =	ssyncadd.s32 $0xFFFFC000  }
0x111: {  	_ =	swait.ge [sflag:s19], $0x80  }
0x112: {  	[sflag:s19] =	ssyncset.done $0x0  }
0x113: {  	[sflag:s19] =	ssyncadd.s32 $0xFFFFFF80  }
0x114: {  	[spmem:s1] =	stream.indirect.scatter.add.f32 [tilespmem:s30], [sflag:$0x7], $0x80, s28, s25, $0xb8;
	[tilespmem:$0x1CB80] =	vst v63  }
0x115: {  	_ =	swait.ge [sflag:s23], $0x4000  }
0x116: {  	[sflag:s23] =	ssyncset.done $0x0  }
0x117: {  	s13 =	rddreg [dreg:$0xc];
	[sflag:s23] =	ssyncadd.s32 $0xFFFFC000  }
0x118: {  	[tilespmem:s7], [sflag:$0x7] =	stream.linear.gather [hbm4b:s13+s2], $0x20, $0x38;
	[tilespmem:$0x1CB80] =	vst v63  }
0x119: {  	_ =	swait.ge [sflag:s23], $0x20  }
0x11a: {  	[sflag:s23] =	ssyncset.done $0x0  }
0x11b: {  	s16 =	rddreg [dreg:$0xd];
	[sflag:s23] =	ssyncadd.s32 $0xFFFFFFE0  }
0x11c: {  	[tilespmem:s4], [sflag:$0x7] =	stream.linear.gather [hbm4b:s16+s2], $0x20, $0x38;
	[tilespmem:$0x1CB80] =	vst v63  }
0x11d: {  	_ =	swait.ge [sflag:s23], $0x20  }
0x11e: {  	[sflag:s23] =	ssyncset.done $0x0  }
0x11f: {  	[sflag:s23] =	ssyncadd.s32 $0xFFFFFFE0  }
0x120: {  	[tilespmem:s9], [sflag:$0x5] =	stream.indirect.gather [hbm4b:s3+s8], $0x80, s7, s8, $0xb8;
	[tilespmem:$0x1CB80] =	vst v63  }
0x121: {  	_ =	swait.ge [sflag:s31], $0x1000  }
0x122: {  	[sflag:s31] =	ssyncset.done $0x0  }
0x123: {  	[sflag:s31] =	ssyncadd.s32 $0xFFFFF000  }
0x124: {  	[spmem:s1] =	stream.indirect.scatter.add.f32 [tilespmem:s9], [sflag:$0x7], $0x80, s4, s8, $0xb8;
	[tilespmem:$0x1CB80] =	vst v63  }
0x125: {  	_ =	swait.ge [sflag:s23], $0x1000  }
0x126: {  	[sflag:s23] =	ssyncset.done $0x0  }
0x127: {  	[sflag:s23] =	ssyncadd.s32 $0xFFFFF000  }
0x128: {  	[bflag:$0x0] =	sbarrier.arrive $0xFFFF  }
0x129: {  	s17 =	rddreg [dreg:$0xe]  }
0x12a: {  	[hbm:s17], [sflag:s11] =	dma.local [spmem:s12], $0x2700  }
.Ltmp7:
0x12b: {  	_ = 	snop;
	(pc) =	sbr.rel @!p2 .LBB2_9-.Ltmp7, $4  }
.Ltmp8:
0x12c: {  	_ = 	snop;
	(pc) =	sbr.rel @p2 .LBB2_8-.Ltmp8, $4  }
0x12d: {  	_ =	swait.ge [sflag:s23], $0x2700  }
0x12e: {  	[sflag:s23] =	ssyncset.done $0x0  }
0x12f: {  	s12 =	rddreg [dreg:$0x3];
	[sflag:s23] =	ssyncadd.s32 $0xFFFFD900  }
0x130: {  	_ = 	snop  }
.LBB2_10:
0x131: {  	_ =	sfence.sel $0x180000  }
0x132: {  	[bflag:$0x0] =	sbarrier.arrive $0xFFFF  }
0x133: {  	_ =	strace $0x9000004D  }
0x134: {  	[bflag:$0x2] =	sbarrier.arrive $0xFFFF  }
0x135: {  	s0 =	rddreg [dreg:$0x2]  }
0x136: {  	s0 =	sadd.s32 @!p1 $0x100000, s0  }
0x137: {  	[sflag:s0] =	ssyncadd.tile.s32 @!p1 $0x1;
	_ =	shalt  }
.Lfunc_end2:
_tile_overlayer_lowered:
.L_overlay_start_2:
0x138: {  	(tag) =	ssettag $0x2  }
0x139: {  	s0 =	rddreg [dreg:$0x0];
	s2 =	stileid.u32  }
0x13a: {  	s1 =	rddreg [dreg:$0x1];
	p0 =	sne.s32 s2, $0x0  }
0x13b: {  	s3 =	rddreg [dreg:$0x2];
	[bflag:$0x3] =	sbarrier.arrive $0xFFFF;
	s2 =	simm.s32 @!p0 $0x1C07  }
0x13c: {  	[timem:s3], [sflag:s2] =	dma.local @!p0 [hbm:s0], s1  }
0x13d: {  	s0 =	simm.s32 @!p0 $0x7  }
0x13e: {  	_ =	swait.ge @!p0 [sflag:s0], s1  }
0x13f: {  	s1 =	ssub.s32 @!p0 $0x0, s1;
	[sflag:s0] =	ssyncset.done @!p0 $0x0  }
0x140: {  	[sflag:s0] =	ssyncadd.s32 @!p0 s1  }
0x141: {  	[bflag:$0x3] =	sbarrier.arrive $0xFFFF  }
0x142: {  	_ =	shalt  }

</sc_bundles>
